<compile_context>
chip_gen: v7x
topology: tpu7x:2x2x1
jax: 0.10.2.dev20260603
libtpu: 0.0.44.dev20260713+nightly
codegen_flags: <defaults>
</compile_context>

<pallas_src>
import jax
import jax.numpy as jnp
from jax import lax
from jax.experimental import pallas as pl
from jax.experimental.pallas import tpu as pltpu
from jax.experimental.pallas import tpu_sc as plsc

_N = 10000
_NP = 10112
_RPT = 632
_E = 320000
_CW = 128
_CH2 = 160
_NC = 2
_NS = 16
_NW = _NC * _NS
_EP = 327680
_B = 4096
_D = 128


def _sc_mesh():
    return plsc.VectorSubcoreMesh(
        core_axis_name="c", subcore_axis_name="s", num_cores=_NC, num_subcores=_NS
    )


def _zero_rows(rows_v, n):
    def zfill(i, _):
        for q in range(8):
            rows_v[i, pl.ds(q * 16, 16)] = jnp.zeros((16,), jnp.float32)
        return 0
    lax.fori_loop(0, n, zfill, 0)


def _chunks(r):
    full, tail = divmod(_RPT, r)
    sizes = [r] * full + ([tail] if tail else [])
    offs, o = [], 0
    for sz in sizes:
        offs.append(o)
        o += sz
    return list(zip(offs, sizes))


def _zero_acc_slice(rows_v, r, acc, base):
    for off, sz in _chunks(r):
        pltpu.sync_copy(rows_v.at[pl.ds(0, sz)], acc.at[pl.ds(base + off, sz)])


def _acc_to_hbm(acc, rows_v, r, out_hbm, c, base):
    for off, sz in _chunks(r):
        pltpu.sync_copy(acc.at[pl.ds(base + off, sz)], rows_v.at[pl.ds(0, sz)])
        pltpu.sync_copy(rows_v.at[pl.ds(0, sz)],
                        out_hbm.at[c, pl.ds(base + off, sz)])


def _deg_body(src16, dst16, deg_hbm, idx_v, rows_v, acc, sem):
    c = lax.axis_index("c")
    s = lax.axis_index("s")
    _zero_rows(rows_v, _CW)
    base = s * _RPT
    _zero_acc_slice(rows_v, _CW, acc, base)

    def ofill(i, _):
        for q in range(8):
            rows_v[i, pl.ds(q * 16, 16)] = jnp.full((16,), 1.0, jnp.float32)
        return 0
    lax.fori_loop(0, _CW, ofill, 0)

    @pl.when(c == 0)
    def _():
        pltpu.sync_copy(src16.at[s], idx_v)

    @pl.when(c == 1)
    def _():
        pltpu.sync_copy(dst16.at[s], idx_v)

    plsc.subcore_barrier()

    def body(j, _):
        pltpu.async_copy(rows_v, acc.at[idx_v.at[j]], sem, add=True)

        @pl.when(j >= 8)
        def _():
            pltpu.make_async_copy(rows_v, acc.at[idx_v.at[0]], sem).wait()
        return 0
    lax.fori_loop(0, _CH2, body, 0)

    def drain(j, _):
        pltpu.make_async_copy(rows_v, acc.at[idx_v.at[0]], sem).wait()
        return 0
    lax.fori_loop(0, 8, drain, 0)
    plsc.subcore_barrier()
    _acc_to_hbm(acc, rows_v, _CW, deg_hbm, c, base)


def _deg_call(src16, dst16):
    return pl.kernel(
        _deg_body,
        out_type=jax.ShapeDtypeStruct((_NC, _NP, _D), jnp.float32),
        mesh=_sc_mesh(),
        scratch_types=[
            pltpu.VMEM((_CH2, _CW), jnp.int32),
            pltpu.VMEM((_CW, _D), jnp.float32),
            pltpu.VMEM_SHARED((_NP, _D), jnp.float32),
            pltpu.SemaphoreType.DMA,
        ],
    )(src16, dst16)


_GW = 64
_GN = 160
_PAIRS = 80
_EPT = _GN * _GW


def _scat_body(h_hbm, src_hbm, dst_hbm, out_hbm, rows_big, ib, db, acc,
               sem_i, sem_g, sem_d):
    c = lax.axis_index("c")
    s = lax.axis_index("s")
    wid = c * _NS + s
    ebase = wid * _EPT
    _zero_rows(rows_big, 128)
    base = s * _RPT
    _zero_acc_slice(rows_big, 128, acc, base)

    pltpu.async_copy(dst_hbm.at[wid].at[0], db.at[0], sem_d)
    pltpu.async_copy(dst_hbm.at[wid].at[1], db.at[1], sem_d)
    plsc.subcore_barrier()

    def step(t, _):
        @pl.when(t < _GN)
        def _():
            slot = lax.rem(t, 6)
            pltpu.async_copy(src_hbm.at[pl.ds(ebase + t * _GW, _GW)],
                             ib.at[pl.ds(slot * _GW, _GW)], sem_i)

        @pl.when(jnp.logical_and(t >= 2, t < _GN + 2))
        def _():
            j = t - 2
            islot = lax.rem(j, 6)
            gslot = lax.rem(j, 4)
            pltpu.make_async_copy(src_hbm.at[pl.ds(0, _GW)],
                                  ib.at[pl.ds(0, _GW)], sem_i).wait()
            pltpu.async_copy(h_hbm.at[ib.at[pl.ds(islot * _GW, _GW)]],
                             rows_big.at[pl.ds(gslot * _GW, _GW)], sem_g)

        @pl.when(jnp.logical_and(t >= 5, lax.rem(t, 2) == 1))
        def _():
            m = (t - 5) // 2
            ms = lax.rem(m, 2)
            pltpu.make_async_copy(h_hbm.at[pl.ds(0, 128)],
                                  rows_big.at[pl.ds(0, 128)], sem_g).wait()
            pltpu.make_async_copy(dst_hbm.at[wid].at[0], db.at[0], sem_d).wait()
            pltpu.sync_copy(rows_big.at[pl.ds(ms * 128, 128)],
                            acc.at[db.at[ms]], add=True)

            @pl.when(m + 2 < _PAIRS)
            def _():
                pltpu.async_copy(dst_hbm.at[wid].at[m + 2], db.at[ms], sem_d)
        return 0
    lax.fori_loop(0, 2 * _PAIRS + 4, step, 0)
    plsc.subcore_barrier()
    _acc_to_hbm(acc, rows_big, 128, out_hbm, c, base)


def _scat_call(h, src1, dst3):
    return pl.kernel(
        _scat_body,
        out_type=jax.ShapeDtypeStruct((_NC, _NP, _D), jnp.float32),
        mesh=_sc_mesh(),
        scratch_types=[
            pltpu.VMEM((4 * _GW, _D), jnp.float32),
            pltpu.VMEM((6 * _GW,), jnp.int32),
            pltpu.VMEM((2, 128), jnp.int32),
            pltpu.VMEM_SHARED((_NP, _D), jnp.float32),
            pltpu.SemaphoreType.DMA,
            pltpu.SemaphoreType.DMA,
            pltpu.SemaphoreType.DMA,
        ],
    )(h, src1, dst3)


def _pair_body(h_hbm, g1_hbm, g2_hbm, o1_hbm, o2_hbm, g_v, rows_v):
    c = lax.axis_index("c")
    s = lax.axis_index("s")
    wid = c * _NS + s
    for g_hbm, o_hbm in ((g1_hbm, o1_hbm), (g2_hbm, o2_hbm)):
        pltpu.sync_copy(g_hbm.at[wid], g_v)
        pltpu.sync_copy(h_hbm.at[g_v], rows_v)
        pltpu.sync_copy(rows_v, o_hbm.at[pl.ds(wid * _CW, _CW)])


def _pair_call(h, g1, g2):
    return pl.kernel(
        _pair_body,
        out_type=(jax.ShapeDtypeStruct((_B, _D), jnp.float32),
                  jax.ShapeDtypeStruct((_B, _D), jnp.float32)),
        mesh=_sc_mesh(),
        scratch_types=[
            pltpu.VMEM((_CW,), jnp.int32),
            pltpu.VMEM((_CW, _D), jnp.float32),
        ],
    )(h, g1, g2)


_BLK = 2528


def _l1_body(x_ref, do_ref, w_ref, o_ref):
    ns = lax.rsqrt(jnp.maximum(do_ref[...], 1.0))
    o_ref[...] = jnp.dot(x_ref[...], w_ref[...],
                         preferred_element_type=jnp.float32) * ns


def _l1_call(x_p, deg_o, w):
    return pl.pallas_call(
        _l1_body,
        grid=(4,),
        in_specs=[
            pl.BlockSpec((_BLK, _D), lambda i: (i, 0)),
            pl.BlockSpec((_BLK, _D), lambda i: (i, 0)),
            pl.BlockSpec((_D, _D), lambda i: (0, 0)),
        ],
        out_specs=pl.BlockSpec((_BLK, _D), lambda i: (i, 0)),
        out_shape=jax.ShapeDtypeStruct((_NP, _D), jnp.float32),
    )(x_p, deg_o, w)


def _l23_body(s_ref, di_ref, do_ref, b_ref, w_ref, o_ref):
    nd = lax.rsqrt(jnp.maximum(di_ref[...], 1.0))
    ns = lax.rsqrt(jnp.maximum(do_ref[...], 1.0))
    h = jnp.maximum((s_ref[0] + s_ref[1]) * nd + b_ref[...], 0.0)
    o_ref[...] = jnp.dot(h, w_ref[...],
                         preferred_element_type=jnp.float32) * ns


def _l23_call(s, deg_i, deg_o, b, w):
    return pl.pallas_call(
        _l23_body,
        grid=(4,),
        in_specs=[
            pl.BlockSpec((_NC, _BLK, _D), lambda i: (0, i, 0)),
            pl.BlockSpec((_BLK, _D), lambda i: (i, 0)),
            pl.BlockSpec((_BLK, _D), lambda i: (i, 0)),
            pl.BlockSpec((1, _D), lambda i: (0, 0)),
            pl.BlockSpec((_D, _D), lambda i: (0, 0)),
        ],
        out_specs=pl.BlockSpec((_BLK, _D), lambda i: (i, 0)),
        out_shape=jax.ShapeDtypeStruct((_NP, _D), jnp.float32),
    )(s, deg_i, deg_o, b, w)


def _fin_body(s_ref, di_ref, b_ref, o_ref):
    nd = lax.rsqrt(jnp.maximum(di_ref[...], 1.0))
    o_ref[...] = (s_ref[0] + s_ref[1]) * nd + b_ref[...]


def _fin_call(s, deg_i, b):
    return pl.pallas_call(
        _fin_body,
        grid=(4,),
        in_specs=[
            pl.BlockSpec((_NC, _BLK, _D), lambda i: (0, i, 0)),
            pl.BlockSpec((_BLK, _D), lambda i: (i, 0)),
            pl.BlockSpec((1, _D), lambda i: (0, 0)),
        ],
        out_specs=pl.BlockSpec((_BLK, _D), lambda i: (i, 0)),
        out_shape=jax.ShapeDtypeStruct((_NP, _D), jnp.float32),
    )(s, deg_i, b)


def _mlp_body(g1_ref, g2_ref, a_ref, bm_ref, b1_ref, w2_ref, b2_ref, o_ref):
    z = jnp.dot(g1_ref[...], a_ref[...], preferred_element_type=jnp.float32)
    z = z + jnp.dot(g2_ref[...], bm_ref[...], preferred_element_type=jnp.float32)
    z = jnp.maximum(z + b1_ref[...], 0.0)
    lp = jnp.dot(z, w2_ref[...], preferred_element_type=jnp.float32) + b2_ref[...]
    l0 = lp[:, 0:1]
    l1 = lp[:, 1:2]
    m = jnp.maximum(l0, l1)
    e0 = jnp.exp(l0 - m)
    e1 = jnp.exp(l1 - m)
    tot = e0 + e1
    col = lax.broadcasted_iota(jnp.int32, (_B, _D), 1)
    o_ref[...] = jnp.where(col == 0, e0 / tot, jnp.where(col == 1, e1 / tot, 0.0))


def _mlp_call(r1, r2, a, bm, b1, w2p, b2p):
    return pl.pallas_call(
        _mlp_body,
        out_shape=jax.ShapeDtypeStruct((_B, _D), jnp.float32),
    )(r1, r2, a, bm, b1, w2p, b2p)


def kernel(x, edge_index, gene1, gene2, W1, b1, W2, b2, W3, b3,
           fc1_W, fc1_b, fc2_W, fc2_b):
    src = edge_index[0]
    dst = edge_index[1]
    pad_idx = _N + jnp.arange(_EP - _E, dtype=jnp.int32) % (_NP - _N)
    src_p = jnp.concatenate([src, pad_idx])
    dst_p = jnp.concatenate([dst, pad_idx])
    src1 = src_p
    dst3 = dst_p.reshape(_NW, _PAIRS, _CW)
    src16 = src_p.reshape(_NS, _CH2, _CW)
    dst16 = dst_p.reshape(_NS, _CH2, _CW)
    x_p = jnp.pad(x, ((0, _NP - _N), (0, 0)))
    g1 = gene1.reshape(_NW, _CW)
    g2 = gene2.reshape(_NW, _CW)

    deg = _deg_call(src16, dst16)
    deg_o = deg[0]
    deg_i = deg[1]

    h = _l1_call(x_p, deg_o, W1)
    s1 = _scat_call(h, src1, dst3)
    h = _l23_call(s1, deg_i, deg_o, b1.reshape(1, _D), W2)
    s2 = _scat_call(h, src1, dst3)
    h = _l23_call(s2, deg_i, deg_o, b2.reshape(1, _D), W3)
    s3 = _scat_call(h, src1, dst3)
    hf = _fin_call(s3, deg_i, b3.reshape(1, _D))

    r1, r2 = _pair_call(hf, g1, g2)

    a = fc1_W[:_D]
    bm = fc1_W[_D:]
    w2p = jnp.zeros((_D, _D), jnp.float32).at[:, :2].set(fc2_W)
    b2p = jnp.zeros((_D,), jnp.float32).at[:2].set(fc2_b)
    probs_p = _mlp_call(r1, r2, a, bm, fc1_b.reshape(1, _D),
                        w2p, b2p.reshape(1, _D))
    return probs_p[:, :2]

# --- scband reference (transcript-rebuilt; emitter-appended) ---
"""Pipeline reference for scband-gcn1-7739531067711 (READ-ONLY COPY).

The authoritative reference and input builder live on the scoring server;
editing this copy changes nothing except your own understanding.
"""

import jax, jax.numpy as jnp
import numpy as np

N = 10000
E = 320000
B = 4096
IN = 128
HID = 128
OUT = 128


def setup_inputs(seed: int = 0) -> dict:
    key = jax.random.key(seed)
    ks = jax.random.split(key, 16)
    x = jax.random.normal(ks[0], (N, IN), dtype=jnp.float32)
    edge_index = jax.random.randint(ks[1], (2, E), 0, N, dtype=jnp.int32)
    gene1 = jax.random.randint(ks[2], (B,), 0, N, dtype=jnp.int32)
    gene2 = jax.random.randint(ks[3], (B,), 0, N, dtype=jnp.int32)
    def glorot(k, shape):
        fan_in = shape[0]
        return jax.random.normal(k, shape, dtype=jnp.float32) / np.sqrt(fan_in)
    W1 = glorot(ks[4], (IN, HID)); b1 = jnp.zeros((HID,), jnp.float32)
    W2 = glorot(ks[5], (HID, HID)); b2 = jnp.zeros((HID,), jnp.float32)
    W3 = glorot(ks[6], (HID, OUT)); b3 = jnp.zeros((OUT,), jnp.float32)
    fc1_W = glorot(ks[7], (2 * OUT, OUT)); fc1_b = jnp.zeros((OUT,), jnp.float32)
    fc2_W = glorot(ks[8], (OUT, 2)); fc2_b = jnp.zeros((2,), jnp.float32)
    return {"x": x, "edge_index": edge_index, "gene1": gene1, "gene2": gene2,
            "W1": W1, "b1": b1, "W2": W2, "b2": b2, "W3": W3, "b3": b3,
            "fc1_W": fc1_W, "fc1_b": fc1_b, "fc2_W": fc2_W, "fc2_b": fc2_b}


def _gcn_conv(x, W, b, src, dst, norm_src, norm_dst):
    # DGL GraphConv, norm='both': D_out^{-1/2} applied on src feats,
    # message = copy_src, reduce = sum, then D_in^{-1/2}, then bias.
    h = x * norm_src
    h = h @ W
    msg = jnp.take(h, src, axis=0)
    agg = jax.ops.segment_sum(msg, dst, num_segments=N)
    return agg * norm_dst + b


def reference(x, edge_index, gene1, gene2, W1, b1, W2, b2, W3, b3, fc1_W, fc1_b, fc2_W, fc2_b):
    src = edge_index[0]
    dst = edge_index[1]
    ones_e = jnp.ones((E,), jnp.float32)
    deg_out = jax.ops.segment_sum(ones_e, src, num_segments=N)
    deg_in = jax.ops.segment_sum(ones_e, dst, num_segments=N)
    norm_src = (1.0 / jnp.sqrt(jnp.clip(deg_out, 1.0)))[:, None]
    norm_dst = (1.0 / jnp.sqrt(jnp.clip(deg_in, 1.0)))[:, None]
    h = _gcn_conv(x, W1, b1, src, dst, norm_src, norm_dst)
    h = jax.nn.relu(h)
    h = _gcn_conv(h, W2, b2, src, dst, norm_src, norm_dst)
    h = jax.nn.relu(h)
    h = _gcn_conv(h, W3, b3, src, dst, norm_src, norm_dst)
    pair = jnp.concatenate([jnp.take(h, gene1, axis=0), jnp.take(h, gene2, axis=0)], axis=1)
    z = jax.nn.relu(pair @ fc1_W + fc1_b)
    logits = z @ fc2_W + fc2_b
    return jax.nn.softmax(logits, axis=1)

if __name__ == "__main__":
    import jax
    _d = setup_inputs()
    print(jax.jit(kernel)(*tuple(_d.values())))

</pallas_src>

<mosaic_0001>
#map = affine_map<(d0, d1) -> (0, 0)>
#map1 = affine_map<(d0, d1) -> (0)>
#map2 = affine_map<(d0, d1) -> (0, 0, 0)>
module attributes {stable_mosaic.version = 14 : i64} {
  func.func @_scat_body(%arg0: i32, %arg1: i32, %arg2: memref<10112x128xf32, #tpu.memory_space<hbm>>, %arg3: memref<327680xi32, #tpu.memory_space<hbm>>, %arg4: memref<32x80x128xi32, #tpu.memory_space<hbm>>, %arg5: memref<2x10112x128xf32, #tpu.memory_space<hbm>>, %arg6: memref<256x128xf32, #tpu.memory_space<vmem>>, %arg7: memref<384xi32, #tpu.memory_space<vmem>>, %arg8: memref<2x128xi32, #tpu.memory_space<vmem>>, %arg9: memref<10112x128xf32, #tpu.memory_space<vmem_shared>>, %arg10: memref<!tpu.dma_semaphore, #tpu.memory_space<semaphore_mem>>, %arg11: memref<!tpu.dma_semaphore, #tpu.memory_space<semaphore_mem>>, %arg12: memref<!tpu.dma_semaphore, #tpu.memory_space<semaphore_mem>>) attributes {dimension_semantics = [#tpu.dimension_semantics<core_parallel>, #tpu.dimension_semantics<subcore_parallel>], iteration_bounds = array<i64: 2, 16>, scalar_prefetch = 0 : i64, scratch_operands = 7 : i64, tpu.core_type = #tpu.core_type<sc_vector_subcore>, window_params = [{transform_indices = #map}, {transform_indices = #map1}, {transform_indices = #map2}, {transform_indices = #map2}]} {
    %mul3A = arith.constant 16 : i32
    %mul3A_0 = arith.muli %arg0, %mul3A : i32
    %add3A = arith.addi %mul3A_0, %arg1 : i32
    %mul3A_1 = arith.constant 10240 : i32
    %mul3A_2 = arith.muli %add3A, %mul3A_1 : i32
    %scan3A = arith.constant 0 : i32
    %scan3A_3 = arith.constant 0 : i32
    %scan3A_4 = arith.constant 128 : i32
    %scan3A_5 = arith.addi %scan3A_3, %scan3A_4 : i32
    %scan3A_6 = arith.constant 1 : i32
    %scan3A_7 = scf.for %scan3A_92 = %scan3A_3 to %scan3A_5 step %scan3A_6 iter_args(%scan3A_93 = %scan3A) -> (i32)  : i32 {
      %broadcast_in_dim3A = arith.constant 0.000000e+00 : f32
      %broadcast_in_dim3A_94 = vector.broadcast %broadcast_in_dim3A : f32 to vector<16xf32>
      %swap3A = arith.index_cast %scan3A_92 : i32 to index
      %swap3A_95 = arith.constant 0 : index
      %swap3A_96 = tpu.vector_load %arg6[%swap3A, %swap3A_95] {strides = array<i32>} : memref<256x128xf32, #tpu.memory_space<vmem>>, vector<1x16xf32>,
      %swap3A_97 = vector.shape_cast %swap3A_96 : vector<1x16xf32> to vector<16xf32>
      %swap3A_98 = vector.shape_cast %broadcast_in_dim3A_94 : vector<16xf32> to vector<1x16xf32>
      tpu.vector_store %arg6[%swap3A, %swap3A_95], %swap3A_98 {strides = array<i32>} : memref<256x128xf32, #tpu.memory_space<vmem>>, vector<1x16xf32>,
      %broadcast_in_dim3A_99 = arith.constant 0.000000e+00 : f32
      %broadcast_in_dim3A_100 = vector.broadcast %broadcast_in_dim3A_99 : f32 to vector<16xf32>
      %swap3A_101 = arith.index_cast %scan3A_92 : i32 to index
      %swap3A_102 = arith.constant 16 : index
      %swap3A_103 = tpu.vector_load %arg6[%swap3A_101, %swap3A_102] {strides = array<i32>} : memref<256x128xf32, #tpu.memory_space<vmem>>, vector<1x16xf32>,
      %swap3A_104 = vector.shape_cast %swap3A_103 : vector<1x16xf32> to vector<16xf32>
      %swap3A_105 = vector.shape_cast %broadcast_in_dim3A_100 : vector<16xf32> to vector<1x16xf32>
      tpu.vector_store %arg6[%swap3A_101, %swap3A_102], %swap3A_105 {strides = array<i32>} : memref<256x128xf32, #tpu.memory_space<vmem>>, vector<1x16xf32>,
      %broadcast_in_dim3A_106 = arith.constant 0.000000e+00 : f32
      %broadcast_in_dim3A_107 = vector.broadcast %broadcast_in_dim3A_106 : f32 to vector<16xf32>
      %swap3A_108 = arith.index_cast %scan3A_92 : i32 to index
      %swap3A_109 = arith.constant 32 : index
      %swap3A_110 = tpu.vector_load %arg6[%swap3A_108, %swap3A_109] {strides = array<i32>} : memref<256x128xf32, #tpu.memory_space<vmem>>, vector<1x16xf32>,
      %swap3A_111 = vector.shape_cast %swap3A_110 : vector<1x16xf32> to vector<16xf32>
      %swap3A_112 = vector.shape_cast %broadcast_in_dim3A_107 : vector<16xf32> to vector<1x16xf32>
      tpu.vector_store %arg6[%swap3A_108, %swap3A_109], %swap3A_112 {strides = array<i32>} : memref<256x128xf32, #tpu.memory_space<vmem>>, vector<1x16xf32>,
      %broadcast_in_dim3A_113 = arith.constant 0.000000e+00 : f32
      %broadcast_in_dim3A_114 = vector.broadcast %broadcast_in_dim3A_113 : f32 to vector<16xf32>
      %swap3A_115 = arith.index_cast %scan3A_92 : i32 to index
      %swap3A_116 = arith.constant 48 : index
      %swap3A_117 = tpu.vector_load %arg6[%swap3A_115, %swap3A_116] {strides = array<i32>} : memref<256x128xf32, #tpu.memory_space<vmem>>, vector<1x16xf32>,
      %swap3A_118 = vector.shape_cast %swap3A_117 : vector<1x16xf32> to vector<16xf32>
      %swap3A_119 = vector.shape_cast %broadcast_in_dim3A_114 : vector<16xf32> to vector<1x16xf32>
      tpu.vector_store %arg6[%swap3A_115, %swap3A_116], %swap3A_119 {strides = array<i32>} : memref<256x128xf32, #tpu.memory_space<vmem>>, vector<1x16xf32>,
      %broadcast_in_dim3A_120 = arith.constant 0.000000e+00 : f32
      %broadcast_in_dim3A_121 = vector.broadcast %broadcast_in_dim3A_120 : f32 to vector<16xf32>
      %swap3A_122 = arith.index_cast %scan3A_92 : i32 to index
      %swap3A_123 = arith.constant 64 : index
      %swap3A_124 = tpu.vector_load %arg6[%swap3A_122, %swap3A_123] {strides = array<i32>} : memref<256x128xf32, #tpu.memory_space<vmem>>, vector<1x16xf32>,
      %swap3A_125 = vector.shape_cast %swap3A_124 : vector<1x16xf32> to vector<16xf32>
      %swap3A_126 = vector.shape_cast %broadcast_in_dim3A_121 : vector<16xf32> to vector<1x16xf32>
      tpu.vector_store %arg6[%swap3A_122, %swap3A_123], %swap3A_126 {strides = array<i32>} : memref<256x128xf32, #tpu.memory_space<vmem>>, vector<1x16xf32>,
      %broadcast_in_dim3A_127 = arith.constant 0.000000e+00 : f32
      %broadcast_in_dim3A_128 = vector.broadcast %broadcast_in_dim3A_127 : f32 to vector<16xf32>
      %swap3A_129 = arith.index_cast %scan3A_92 : i32 to index
      %swap3A_130 = arith.constant 80 : index
      %swap3A_131 = tpu.vector_load %arg6[%swap3A_129, %swap3A_130] {strides = array<i32>} : memref<256x128xf32, #tpu.memory_space<vmem>>, vector<1x16xf32>,
      %swap3A_132 = vector.shape_cast %swap3A_131 : vector<1x16xf32> to vector<16xf32>
      %swap3A_133 = vector.shape_cast %broadcast_in_dim3A_128 : vector<16xf32> to vector<1x16xf32>
      tpu.vector_store %arg6[%swap3A_129, %swap3A_130], %swap3A_133 {strides = array<i32>} : memref<256x128xf32, #tpu.memory_space<vmem>>, vector<1x16xf32>,
      %broadcast_in_dim3A_134 = arith.constant 0.000000e+00 : f32
      %broadcast_in_dim3A_135 = vector.broadcast %broadcast_in_dim3A_134 : f32 to vector<16xf32>
      %swap3A_136 = arith.index_cast %scan3A_92 : i32 to index
      %swap3A_137 = arith.constant 96 : index
      %swap3A_138 = tpu.vector_load %arg6[%swap3A_136, %swap3A_137] {strides = array<i32>} : memref<256x128xf32, #tpu.memory_space<vmem>>, vector<1x16xf32>,
      %swap3A_139 = vector.shape_cast %swap3A_138 : vector<1x16xf32> to vector<16xf32>
      %swap3A_140 = vector.shape_cast %broadcast_in_dim3A_135 : vector<16xf32> to vector<1x16xf32>
      tpu.vector_store %arg6[%swap3A_136, %swap3A_137], %swap3A_140 {strides = array<i32>} : memref<256x128xf32, #tpu.memory_space<vmem>>, vector<1x16xf32>,
      %broadcast_in_dim3A_141 = arith.constant 0.000000e+00 : f32
      %broadcast_in_dim3A_142 = vector.broadcast %broadcast_in_dim3A_141 : f32 to vector<16xf32>
      %swap3A_143 = arith.index_cast %scan3A_92 : i32 to index
      %swap3A_144 = arith.constant 112 : index
      %swap3A_145 = tpu.vector_load %arg6[%swap3A_143, %swap3A_144] {strides = array<i32>} : memref<256x128xf32, #tpu.memory_space<vmem>>, vector<1x16xf32>,
      %swap3A_146 = vector.shape_cast %swap3A_145 : vector<1x16xf32> to vector<16xf32>
      %swap3A_147 = vector.shape_cast %broadcast_in_dim3A_142 : vector<16xf32> to vector<1x16xf32>
      tpu.vector_store %arg6[%swap3A_143, %swap3A_144], %swap3A_147 {strides = array<i32>} : memref<256x128xf32, #tpu.memory_space<vmem>>, vector<1x16xf32>,
      %scan3A_148 = arith.constant 0 : i32
      scf.yield %scan3A_148 : i32
    }
    %scan3A_8 = arith.constant 128 : i32
    %mul3A_9 = arith.constant 632 : i32
    %mul3A_10 = arith.muli %arg1, %mul3A_9 : i32
    %add3A_11 = arith.constant 0 : i32
    %add3A_12 = arith.addi %mul3A_10, %add3A_11 : i32
    "tpu.region"() ({
      %run_scoped3A = tpu.sem_alloc : memref<!tpu.dma_semaphore, #tpu.memory_space<semaphore_mem>>
      %dma_start3A_92 = arith.constant 0 : i32
      %dma_start3A_93 = arith.constant 0 : i32
      %dma_start3A_94 = tpu.memref_slice %arg6[%dma_start3A_92, %dma_start3A_93] : memref<256x128xf32, #tpu.memory_space<vmem>> -> memref<128x128xf32, #tpu.memory_space<vmem>>
      %dma_start3A_95 = arith.constant 0 : i32
      %dma_start3A_96 = tpu.memref_slice %arg9[%add3A_12, %dma_start3A_95] : memref<10112x128xf32, #tpu.memory_space<vmem_shared>> -> memref<128x128xf32, #tpu.memory_space<vmem_shared>>
      %dma_start3A_97 = arith.constant 0 : i32
      %dma_start3A_98 = tpu.memref_slice %arg9[%add3A_12, %dma_start3A_97] : memref<10112x128xf32, #tpu.memory_space<vmem_shared>> -> memref<128x128xf32, #tpu.memory_space<vmem_shared>>
      %dma_start3A_99 = arith.constant 0 : i32
      %dma_start3A_100 = arith.constant 0 : i32
      %dma_start3A_101 = tpu.memref_slice %arg6[%dma_start3A_99, %dma_start3A_100] : memref<256x128xf32, #tpu.memory_space<vmem>> -> memref<128x128xf32, #tpu.memory_space<vmem>>
      tpu.enqueue_dma source(%dma_start3A_101 : memref<128x128xf32, #tpu.memory_space<vmem>>) target(%dma_start3A_98 : memref<128x128xf32, #tpu.memory_space<vmem_shared>>) target_semaphore(%run_scoped3A : memref<!tpu.dma_semaphore, #tpu.memory_space<semaphore_mem>>)
      %dma_wait3A = arith.constant 0 : i32
      %dma_wait3A_102 = arith.constant 0 : i32
      %dma_wait3A_103 = tpu.memref_slice %arg6[%dma_wait3A, %dma_wait3A_102] : memref<256x128xf32, #tpu.memory_space<vmem>> -> memref<128x128xf32, #tpu.memory_space<vmem>>
      %dma_wait3A_104 = arith.constant 0 : i32
      %dma_wait3A_105 = tpu.memref_slice %arg9[%add3A_12, %dma_wait3A_104] : memref<10112x128xf32, #tpu.memory_space<vmem_shared>> -> memref<128x128xf32, #tpu.memory_space<vmem_shared>>
      %dma_wait3A_106 = arith.constant 0 : i32
      %dma_wait3A_107 = tpu.memref_slice %arg9[%add3A_12, %dma_wait3A_106] : memref<10112x128xf32, #tpu.memory_space<vmem_shared>> -> memref<128x128xf32, #tpu.memory_space<vmem_shared>>
      %dma_wait3A_108 = arith.constant 0 : i32
      %dma_wait3A_109 = arith.constant 0 : i32
      %dma_wait3A_110 = tpu.memref_slice %arg6[%dma_wait3A_108, %dma_wait3A_109] : memref<256x128xf32, #tpu.memory_space<vmem>> -> memref<128x128xf32, #tpu.memory_space<vmem>>
      tpu.wait_dma2 semaphore(%run_scoped3A : memref<!tpu.dma_semaphore, #tpu.memory_space<semaphore_mem>>) src(%dma_wait3A_110 : memref<128x128xf32, #tpu.memory_space<vmem>>) dst(%dma_wait3A_107 : memref<128x128xf32, #tpu.memory_space<vmem_shared>>)
      tpu.yield
    }) : () -> ()
    %add3A_13 = arith.constant 128 : i32
    %add3A_14 = arith.addi %mul3A_10, %add3A_13 : i32
    "tpu.region"() ({
      %run_scoped3A = tpu.sem_alloc : memref<!tpu.dma_semaphore, #tpu.memory_space<semaphore_mem>>
      %dma_start3A_92 = arith.constant 0 : i32
      %dma_start3A_93 = arith.constant 0 : i32
      %dma_start3A_94 = tpu.memref_slice %arg6[%dma_start3A_92, %dma_start3A_93] : memref<256x128xf32, #tpu.memory_space<vmem>> -> memref<128x128xf32, #tpu.memory_space<vmem>>
      %dma_start3A_95 = arith.constant 0 : i32
      %dma_start3A_96 = tpu.memref_slice %arg9[%add3A_14, %dma_start3A_95] : memref<10112x128xf32, #tpu.memory_space<vmem_shared>> -> memref<128x128xf32, #tpu.memory_space<vmem_shared>>
      %dma_start3A_97 = arith.constant 0 : i32
      %dma_start3A_98 = tpu.memref_slice %arg9[%add3A_14, %dma_start3A_97] : memref<10112x128xf32, #tpu.memory_space<vmem_shared>> -> memref<128x128xf32, #tpu.memory_space<vmem_shared>>
      %dma_start3A_99 = arith.constant 0 : i32
      %dma_start3A_100 = arith.constant 0 : i32
      %dma_start3A_101 = tpu.memref_slice %arg6[%dma_start3A_99, %dma_start3A_100] : memref<256x128xf32, #tpu.memory_space<vmem>> -> memref<128x128xf32, #tpu.memory_space<vmem>>
      tpu.enqueue_dma source(%dma_start3A_101 : memref<128x128xf32, #tpu.memory_space<vmem>>) target(%dma_start3A_98 : memref<128x128xf32, #tpu.memory_space<vmem_shared>>) target_semaphore(%run_scoped3A : memref<!tpu.dma_semaphore, #tpu.memory_space<semaphore_mem>>)
      %dma_wait3A = arith.constant 0 : i32
      %dma_wait3A_102 = arith.constant 0 : i32
      %dma_wait3A_103 = tpu.memref_slice %arg6[%dma_wait3A, %dma_wait3A_102] : memref<256x128xf32, #tpu.memory_space<vmem>> -> memref<128x128xf32, #tpu.memory_space<vmem>>
      %dma_wait3A_104 = arith.constant 0 : i32
      %dma_wait3A_105 = tpu.memref_slice %arg9[%add3A_14, %dma_wait3A_104] : memref<10112x128xf32, #tpu.memory_space<vmem_shared>> -> memref<128x128xf32, #tpu.memory_space<vmem_shared>>
      %dma_wait3A_106 = arith.constant 0 : i32
      %dma_wait3A_107 = tpu.memref_slice %arg9[%add3A_14, %dma_wait3A_106] : memref<10112x128xf32, #tpu.memory_space<vmem_shared>> -> memref<128x128xf32, #tpu.memory_space<vmem_shared>>
      %dma_wait3A_108 = arith.constant 0 : i32
      %dma_wait3A_109 = arith.constant 0 : i32
      %dma_wait3A_110 = tpu.memref_slice %arg6[%dma_wait3A_108, %dma_wait3A_109] : memref<256x128xf32, #tpu.memory_space<vmem>> -> memref<128x128xf32, #tpu.memory_space<vmem>>
      tpu.wait_dma2 semaphore(%run_scoped3A : memref<!tpu.dma_semaphore, #tpu.memory_space<semaphore_mem>>) src(%dma_wait3A_110 : memref<128x128xf32, #tpu.memory_space<vmem>>) dst(%dma_wait3A_107 : memref<128x128xf32, #tpu.memory_space<vmem_shared>>)
      tpu.yield
    }) : () -> ()
    %add3A_15 = arith.constant 256 : i32
    %add3A_16 = arith.addi %mul3A_10, %add3A_15 : i32
    "tpu.region"() ({
      %run_scoped3A = tpu.sem_alloc : memref<!tpu.dma_semaphore, #tpu.memory_space<semaphore_mem>>
      %dma_start3A_92 = arith.constant 0 : i32
      %dma_start3A_93 = arith.constant 0 : i32
      %dma_start3A_94 = tpu.memref_slice %arg6[%dma_start3A_92, %dma_start3A_93] : memref<256x128xf32, #tpu.memory_space<vmem>> -> memref<128x128xf32, #tpu.memory_space<vmem>>
      %dma_start3A_95 = arith.constant 0 : i32
      %dma_start3A_96 = tpu.memref_slice %arg9[%add3A_16, %dma_start3A_95] : memref<10112x128xf32, #tpu.memory_space<vmem_shared>> -> memref<128x128xf32, #tpu.memory_space<vmem_shared>>
      %dma_start3A_97 = arith.constant 0 : i32
      %dma_start3A_98 = tpu.memref_slice %arg9[%add3A_16, %dma_start3A_97] : memref<10112x128xf32, #tpu.memory_space<vmem_shared>> -> memref<128x128xf32, #tpu.memory_space<vmem_shared>>
      %dma_start3A_99 = arith.constant 0 : i32
      %dma_start3A_100 = arith.constant 0 : i32
      %dma_start3A_101 = tpu.memref_slice %arg6[%dma_start3A_99, %dma_start3A_100] : memref<256x128xf32, #tpu.memory_space<vmem>> -> memref<128x128xf32, #tpu.memory_space<vmem>>
      tpu.enqueue_dma source(%dma_start3A_101 : memref<128x128xf32, #tpu.memory_space<vmem>>) target(%dma_start3A_98 : memref<128x128xf32, #tpu.memory_space<vmem_shared>>) target_semaphore(%run_scoped3A : memref<!tpu.dma_semaphore, #tpu.memory_space<semaphore_mem>>)
      %dma_wait3A = arith.constant 0 : i32
      %dma_wait3A_102 = arith.constant 0 : i32
      %dma_wait3A_103 = tpu.memref_slice %arg6[%dma_wait3A, %dma_wait3A_102] : memref<256x128xf32, #tpu.memory_space<vmem>> -> memref<128x128xf32, #tpu.memory_space<vmem>>
      %dma_wait3A_104 = arith.constant 0 : i32
      %dma_wait3A_105 = tpu.memref_slice %arg9[%add3A_16, %dma_wait3A_104] : memref<10112x128xf32, #tpu.memory_space<vmem_shared>> -> memref<128x128xf32, #tpu.memory_space<vmem_shared>>
      %dma_wait3A_106 = arith.constant 0 : i32
      %dma_wait3A_107 = tpu.memref_slice %arg9[%add3A_16, %dma_wait3A_106] : memref<10112x128xf32, #tpu.memory_space<vmem_shared>> -> memref<128x128xf32, #tpu.memory_space<vmem_shared>>
      %dma_wait3A_108 = arith.constant 0 : i32
      %dma_wait3A_109 = arith.constant 0 : i32
      %dma_wait3A_110 = tpu.memref_slice %arg6[%dma_wait3A_108, %dma_wait3A_109] : memref<256x128xf32, #tpu.memory_space<vmem>> -> memref<128x128xf32, #tpu.memory_space<vmem>>
      tpu.wait_dma2 semaphore(%run_scoped3A : memref<!tpu.dma_semaphore, #tpu.memory_space<semaphore_mem>>) src(%dma_wait3A_110 : memref<128x128xf32, #tpu.memory_space<vmem>>) dst(%dma_wait3A_107 : memref<128x128xf32, #tpu.memory_space<vmem_shared>>)
      tpu.yield
    }) : () -> ()
    %add3A_17 = arith.constant 384 : i32
    %add3A_18 = arith.addi %mul3A_10, %add3A_17 : i32
    "tpu.region"() ({
      %run_scoped3A = tpu.sem_alloc : memref<!tpu.dma_semaphore, #tpu.memory_space<semaphore_mem>>
      %dma_start3A_92 = arith.constant 0 : i32
      %dma_start3A_93 = arith.constant 0 : i32
      %dma_start3A_94 = tpu.memref_slice %arg6[%dma_start3A_92, %dma_start3A_93] : memref<256x128xf32, #tpu.memory_space<vmem>> -> memref<128x128xf32, #tpu.memory_space<vmem>>
      %dma_start3A_95 = arith.constant 0 : i32
      %dma_start3A_96 = tpu.memref_slice %arg9[%add3A_18, %dma_start3A_95] : memref<10112x128xf32, #tpu.memory_space<vmem_shared>> -> memref<128x128xf32, #tpu.memory_space<vmem_shared>>
      %dma_start3A_97 = arith.constant 0 : i32
      %dma_start3A_98 = tpu.memref_slice %arg9[%add3A_18, %dma_start3A_97] : memref<10112x128xf32, #tpu.memory_space<vmem_shared>> -> memref<128x128xf32, #tpu.memory_space<vmem_shared>>
      %dma_start3A_99 = arith.constant 0 : i32
      %dma_start3A_100 = arith.constant 0 : i32
      %dma_start3A_101 = tpu.memref_slice %arg6[%dma_start3A_99, %dma_start3A_100] : memref<256x128xf32, #tpu.memory_space<vmem>> -> memref<128x128xf32, #tpu.memory_space<vmem>>
      tpu.enqueue_dma source(%dma_start3A_101 : memref<128x128xf32, #tpu.memory_space<vmem>>) target(%dma_start3A_98 : memref<128x128xf32, #tpu.memory_space<vmem_shared>>) target_semaphore(%run_scoped3A : memref<!tpu.dma_semaphore, #tpu.memory_space<semaphore_mem>>)
      %dma_wait3A = arith.constant 0 : i32
      %dma_wait3A_102 = arith.constant 0 : i32
      %dma_wait3A_103 = tpu.memref_slice %arg6[%dma_wait3A, %dma_wait3A_102] : memref<256x128xf32, #tpu.memory_space<vmem>> -> memref<128x128xf32, #tpu.memory_space<vmem>>
      %dma_wait3A_104 = arith.constant 0 : i32
      %dma_wait3A_105 = tpu.memref_slice %arg9[%add3A_18, %dma_wait3A_104] : memref<10112x128xf32, #tpu.memory_space<vmem_shared>> -> memref<128x128xf32, #tpu.memory_space<vmem_shared>>
      %dma_wait3A_106 = arith.constant 0 : i32
      %dma_wait3A_107 = tpu.memref_slice %arg9[%add3A_18, %dma_wait3A_106] : memref<10112x128xf32, #tpu.memory_space<vmem_shared>> -> memref<128x128xf32, #tpu.memory_space<vmem_shared>>
      %dma_wait3A_108 = arith.constant 0 : i32
      %dma_wait3A_109 = arith.constant 0 : i32
      %dma_wait3A_110 = tpu.memref_slice %arg6[%dma_wait3A_108, %dma_wait3A_109] : memref<256x128xf32, #tpu.memory_space<vmem>> -> memref<128x128xf32, #tpu.memory_space<vmem>>
      tpu.wait_dma2 semaphore(%run_scoped3A : memref<!tpu.dma_semaphore, #tpu.memory_space<semaphore_mem>>) src(%dma_wait3A_110 : memref<128x128xf32, #tpu.memory_space<vmem>>) dst(%dma_wait3A_107 : memref<128x128xf32, #tpu.memory_space<vmem_shared>>)
      tpu.yield
    }) : () -> ()
    %add3A_19 = arith.constant 512 : i32
    %add3A_20 = arith.addi %mul3A_10, %add3A_19 : i32
    "tpu.region"() ({
      %run_scoped3A = tpu.sem_alloc : memref<!tpu.dma_semaphore, #tpu.memory_space<semaphore_mem>>
      %dma_start3A_92 = arith.constant 0 : i32
      %dma_start3A_93 = arith.constant 0 : i32
      %dma_start3A_94 = tpu.memref_slice %arg6[%dma_start3A_92, %dma_start3A_93] : memref<256x128xf32, #tpu.memory_space<vmem>> -> memref<120x128xf32, #tpu.memory_space<vmem>>
      %dma_start3A_95 = arith.constant 0 : i32
      %dma_start3A_96 = tpu.memref_slice %arg9[%add3A_20, %dma_start3A_95] : memref<10112x128xf32, #tpu.memory_space<vmem_shared>> -> memref<120x128xf32, #tpu.memory_space<vmem_shared>>
      %dma_start3A_97 = arith.constant 0 : i32
      %dma_start3A_98 = tpu.memref_slice %arg9[%add3A_20, %dma_start3A_97] : memref<10112x128xf32, #tpu.memory_space<vmem_shared>> -> memref<120x128xf32, #tpu.memory_space<vmem_shared>>
      %dma_start3A_99 = arith.constant 0 : i32
      %dma_start3A_100 = arith.constant 0 : i32
      %dma_start3A_101 = tpu.memref_slice %arg6[%dma_start3A_99, %dma_start3A_100] : memref<256x128xf32, #tpu.memory_space<vmem>> -> memref<120x128xf32, #tpu.memory_space<vmem>>
      tpu.enqueue_dma source(%dma_start3A_101 : memref<120x128xf32, #tpu.memory_space<vmem>>) target(%dma_start3A_98 : memref<120x128xf32, #tpu.memory_space<vmem_shared>>) target_semaphore(%run_scoped3A : memref<!tpu.dma_semaphore, #tpu.memory_space<semaphore_mem>>)
      %dma_wait3A = arith.constant 0 : i32
      %dma_wait3A_102 = arith.constant 0 : i32
      %dma_wait3A_103 = tpu.memref_slice %arg6[%dma_wait3A, %dma_wait3A_102] : memref<256x128xf32, #tpu.memory_space<vmem>> -> memref<120x128xf32, #tpu.memory_space<vmem>>
      %dma_wait3A_104 = arith.constant 0 : i32
      %dma_wait3A_105 = tpu.memref_slice %arg9[%add3A_20, %dma_wait3A_104] : memref<10112x128xf32, #tpu.memory_space<vmem_shared>> -> memref<120x128xf32, #tpu.memory_space<vmem_shared>>
      %dma_wait3A_106 = arith.constant 0 : i32
      %dma_wait3A_107 = tpu.memref_slice %arg9[%add3A_20, %dma_wait3A_106] : memref<10112x128xf32, #tpu.memory_space<vmem_shared>> -> memref<120x128xf32, #tpu.memory_space<vmem_shared>>
      %dma_wait3A_108 = arith.constant 0 : i32
      %dma_wait3A_109 = arith.constant 0 : i32
      %dma_wait3A_110 = tpu.memref_slice %arg6[%dma_wait3A_108, %dma_wait3A_109] : memref<256x128xf32, #tpu.memory_space<vmem>> -> memref<120x128xf32, #tpu.memory_space<vmem>>
      tpu.wait_dma2 semaphore(%run_scoped3A : memref<!tpu.dma_semaphore, #tpu.memory_space<semaphore_mem>>) src(%dma_wait3A_110 : memref<120x128xf32, #tpu.memory_space<vmem>>) dst(%dma_wait3A_107 : memref<120x128xf32, #tpu.memory_space<vmem_shared>>)
      tpu.yield
    }) : () -> ()
    %dma_start3A = arith.constant 0 : i32
    %dma_start3A_21 = arith.constant 0 : i32
    %dma_start3A_22 = arith.constant 0 : i32
    %dma_start3A_23 = tpu.memref_slice %arg8[%dma_start3A_21, %dma_start3A_22] : memref<2x128xi32, #tpu.memory_space<vmem>> -> memref<1x128xi32, #tpu.memory_space<vmem>>
    %dma_start3A_24 = tpu.memref_squeeze %dma_start3A_23 : memref<1x128xi32, #tpu.memory_space<vmem>> -> memref<128xi32, #tpu.memory_space<vmem>>
    %dma_start3A_25 = arith.constant 0 : i32
    %dma_start3A_26 = arith.constant 0 : i32
    %dma_start3A_27 = tpu.memref_slice %arg4[%add3A, %dma_start3A_25, %dma_start3A_26] : memref<32x80x128xi32, #tpu.memory_space<hbm>> -> memref<1x80x128xi32, #tpu.memory_space<hbm>>
    %dma_start3A_28 = tpu.memref_squeeze %dma_start3A_27 : memref<1x80x128xi32, #tpu.memory_space<hbm>> -> memref<80x128xi32, #tpu.memory_space<hbm>>
    %dma_start3A_29 = arith.constant 0 : i32
    %dma_start3A_30 = tpu.memref_slice %dma_start3A_28[%dma_start3A, %dma_start3A_29] : memref<80x128xi32, #tpu.memory_space<hbm>> -> memref<1x128xi32, #tpu.memory_space<hbm>>
    %dma_start3A_31 = tpu.memref_squeeze %dma_start3A_30 : memref<1x128xi32, #tpu.memory_space<hbm>> -> memref<128xi32, #tpu.memory_space<hbm>>
    %dma_start3A_32 = arith.constant 0 : i32
    %dma_start3A_33 = tpu.memref_slice %arg8[%dma_start3A_21, %dma_start3A_32] : memref<2x128xi32, #tpu.memory_space<vmem>> -> memref<1x128xi32, #tpu.memory_space<vmem>>
    %dma_start3A_34 = tpu.memref_squeeze %dma_start3A_33 : memref<1x128xi32, #tpu.memory_space<vmem>> -> memref<128xi32, #tpu.memory_space<vmem>>
    %dma_start3A_35 = arith.constant 0 : i32
    %dma_start3A_36 = arith.constant 0 : i32
    %dma_start3A_37 = tpu.memref_slice %arg4[%add3A, %dma_start3A_35, %dma_start3A_36] : memref<32x80x128xi32, #tpu.memory_space<hbm>> -> memref<1x80x128xi32, #tpu.memory_space<hbm>>
    %dma_start3A_38 = tpu.memref_squeeze %dma_start3A_37 : memref<1x80x128xi32, #tpu.memory_space<hbm>> -> memref<80x128xi32, #tpu.memory_space<hbm>>
    %dma_start3A_39 = arith.constant 0 : i32
    %dma_start3A_40 = tpu.memref_slice %dma_start3A_38[%dma_start3A, %dma_start3A_39] : memref<80x128xi32, #tpu.memory_space<hbm>> -> memref<1x128xi32, #tpu.memory_space<hbm>>
    %dma_start3A_41 = tpu.memref_squeeze %dma_start3A_40 : memref<1x128xi32, #tpu.memory_space<hbm>> -> memref<128xi32, #tpu.memory_space<hbm>>
    tpu.enqueue_dma source(%dma_start3A_41 : memref<128xi32, #tpu.memory_space<hbm>>) target(%dma_start3A_34 : memref<128xi32, #tpu.memory_space<vmem>>) target_semaphore(%arg12 : memref<!tpu.dma_semaphore, #tpu.memory_space<semaphore_mem>>)
    %dma_start3A_42 = arith.constant 1 : i32
    %dma_start3A_43 = arith.constant 1 : i32
    %dma_start3A_44 = arith.constant 0 : i32
    %dma_start3A_45 = tpu.memref_slice %arg8[%dma_start3A_43, %dma_start3A_44] : memref<2x128xi32, #tpu.memory_space<vmem>> -> memref<1x128xi32, #tpu.memory_space<vmem>>
    %dma_start3A_46 = tpu.memref_squeeze %dma_start3A_45 : memref<1x128xi32, #tpu.memory_space<vmem>> -> memref<128xi32, #tpu.memory_space<vmem>>
    %dma_start3A_47 = arith.constant 0 : i32
    %dma_start3A_48 = arith.constant 0 : i32
    %dma_start3A_49 = tpu.memref_slice %arg4[%add3A, %dma_start3A_47, %dma_start3A_48] : memref<32x80x128xi32, #tpu.memory_space<hbm>> -> memref<1x80x128xi32, #tpu.memory_space<hbm>>
    %dma_start3A_50 = tpu.memref_squeeze %dma_start3A_49 : memref<1x80x128xi32, #tpu.memory_space<hbm>> -> memref<80x128xi32, #tpu.memory_space<hbm>>
    %dma_start3A_51 = arith.constant 0 : i32
    %dma_start3A_52 = tpu.memref_slice %dma_start3A_50[%dma_start3A_42, %dma_start3A_51] : memref<80x128xi32, #tpu.memory_space<hbm>> -> memref<1x128xi32, #tpu.memory_space<hbm>>
    %dma_start3A_53 = tpu.memref_squeeze %dma_start3A_52 : memref<1x128xi32, #tpu.memory_space<hbm>> -> memref<128xi32, #tpu.memory_space<hbm>>
    %dma_start3A_54 = arith.constant 0 : i32
    %dma_start3A_55 = tpu.memref_slice %arg8[%dma_start3A_43, %dma_start3A_54] : memref<2x128xi32, #tpu.memory_space<vmem>> -> memref<1x128xi32, #tpu.memory_space<vmem>>
    %dma_start3A_56 = tpu.memref_squeeze %dma_start3A_55 : memref<1x128xi32, #tpu.memory_space<vmem>> -> memref<128xi32, #tpu.memory_space<vmem>>
    %dma_start3A_57 = arith.constant 0 : i32
    %dma_start3A_58 = arith.constant 0 : i32
    %dma_start3A_59 = tpu.memref_slice %arg4[%add3A, %dma_start3A_57, %dma_start3A_58] : memref<32x80x128xi32, #tpu.memory_space<hbm>> -> memref<1x80x128xi32, #tpu.memory_space<hbm>>
    %dma_start3A_60 = tpu.memref_squeeze %dma_start3A_59 : memref<1x80x128xi32, #tpu.memory_space<hbm>> -> memref<80x128xi32, #tpu.memory_space<hbm>>
    %dma_start3A_61 = arith.constant 0 : i32
    %dma_start3A_62 = tpu.memref_slice %dma_start3A_60[%dma_start3A_42, %dma_start3A_61] : memref<80x128xi32, #tpu.memory_space<hbm>> -> memref<1x128xi32, #tpu.memory_space<hbm>>
    %dma_start3A_63 = tpu.memref_squeeze %dma_start3A_62 : memref<1x128xi32, #tpu.memory_space<hbm>> -> memref<128xi32, #tpu.memory_space<hbm>>
    tpu.enqueue_dma source(%dma_start3A_63 : memref<128xi32, #tpu.memory_space<hbm>>) target(%dma_start3A_56 : memref<128xi32, #tpu.memory_space<vmem>>) target_semaphore(%arg12 : memref<!tpu.dma_semaphore, #tpu.memory_space<semaphore_mem>>)
    %barrier3A = arith.constant 0 : index
    tpu.barrier barrier_id(%barrier3A)
    %scan3A_64 = arith.constant 0 : i32
    %scan3A_65 = arith.constant 0 : i32
    %scan3A_66 = arith.constant 164 : i32
    %scan3A_67 = arith.addi %scan3A_65, %scan3A_66 : i32
    %scan3A_68 = arith.constant 1 : i32
    %scan3A_69 = scf.for %scan3A_92 = %scan3A_65 to %scan3A_67 step %scan3A_68 iter_args(%scan3A_93 = %scan3A_64) -> (i32)  : i32 {
      %lt3A = arith.constant 160 : i32
      %lt3A_94 = arith.cmpi slt, %scan3A_92, %lt3A : i32
      %convert_element_type3A = arith.extui %lt3A_94 : i1 to i32
      %cond3A = arith.constant 0 : i32
      %cond3A_95 = arith.cmpi ne, %convert_element_type3A, %cond3A : i32
      scf.if %cond3A_95 {
        %rem3A_111 = arith.constant 6 : i32
        %rem3A_112 = arith.remsi %scan3A_92, %rem3A_111 : i32
        %mul3A_113 = arith.constant 64 : i32
        %mul3A_114 = arith.muli %scan3A_92, %mul3A_113 : i32
        %add3A_115 = arith.addi %mul3A_2, %mul3A_114 : i32
        %mul3A_116 = arith.constant 64 : i32
        %mul3A_117 = arith.muli %rem3A_112, %mul3A_116 : i32
        %dma_start3A_118 = tpu.memref_slice %arg7[%mul3A_117] : memref<384xi32, #tpu.memory_space<vmem>> -> memref<64xi32, #tpu.memory_space<vmem>>
        %dma_start3A_119 = tpu.memref_slice %arg3[%add3A_115] : memref<327680xi32, #tpu.memory_space<hbm>> -> memref<64xi32, #tpu.memory_space<hbm>>
        %dma_start3A_120 = tpu.memref_slice %arg7[%mul3A_117] : memref<384xi32, #tpu.memory_space<vmem>> -> memref<64xi32, #tpu.memory_space<vmem>>
        %dma_start3A_121 = tpu.memref_slice %arg3[%add3A_115] : memref<327680xi32, #tpu.memory_space<hbm>> -> memref<64xi32, #tpu.memory_space<hbm>>
        tpu.enqueue_dma source(%dma_start3A_121 : memref<64xi32, #tpu.memory_space<hbm>>) target(%dma_start3A_120 : memref<64xi32, #tpu.memory_space<vmem>>) target_semaphore(%arg10 : memref<!tpu.dma_semaphore, #tpu.memory_space<semaphore_mem>>)
      } else {
      }
      %ge3A = arith.constant 2 : i32
      %ge3A_96 = arith.cmpi sge, %scan3A_92, %ge3A : i32
      %lt3A_97 = arith.constant 162 : i32
      %lt3A_98 = arith.cmpi slt, %scan3A_92, %lt3A_97 : i32
      %and3A = arith.andi %ge3A_96, %lt3A_98 : i1
      %convert_element_type3A_99 = arith.extui %and3A : i1 to i32
      %cond3A_100 = arith.constant 0 : i32
      %cond3A_101 = arith.cmpi ne, %convert_element_type3A_99, %cond3A_100 : i32
      scf.if %cond3A_101 {
        %sub3A = arith.constant 2 : i32
        %sub3A_111 = arith.subi %scan3A_92, %sub3A : i32
        %rem3A_112 = arith.constant 6 : i32
        %rem3A_113 = arith.remsi %sub3A_111, %rem3A_112 : i32
        %rem3A_114 = arith.constant 4 : i32
        %rem3A_115 = arith.remsi %sub3A_111, %rem3A_114 : i32
        %dma_wait3A = arith.constant 0 : i32
        %dma_wait3A_116 = tpu.memref_slice %arg7[%dma_wait3A] : memref<384xi32, #tpu.memory_space<vmem>> -> memref<64xi32, #tpu.memory_space<vmem>>
        %dma_wait3A_117 = arith.constant 0 : i32
        %dma_wait3A_118 = tpu.memref_slice %arg3[%dma_wait3A_117] : memref<327680xi32, #tpu.memory_space<hbm>> -> memref<64xi32, #tpu.memory_space<hbm>>
        %dma_wait3A_119 = arith.constant 0 : i32
        %dma_wait3A_120 = tpu.memref_slice %arg7[%dma_wait3A_119] : memref<384xi32, #tpu.memory_space<vmem>> -> memref<64xi32, #tpu.memory_space<vmem>>
        %dma_wait3A_121 = arith.constant 0 : i32
        %dma_wait3A_122 = tpu.memref_slice %arg3[%dma_wait3A_121] : memref<327680xi32, #tpu.memory_space<hbm>> -> memref<64xi32, #tpu.memory_space<hbm>>
        tpu.wait_dma2 semaphore(%arg10 : memref<!tpu.dma_semaphore, #tpu.memory_space<semaphore_mem>>) src(%dma_wait3A_122 : memref<64xi32, #tpu.memory_space<hbm>>) dst(%dma_wait3A_120 : memref<64xi32, #tpu.memory_space<vmem>>)
        %mul3A_123 = arith.constant 64 : i32
        %mul3A_124 = arith.muli %rem3A_113, %mul3A_123 : i32
        %mul3A_125 = arith.constant 64 : i32
        %mul3A_126 = arith.muli %rem3A_115, %mul3A_125 : i32
        %dma_start3A_127 = arith.constant 0 : i32
        %dma_start3A_128 = tpu.memref_slice %arg6[%mul3A_126, %dma_start3A_127] : memref<256x128xf32, #tpu.memory_space<vmem>> -> memref<64x128xf32, #tpu.memory_space<vmem>>
        %dma_start3A_129 = tpu.memref_slice %arg7[%mul3A_124] : memref<384xi32, #tpu.memory_space<vmem>> -> memref<64xi32, #tpu.memory_space<vmem>>
        %dma_start3A_130 = arith.constant 0 : i32
        %dma_start3A_131 = arith.constant 0 : i32
        %dma_start3A_132 = tpu.memref_slice %arg2[%dma_start3A_130, %dma_start3A_131] : memref<10112x128xf32, #tpu.memory_space<hbm>> -> memref<10112x128xf32, #tpu.memory_space<hbm>>
        tpu.enqueue_indirect_dma source(%dma_start3A_132 : memref<10112x128xf32, #tpu.memory_space<hbm>>) target(%dma_start3A_128 : memref<64x128xf32, #tpu.memory_space<vmem>>) offsets(%dma_start3A_129 : memref<64xi32, #tpu.memory_space<vmem>>) semaphore(%arg11 : memref<!tpu.dma_semaphore, #tpu.memory_space<semaphore_mem>>)
      } else {
      }
      %ge3A_102 = arith.constant 5 : i32
      %ge3A_103 = arith.cmpi sge, %scan3A_92, %ge3A_102 : i32
      %rem3A = arith.constant 2 : i32
      %rem3A_104 = arith.remsi %scan3A_92, %rem3A : i32
      %eq3A = arith.constant 1 : i32
      %eq3A_105 = arith.cmpi eq, %rem3A_104, %eq3A : i32
      %and3A_106 = arith.andi %ge3A_103, %eq3A_105 : i1
      %convert_element_type3A_107 = arith.extui %and3A_106 : i1 to i32
      %cond3A_108 = arith.constant 0 : i32
      %cond3A_109 = arith.cmpi ne, %convert_element_type3A_107, %cond3A_108 : i32
      scf.if %cond3A_109 {
        %sub3A = arith.constant 5 : i32
        %sub3A_111 = arith.subi %scan3A_92, %sub3A : i32
        %jit3A = arith.constant 2 : i32
        %div3A = arith.divsi %sub3A_111, %jit3A : i32
        %sign3A = arith.constant 0 : i32
        %sign3A_112 = arith.cmpi sgt, %sub3A_111, %sign3A : i32
        %sign3A_113 = arith.extui %sign3A_112 : i1 to i32
        %sign3A_114 = arith.constant 0 : i32
        %sign3A_115 = arith.cmpi slt, %sub3A_111, %sign3A_114 : i32
        %sign3A_116 = arith.extui %sign3A_115 : i1 to i32
        %sign3A_117 = arith.subi %sign3A_113, %sign3A_116 : i32
        %sign3A_118 = arith.constant 0 : i32
        %sign3A_119 = arith.cmpi sgt, %jit3A, %sign3A_118 : i32
        %sign3A_120 = arith.extui %sign3A_119 : i1 to i32
        %sign3A_121 = arith.constant 0 : i32
        %sign3A_122 = arith.cmpi slt, %jit3A, %sign3A_121 : i32
        %sign3A_123 = arith.extui %sign3A_122 : i1 to i32
        %sign3A_124 = arith.subi %sign3A_120, %sign3A_123 : i32
        %ne3A = arith.cmpi ne, %sign3A_117, %sign3A_124 : i32
        %rem3A_125 = arith.remsi %sub3A_111, %jit3A : i32
        %ne3A_126 = arith.constant 0 : i32
        %ne3A_127 = arith.cmpi ne, %rem3A_125, %ne3A_126 : i32
        %and3A_128 = arith.andi %ne3A, %ne3A_127 : i1
        %sub3A_129 = arith.constant 1 : i32
        %sub3A_130 = arith.subi %div3A, %sub3A_129 : i32
        %select_n3A = arith.select %and3A_128, %sub3A_130, %div3A : i32
        %rem3A_131 = arith.constant 2 : i32
        %rem3A_132 = arith.remsi %select_n3A, %rem3A_131 : i32
        %dma_wait3A = arith.constant 0 : i32
        %dma_wait3A_133 = arith.constant 0 : i32
        %dma_wait3A_134 = tpu.memref_slice %arg6[%dma_wait3A, %dma_wait3A_133] : memref<256x128xf32, #tpu.memory_space<vmem>> -> memref<128x128xf32, #tpu.memory_space<vmem>>
        %dma_wait3A_135 = arith.constant 0 : i32
        %dma_wait3A_136 = arith.constant 0 : i32
        %dma_wait3A_137 = tpu.memref_slice %arg2[%dma_wait3A_135, %dma_wait3A_136] : memref<10112x128xf32, #tpu.memory_space<hbm>> -> memref<128x128xf32, #tpu.memory_space<hbm>>
        %dma_wait3A_138 = arith.constant 0 : i32
        %dma_wait3A_139 = arith.constant 0 : i32
        %dma_wait3A_140 = tpu.memref_slice %arg6[%dma_wait3A_138, %dma_wait3A_139] : memref<256x128xf32, #tpu.memory_space<vmem>> -> memref<128x128xf32, #tpu.memory_space<vmem>>
        %dma_wait3A_141 = arith.constant 0 : i32
        %dma_wait3A_142 = arith.constant 0 : i32
        %dma_wait3A_143 = tpu.memref_slice %arg2[%dma_wait3A_141, %dma_wait3A_142] : memref<10112x128xf32, #tpu.memory_space<hbm>> -> memref<128x128xf32, #tpu.memory_space<hbm>>
        tpu.wait_dma2 semaphore(%arg11 : memref<!tpu.dma_semaphore, #tpu.memory_space<semaphore_mem>>) src(%dma_wait3A_143 : memref<128x128xf32, #tpu.memory_space<hbm>>) dst(%dma_wait3A_140 : memref<128x128xf32, #tpu.memory_space<vmem>>)
        %dma_wait3A_144 = arith.constant 0 : i32
        %dma_wait3A_145 = arith.constant 0 : i32
        %dma_wait3A_146 = arith.constant 0 : i32
        %dma_wait3A_147 = tpu.memref_slice %arg8[%dma_wait3A_145, %dma_wait3A_146] : memref<2x128xi32, #tpu.memory_space<vmem>> -> memref<1x128xi32, #tpu.memory_space<vmem>>
        %dma_wait3A_148 = tpu.memref_squeeze %dma_wait3A_147 : memref<1x128xi32, #tpu.memory_space<vmem>> -> memref<128xi32, #tpu.memory_space<vmem>>
        %dma_wait3A_149 = arith.constant 0 : i32
        %dma_wait3A_150 = arith.constant 0 : i32
        %dma_wait3A_151 = tpu.memref_slice %arg4[%add3A, %dma_wait3A_149, %dma_wait3A_150] : memref<32x80x128xi32, #tpu.memory_space<hbm>> -> memref<1x80x128xi32, #tpu.memory_space<hbm>>
        %dma_wait3A_152 = tpu.memref_squeeze %dma_wait3A_151 : memref<1x80x128xi32, #tpu.memory_space<hbm>> -> memref<80x128xi32, #tpu.memory_space<hbm>>
        %dma_wait3A_153 = arith.constant 0 : i32
        %dma_wait3A_154 = tpu.memref_slice %dma_wait3A_152[%dma_wait3A_144, %dma_wait3A_153] : memref<80x128xi32, #tpu.memory_space<hbm>> -> memref<1x128xi32, #tpu.memory_space<hbm>>
        %dma_wait3A_155 = tpu.memref_squeeze %dma_wait3A_154 : memref<1x128xi32, #tpu.memory_space<hbm>> -> memref<128xi32, #tpu.memory_space<hbm>>
        %dma_wait3A_156 = arith.constant 0 : i32
        %dma_wait3A_157 = tpu.memref_slice %arg8[%dma_wait3A_145, %dma_wait3A_156] : memref<2x128xi32, #tpu.memory_space<vmem>> -> memref<1x128xi32, #tpu.memory_space<vmem>>
        %dma_wait3A_158 = tpu.memref_squeeze %dma_wait3A_157 : memref<1x128xi32, #tpu.memory_space<vmem>> -> memref<128xi32, #tpu.memory_space<vmem>>
        %dma_wait3A_159 = arith.constant 0 : i32
        %dma_wait3A_160 = arith.constant 0 : i32
        %dma_wait3A_161 = tpu.memref_slice %arg4[%add3A, %dma_wait3A_159, %dma_wait3A_160] : memref<32x80x128xi32, #tpu.memory_space<hbm>> -> memref<1x80x128xi32, #tpu.memory_space<hbm>>
        %dma_wait3A_162 = tpu.memref_squeeze %dma_wait3A_161 : memref<1x80x128xi32, #tpu.memory_space<hbm>> -> memref<80x128xi32, #tpu.memory_space<hbm>>
        %dma_wait3A_163 = arith.constant 0 : i32
        %dma_wait3A_164 = tpu.memref_slice %dma_wait3A_162[%dma_wait3A_144, %dma_wait3A_163] : memref<80x128xi32, #tpu.memory_space<hbm>> -> memref<1x128xi32, #tpu.memory_space<hbm>>
        %dma_wait3A_165 = tpu.memref_squeeze %dma_wait3A_164 : memref<1x128xi32, #tpu.memory_space<hbm>> -> memref<128xi32, #tpu.memory_space<hbm>>
        tpu.wait_dma2 semaphore(%arg12 : memref<!tpu.dma_semaphore, #tpu.memory_space<semaphore_mem>>) src(%dma_wait3A_165 : memref<128xi32, #tpu.memory_space<hbm>>) dst(%dma_wait3A_158 : memref<128xi32, #tpu.memory_space<vmem>>)
        %mul3A_166 = arith.constant 128 : i32
        %mul3A_167 = arith.muli %rem3A_132, %mul3A_166 : i32
        "tpu.region"() ({
          %run_scoped3A = tpu.sem_alloc : memref<!tpu.dma_semaphore, #tpu.memory_space<semaphore_mem>>
          %dma_start3A_175 = arith.constant 0 : i32
          %dma_start3A_176 = tpu.memref_slice %arg6[%mul3A_167, %dma_start3A_175] : memref<256x128xf32, #tpu.memory_space<vmem>> -> memref<128x128xf32, #tpu.memory_space<vmem>>
          %dma_start3A_177 = arith.constant 0 : i32
          %dma_start3A_178 = tpu.memref_slice %arg8[%rem3A_132, %dma_start3A_177] : memref<2x128xi32, #tpu.memory_space<vmem>> -> memref<1x128xi32, #tpu.memory_space<vmem>>
          %dma_start3A_179 = tpu.memref_squeeze %dma_start3A_178 : memref<1x128xi32, #tpu.memory_space<vmem>> -> memref<128xi32, #tpu.memory_space<vmem>>
          %dma_start3A_180 = arith.constant 0 : i32
          %dma_start3A_181 = arith.constant 0 : i32
          %dma_start3A_182 = tpu.memref_slice %arg9[%dma_start3A_180, %dma_start3A_181] : memref<10112x128xf32, #tpu.memory_space<vmem_shared>> -> memref<10112x128xf32, #tpu.memory_space<vmem_shared>>
          tpu.enqueue_indirect_dma source(%dma_start3A_176 : memref<128x128xf32, #tpu.memory_space<vmem>>) target(%dma_start3A_182 : memref<10112x128xf32, #tpu.memory_space<vmem_shared>>) offsets(%dma_start3A_179 : memref<128xi32, #tpu.memory_space<vmem>>) semaphore(%run_scoped3A : memref<!tpu.dma_semaphore, #tpu.memory_space<semaphore_mem>>) {add = true}
          %dma_wait3A_183 = arith.constant 0 : i32
          %dma_wait3A_184 = tpu.memref_slice %arg6[%mul3A_167, %dma_wait3A_183] : memref<256x128xf32, #tpu.memory_space<vmem>> -> memref<128x128xf32, #tpu.memory_space<vmem>>
          %dma_wait3A_185 = arith.constant 0 : i32
          %dma_wait3A_186 = tpu.memref_slice %arg8[%rem3A_132, %dma_wait3A_185] : memref<2x128xi32, #tpu.memory_space<vmem>> -> memref<1x128xi32, #tpu.memory_space<vmem>>
          %dma_wait3A_187 = tpu.memref_squeeze %dma_wait3A_186 : memref<1x128xi32, #tpu.memory_space<vmem>> -> memref<128xi32, #tpu.memory_space<vmem>>
          %dma_wait3A_188 = arith.constant 0 : i32
          %dma_wait3A_189 = arith.constant 0 : i32
          %dma_wait3A_190 = tpu.memref_slice %arg9[%dma_wait3A_188, %dma_wait3A_189] : memref<10112x128xf32, #tpu.memory_space<vmem_shared>> -> memref<10112x128xf32, #tpu.memory_space<vmem_shared>>
          tpu.wait_indirect_dma semaphore(%run_scoped3A : memref<!tpu.dma_semaphore, #tpu.memory_space<semaphore_mem>>) src(%dma_wait3A_184 : memref<128x128xf32, #tpu.memory_space<vmem>>) dst(%dma_wait3A_190 : memref<10112x128xf32, #tpu.memory_space<vmem_shared>>)
          tpu.yield
        }) : () -> ()
        %add3A_168 = arith.constant 2 : i32
        %add3A_169 = arith.addi %select_n3A, %add3A_168 : i32
        %lt3A_170 = arith.constant 80 : i32
        %lt3A_171 = arith.cmpi slt, %add3A_169, %lt3A_170 : i32
        %convert_element_type3A_172 = arith.extui %lt3A_171 : i1 to i32
        %cond3A_173 = arith.constant 0 : i32
        %cond3A_174 = arith.cmpi ne, %convert_element_type3A_172, %cond3A_173 : i32
        scf.if %cond3A_174 {
          %add3A_175 = arith.constant 2 : i32
          %add3A_176 = arith.addi %select_n3A, %add3A_175 : i32
          %dma_start3A_177 = arith.constant 0 : i32
          %dma_start3A_178 = tpu.memref_slice %arg8[%rem3A_132, %dma_start3A_177] : memref<2x128xi32, #tpu.memory_space<vmem>> -> memref<1x128xi32, #tpu.memory_space<vmem>>
          %dma_start3A_179 = tpu.memref_squeeze %dma_start3A_178 : memref<1x128xi32, #tpu.memory_space<vmem>> -> memref<128xi32, #tpu.memory_space<vmem>>
          %dma_start3A_180 = arith.constant 0 : i32
          %dma_start3A_181 = arith.constant 0 : i32
          %dma_start3A_182 = tpu.memref_slice %arg4[%add3A, %dma_start3A_180, %dma_start3A_181] : memref<32x80x128xi32, #tpu.memory_space<hbm>> -> memref<1x80x128xi32, #tpu.memory_space<hbm>>
          %dma_start3A_183 = tpu.memref_squeeze %dma_start3A_182 : memref<1x80x128xi32, #tpu.memory_space<hbm>> -> memref<80x128xi32, #tpu.memory_space<hbm>>
          %dma_start3A_184 = arith.constant 0 : i32
          %dma_start3A_185 = tpu.memref_slice %dma_start3A_183[%add3A_176, %dma_start3A_184] : memref<80x128xi32, #tpu.memory_space<hbm>> -> memref<1x128xi32, #tpu.memory_space<hbm>>
          %dma_start3A_186 = tpu.memref_squeeze %dma_start3A_185 : memref<1x128xi32, #tpu.memory_space<hbm>> -> memref<128xi32, #tpu.memory_space<hbm>>
          %dma_start3A_187 = arith.constant 0 : i32
          %dma_start3A_188 = tpu.memref_slice %arg8[%rem3A_132, %dma_start3A_187] : memref<2x128xi32, #tpu.memory_space<vmem>> -> memref<1x128xi32, #tpu.memory_space<vmem>>
          %dma_start3A_189 = tpu.memref_squeeze %dma_start3A_188 : memref<1x128xi32, #tpu.memory_space<vmem>> -> memref<128xi32, #tpu.memory_space<vmem>>
          %dma_start3A_190 = arith.constant 0 : i32
          %dma_start3A_191 = arith.constant 0 : i32
          %dma_start3A_192 = tpu.memref_slice %arg4[%add3A, %dma_start3A_190, %dma_start3A_191] : memref<32x80x128xi32, #tpu.memory_space<hbm>> -> memref<1x80x128xi32, #tpu.memory_space<hbm>>
          %dma_start3A_193 = tpu.memref_squeeze %dma_start3A_192 : memref<1x80x128xi32, #tpu.memory_space<hbm>> -> memref<80x128xi32, #tpu.memory_space<hbm>>
          %dma_start3A_194 = arith.constant 0 : i32
          %dma_start3A_195 = tpu.memref_slice %dma_start3A_193[%add3A_176, %dma_start3A_194] : memref<80x128xi32, #tpu.memory_space<hbm>> -> memref<1x128xi32, #tpu.memory_space<hbm>>
          %dma_start3A_196 = tpu.memref_squeeze %dma_start3A_195 : memref<1x128xi32, #tpu.memory_space<hbm>> -> memref<128xi32, #tpu.memory_space<hbm>>
          tpu.enqueue_dma source(%dma_start3A_196 : memref<128xi32, #tpu.memory_space<hbm>>) target(%dma_start3A_189 : memref<128xi32, #tpu.memory_space<vmem>>) target_semaphore(%arg12 : memref<!tpu.dma_semaphore, #tpu.memory_space<semaphore_mem>>)
        } else {
        }
      } else {
      }
      %scan3A_110 = arith.constant 0 : i32
      scf.yield %scan3A_110 : i32
    }
    %scan3A_70 = arith.constant 164 : i32
    %barrier3A_71 = arith.constant 0 : index
    tpu.barrier barrier_id(%barrier3A_71)
    %add3A_72 = arith.constant 0 : i32
    %add3A_73 = arith.addi %mul3A_10, %add3A_72 : i32
    "tpu.region"() ({
      %run_scoped3A = tpu.sem_alloc : memref<!tpu.dma_semaphore, #tpu.memory_space<semaphore_mem>>
      %dma_start3A_92 = arith.constant 0 : i32
      %dma_start3A_93 = arith.constant 0 : i32
      %dma_start3A_94 = tpu.memref_slice %arg6[%dma_start3A_92, %dma_start3A_93] : memref<256x128xf32, #tpu.memory_space<vmem>> -> memref<128x128xf32, #tpu.memory_space<vmem>>
      %dma_start3A_95 = arith.constant 0 : i32
      %dma_start3A_96 = tpu.memref_slice %arg9[%add3A_73, %dma_start3A_95] : memref<10112x128xf32, #tpu.memory_space<vmem_shared>> -> memref<128x128xf32, #tpu.memory_space<vmem_shared>>
      %dma_start3A_97 = arith.constant 0 : i32
      %dma_start3A_98 = arith.constant 0 : i32
      %dma_start3A_99 = tpu.memref_slice %arg6[%dma_start3A_97, %dma_start3A_98] : memref<256x128xf32, #tpu.memory_space<vmem>> -> memref<128x128xf32, #tpu.memory_space<vmem>>
      %dma_start3A_100 = arith.constant 0 : i32
      %dma_start3A_101 = tpu.memref_slice %arg9[%add3A_73, %dma_start3A_100] : memref<10112x128xf32, #tpu.memory_space<vmem_shared>> -> memref<128x128xf32, #tpu.memory_space<vmem_shared>>
      tpu.enqueue_dma source(%dma_start3A_101 : memref<128x128xf32, #tpu.memory_space<vmem_shared>>) target(%dma_start3A_99 : memref<128x128xf32, #tpu.memory_space<vmem>>) target_semaphore(%run_scoped3A : memref<!tpu.dma_semaphore, #tpu.memory_space<semaphore_mem>>)
      %dma_wait3A = arith.constant 0 : i32
      %dma_wait3A_102 = arith.constant 0 : i32
      %dma_wait3A_103 = tpu.memref_slice %arg6[%dma_wait3A, %dma_wait3A_102] : memref<256x128xf32, #tpu.memory_space<vmem>> -> memref<128x128xf32, #tpu.memory_space<vmem>>
      %dma_wait3A_104 = arith.constant 0 : i32
      %dma_wait3A_105 = tpu.memref_slice %arg9[%add3A_73, %dma_wait3A_104] : memref<10112x128xf32, #tpu.memory_space<vmem_shared>> -> memref<128x128xf32, #tpu.memory_space<vmem_shared>>
      %dma_wait3A_106 = arith.constant 0 : i32
      %dma_wait3A_107 = arith.constant 0 : i32
      %dma_wait3A_108 = tpu.memref_slice %arg6[%dma_wait3A_106, %dma_wait3A_107] : memref<256x128xf32, #tpu.memory_space<vmem>> -> memref<128x128xf32, #tpu.memory_space<vmem>>
      %dma_wait3A_109 = arith.constant 0 : i32
      %dma_wait3A_110 = tpu.memref_slice %arg9[%add3A_73, %dma_wait3A_109] : memref<10112x128xf32, #tpu.memory_space<vmem_shared>> -> memref<128x128xf32, #tpu.memory_space<vmem_shared>>
      tpu.wait_dma2 semaphore(%run_scoped3A : memref<!tpu.dma_semaphore, #tpu.memory_space<semaphore_mem>>) src(%dma_wait3A_110 : memref<128x128xf32, #tpu.memory_space<vmem_shared>>) dst(%dma_wait3A_108 : memref<128x128xf32, #tpu.memory_space<vmem>>)
      tpu.yield
    }) : () -> ()
    %add3A_74 = arith.constant 0 : i32
    %add3A_75 = arith.addi %mul3A_10, %add3A_74 : i32
    "tpu.region"() ({
      %run_scoped3A = tpu.sem_alloc : memref<!tpu.dma_semaphore, #tpu.memory_space<semaphore_mem>>
      %dma_start3A_92 = arith.constant 0 : i32
      %dma_start3A_93 = arith.constant 0 : i32
      %dma_start3A_94 = tpu.memref_slice %arg6[%dma_start3A_92, %dma_start3A_93] : memref<256x128xf32, #tpu.memory_space<vmem>> -> memref<128x128xf32, #tpu.memory_space<vmem>>
      %dma_start3A_95 = arith.constant 0 : i32
      %dma_start3A_96 = tpu.memref_slice %arg5[%arg0, %add3A_75, %dma_start3A_95] : memref<2x10112x128xf32, #tpu.memory_space<hbm>> -> memref<1x128x128xf32, #tpu.memory_space<hbm>>
      %dma_start3A_97 = tpu.memref_squeeze %dma_start3A_96 : memref<1x128x128xf32, #tpu.memory_space<hbm>> -> memref<128x128xf32, #tpu.memory_space<hbm>>
      %dma_start3A_98 = arith.constant 0 : i32
      %dma_start3A_99 = tpu.memref_slice %arg5[%arg0, %add3A_75, %dma_start3A_98] : memref<2x10112x128xf32, #tpu.memory_space<hbm>> -> memref<1x128x128xf32, #tpu.memory_space<hbm>>
      %dma_start3A_100 = tpu.memref_squeeze %dma_start3A_99 : memref<1x128x128xf32, #tpu.memory_space<hbm>> -> memref<128x128xf32, #tpu.memory_space<hbm>>
      %dma_start3A_101 = arith.constant 0 : i32
      %dma_start3A_102 = arith.constant 0 : i32
      %dma_start3A_103 = tpu.memref_slice %arg6[%dma_start3A_101, %dma_start3A_102] : memref<256x128xf32, #tpu.memory_space<vmem>> -> memref<128x128xf32, #tpu.memory_space<vmem>>
      tpu.enqueue_dma source(%dma_start3A_103 : memref<128x128xf32, #tpu.memory_space<vmem>>) target(%dma_start3A_100 : memref<128x128xf32, #tpu.memory_space<hbm>>) target_semaphore(%run_scoped3A : memref<!tpu.dma_semaphore, #tpu.memory_space<semaphore_mem>>)
      %dma_wait3A = arith.constant 0 : i32
      %dma_wait3A_104 = arith.constant 0 : i32
      %dma_wait3A_105 = tpu.memref_slice %arg6[%dma_wait3A, %dma_wait3A_104] : memref<256x128xf32, #tpu.memory_space<vmem>> -> memref<128x128xf32, #tpu.memory_space<vmem>>
      %dma_wait3A_106 = arith.constant 0 : i32
      %dma_wait3A_107 = tpu.memref_slice %arg5[%arg0, %add3A_75, %dma_wait3A_106] : memref<2x10112x128xf32, #tpu.memory_space<hbm>> -> memref<1x128x128xf32, #tpu.memory_space<hbm>>
      %dma_wait3A_108 = tpu.memref_squeeze %dma_wait3A_107 : memref<1x128x128xf32, #tpu.memory_space<hbm>> -> memref<128x128xf32, #tpu.memory_space<hbm>>
      %dma_wait3A_109 = arith.constant 0 : i32
      %dma_wait3A_110 = tpu.memref_slice %arg5[%arg0, %add3A_75, %dma_wait3A_109] : memref<2x10112x128xf32, #tpu.memory_space<hbm>> -> memref<1x128x128xf32, #tpu.memory_space<hbm>>
      %dma_wait3A_111 = tpu.memref_squeeze %dma_wait3A_110 : memref<1x128x128xf32, #tpu.memory_space<hbm>> -> memref<128x128xf32, #tpu.memory_space<hbm>>
      %dma_wait3A_112 = arith.constant 0 : i32
      %dma_wait3A_113 = arith.constant 0 : i32
      %dma_wait3A_114 = tpu.memref_slice %arg6[%dma_wait3A_112, %dma_wait3A_113] : memref<256x128xf32, #tpu.memory_space<vmem>> -> memref<128x128xf32, #tpu.memory_space<vmem>>
      tpu.wait_dma2 semaphore(%run_scoped3A : memref<!tpu.dma_semaphore, #tpu.memory_space<semaphore_mem>>) src(%dma_wait3A_114 : memref<128x128xf32, #tpu.memory_space<vmem>>) dst(%dma_wait3A_111 : memref<128x128xf32, #tpu.memory_space<hbm>>)
      tpu.yield
    }) : () -> ()
    %add3A_76 = arith.constant 128 : i32
    %add3A_77 = arith.addi %mul3A_10, %add3A_76 : i32
    "tpu.region"() ({
      %run_scoped3A = tpu.sem_alloc : memref<!tpu.dma_semaphore, #tpu.memory_space<semaphore_mem>>
      %dma_start3A_92 = arith.constant 0 : i32
      %dma_start3A_93 = arith.constant 0 : i32
      %dma_start3A_94 = tpu.memref_slice %arg6[%dma_start3A_92, %dma_start3A_93] : memref<256x128xf32, #tpu.memory_space<vmem>> -> memref<128x128xf32, #tpu.memory_space<vmem>>
      %dma_start3A_95 = arith.constant 0 : i32
      %dma_start3A_96 = tpu.memref_slice %arg9[%add3A_77, %dma_start3A_95] : memref<10112x128xf32, #tpu.memory_space<vmem_shared>> -> memref<128x128xf32, #tpu.memory_space<vmem_shared>>
      %dma_start3A_97 = arith.constant 0 : i32
      %dma_start3A_98 = arith.constant 0 : i32
      %dma_start3A_99 = tpu.memref_slice %arg6[%dma_start3A_97, %dma_start3A_98] : memref<256x128xf32, #tpu.memory_space<vmem>> -> memref<128x128xf32, #tpu.memory_space<vmem>>
      %dma_start3A_100 = arith.constant 0 : i32
      %dma_start3A_101 = tpu.memref_slice %arg9[%add3A_77, %dma_start3A_100] : memref<10112x128xf32, #tpu.memory_space<vmem_shared>> -> memref<128x128xf32, #tpu.memory_space<vmem_shared>>
      tpu.enqueue_dma source(%dma_start3A_101 : memref<128x128xf32, #tpu.memory_space<vmem_shared>>) target(%dma_start3A_99 : memref<128x128xf32, #tpu.memory_space<vmem>>) target_semaphore(%run_scoped3A : memref<!tpu.dma_semaphore, #tpu.memory_space<semaphore_mem>>)
      %dma_wait3A = arith.constant 0 : i32
      %dma_wait3A_102 = arith.constant 0 : i32
      %dma_wait3A_103 = tpu.memref_slice %arg6[%dma_wait3A, %dma_wait3A_102] : memref<256x128xf32, #tpu.memory_space<vmem>> -> memref<128x128xf32, #tpu.memory_space<vmem>>
      %dma_wait3A_104 = arith.constant 0 : i32
      %dma_wait3A_105 = tpu.memref_slice %arg9[%add3A_77, %dma_wait3A_104] : memref<10112x128xf32, #tpu.memory_space<vmem_shared>> -> memref<128x128xf32, #tpu.memory_space<vmem_shared>>
      %dma_wait3A_106 = arith.constant 0 : i32
      %dma_wait3A_107 = arith.constant 0 : i32
      %dma_wait3A_108 = tpu.memref_slice %arg6[%dma_wait3A_106, %dma_wait3A_107] : memref<256x128xf32, #tpu.memory_space<vmem>> -> memref<128x128xf32, #tpu.memory_space<vmem>>
      %dma_wait3A_109 = arith.constant 0 : i32
      %dma_wait3A_110 = tpu.memref_slice %arg9[%add3A_77, %dma_wait3A_109] : memref<10112x128xf32, #tpu.memory_space<vmem_shared>> -> memref<128x128xf32, #tpu.memory_space<vmem_shared>>
      tpu.wait_dma2 semaphore(%run_scoped3A : memref<!tpu.dma_semaphore, #tpu.memory_space<semaphore_mem>>) src(%dma_wait3A_110 : memref<128x128xf32, #tpu.memory_space<vmem_shared>>) dst(%dma_wait3A_108 : memref<128x128xf32, #tpu.memory_space<vmem>>)
      tpu.yield
    }) : () -> ()
    %add3A_78 = arith.constant 128 : i32
    %add3A_79 = arith.addi %mul3A_10, %add3A_78 : i32
    "tpu.region"() ({
      %run_scoped3A = tpu.sem_alloc : memref<!tpu.dma_semaphore, #tpu.memory_space<semaphore_mem>>
      %dma_start3A_92 = arith.constant 0 : i32
      %dma_start3A_93 = arith.constant 0 : i32
      %dma_start3A_94 = tpu.memref_slice %arg6[%dma_start3A_92, %dma_start3A_93] : memref<256x128xf32, #tpu.memory_space<vmem>> -> memref<128x128xf32, #tpu.memory_space<vmem>>
      %dma_start3A_95 = arith.constant 0 : i32
      %dma_start3A_96 = tpu.memref_slice %arg5[%arg0, %add3A_79, %dma_start3A_95] : memref<2x10112x128xf32, #tpu.memory_space<hbm>> -> memref<1x128x128xf32, #tpu.memory_space<hbm>>
      %dma_start3A_97 = tpu.memref_squeeze %dma_start3A_96 : memref<1x128x128xf32, #tpu.memory_space<hbm>> -> memref<128x128xf32, #tpu.memory_space<hbm>>
      %dma_start3A_98 = arith.constant 0 : i32
      %dma_start3A_99 = tpu.memref_slice %arg5[%arg0, %add3A_79, %dma_start3A_98] : memref<2x10112x128xf32, #tpu.memory_space<hbm>> -> memref<1x128x128xf32, #tpu.memory_space<hbm>>
      %dma_start3A_100 = tpu.memref_squeeze %dma_start3A_99 : memref<1x128x128xf32, #tpu.memory_space<hbm>> -> memref<128x128xf32, #tpu.memory_space<hbm>>
      %dma_start3A_101 = arith.constant 0 : i32
      %dma_start3A_102 = arith.constant 0 : i32
      %dma_start3A_103 = tpu.memref_slice %arg6[%dma_start3A_101, %dma_start3A_102] : memref<256x128xf32, #tpu.memory_space<vmem>> -> memref<128x128xf32, #tpu.memory_space<vmem>>
      tpu.enqueue_dma source(%dma_start3A_103 : memref<128x128xf32, #tpu.memory_space<vmem>>) target(%dma_start3A_100 : memref<128x128xf32, #tpu.memory_space<hbm>>) target_semaphore(%run_scoped3A : memref<!tpu.dma_semaphore, #tpu.memory_space<semaphore_mem>>)
      %dma_wait3A = arith.constant 0 : i32
      %dma_wait3A_104 = arith.constant 0 : i32
      %dma_wait3A_105 = tpu.memref_slice %arg6[%dma_wait3A, %dma_wait3A_104] : memref<256x128xf32, #tpu.memory_space<vmem>> -> memref<128x128xf32, #tpu.memory_space<vmem>>
      %dma_wait3A_106 = arith.constant 0 : i32
      %dma_wait3A_107 = tpu.memref_slice %arg5[%arg0, %add3A_79, %dma_wait3A_106] : memref<2x10112x128xf32, #tpu.memory_space<hbm>> -> memref<1x128x128xf32, #tpu.memory_space<hbm>>
      %dma_wait3A_108 = tpu.memref_squeeze %dma_wait3A_107 : memref<1x128x128xf32, #tpu.memory_space<hbm>> -> memref<128x128xf32, #tpu.memory_space<hbm>>
      %dma_wait3A_109 = arith.constant 0 : i32
      %dma_wait3A_110 = tpu.memref_slice %arg5[%arg0, %add3A_79, %dma_wait3A_109] : memref<2x10112x128xf32, #tpu.memory_space<hbm>> -> memref<1x128x128xf32, #tpu.memory_space<hbm>>
      %dma_wait3A_111 = tpu.memref_squeeze %dma_wait3A_110 : memref<1x128x128xf32, #tpu.memory_space<hbm>> -> memref<128x128xf32, #tpu.memory_space<hbm>>
      %dma_wait3A_112 = arith.constant 0 : i32
      %dma_wait3A_113 = arith.constant 0 : i32
      %dma_wait3A_114 = tpu.memref_slice %arg6[%dma_wait3A_112, %dma_wait3A_113] : memref<256x128xf32, #tpu.memory_space<vmem>> -> memref<128x128xf32, #tpu.memory_space<vmem>>
      tpu.wait_dma2 semaphore(%run_scoped3A : memref<!tpu.dma_semaphore, #tpu.memory_space<semaphore_mem>>) src(%dma_wait3A_114 : memref<128x128xf32, #tpu.memory_space<vmem>>) dst(%dma_wait3A_111 : memref<128x128xf32, #tpu.memory_space<hbm>>)
      tpu.yield
    }) : () -> ()
    %add3A_80 = arith.constant 256 : i32
    %add3A_81 = arith.addi %mul3A_10, %add3A_80 : i32
    "tpu.region"() ({
      %run_scoped3A = tpu.sem_alloc : memref<!tpu.dma_semaphore, #tpu.memory_space<semaphore_mem>>
      %dma_start3A_92 = arith.constant 0 : i32
      %dma_start3A_93 = arith.constant 0 : i32
      %dma_start3A_94 = tpu.memref_slice %arg6[%dma_start3A_92, %dma_start3A_93] : memref<256x128xf32, #tpu.memory_space<vmem>> -> memref<128x128xf32, #tpu.memory_space<vmem>>
      %dma_start3A_95 = arith.constant 0 : i32
      %dma_start3A_96 = tpu.memref_slice %arg9[%add3A_81, %dma_start3A_95] : memref<10112x128xf32, #tpu.memory_space<vmem_shared>> -> memref<128x128xf32, #tpu.memory_space<vmem_shared>>
      %dma_start3A_97 = arith.constant 0 : i32
      %dma_start3A_98 = arith.constant 0 : i32
      %dma_start3A_99 = tpu.memref_slice %arg6[%dma_start3A_97, %dma_start3A_98] : memref<256x128xf32, #tpu.memory_space<vmem>> -> memref<128x128xf32, #tpu.memory_space<vmem>>
      %dma_start3A_100 = arith.constant 0 : i32
      %dma_start3A_101 = tpu.memref_slice %arg9[%add3A_81, %dma_start3A_100] : memref<10112x128xf32, #tpu.memory_space<vmem_shared>> -> memref<128x128xf32, #tpu.memory_space<vmem_shared>>
      tpu.enqueue_dma source(%dma_start3A_101 : memref<128x128xf32, #tpu.memory_space<vmem_shared>>) target(%dma_start3A_99 : memref<128x128xf32, #tpu.memory_space<vmem>>) target_semaphore(%run_scoped3A : memref<!tpu.dma_semaphore, #tpu.memory_space<semaphore_mem>>)
      %dma_wait3A = arith.constant 0 : i32
      %dma_wait3A_102 = arith.constant 0 : i32
      %dma_wait3A_103 = tpu.memref_slice %arg6[%dma_wait3A, %dma_wait3A_102] : memref<256x128xf32, #tpu.memory_space<vmem>> -> memref<128x128xf32, #tpu.memory_space<vmem>>
      %dma_wait3A_104 = arith.constant 0 : i32
      %dma_wait3A_105 = tpu.memref_slice %arg9[%add3A_81, %dma_wait3A_104] : memref<10112x128xf32, #tpu.memory_space<vmem_shared>> -> memref<128x128xf32, #tpu.memory_space<vmem_shared>>
      %dma_wait3A_106 = arith.constant 0 : i32
      %dma_wait3A_107 = arith.constant 0 : i32
      %dma_wait3A_108 = tpu.memref_slice %arg6[%dma_wait3A_106, %dma_wait3A_107] : memref<256x128xf32, #tpu.memory_space<vmem>> -> memref<128x128xf32, #tpu.memory_space<vmem>>
      %dma_wait3A_109 = arith.constant 0 : i32
      %dma_wait3A_110 = tpu.memref_slice %arg9[%add3A_81, %dma_wait3A_109] : memref<10112x128xf32, #tpu.memory_space<vmem_shared>> -> memref<128x128xf32, #tpu.memory_space<vmem_shared>>
      tpu.wait_dma2 semaphore(%run_scoped3A : memref<!tpu.dma_semaphore, #tpu.memory_space<semaphore_mem>>) src(%dma_wait3A_110 : memref<128x128xf32, #tpu.memory_space<vmem_shared>>) dst(%dma_wait3A_108 : memref<128x128xf32, #tpu.memory_space<vmem>>)
      tpu.yield
    }) : () -> ()
    %add3A_82 = arith.constant 256 : i32
    %add3A_83 = arith.addi %mul3A_10, %add3A_82 : i32
    "tpu.region"() ({
      %run_scoped3A = tpu.sem_alloc : memref<!tpu.dma_semaphore, #tpu.memory_space<semaphore_mem>>
      %dma_start3A_92 = arith.constant 0 : i32
      %dma_start3A_93 = arith.constant 0 : i32
      %dma_start3A_94 = tpu.memref_slice %arg6[%dma_start3A_92, %dma_start3A_93] : memref<256x128xf32, #tpu.memory_space<vmem>> -> memref<128x128xf32, #tpu.memory_space<vmem>>
      %dma_start3A_95 = arith.constant 0 : i32
      %dma_start3A_96 = tpu.memref_slice %arg5[%arg0, %add3A_83, %dma_start3A_95] : memref<2x10112x128xf32, #tpu.memory_space<hbm>> -> memref<1x128x128xf32, #tpu.memory_space<hbm>>
      %dma_start3A_97 = tpu.memref_squeeze %dma_start3A_96 : memref<1x128x128xf32, #tpu.memory_space<hbm>> -> memref<128x128xf32, #tpu.memory_space<hbm>>
      %dma_start3A_98 = arith.constant 0 : i32
      %dma_start3A_99 = tpu.memref_slice %arg5[%arg0, %add3A_83, %dma_start3A_98] : memref<2x10112x128xf32, #tpu.memory_space<hbm>> -> memref<1x128x128xf32, #tpu.memory_space<hbm>>
      %dma_start3A_100 = tpu.memref_squeeze %dma_start3A_99 : memref<1x128x128xf32, #tpu.memory_space<hbm>> -> memref<128x128xf32, #tpu.memory_space<hbm>>
      %dma_start3A_101 = arith.constant 0 : i32
      %dma_start3A_102 = arith.constant 0 : i32
      %dma_start3A_103 = tpu.memref_slice %arg6[%dma_start3A_101, %dma_start3A_102] : memref<256x128xf32, #tpu.memory_space<vmem>> -> memref<128x128xf32, #tpu.memory_space<vmem>>
      tpu.enqueue_dma source(%dma_start3A_103 : memref<128x128xf32, #tpu.memory_space<vmem>>) target(%dma_start3A_100 : memref<128x128xf32, #tpu.memory_space<hbm>>) target_semaphore(%run_scoped3A : memref<!tpu.dma_semaphore, #tpu.memory_space<semaphore_mem>>)
      %dma_wait3A = arith.constant 0 : i32
      %dma_wait3A_104 = arith.constant 0 : i32
      %dma_wait3A_105 = tpu.memref_slice %arg6[%dma_wait3A, %dma_wait3A_104] : memref<256x128xf32, #tpu.memory_space<vmem>> -> memref<128x128xf32, #tpu.memory_space<vmem>>
      %dma_wait3A_106 = arith.constant 0 : i32
      %dma_wait3A_107 = tpu.memref_slice %arg5[%arg0, %add3A_83, %dma_wait3A_106] : memref<2x10112x128xf32, #tpu.memory_space<hbm>> -> memref<1x128x128xf32, #tpu.memory_space<hbm>>
      %dma_wait3A_108 = tpu.memref_squeeze %dma_wait3A_107 : memref<1x128x128xf32, #tpu.memory_space<hbm>> -> memref<128x128xf32, #tpu.memory_space<hbm>>
      %dma_wait3A_109 = arith.constant 0 : i32
      %dma_wait3A_110 = tpu.memref_slice %arg5[%arg0, %add3A_83, %dma_wait3A_109] : memref<2x10112x128xf32, #tpu.memory_space<hbm>> -> memref<1x128x128xf32, #tpu.memory_space<hbm>>
      %dma_wait3A_111 = tpu.memref_squeeze %dma_wait3A_110 : memref<1x128x128xf32, #tpu.memory_space<hbm>> -> memref<128x128xf32, #tpu.memory_space<hbm>>
      %dma_wait3A_112 = arith.constant 0 : i32
      %dma_wait3A_113 = arith.constant 0 : i32
      %dma_wait3A_114 = tpu.memref_slice %arg6[%dma_wait3A_112, %dma_wait3A_113] : memref<256x128xf32, #tpu.memory_space<vmem>> -> memref<128x128xf32, #tpu.memory_space<vmem>>
      tpu.wait_dma2 semaphore(%run_scoped3A : memref<!tpu.dma_semaphore, #tpu.memory_space<semaphore_mem>>) src(%dma_wait3A_114 : memref<128x128xf32, #tpu.memory_space<vmem>>) dst(%dma_wait3A_111 : memref<128x128xf32, #tpu.memory_space<hbm>>)
      tpu.yield
    }) : () -> ()
    %add3A_84 = arith.constant 384 : i32
    %add3A_85 = arith.addi %mul3A_10, %add3A_84 : i32
    "tpu.region"() ({
      %run_scoped3A = tpu.sem_alloc : memref<!tpu.dma_semaphore, #tpu.memory_space<semaphore_mem>>
      %dma_start3A_92 = arith.constant 0 : i32
      %dma_start3A_93 = arith.constant 0 : i32
      %dma_start3A_94 = tpu.memref_slice %arg6[%dma_start3A_92, %dma_start3A_93] : memref<256x128xf32, #tpu.memory_space<vmem>> -> memref<128x128xf32, #tpu.memory_space<vmem>>
      %dma_start3A_95 = arith.constant 0 : i32
      %dma_start3A_96 = tpu.memref_slice %arg9[%add3A_85, %dma_start3A_95] : memref<10112x128xf32, #tpu.memory_space<vmem_shared>> -> memref<128x128xf32, #tpu.memory_space<vmem_shared>>
      %dma_start3A_97 = arith.constant 0 : i32
      %dma_start3A_98 = arith.constant 0 : i32
      %dma_start3A_99 = tpu.memref_slice %arg6[%dma_start3A_97, %dma_start3A_98] : memref<256x128xf32, #tpu.memory_space<vmem>> -> memref<128x128xf32, #tpu.memory_space<vmem>>
      %dma_start3A_100 = arith.constant 0 : i32
      %dma_start3A_101 = tpu.memref_slice %arg9[%add3A_85, %dma_start3A_100] : memref<10112x128xf32, #tpu.memory_space<vmem_shared>> -> memref<128x128xf32, #tpu.memory_space<vmem_shared>>
      tpu.enqueue_dma source(%dma_start3A_101 : memref<128x128xf32, #tpu.memory_space<vmem_shared>>) target(%dma_start3A_99 : memref<128x128xf32, #tpu.memory_space<vmem>>) target_semaphore(%run_scoped3A : memref<!tpu.dma_semaphore, #tpu.memory_space<semaphore_mem>>)
      %dma_wait3A = arith.constant 0 : i32
      %dma_wait3A_102 = arith.constant 0 : i32
      %dma_wait3A_103 = tpu.memref_slice %arg6[%dma_wait3A, %dma_wait3A_102] : memref<256x128xf32, #tpu.memory_space<vmem>> -> memref<128x128xf32, #tpu.memory_space<vmem>>
      %dma_wait3A_104 = arith.constant 0 : i32
      %dma_wait3A_105 = tpu.memref_slice %arg9[%add3A_85, %dma_wait3A_104] : memref<10112x128xf32, #tpu.memory_space<vmem_shared>> -> memref<128x128xf32, #tpu.memory_space<vmem_shared>>
      %dma_wait3A_106 = arith.constant 0 : i32
      %dma_wait3A_107 = arith.constant 0 : i32
      %dma_wait3A_108 = tpu.memref_slice %arg6[%dma_wait3A_106, %dma_wait3A_107] : memref<256x128xf32, #tpu.memory_space<vmem>> -> memref<128x128xf32, #tpu.memory_space<vmem>>
      %dma_wait3A_109 = arith.constant 0 : i32
      %dma_wait3A_110 = tpu.memref_slice %arg9[%add3A_85, %dma_wait3A_109] : memref<10112x128xf32, #tpu.memory_space<vmem_shared>> -> memref<128x128xf32, #tpu.memory_space<vmem_shared>>
      tpu.wait_dma2 semaphore(%run_scoped3A : memref<!tpu.dma_semaphore, #tpu.memory_space<semaphore_mem>>) src(%dma_wait3A_110 : memref<128x128xf32, #tpu.memory_space<vmem_shared>>) dst(%dma_wait3A_108 : memref<128x128xf32, #tpu.memory_space<vmem>>)
      tpu.yield
    }) : () -> ()
    %add3A_86 = arith.constant 384 : i32
    %add3A_87 = arith.addi %mul3A_10, %add3A_86 : i32
    "tpu.region"() ({
      %run_scoped3A = tpu.sem_alloc : memref<!tpu.dma_semaphore, #tpu.memory_space<semaphore_mem>>
      %dma_start3A_92 = arith.constant 0 : i32
      %dma_start3A_93 = arith.constant 0 : i32
      %dma_start3A_94 = tpu.memref_slice %arg6[%dma_start3A_92, %dma_start3A_93] : memref<256x128xf32, #tpu.memory_space<vmem>> -> memref<128x128xf32, #tpu.memory_space<vmem>>
      %dma_start3A_95 = arith.constant 0 : i32
      %dma_start3A_96 = tpu.memref_slice %arg5[%arg0, %add3A_87, %dma_start3A_95] : memref<2x10112x128xf32, #tpu.memory_space<hbm>> -> memref<1x128x128xf32, #tpu.memory_space<hbm>>
      %dma_start3A_97 = tpu.memref_squeeze %dma_start3A_96 : memref<1x128x128xf32, #tpu.memory_space<hbm>> -> memref<128x128xf32, #tpu.memory_space<hbm>>
      %dma_start3A_98 = arith.constant 0 : i32
      %dma_start3A_99 = tpu.memref_slice %arg5[%arg0, %add3A_87, %dma_start3A_98] : memref<2x10112x128xf32, #tpu.memory_space<hbm>> -> memref<1x128x128xf32, #tpu.memory_space<hbm>>
      %dma_start3A_100 = tpu.memref_squeeze %dma_start3A_99 : memref<1x128x128xf32, #tpu.memory_space<hbm>> -> memref<128x128xf32, #tpu.memory_space<hbm>>
      %dma_start3A_101 = arith.constant 0 : i32
      %dma_start3A_102 = arith.constant 0 : i32
      %dma_start3A_103 = tpu.memref_slice %arg6[%dma_start3A_101, %dma_start3A_102] : memref<256x128xf32, #tpu.memory_space<vmem>> -> memref<128x128xf32, #tpu.memory_space<vmem>>
      tpu.enqueue_dma source(%dma_start3A_103 : memref<128x128xf32, #tpu.memory_space<vmem>>) target(%dma_start3A_100 : memref<128x128xf32, #tpu.memory_space<hbm>>) target_semaphore(%run_scoped3A : memref<!tpu.dma_semaphore, #tpu.memory_space<semaphore_mem>>)
      %dma_wait3A = arith.constant 0 : i32
      %dma_wait3A_104 = arith.constant 0 : i32
      %dma_wait3A_105 = tpu.memref_slice %arg6[%dma_wait3A, %dma_wait3A_104] : memref<256x128xf32, #tpu.memory_space<vmem>> -> memref<128x128xf32, #tpu.memory_space<vmem>>
      %dma_wait3A_106 = arith.constant 0 : i32
      %dma_wait3A_107 = tpu.memref_slice %arg5[%arg0, %add3A_87, %dma_wait3A_106] : memref<2x10112x128xf32, #tpu.memory_space<hbm>> -> memref<1x128x128xf32, #tpu.memory_space<hbm>>
      %dma_wait3A_108 = tpu.memref_squeeze %dma_wait3A_107 : memref<1x128x128xf32, #tpu.memory_space<hbm>> -> memref<128x128xf32, #tpu.memory_space<hbm>>
      %dma_wait3A_109 = arith.constant 0 : i32
      %dma_wait3A_110 = tpu.memref_slice %arg5[%arg0, %add3A_87, %dma_wait3A_109] : memref<2x10112x128xf32, #tpu.memory_space<hbm>> -> memref<1x128x128xf32, #tpu.memory_space<hbm>>
      %dma_wait3A_111 = tpu.memref_squeeze %dma_wait3A_110 : memref<1x128x128xf32, #tpu.memory_space<hbm>> -> memref<128x128xf32, #tpu.memory_space<hbm>>
      %dma_wait3A_112 = arith.constant 0 : i32
      %dma_wait3A_113 = arith.constant 0 : i32
      %dma_wait3A_114 = tpu.memref_slice %arg6[%dma_wait3A_112, %dma_wait3A_113] : memref<256x128xf32, #tpu.memory_space<vmem>> -> memref<128x128xf32, #tpu.memory_space<vmem>>
      tpu.wait_dma2 semaphore(%run_scoped3A : memref<!tpu.dma_semaphore, #tpu.memory_space<semaphore_mem>>) src(%dma_wait3A_114 : memref<128x128xf32, #tpu.memory_space<vmem>>) dst(%dma_wait3A_111 : memref<128x128xf32, #tpu.memory_space<hbm>>)
      tpu.yield
    }) : () -> ()
    %add3A_88 = arith.constant 512 : i32
    %add3A_89 = arith.addi %mul3A_10, %add3A_88 : i32
    "tpu.region"() ({
      %run_scoped3A = tpu.sem_alloc : memref<!tpu.dma_semaphore, #tpu.memory_space<semaphore_mem>>
      %dma_start3A_92 = arith.constant 0 : i32
      %dma_start3A_93 = arith.constant 0 : i32
      %dma_start3A_94 = tpu.memref_slice %arg6[%dma_start3A_92, %dma_start3A_93] : memref<256x128xf32, #tpu.memory_space<vmem>> -> memref<120x128xf32, #tpu.memory_space<vmem>>
      %dma_start3A_95 = arith.constant 0 : i32
      %dma_start3A_96 = tpu.memref_slice %arg9[%add3A_89, %dma_start3A_95] : memref<10112x128xf32, #tpu.memory_space<vmem_shared>> -> memref<120x128xf32, #tpu.memory_space<vmem_shared>>
      %dma_start3A_97 = arith.constant 0 : i32
      %dma_start3A_98 = arith.constant 0 : i32
      %dma_start3A_99 = tpu.memref_slice %arg6[%dma_start3A_97, %dma_start3A_98] : memref<256x128xf32, #tpu.memory_space<vmem>> -> memref<120x128xf32, #tpu.memory_space<vmem>>
      %dma_start3A_100 = arith.constant 0 : i32
      %dma_start3A_101 = tpu.memref_slice %arg9[%add3A_89, %dma_start3A_100] : memref<10112x128xf32, #tpu.memory_space<vmem_shared>> -> memref<120x128xf32, #tpu.memory_space<vmem_shared>>
      tpu.enqueue_dma source(%dma_start3A_101 : memref<120x128xf32, #tpu.memory_space<vmem_shared>>) target(%dma_start3A_99 : memref<120x128xf32, #tpu.memory_space<vmem>>) target_semaphore(%run_scoped3A : memref<!tpu.dma_semaphore, #tpu.memory_space<semaphore_mem>>)
      %dma_wait3A = arith.constant 0 : i32
      %dma_wait3A_102 = arith.constant 0 : i32
      %dma_wait3A_103 = tpu.memref_slice %arg6[%dma_wait3A, %dma_wait3A_102] : memref<256x128xf32, #tpu.memory_space<vmem>> -> memref<120x128xf32, #tpu.memory_space<vmem>>
      %dma_wait3A_104 = arith.constant 0 : i32
      %dma_wait3A_105 = tpu.memref_slice %arg9[%add3A_89, %dma_wait3A_104] : memref<10112x128xf32, #tpu.memory_space<vmem_shared>> -> memref<120x128xf32, #tpu.memory_space<vmem_shared>>
      %dma_wait3A_106 = arith.constant 0 : i32
      %dma_wait3A_107 = arith.constant 0 : i32
      %dma_wait3A_108 = tpu.memref_slice %arg6[%dma_wait3A_106, %dma_wait3A_107] : memref<256x128xf32, #tpu.memory_space<vmem>> -> memref<120x128xf32, #tpu.memory_space<vmem>>
      %dma_wait3A_109 = arith.constant 0 : i32
      %dma_wait3A_110 = tpu.memref_slice %arg9[%add3A_89, %dma_wait3A_109] : memref<10112x128xf32, #tpu.memory_space<vmem_shared>> -> memref<120x128xf32, #tpu.memory_space<vmem_shared>>
      tpu.wait_dma2 semaphore(%run_scoped3A : memref<!tpu.dma_semaphore, #tpu.memory_space<semaphore_mem>>) src(%dma_wait3A_110 : memref<120x128xf32, #tpu.memory_space<vmem_shared>>) dst(%dma_wait3A_108 : memref<120x128xf32, #tpu.memory_space<vmem>>)
      tpu.yield
    }) : () -> ()
    %add3A_90 = arith.constant 512 : i32
    %add3A_91 = arith.addi %mul3A_10, %add3A_90 : i32
    "tpu.region"() ({
      %run_scoped3A = tpu.sem_alloc : memref<!tpu.dma_semaphore, #tpu.memory_space<semaphore_mem>>
      %dma_start3A_92 = arith.constant 0 : i32
      %dma_start3A_93 = arith.constant 0 : i32
      %dma_start3A_94 = tpu.memref_slice %arg6[%dma_start3A_92, %dma_start3A_93] : memref<256x128xf32, #tpu.memory_space<vmem>> -> memref<120x128xf32, #tpu.memory_space<vmem>>
      %dma_start3A_95 = arith.constant 0 : i32
      %dma_start3A_96 = tpu.memref_slice %arg5[%arg0, %add3A_91, %dma_start3A_95] : memref<2x10112x128xf32, #tpu.memory_space<hbm>> -> memref<1x120x128xf32, #tpu.memory_space<hbm>>
      %dma_start3A_97 = tpu.memref_squeeze %dma_start3A_96 : memref<1x120x128xf32, #tpu.memory_space<hbm>> -> memref<120x128xf32, #tpu.memory_space<hbm>>
      %dma_start3A_98 = arith.constant 0 : i32
      %dma_start3A_99 = tpu.memref_slice %arg5[%arg0, %add3A_91, %dma_start3A_98] : memref<2x10112x128xf32, #tpu.memory_space<hbm>> -> memref<1x120x128xf32, #tpu.memory_space<hbm>>
      %dma_start3A_100 = tpu.memref_squeeze %dma_start3A_99 : memref<1x120x128xf32, #tpu.memory_space<hbm>> -> memref<120x128xf32, #tpu.memory_space<hbm>>
      %dma_start3A_101 = arith.constant 0 : i32
      %dma_start3A_102 = arith.constant 0 : i32
      %dma_start3A_103 = tpu.memref_slice %arg6[%dma_start3A_101, %dma_start3A_102] : memref<256x128xf32, #tpu.memory_space<vmem>> -> memref<120x128xf32, #tpu.memory_space<vmem>>
      tpu.enqueue_dma source(%dma_start3A_103 : memref<120x128xf32, #tpu.memory_space<vmem>>) target(%dma_start3A_100 : memref<120x128xf32, #tpu.memory_space<hbm>>) target_semaphore(%run_scoped3A : memref<!tpu.dma_semaphore, #tpu.memory_space<semaphore_mem>>)
      %dma_wait3A = arith.constant 0 : i32
      %dma_wait3A_104 = arith.constant 0 : i32
      %dma_wait3A_105 = tpu.memref_slice %arg6[%dma_wait3A, %dma_wait3A_104] : memref<256x128xf32, #tpu.memory_space<vmem>> -> memref<120x128xf32, #tpu.memory_space<vmem>>
      %dma_wait3A_106 = arith.constant 0 : i32
      %dma_wait3A_107 = tpu.memref_slice %arg5[%arg0, %add3A_91, %dma_wait3A_106] : memref<2x10112x128xf32, #tpu.memory_space<hbm>> -> memref<1x120x128xf32, #tpu.memory_space<hbm>>
      %dma_wait3A_108 = tpu.memref_squeeze %dma_wait3A_107 : memref<1x120x128xf32, #tpu.memory_space<hbm>> -> memref<120x128xf32, #tpu.memory_space<hbm>>
      %dma_wait3A_109 = arith.constant 0 : i32
      %dma_wait3A_110 = tpu.memref_slice %arg5[%arg0, %add3A_91, %dma_wait3A_109] : memref<2x10112x128xf32, #tpu.memory_space<hbm>> -> memref<1x120x128xf32, #tpu.memory_space<hbm>>
      %dma_wait3A_111 = tpu.memref_squeeze %dma_wait3A_110 : memref<1x120x128xf32, #tpu.memory_space<hbm>> -> memref<120x128xf32, #tpu.memory_space<hbm>>
      %dma_wait3A_112 = arith.constant 0 : i32
      %dma_wait3A_113 = arith.constant 0 : i32
      %dma_wait3A_114 = tpu.memref_slice %arg6[%dma_wait3A_112, %dma_wait3A_113] : memref<256x128xf32, #tpu.memory_space<vmem>> -> memref<120x128xf32, #tpu.memory_space<vmem>>
      tpu.wait_dma2 semaphore(%run_scoped3A : memref<!tpu.dma_semaphore, #tpu.memory_space<semaphore_mem>>) src(%dma_wait3A_114 : memref<120x128xf32, #tpu.memory_space<vmem>>) dst(%dma_wait3A_111 : memref<120x128xf32, #tpu.memory_space<hbm>>)
      tpu.yield
    }) : () -> ()
    return
  }
}

#map = affine_map<(d0, d1) -> (0, 0, 0)>
module attributes {stable_mosaic.version = 14 : i64} {
  func.func @_deg_body(%arg0: i32, %arg1: i32, %arg2: memref<16x160x128xi32, #tpu.memory_space<hbm>>, %arg3: memref<16x160x128xi32, #tpu.memory_space<hbm>>, %arg4: memref<2x10112x128xf32, #tpu.memory_space<hbm>>, %arg5: memref<160x128xi32, #tpu.memory_space<vmem>>, %arg6: memref<128x128xf32, #tpu.memory_space<vmem>>, %arg7: memref<10112x128xf32, #tpu.memory_space<vmem_shared>>, %arg8: memref<!tpu.dma_semaphore, #tpu.memory_space<semaphore_mem>>) attributes {dimension_semantics = [#tpu.dimension_semantics<core_parallel>, #tpu.dimension_semantics<subcore_parallel>], iteration_bounds = array<i64: 2, 16>, scalar_prefetch = 0 : i64, scratch_operands = 4 : i64, tpu.core_type = #tpu.core_type<sc_vector_subcore>, window_params = [{transform_indices = #map}, {transform_indices = #map}, {transform_indices = #map}]} {
    %scan3A = arith.constant 0 : i32
    %scan3A_0 = arith.constant 0 : i32
    %scan3A_1 = arith.constant 128 : i32
    %scan3A_2 = arith.addi %scan3A_0, %scan3A_1 : i32
    %scan3A_3 = arith.constant 1 : i32
    %scan3A_4 = scf.for %scan3A_65 = %scan3A_0 to %scan3A_2 step %scan3A_3 iter_args(%scan3A_66 = %scan3A) -> (i32)  : i32 {
      %broadcast_in_dim3A = arith.constant 0.000000e+00 : f32
      %broadcast_in_dim3A_67 = vector.broadcast %broadcast_in_dim3A : f32 to vector<16xf32>
      %swap3A = arith.index_cast %scan3A_65 : i32 to index
      %swap3A_68 = arith.constant 0 : index
      %swap3A_69 = tpu.vector_load %arg6[%swap3A, %swap3A_68] {strides = array<i32>} : memref<128x128xf32, #tpu.memory_space<vmem>>, vector<1x16xf32>,
      %swap3A_70 = vector.shape_cast %swap3A_69 : vector<1x16xf32> to vector<16xf32>
      %swap3A_71 = vector.shape_cast %broadcast_in_dim3A_67 : vector<16xf32> to vector<1x16xf32>
      tpu.vector_store %arg6[%swap3A, %swap3A_68], %swap3A_71 {strides = array<i32>} : memref<128x128xf32, #tpu.memory_space<vmem>>, vector<1x16xf32>,
      %broadcast_in_dim3A_72 = arith.constant 0.000000e+00 : f32
      %broadcast_in_dim3A_73 = vector.broadcast %broadcast_in_dim3A_72 : f32 to vector<16xf32>
      %swap3A_74 = arith.index_cast %scan3A_65 : i32 to index
      %swap3A_75 = arith.constant 16 : index
      %swap3A_76 = tpu.vector_load %arg6[%swap3A_74, %swap3A_75] {strides = array<i32>} : memref<128x128xf32, #tpu.memory_space<vmem>>, vector<1x16xf32>,
      %swap3A_77 = vector.shape_cast %swap3A_76 : vector<1x16xf32> to vector<16xf32>
      %swap3A_78 = vector.shape_cast %broadcast_in_dim3A_73 : vector<16xf32> to vector<1x16xf32>
      tpu.vector_store %arg6[%swap3A_74, %swap3A_75], %swap3A_78 {strides = array<i32>} : memref<128x128xf32, #tpu.memory_space<vmem>>, vector<1x16xf32>,
      %broadcast_in_dim3A_79 = arith.constant 0.000000e+00 : f32
      %broadcast_in_dim3A_80 = vector.broadcast %broadcast_in_dim3A_79 : f32 to vector<16xf32>
      %swap3A_81 = arith.index_cast %scan3A_65 : i32 to index
      %swap3A_82 = arith.constant 32 : index
      %swap3A_83 = tpu.vector_load %arg6[%swap3A_81, %swap3A_82] {strides = array<i32>} : memref<128x128xf32, #tpu.memory_space<vmem>>, vector<1x16xf32>,
      %swap3A_84 = vector.shape_cast %swap3A_83 : vector<1x16xf32> to vector<16xf32>
      %swap3A_85 = vector.shape_cast %broadcast_in_dim3A_80 : vector<16xf32> to vector<1x16xf32>
      tpu.vector_store %arg6[%swap3A_81, %swap3A_82], %swap3A_85 {strides = array<i32>} : memref<128x128xf32, #tpu.memory_space<vmem>>, vector<1x16xf32>,
      %broadcast_in_dim3A_86 = arith.constant 0.000000e+00 : f32
      %broadcast_in_dim3A_87 = vector.broadcast %broadcast_in_dim3A_86 : f32 to vector<16xf32>
      %swap3A_88 = arith.index_cast %scan3A_65 : i32 to index
      %swap3A_89 = arith.constant 48 : index
      %swap3A_90 = tpu.vector_load %arg6[%swap3A_88, %swap3A_89] {strides = array<i32>} : memref<128x128xf32, #tpu.memory_space<vmem>>, vector<1x16xf32>,
      %swap3A_91 = vector.shape_cast %swap3A_90 : vector<1x16xf32> to vector<16xf32>
      %swap3A_92 = vector.shape_cast %broadcast_in_dim3A_87 : vector<16xf32> to vector<1x16xf32>
      tpu.vector_store %arg6[%swap3A_88, %swap3A_89], %swap3A_92 {strides = array<i32>} : memref<128x128xf32, #tpu.memory_space<vmem>>, vector<1x16xf32>,
      %broadcast_in_dim3A_93 = arith.constant 0.000000e+00 : f32
      %broadcast_in_dim3A_94 = vector.broadcast %broadcast_in_dim3A_93 : f32 to vector<16xf32>
      %swap3A_95 = arith.index_cast %scan3A_65 : i32 to index
      %swap3A_96 = arith.constant 64 : index
      %swap3A_97 = tpu.vector_load %arg6[%swap3A_95, %swap3A_96] {strides = array<i32>} : memref<128x128xf32, #tpu.memory_space<vmem>>, vector<1x16xf32>,
      %swap3A_98 = vector.shape_cast %swap3A_97 : vector<1x16xf32> to vector<16xf32>
      %swap3A_99 = vector.shape_cast %broadcast_in_dim3A_94 : vector<16xf32> to vector<1x16xf32>
      tpu.vector_store %arg6[%swap3A_95, %swap3A_96], %swap3A_99 {strides = array<i32>} : memref<128x128xf32, #tpu.memory_space<vmem>>, vector<1x16xf32>,
      %broadcast_in_dim3A_100 = arith.constant 0.000000e+00 : f32
      %broadcast_in_dim3A_101 = vector.broadcast %broadcast_in_dim3A_100 : f32 to vector<16xf32>
      %swap3A_102 = arith.index_cast %scan3A_65 : i32 to index
      %swap3A_103 = arith.constant 80 : index
      %swap3A_104 = tpu.vector_load %arg6[%swap3A_102, %swap3A_103] {strides = array<i32>} : memref<128x128xf32, #tpu.memory_space<vmem>>, vector<1x16xf32>,
      %swap3A_105 = vector.shape_cast %swap3A_104 : vector<1x16xf32> to vector<16xf32>
      %swap3A_106 = vector.shape_cast %broadcast_in_dim3A_101 : vector<16xf32> to vector<1x16xf32>
      tpu.vector_store %arg6[%swap3A_102, %swap3A_103], %swap3A_106 {strides = array<i32>} : memref<128x128xf32, #tpu.memory_space<vmem>>, vector<1x16xf32>,
      %broadcast_in_dim3A_107 = arith.constant 0.000000e+00 : f32
      %broadcast_in_dim3A_108 = vector.broadcast %broadcast_in_dim3A_107 : f32 to vector<16xf32>
      %swap3A_109 = arith.index_cast %scan3A_65 : i32 to index
      %swap3A_110 = arith.constant 96 : index
      %swap3A_111 = tpu.vector_load %arg6[%swap3A_109, %swap3A_110] {strides = array<i32>} : memref<128x128xf32, #tpu.memory_space<vmem>>, vector<1x16xf32>,
      %swap3A_112 = vector.shape_cast %swap3A_111 : vector<1x16xf32> to vector<16xf32>
      %swap3A_113 = vector.shape_cast %broadcast_in_dim3A_108 : vector<16xf32> to vector<1x16xf32>
      tpu.vector_store %arg6[%swap3A_109, %swap3A_110], %swap3A_113 {strides = array<i32>} : memref<128x128xf32, #tpu.memory_space<vmem>>, vector<1x16xf32>,
      %broadcast_in_dim3A_114 = arith.constant 0.000000e+00 : f32
      %broadcast_in_dim3A_115 = vector.broadcast %broadcast_in_dim3A_114 : f32 to vector<16xf32>
      %swap3A_116 = arith.index_cast %scan3A_65 : i32 to index
      %swap3A_117 = arith.constant 112 : index
      %swap3A_118 = tpu.vector_load %arg6[%swap3A_116, %swap3A_117] {strides = array<i32>} : memref<128x128xf32, #tpu.memory_space<vmem>>, vector<1x16xf32>,
      %swap3A_119 = vector.shape_cast %swap3A_118 : vector<1x16xf32> to vector<16xf32>
      %swap3A_120 = vector.shape_cast %broadcast_in_dim3A_115 : vector<16xf32> to vector<1x16xf32>
      tpu.vector_store %arg6[%swap3A_116, %swap3A_117], %swap3A_120 {strides = array<i32>} : memref<128x128xf32, #tpu.memory_space<vmem>>, vector<1x16xf32>,
      %scan3A_121 = arith.constant 0 : i32
      scf.yield %scan3A_121 : i32
    }
    %scan3A_5 = arith.constant 128 : i32
    %mul3A = arith.constant 632 : i32
    %mul3A_6 = arith.muli %arg1, %mul3A : i32
    %add3A = arith.constant 0 : i32
    %add3A_7 = arith.addi %mul3A_6, %add3A : i32
    "tpu.region"() ({
      %run_scoped3A = tpu.sem_alloc : memref<!tpu.dma_semaphore, #tpu.memory_space<semaphore_mem>>
      %dma_start3A = arith.constant 0 : i32
      %dma_start3A_65 = arith.constant 0 : i32
      %dma_start3A_66 = tpu.memref_slice %arg6[%dma_start3A, %dma_start3A_65] : memref<128x128xf32, #tpu.memory_space<vmem>> -> memref<128x128xf32, #tpu.memory_space<vmem>>
      %dma_start3A_67 = arith.constant 0 : i32
      %dma_start3A_68 = tpu.memref_slice %arg7[%add3A_7, %dma_start3A_67] : memref<10112x128xf32, #tpu.memory_space<vmem_shared>> -> memref<128x128xf32, #tpu.memory_space<vmem_shared>>
      %dma_start3A_69 = arith.constant 0 : i32
      %dma_start3A_70 = tpu.memref_slice %arg7[%add3A_7, %dma_start3A_69] : memref<10112x128xf32, #tpu.memory_space<vmem_shared>> -> memref<128x128xf32, #tpu.memory_space<vmem_shared>>
      %dma_start3A_71 = arith.constant 0 : i32
      %dma_start3A_72 = arith.constant 0 : i32
      %dma_start3A_73 = tpu.memref_slice %arg6[%dma_start3A_71, %dma_start3A_72] : memref<128x128xf32, #tpu.memory_space<vmem>> -> memref<128x128xf32, #tpu.memory_space<vmem>>
      tpu.enqueue_dma source(%dma_start3A_73 : memref<128x128xf32, #tpu.memory_space<vmem>>) target(%dma_start3A_70 : memref<128x128xf32, #tpu.memory_space<vmem_shared>>) target_semaphore(%run_scoped3A : memref<!tpu.dma_semaphore, #tpu.memory_space<semaphore_mem>>)
      %dma_wait3A = arith.constant 0 : i32
      %dma_wait3A_74 = arith.constant 0 : i32
      %dma_wait3A_75 = tpu.memref_slice %arg6[%dma_wait3A, %dma_wait3A_74] : memref<128x128xf32, #tpu.memory_space<vmem>> -> memref<128x128xf32, #tpu.memory_space<vmem>>
      %dma_wait3A_76 = arith.constant 0 : i32
      %dma_wait3A_77 = tpu.memref_slice %arg7[%add3A_7, %dma_wait3A_76] : memref<10112x128xf32, #tpu.memory_space<vmem_shared>> -> memref<128x128xf32, #tpu.memory_space<vmem_shared>>
      %dma_wait3A_78 = arith.constant 0 : i32
      %dma_wait3A_79 = tpu.memref_slice %arg7[%add3A_7, %dma_wait3A_78] : memref<10112x128xf32, #tpu.memory_space<vmem_shared>> -> memref<128x128xf32, #tpu.memory_space<vmem_shared>>
      %dma_wait3A_80 = arith.constant 0 : i32
      %dma_wait3A_81 = arith.constant 0 : i32
      %dma_wait3A_82 = tpu.memref_slice %arg6[%dma_wait3A_80, %dma_wait3A_81] : memref<128x128xf32, #tpu.memory_space<vmem>> -> memref<128x128xf32, #tpu.memory_space<vmem>>
      tpu.wait_dma2 semaphore(%run_scoped3A : memref<!tpu.dma_semaphore, #tpu.memory_space<semaphore_mem>>) src(%dma_wait3A_82 : memref<128x128xf32, #tpu.memory_space<vmem>>) dst(%dma_wait3A_79 : memref<128x128xf32, #tpu.memory_space<vmem_shared>>)
      tpu.yield
    }) : () -> ()
    %add3A_8 = arith.constant 128 : i32
    %add3A_9 = arith.addi %mul3A_6, %add3A_8 : i32
    "tpu.region"() ({
      %run_scoped3A = tpu.sem_alloc : memref<!tpu.dma_semaphore, #tpu.memory_space<semaphore_mem>>
      %dma_start3A = arith.constant 0 : i32
      %dma_start3A_65 = arith.constant 0 : i32
      %dma_start3A_66 = tpu.memref_slice %arg6[%dma_start3A, %dma_start3A_65] : memref<128x128xf32, #tpu.memory_space<vmem>> -> memref<128x128xf32, #tpu.memory_space<vmem>>
      %dma_start3A_67 = arith.constant 0 : i32
      %dma_start3A_68 = tpu.memref_slice %arg7[%add3A_9, %dma_start3A_67] : memref<10112x128xf32, #tpu.memory_space<vmem_shared>> -> memref<128x128xf32, #tpu.memory_space<vmem_shared>>
      %dma_start3A_69 = arith.constant 0 : i32
      %dma_start3A_70 = tpu.memref_slice %arg7[%add3A_9, %dma_start3A_69] : memref<10112x128xf32, #tpu.memory_space<vmem_shared>> -> memref<128x128xf32, #tpu.memory_space<vmem_shared>>
      %dma_start3A_71 = arith.constant 0 : i32
      %dma_start3A_72 = arith.constant 0 : i32
      %dma_start3A_73 = tpu.memref_slice %arg6[%dma_start3A_71, %dma_start3A_72] : memref<128x128xf32, #tpu.memory_space<vmem>> -> memref<128x128xf32, #tpu.memory_space<vmem>>
      tpu.enqueue_dma source(%dma_start3A_73 : memref<128x128xf32, #tpu.memory_space<vmem>>) target(%dma_start3A_70 : memref<128x128xf32, #tpu.memory_space<vmem_shared>>) target_semaphore(%run_scoped3A : memref<!tpu.dma_semaphore, #tpu.memory_space<semaphore_mem>>)
      %dma_wait3A = arith.constant 0 : i32
      %dma_wait3A_74 = arith.constant 0 : i32
      %dma_wait3A_75 = tpu.memref_slice %arg6[%dma_wait3A, %dma_wait3A_74] : memref<128x128xf32, #tpu.memory_space<vmem>> -> memref<128x128xf32, #tpu.memory_space<vmem>>
      %dma_wait3A_76 = arith.constant 0 : i32
      %dma_wait3A_77 = tpu.memref_slice %arg7[%add3A_9, %dma_wait3A_76] : memref<10112x128xf32, #tpu.memory_space<vmem_shared>> -> memref<128x128xf32, #tpu.memory_space<vmem_shared>>
      %dma_wait3A_78 = arith.constant 0 : i32
      %dma_wait3A_79 = tpu.memref_slice %arg7[%add3A_9, %dma_wait3A_78] : memref<10112x128xf32, #tpu.memory_space<vmem_shared>> -> memref<128x128xf32, #tpu.memory_space<vmem_shared>>
      %dma_wait3A_80 = arith.constant 0 : i32
      %dma_wait3A_81 = arith.constant 0 : i32
      %dma_wait3A_82 = tpu.memref_slice %arg6[%dma_wait3A_80, %dma_wait3A_81] : memref<128x128xf32, #tpu.memory_space<vmem>> -> memref<128x128xf32, #tpu.memory_space<vmem>>
      tpu.wait_dma2 semaphore(%run_scoped3A : memref<!tpu.dma_semaphore, #tpu.memory_space<semaphore_mem>>) src(%dma_wait3A_82 : memref<128x128xf32, #tpu.memory_space<vmem>>) dst(%dma_wait3A_79 : memref<128x128xf32, #tpu.memory_space<vmem_shared>>)
      tpu.yield
    }) : () -> ()
    %add3A_10 = arith.constant 256 : i32
    %add3A_11 = arith.addi %mul3A_6, %add3A_10 : i32
    "tpu.region"() ({
      %run_scoped3A = tpu.sem_alloc : memref<!tpu.dma_semaphore, #tpu.memory_space<semaphore_mem>>
      %dma_start3A = arith.constant 0 : i32
      %dma_start3A_65 = arith.constant 0 : i32
      %dma_start3A_66 = tpu.memref_slice %arg6[%dma_start3A, %dma_start3A_65] : memref<128x128xf32, #tpu.memory_space<vmem>> -> memref<128x128xf32, #tpu.memory_space<vmem>>
      %dma_start3A_67 = arith.constant 0 : i32
      %dma_start3A_68 = tpu.memref_slice %arg7[%add3A_11, %dma_start3A_67] : memref<10112x128xf32, #tpu.memory_space<vmem_shared>> -> memref<128x128xf32, #tpu.memory_space<vmem_shared>>
      %dma_start3A_69 = arith.constant 0 : i32
      %dma_start3A_70 = tpu.memref_slice %arg7[%add3A_11, %dma_start3A_69] : memref<10112x128xf32, #tpu.memory_space<vmem_shared>> -> memref<128x128xf32, #tpu.memory_space<vmem_shared>>
      %dma_start3A_71 = arith.constant 0 : i32
      %dma_start3A_72 = arith.constant 0 : i32
      %dma_start3A_73 = tpu.memref_slice %arg6[%dma_start3A_71, %dma_start3A_72] : memref<128x128xf32, #tpu.memory_space<vmem>> -> memref<128x128xf32, #tpu.memory_space<vmem>>
      tpu.enqueue_dma source(%dma_start3A_73 : memref<128x128xf32, #tpu.memory_space<vmem>>) target(%dma_start3A_70 : memref<128x128xf32, #tpu.memory_space<vmem_shared>>) target_semaphore(%run_scoped3A : memref<!tpu.dma_semaphore, #tpu.memory_space<semaphore_mem>>)
      %dma_wait3A = arith.constant 0 : i32
      %dma_wait3A_74 = arith.constant 0 : i32
      %dma_wait3A_75 = tpu.memref_slice %arg6[%dma_wait3A, %dma_wait3A_74] : memref<128x128xf32, #tpu.memory_space<vmem>> -> memref<128x128xf32, #tpu.memory_space<vmem>>
      %dma_wait3A_76 = arith.constant 0 : i32
      %dma_wait3A_77 = tpu.memref_slice %arg7[%add3A_11, %dma_wait3A_76] : memref<10112x128xf32, #tpu.memory_space<vmem_shared>> -> memref<128x128xf32, #tpu.memory_space<vmem_shared>>
      %dma_wait3A_78 = arith.constant 0 : i32
      %dma_wait3A_79 = tpu.memref_slice %arg7[%add3A_11, %dma_wait3A_78] : memref<10112x128xf32, #tpu.memory_space<vmem_shared>> -> memref<128x128xf32, #tpu.memory_space<vmem_shared>>
      %dma_wait3A_80 = arith.constant 0 : i32
      %dma_wait3A_81 = arith.constant 0 : i32
      %dma_wait3A_82 = tpu.memref_slice %arg6[%dma_wait3A_80, %dma_wait3A_81] : memref<128x128xf32, #tpu.memory_space<vmem>> -> memref<128x128xf32, #tpu.memory_space<vmem>>
      tpu.wait_dma2 semaphore(%run_scoped3A : memref<!tpu.dma_semaphore, #tpu.memory_space<semaphore_mem>>) src(%dma_wait3A_82 : memref<128x128xf32, #tpu.memory_space<vmem>>) dst(%dma_wait3A_79 : memref<128x128xf32, #tpu.memory_space<vmem_shared>>)
      tpu.yield
    }) : () -> ()
    %add3A_12 = arith.constant 384 : i32
    %add3A_13 = arith.addi %mul3A_6, %add3A_12 : i32
    "tpu.region"() ({
      %run_scoped3A = tpu.sem_alloc : memref<!tpu.dma_semaphore, #tpu.memory_space<semaphore_mem>>
      %dma_start3A = arith.constant 0 : i32
      %dma_start3A_65 = arith.constant 0 : i32
      %dma_start3A_66 = tpu.memref_slice %arg6[%dma_start3A, %dma_start3A_65] : memref<128x128xf32, #tpu.memory_space<vmem>> -> memref<128x128xf32, #tpu.memory_space<vmem>>
      %dma_start3A_67 = arith.constant 0 : i32
      %dma_start3A_68 = tpu.memref_slice %arg7[%add3A_13, %dma_start3A_67] : memref<10112x128xf32, #tpu.memory_space<vmem_shared>> -> memref<128x128xf32, #tpu.memory_space<vmem_shared>>
      %dma_start3A_69 = arith.constant 0 : i32
      %dma_start3A_70 = tpu.memref_slice %arg7[%add3A_13, %dma_start3A_69] : memref<10112x128xf32, #tpu.memory_space<vmem_shared>> -> memref<128x128xf32, #tpu.memory_space<vmem_shared>>
      %dma_start3A_71 = arith.constant 0 : i32
      %dma_start3A_72 = arith.constant 0 : i32
      %dma_start3A_73 = tpu.memref_slice %arg6[%dma_start3A_71, %dma_start3A_72] : memref<128x128xf32, #tpu.memory_space<vmem>> -> memref<128x128xf32, #tpu.memory_space<vmem>>
      tpu.enqueue_dma source(%dma_start3A_73 : memref<128x128xf32, #tpu.memory_space<vmem>>) target(%dma_start3A_70 : memref<128x128xf32, #tpu.memory_space<vmem_shared>>) target_semaphore(%run_scoped3A : memref<!tpu.dma_semaphore, #tpu.memory_space<semaphore_mem>>)
      %dma_wait3A = arith.constant 0 : i32
      %dma_wait3A_74 = arith.constant 0 : i32
      %dma_wait3A_75 = tpu.memref_slice %arg6[%dma_wait3A, %dma_wait3A_74] : memref<128x128xf32, #tpu.memory_space<vmem>> -> memref<128x128xf32, #tpu.memory_space<vmem>>
      %dma_wait3A_76 = arith.constant 0 : i32
      %dma_wait3A_77 = tpu.memref_slice %arg7[%add3A_13, %dma_wait3A_76] : memref<10112x128xf32, #tpu.memory_space<vmem_shared>> -> memref<128x128xf32, #tpu.memory_space<vmem_shared>>
      %dma_wait3A_78 = arith.constant 0 : i32
      %dma_wait3A_79 = tpu.memref_slice %arg7[%add3A_13, %dma_wait3A_78] : memref<10112x128xf32, #tpu.memory_space<vmem_shared>> -> memref<128x128xf32, #tpu.memory_space<vmem_shared>>
      %dma_wait3A_80 = arith.constant 0 : i32
      %dma_wait3A_81 = arith.constant 0 : i32
      %dma_wait3A_82 = tpu.memref_slice %arg6[%dma_wait3A_80, %dma_wait3A_81] : memref<128x128xf32, #tpu.memory_space<vmem>> -> memref<128x128xf32, #tpu.memory_space<vmem>>
      tpu.wait_dma2 semaphore(%run_scoped3A : memref<!tpu.dma_semaphore, #tpu.memory_space<semaphore_mem>>) src(%dma_wait3A_82 : memref<128x128xf32, #tpu.memory_space<vmem>>) dst(%dma_wait3A_79 : memref<128x128xf32, #tpu.memory_space<vmem_shared>>)
      tpu.yield
    }) : () -> ()
    %add3A_14 = arith.constant 512 : i32
    %add3A_15 = arith.addi %mul3A_6, %add3A_14 : i32
    "tpu.region"() ({
      %run_scoped3A = tpu.sem_alloc : memref<!tpu.dma_semaphore, #tpu.memory_space<semaphore_mem>>
      %dma_start3A = arith.constant 0 : i32
      %dma_start3A_65 = arith.constant 0 : i32
      %dma_start3A_66 = tpu.memref_slice %arg6[%dma_start3A, %dma_start3A_65] : memref<128x128xf32, #tpu.memory_space<vmem>> -> memref<120x128xf32, #tpu.memory_space<vmem>>
      %dma_start3A_67 = arith.constant 0 : i32
      %dma_start3A_68 = tpu.memref_slice %arg7[%add3A_15, %dma_start3A_67] : memref<10112x128xf32, #tpu.memory_space<vmem_shared>> -> memref<120x128xf32, #tpu.memory_space<vmem_shared>>
      %dma_start3A_69 = arith.constant 0 : i32
      %dma_start3A_70 = tpu.memref_slice %arg7[%add3A_15, %dma_start3A_69] : memref<10112x128xf32, #tpu.memory_space<vmem_shared>> -> memref<120x128xf32, #tpu.memory_space<vmem_shared>>
      %dma_start3A_71 = arith.constant 0 : i32
      %dma_start3A_72 = arith.constant 0 : i32
      %dma_start3A_73 = tpu.memref_slice %arg6[%dma_start3A_71, %dma_start3A_72] : memref<128x128xf32, #tpu.memory_space<vmem>> -> memref<120x128xf32, #tpu.memory_space<vmem>>
      tpu.enqueue_dma source(%dma_start3A_73 : memref<120x128xf32, #tpu.memory_space<vmem>>) target(%dma_start3A_70 : memref<120x128xf32, #tpu.memory_space<vmem_shared>>) target_semaphore(%run_scoped3A : memref<!tpu.dma_semaphore, #tpu.memory_space<semaphore_mem>>)
      %dma_wait3A = arith.constant 0 : i32
      %dma_wait3A_74 = arith.constant 0 : i32
      %dma_wait3A_75 = tpu.memref_slice %arg6[%dma_wait3A, %dma_wait3A_74] : memref<128x128xf32, #tpu.memory_space<vmem>> -> memref<120x128xf32, #tpu.memory_space<vmem>>
      %dma_wait3A_76 = arith.constant 0 : i32
      %dma_wait3A_77 = tpu.memref_slice %arg7[%add3A_15, %dma_wait3A_76] : memref<10112x128xf32, #tpu.memory_space<vmem_shared>> -> memref<120x128xf32, #tpu.memory_space<vmem_shared>>
      %dma_wait3A_78 = arith.constant 0 : i32
      %dma_wait3A_79 = tpu.memref_slice %arg7[%add3A_15, %dma_wait3A_78] : memref<10112x128xf32, #tpu.memory_space<vmem_shared>> -> memref<120x128xf32, #tpu.memory_space<vmem_shared>>
      %dma_wait3A_80 = arith.constant 0 : i32
      %dma_wait3A_81 = arith.constant 0 : i32
      %dma_wait3A_82 = tpu.memref_slice %arg6[%dma_wait3A_80, %dma_wait3A_81] : memref<128x128xf32, #tpu.memory_space<vmem>> -> memref<120x128xf32, #tpu.memory_space<vmem>>
      tpu.wait_dma2 semaphore(%run_scoped3A : memref<!tpu.dma_semaphore, #tpu.memory_space<semaphore_mem>>) src(%dma_wait3A_82 : memref<120x128xf32, #tpu.memory_space<vmem>>) dst(%dma_wait3A_79 : memref<120x128xf32, #tpu.memory_space<vmem_shared>>)
      tpu.yield
    }) : () -> ()
    %scan3A_16 = arith.constant 0 : i32
    %scan3A_17 = arith.constant 0 : i32
    %scan3A_18 = arith.constant 128 : i32
    %scan3A_19 = arith.addi %scan3A_17, %scan3A_18 : i32
    %scan3A_20 = arith.constant 1 : i32
    %scan3A_21 = scf.for %scan3A_65 = %scan3A_17 to %scan3A_19 step %scan3A_20 iter_args(%scan3A_66 = %scan3A_16) -> (i32)  : i32 {
      %broadcast_in_dim3A = arith.constant 1.000000e+00 : f32
      %broadcast_in_dim3A_67 = vector.broadcast %broadcast_in_dim3A : f32 to vector<16xf32>
      %swap3A = arith.index_cast %scan3A_65 : i32 to index
      %swap3A_68 = arith.constant 0 : index
      %swap3A_69 = tpu.vector_load %arg6[%swap3A, %swap3A_68] {strides = array<i32>} : memref<128x128xf32, #tpu.memory_space<vmem>>, vector<1x16xf32>,
      %swap3A_70 = vector.shape_cast %swap3A_69 : vector<1x16xf32> to vector<16xf32>
      %swap3A_71 = vector.shape_cast %broadcast_in_dim3A_67 : vector<16xf32> to vector<1x16xf32>
      tpu.vector_store %arg6[%swap3A, %swap3A_68], %swap3A_71 {strides = array<i32>} : memref<128x128xf32, #tpu.memory_space<vmem>>, vector<1x16xf32>,
      %broadcast_in_dim3A_72 = arith.constant 1.000000e+00 : f32
      %broadcast_in_dim3A_73 = vector.broadcast %broadcast_in_dim3A_72 : f32 to vector<16xf32>
      %swap3A_74 = arith.index_cast %scan3A_65 : i32 to index
      %swap3A_75 = arith.constant 16 : index
      %swap3A_76 = tpu.vector_load %arg6[%swap3A_74, %swap3A_75] {strides = array<i32>} : memref<128x128xf32, #tpu.memory_space<vmem>>, vector<1x16xf32>,
      %swap3A_77 = vector.shape_cast %swap3A_76 : vector<1x16xf32> to vector<16xf32>
      %swap3A_78 = vector.shape_cast %broadcast_in_dim3A_73 : vector<16xf32> to vector<1x16xf32>
      tpu.vector_store %arg6[%swap3A_74, %swap3A_75], %swap3A_78 {strides = array<i32>} : memref<128x128xf32, #tpu.memory_space<vmem>>, vector<1x16xf32>,
      %broadcast_in_dim3A_79 = arith.constant 1.000000e+00 : f32
      %broadcast_in_dim3A_80 = vector.broadcast %broadcast_in_dim3A_79 : f32 to vector<16xf32>
      %swap3A_81 = arith.index_cast %scan3A_65 : i32 to index
      %swap3A_82 = arith.constant 32 : index
      %swap3A_83 = tpu.vector_load %arg6[%swap3A_81, %swap3A_82] {strides = array<i32>} : memref<128x128xf32, #tpu.memory_space<vmem>>, vector<1x16xf32>,
      %swap3A_84 = vector.shape_cast %swap3A_83 : vector<1x16xf32> to vector<16xf32>
      %swap3A_85 = vector.shape_cast %broadcast_in_dim3A_80 : vector<16xf32> to vector<1x16xf32>
      tpu.vector_store %arg6[%swap3A_81, %swap3A_82], %swap3A_85 {strides = array<i32>} : memref<128x128xf32, #tpu.memory_space<vmem>>, vector<1x16xf32>,
      %broadcast_in_dim3A_86 = arith.constant 1.000000e+00 : f32
      %broadcast_in_dim3A_87 = vector.broadcast %broadcast_in_dim3A_86 : f32 to vector<16xf32>
      %swap3A_88 = arith.index_cast %scan3A_65 : i32 to index
      %swap3A_89 = arith.constant 48 : index
      %swap3A_90 = tpu.vector_load %arg6[%swap3A_88, %swap3A_89] {strides = array<i32>} : memref<128x128xf32, #tpu.memory_space<vmem>>, vector<1x16xf32>,
      %swap3A_91 = vector.shape_cast %swap3A_90 : vector<1x16xf32> to vector<16xf32>
      %swap3A_92 = vector.shape_cast %broadcast_in_dim3A_87 : vector<16xf32> to vector<1x16xf32>
      tpu.vector_store %arg6[%swap3A_88, %swap3A_89], %swap3A_92 {strides = array<i32>} : memref<128x128xf32, #tpu.memory_space<vmem>>, vector<1x16xf32>,
      %broadcast_in_dim3A_93 = arith.constant 1.000000e+00 : f32
      %broadcast_in_dim3A_94 = vector.broadcast %broadcast_in_dim3A_93 : f32 to vector<16xf32>
      %swap3A_95 = arith.index_cast %scan3A_65 : i32 to index
      %swap3A_96 = arith.constant 64 : index
      %swap3A_97 = tpu.vector_load %arg6[%swap3A_95, %swap3A_96] {strides = array<i32>} : memref<128x128xf32, #tpu.memory_space<vmem>>, vector<1x16xf32>,
      %swap3A_98 = vector.shape_cast %swap3A_97 : vector<1x16xf32> to vector<16xf32>
      %swap3A_99 = vector.shape_cast %broadcast_in_dim3A_94 : vector<16xf32> to vector<1x16xf32>
      tpu.vector_store %arg6[%swap3A_95, %swap3A_96], %swap3A_99 {strides = array<i32>} : memref<128x128xf32, #tpu.memory_space<vmem>>, vector<1x16xf32>,
      %broadcast_in_dim3A_100 = arith.constant 1.000000e+00 : f32
      %broadcast_in_dim3A_101 = vector.broadcast %broadcast_in_dim3A_100 : f32 to vector<16xf32>
      %swap3A_102 = arith.index_cast %scan3A_65 : i32 to index
      %swap3A_103 = arith.constant 80 : index
      %swap3A_104 = tpu.vector_load %arg6[%swap3A_102, %swap3A_103] {strides = array<i32>} : memref<128x128xf32, #tpu.memory_space<vmem>>, vector<1x16xf32>,
      %swap3A_105 = vector.shape_cast %swap3A_104 : vector<1x16xf32> to vector<16xf32>
      %swap3A_106 = vector.shape_cast %broadcast_in_dim3A_101 : vector<16xf32> to vector<1x16xf32>
      tpu.vector_store %arg6[%swap3A_102, %swap3A_103], %swap3A_106 {strides = array<i32>} : memref<128x128xf32, #tpu.memory_space<vmem>>, vector<1x16xf32>,
      %broadcast_in_dim3A_107 = arith.constant 1.000000e+00 : f32
      %broadcast_in_dim3A_108 = vector.broadcast %broadcast_in_dim3A_107 : f32 to vector<16xf32>
      %swap3A_109 = arith.index_cast %scan3A_65 : i32 to index
      %swap3A_110 = arith.constant 96 : index
      %swap3A_111 = tpu.vector_load %arg6[%swap3A_109, %swap3A_110] {strides = array<i32>} : memref<128x128xf32, #tpu.memory_space<vmem>>, vector<1x16xf32>,
      %swap3A_112 = vector.shape_cast %swap3A_111 : vector<1x16xf32> to vector<16xf32>
      %swap3A_113 = vector.shape_cast %broadcast_in_dim3A_108 : vector<16xf32> to vector<1x16xf32>
      tpu.vector_store %arg6[%swap3A_109, %swap3A_110], %swap3A_113 {strides = array<i32>} : memref<128x128xf32, #tpu.memory_space<vmem>>, vector<1x16xf32>,
      %broadcast_in_dim3A_114 = arith.constant 1.000000e+00 : f32
      %broadcast_in_dim3A_115 = vector.broadcast %broadcast_in_dim3A_114 : f32 to vector<16xf32>
      %swap3A_116 = arith.index_cast %scan3A_65 : i32 to index
      %swap3A_117 = arith.constant 112 : index
      %swap3A_118 = tpu.vector_load %arg6[%swap3A_116, %swap3A_117] {strides = array<i32>} : memref<128x128xf32, #tpu.memory_space<vmem>>, vector<1x16xf32>,
      %swap3A_119 = vector.shape_cast %swap3A_118 : vector<1x16xf32> to vector<16xf32>
      %swap3A_120 = vector.shape_cast %broadcast_in_dim3A_115 : vector<16xf32> to vector<1x16xf32>
      tpu.vector_store %arg6[%swap3A_116, %swap3A_117], %swap3A_120 {strides = array<i32>} : memref<128x128xf32, #tpu.memory_space<vmem>>, vector<1x16xf32>,
      %scan3A_121 = arith.constant 0 : i32
      scf.yield %scan3A_121 : i32
    }
    %scan3A_22 = arith.constant 128 : i32
    %eq3A = arith.constant 0 : i32
    %eq3A_23 = arith.cmpi eq, %arg0, %eq3A : i32
    %convert_element_type3A = arith.extui %eq3A_23 : i1 to i32
    %cond3A = arith.constant 0 : i32
    %cond3A_24 = arith.cmpi ne, %convert_element_type3A, %cond3A : i32
    scf.if %cond3A_24 {
      "tpu.region"() ({
        %run_scoped3A = tpu.sem_alloc : memref<!tpu.dma_semaphore, #tpu.memory_space<semaphore_mem>>
        %dma_start3A = arith.constant 0 : i32
        %dma_start3A_65 = arith.constant 0 : i32
        %dma_start3A_66 = tpu.memref_slice %arg2[%arg1, %dma_start3A, %dma_start3A_65] : memref<16x160x128xi32, #tpu.memory_space<hbm>> -> memref<1x160x128xi32, #tpu.memory_space<hbm>>
        %dma_start3A_67 = tpu.memref_squeeze %dma_start3A_66 : memref<1x160x128xi32, #tpu.memory_space<hbm>> -> memref<160x128xi32, #tpu.memory_space<hbm>>
        %dma_start3A_68 = arith.constant 0 : i32
        %dma_start3A_69 = arith.constant 0 : i32
        %dma_start3A_70 = tpu.memref_slice %arg2[%arg1, %dma_start3A_68, %dma_start3A_69] : memref<16x160x128xi32, #tpu.memory_space<hbm>> -> memref<1x160x128xi32, #tpu.memory_space<hbm>>
        %dma_start3A_71 = tpu.memref_squeeze %dma_start3A_70 : memref<1x160x128xi32, #tpu.memory_space<hbm>> -> memref<160x128xi32, #tpu.memory_space<hbm>>
        tpu.enqueue_dma source(%dma_start3A_71 : memref<160x128xi32, #tpu.memory_space<hbm>>) target(%arg5 : memref<160x128xi32, #tpu.memory_space<vmem>>) target_semaphore(%run_scoped3A : memref<!tpu.dma_semaphore, #tpu.memory_space<semaphore_mem>>)
        %dma_wait3A = arith.constant 0 : i32
        %dma_wait3A_72 = arith.constant 0 : i32
        %dma_wait3A_73 = tpu.memref_slice %arg2[%arg1, %dma_wait3A, %dma_wait3A_72] : memref<16x160x128xi32, #tpu.memory_space<hbm>> -> memref<1x160x128xi32, #tpu.memory_space<hbm>>
        %dma_wait3A_74 = tpu.memref_squeeze %dma_wait3A_73 : memref<1x160x128xi32, #tpu.memory_space<hbm>> -> memref<160x128xi32, #tpu.memory_space<hbm>>
        %dma_wait3A_75 = arith.constant 0 : i32
        %dma_wait3A_76 = arith.constant 0 : i32
        %dma_wait3A_77 = tpu.memref_slice %arg2[%arg1, %dma_wait3A_75, %dma_wait3A_76] : memref<16x160x128xi32, #tpu.memory_space<hbm>> -> memref<1x160x128xi32, #tpu.memory_space<hbm>>
        %dma_wait3A_78 = tpu.memref_squeeze %dma_wait3A_77 : memref<1x160x128xi32, #tpu.memory_space<hbm>> -> memref<160x128xi32, #tpu.memory_space<hbm>>
        tpu.wait_dma2 semaphore(%run_scoped3A : memref<!tpu.dma_semaphore, #tpu.memory_space<semaphore_mem>>) src(%dma_wait3A_78 : memref<160x128xi32, #tpu.memory_space<hbm>>) dst(%arg5 : memref<160x128xi32, #tpu.memory_space<vmem>>)
        tpu.yield
      }) : () -> ()
    } else {
    }
    %eq3A_25 = arith.constant 1 : i32
    %eq3A_26 = arith.cmpi eq, %arg0, %eq3A_25 : i32
    %convert_element_type3A_27 = arith.extui %eq3A_26 : i1 to i32
    %cond3A_28 = arith.constant 0 : i32
    %cond3A_29 = arith.cmpi ne, %convert_element_type3A_27, %cond3A_28 : i32
    scf.if %cond3A_29 {
      "tpu.region"() ({
        %run_scoped3A = tpu.sem_alloc : memref<!tpu.dma_semaphore, #tpu.memory_space<semaphore_mem>>
        %dma_start3A = arith.constant 0 : i32
        %dma_start3A_65 = arith.constant 0 : i32
        %dma_start3A_66 = tpu.memref_slice %arg3[%arg1, %dma_start3A, %dma_start3A_65] : memref<16x160x128xi32, #tpu.memory_space<hbm>> -> memref<1x160x128xi32, #tpu.memory_space<hbm>>
        %dma_start3A_67 = tpu.memref_squeeze %dma_start3A_66 : memref<1x160x128xi32, #tpu.memory_space<hbm>> -> memref<160x128xi32, #tpu.memory_space<hbm>>
        %dma_start3A_68 = arith.constant 0 : i32
        %dma_start3A_69 = arith.constant 0 : i32
        %dma_start3A_70 = tpu.memref_slice %arg3[%arg1, %dma_start3A_68, %dma_start3A_69] : memref<16x160x128xi32, #tpu.memory_space<hbm>> -> memref<1x160x128xi32, #tpu.memory_space<hbm>>
        %dma_start3A_71 = tpu.memref_squeeze %dma_start3A_70 : memref<1x160x128xi32, #tpu.memory_space<hbm>> -> memref<160x128xi32, #tpu.memory_space<hbm>>
        tpu.enqueue_dma source(%dma_start3A_71 : memref<160x128xi32, #tpu.memory_space<hbm>>) target(%arg5 : memref<160x128xi32, #tpu.memory_space<vmem>>) target_semaphore(%run_scoped3A : memref<!tpu.dma_semaphore, #tpu.memory_space<semaphore_mem>>)
        %dma_wait3A = arith.constant 0 : i32
        %dma_wait3A_72 = arith.constant 0 : i32
        %dma_wait3A_73 = tpu.memref_slice %arg3[%arg1, %dma_wait3A, %dma_wait3A_72] : memref<16x160x128xi32, #tpu.memory_space<hbm>> -> memref<1x160x128xi32, #tpu.memory_space<hbm>>
        %dma_wait3A_74 = tpu.memref_squeeze %dma_wait3A_73 : memref<1x160x128xi32, #tpu.memory_space<hbm>> -> memref<160x128xi32, #tpu.memory_space<hbm>>
        %dma_wait3A_75 = arith.constant 0 : i32
        %dma_wait3A_76 = arith.constant 0 : i32
        %dma_wait3A_77 = tpu.memref_slice %arg3[%arg1, %dma_wait3A_75, %dma_wait3A_76] : memref<16x160x128xi32, #tpu.memory_space<hbm>> -> memref<1x160x128xi32, #tpu.memory_space<hbm>>
        %dma_wait3A_78 = tpu.memref_squeeze %dma_wait3A_77 : memref<1x160x128xi32, #tpu.memory_space<hbm>> -> memref<160x128xi32, #tpu.memory_space<hbm>>
        tpu.wait_dma2 semaphore(%run_scoped3A : memref<!tpu.dma_semaphore, #tpu.memory_space<semaphore_mem>>) src(%dma_wait3A_78 : memref<160x128xi32, #tpu.memory_space<hbm>>) dst(%arg5 : memref<160x128xi32, #tpu.memory_space<vmem>>)
        tpu.yield
      }) : () -> ()
    } else {
    }
    %barrier3A = arith.constant 0 : index
    tpu.barrier barrier_id(%barrier3A)
    %scan3A_30 = arith.constant 0 : i32
    %scan3A_31 = arith.constant 0 : i32
    %scan3A_32 = arith.constant 160 : i32
    %scan3A_33 = arith.addi %scan3A_31, %scan3A_32 : i32
    %scan3A_34 = arith.constant 1 : i32
    %scan3A_35 = scf.for %scan3A_65 = %scan3A_31 to %scan3A_33 step %scan3A_34 iter_args(%scan3A_66 = %scan3A_30) -> (i32)  : i32 {
      %dma_start3A = arith.constant 0 : i32
      %dma_start3A_67 = tpu.memref_slice %arg5[%scan3A_65, %dma_start3A] : memref<160x128xi32, #tpu.memory_space<vmem>> -> memref<1x128xi32, #tpu.memory_space<vmem>>
      %dma_start3A_68 = tpu.memref_squeeze %dma_start3A_67 : memref<1x128xi32, #tpu.memory_space<vmem>> -> memref<128xi32, #tpu.memory_space<vmem>>
      %dma_start3A_69 = arith.constant 0 : i32
      %dma_start3A_70 = arith.constant 0 : i32
      %dma_start3A_71 = tpu.memref_slice %arg7[%dma_start3A_69, %dma_start3A_70] : memref<10112x128xf32, #tpu.memory_space<vmem_shared>> -> memref<10112x128xf32, #tpu.memory_space<vmem_shared>>
      tpu.enqueue_indirect_dma source(%arg6 : memref<128x128xf32, #tpu.memory_space<vmem>>) target(%dma_start3A_71 : memref<10112x128xf32, #tpu.memory_space<vmem_shared>>) offsets(%dma_start3A_68 : memref<128xi32, #tpu.memory_space<vmem>>) semaphore(%arg8 : memref<!tpu.dma_semaphore, #tpu.memory_space<semaphore_mem>>) {add = true}
      %ge3A = arith.constant 8 : i32
      %ge3A_72 = arith.cmpi sge, %scan3A_65, %ge3A : i32
      %convert_element_type3A_73 = arith.extui %ge3A_72 : i1 to i32
      %cond3A_74 = arith.constant 0 : i32
      %cond3A_75 = arith.cmpi ne, %convert_element_type3A_73, %cond3A_74 : i32
      scf.if %cond3A_75 {
        %dma_wait3A = arith.constant 0 : i32
        %dma_wait3A_77 = arith.constant 0 : i32
        %dma_wait3A_78 = tpu.memref_slice %arg5[%dma_wait3A, %dma_wait3A_77] : memref<160x128xi32, #tpu.memory_space<vmem>> -> memref<1x128xi32, #tpu.memory_space<vmem>>
        %dma_wait3A_79 = tpu.memref_squeeze %dma_wait3A_78 : memref<1x128xi32, #tpu.memory_space<vmem>> -> memref<128xi32, #tpu.memory_space<vmem>>
        %dma_wait3A_80 = arith.constant 0 : i32
        %dma_wait3A_81 = arith.constant 0 : i32
        %dma_wait3A_82 = tpu.memref_slice %arg7[%dma_wait3A_80, %dma_wait3A_81] : memref<10112x128xf32, #tpu.memory_space<vmem_shared>> -> memref<10112x128xf32, #tpu.memory_space<vmem_shared>>
        tpu.wait_indirect_dma semaphore(%arg8 : memref<!tpu.dma_semaphore, #tpu.memory_space<semaphore_mem>>) src(%arg6 : memref<128x128xf32, #tpu.memory_space<vmem>>) dst(%dma_wait3A_82 : memref<10112x128xf32, #tpu.memory_space<vmem_shared>>)
      } else {
      }
      %scan3A_76 = arith.constant 0 : i32
      scf.yield %scan3A_76 : i32
    }
    %scan3A_36 = arith.constant 160 : i32
    %scan3A_37 = arith.constant 0 : i32
    %scan3A_38 = arith.constant 0 : i32
    %scan3A_39 = arith.constant 8 : i32
    %scan3A_40 = arith.addi %scan3A_38, %scan3A_39 : i32
    %scan3A_41 = arith.constant 1 : i32
    %scan3A_42 = scf.for %scan3A_65 = %scan3A_38 to %scan3A_40 step %scan3A_41 iter_args(%scan3A_66 = %scan3A_37) -> (i32)  : i32 {
      %dma_wait3A = arith.constant 0 : i32
      %dma_wait3A_67 = arith.constant 0 : i32
      %dma_wait3A_68 = tpu.memref_slice %arg5[%dma_wait3A, %dma_wait3A_67] : memref<160x128xi32, #tpu.memory_space<vmem>> -> memref<1x128xi32, #tpu.memory_space<vmem>>
      %dma_wait3A_69 = tpu.memref_squeeze %dma_wait3A_68 : memref<1x128xi32, #tpu.memory_space<vmem>> -> memref<128xi32, #tpu.memory_space<vmem>>
      %dma_wait3A_70 = arith.constant 0 : i32
      %dma_wait3A_71 = arith.constant 0 : i32
      %dma_wait3A_72 = tpu.memref_slice %arg7[%dma_wait3A_70, %dma_wait3A_71] : memref<10112x128xf32, #tpu.memory_space<vmem_shared>> -> memref<10112x128xf32, #tpu.memory_space<vmem_shared>>
      tpu.wait_indirect_dma semaphore(%arg8 : memref<!tpu.dma_semaphore, #tpu.memory_space<semaphore_mem>>) src(%arg6 : memref<128x128xf32, #tpu.memory_space<vmem>>) dst(%dma_wait3A_72 : memref<10112x128xf32, #tpu.memory_space<vmem_shared>>)
      %scan3A_73 = arith.constant 0 : i32
      scf.yield %scan3A_73 : i32
    }
    %scan3A_43 = arith.constant 8 : i32
    %barrier3A_44 = arith.constant 0 : index
    tpu.barrier barrier_id(%barrier3A_44)
    %add3A_45 = arith.constant 0 : i32
    %add3A_46 = arith.addi %mul3A_6, %add3A_45 : i32
    "tpu.region"() ({
      %run_scoped3A = tpu.sem_alloc : memref<!tpu.dma_semaphore, #tpu.memory_space<semaphore_mem>>
      %dma_start3A = arith.constant 0 : i32
      %dma_start3A_65 = arith.constant 0 : i32
      %dma_start3A_66 = tpu.memref_slice %arg6[%dma_start3A, %dma_start3A_65] : memref<128x128xf32, #tpu.memory_space<vmem>> -> memref<128x128xf32, #tpu.memory_space<vmem>>
      %dma_start3A_67 = arith.constant 0 : i32
      %dma_start3A_68 = tpu.memref_slice %arg7[%add3A_46, %dma_start3A_67] : memref<10112x128xf32, #tpu.memory_space<vmem_shared>> -> memref<128x128xf32, #tpu.memory_space<vmem_shared>>
      %dma_start3A_69 = arith.constant 0 : i32
      %dma_start3A_70 = arith.constant 0 : i32
      %dma_start3A_71 = tpu.memref_slice %arg6[%dma_start3A_69, %dma_start3A_70] : memref<128x128xf32, #tpu.memory_space<vmem>> -> memref<128x128xf32, #tpu.memory_space<vmem>>
      %dma_start3A_72 = arith.constant 0 : i32
      %dma_start3A_73 = tpu.memref_slice %arg7[%add3A_46, %dma_start3A_72] : memref<10112x128xf32, #tpu.memory_space<vmem_shared>> -> memref<128x128xf32, #tpu.memory_space<vmem_shared>>
      tpu.enqueue_dma source(%dma_start3A_73 : memref<128x128xf32, #tpu.memory_space<vmem_shared>>) target(%dma_start3A_71 : memref<128x128xf32, #tpu.memory_space<vmem>>) target_semaphore(%run_scoped3A : memref<!tpu.dma_semaphore, #tpu.memory_space<semaphore_mem>>)
      %dma_wait3A = arith.constant 0 : i32
      %dma_wait3A_74 = arith.constant 0 : i32
      %dma_wait3A_75 = tpu.memref_slice %arg6[%dma_wait3A, %dma_wait3A_74] : memref<128x128xf32, #tpu.memory_space<vmem>> -> memref<128x128xf32, #tpu.memory_space<vmem>>
      %dma_wait3A_76 = arith.constant 0 : i32
      %dma_wait3A_77 = tpu.memref_slice %arg7[%add3A_46, %dma_wait3A_76] : memref<10112x128xf32, #tpu.memory_space<vmem_shared>> -> memref<128x128xf32, #tpu.memory_space<vmem_shared>>
      %dma_wait3A_78 = arith.constant 0 : i32
      %dma_wait3A_79 = arith.constant 0 : i32
      %dma_wait3A_80 = tpu.memref_slice %arg6[%dma_wait3A_78, %dma_wait3A_79] : memref<128x128xf32, #tpu.memory_space<vmem>> -> memref<128x128xf32, #tpu.memory_space<vmem>>
      %dma_wait3A_81 = arith.constant 0 : i32
      %dma_wait3A_82 = tpu.memref_slice %arg7[%add3A_46, %dma_wait3A_81] : memref<10112x128xf32, #tpu.memory_space<vmem_shared>> -> memref<128x128xf32, #tpu.memory_space<vmem_shared>>
      tpu.wait_dma2 semaphore(%run_scoped3A : memref<!tpu.dma_semaphore, #tpu.memory_space<semaphore_mem>>) src(%dma_wait3A_82 : memref<128x128xf32, #tpu.memory_space<vmem_shared>>) dst(%dma_wait3A_80 : memref<128x128xf32, #tpu.memory_space<vmem>>)
      tpu.yield
    }) : () -> ()
    %add3A_47 = arith.constant 0 : i32
    %add3A_48 = arith.addi %mul3A_6, %add3A_47 : i32
    "tpu.region"() ({
      %run_scoped3A = tpu.sem_alloc : memref<!tpu.dma_semaphore, #tpu.memory_space<semaphore_mem>>
      %dma_start3A = arith.constant 0 : i32
      %dma_start3A_65 = arith.constant 0 : i32
      %dma_start3A_66 = tpu.memref_slice %arg6[%dma_start3A, %dma_start3A_65] : memref<128x128xf32, #tpu.memory_space<vmem>> -> memref<128x128xf32, #tpu.memory_space<vmem>>
      %dma_start3A_67 = arith.constant 0 : i32
      %dma_start3A_68 = tpu.memref_slice %arg4[%arg0, %add3A_48, %dma_start3A_67] : memref<2x10112x128xf32, #tpu.memory_space<hbm>> -> memref<1x128x128xf32, #tpu.memory_space<hbm>>
      %dma_start3A_69 = tpu.memref_squeeze %dma_start3A_68 : memref<1x128x128xf32, #tpu.memory_space<hbm>> -> memref<128x128xf32, #tpu.memory_space<hbm>>
      %dma_start3A_70 = arith.constant 0 : i32
      %dma_start3A_71 = tpu.memref_slice %arg4[%arg0, %add3A_48, %dma_start3A_70] : memref<2x10112x128xf32, #tpu.memory_space<hbm>> -> memref<1x128x128xf32, #tpu.memory_space<hbm>>
      %dma_start3A_72 = tpu.memref_squeeze %dma_start3A_71 : memref<1x128x128xf32, #tpu.memory_space<hbm>> -> memref<128x128xf32, #tpu.memory_space<hbm>>
      %dma_start3A_73 = arith.constant 0 : i32
      %dma_start3A_74 = arith.constant 0 : i32
      %dma_start3A_75 = tpu.memref_slice %arg6[%dma_start3A_73, %dma_start3A_74] : memref<128x128xf32, #tpu.memory_space<vmem>> -> memref<128x128xf32, #tpu.memory_space<vmem>>
      tpu.enqueue_dma source(%dma_start3A_75 : memref<128x128xf32, #tpu.memory_space<vmem>>) target(%dma_start3A_72 : memref<128x128xf32, #tpu.memory_space<hbm>>) target_semaphore(%run_scoped3A : memref<!tpu.dma_semaphore, #tpu.memory_space<semaphore_mem>>)
      %dma_wait3A = arith.constant 0 : i32
      %dma_wait3A_76 = arith.constant 0 : i32
      %dma_wait3A_77 = tpu.memref_slice %arg6[%dma_wait3A, %dma_wait3A_76] : memref<128x128xf32, #tpu.memory_space<vmem>> -> memref<128x128xf32, #tpu.memory_space<vmem>>
      %dma_wait3A_78 = arith.constant 0 : i32
      %dma_wait3A_79 = tpu.memref_slice %arg4[%arg0, %add3A_48, %dma_wait3A_78] : memref<2x10112x128xf32, #tpu.memory_space<hbm>> -> memref<1x128x128xf32, #tpu.memory_space<hbm>>
      %dma_wait3A_80 = tpu.memref_squeeze %dma_wait3A_79 : memref<1x128x128xf32, #tpu.memory_space<hbm>> -> memref<128x128xf32, #tpu.memory_space<hbm>>
      %dma_wait3A_81 = arith.constant 0 : i32
      %dma_wait3A_82 = tpu.memref_slice %arg4[%arg0, %add3A_48, %dma_wait3A_81] : memref<2x10112x128xf32, #tpu.memory_space<hbm>> -> memref<1x128x128xf32, #tpu.memory_space<hbm>>
      %dma_wait3A_83 = tpu.memref_squeeze %dma_wait3A_82 : memref<1x128x128xf32, #tpu.memory_space<hbm>> -> memref<128x128xf32, #tpu.memory_space<hbm>>
      %dma_wait3A_84 = arith.constant 0 : i32
      %dma_wait3A_85 = arith.constant 0 : i32
      %dma_wait3A_86 = tpu.memref_slice %arg6[%dma_wait3A_84, %dma_wait3A_85] : memref<128x128xf32, #tpu.memory_space<vmem>> -> memref<128x128xf32, #tpu.memory_space<vmem>>
      tpu.wait_dma2 semaphore(%run_scoped3A : memref<!tpu.dma_semaphore, #tpu.memory_space<semaphore_mem>>) src(%dma_wait3A_86 : memref<128x128xf32, #tpu.memory_space<vmem>>) dst(%dma_wait3A_83 : memref<128x128xf32, #tpu.memory_space<hbm>>)
      tpu.yield
    }) : () -> ()
    %add3A_49 = arith.constant 128 : i32
    %add3A_50 = arith.addi %mul3A_6, %add3A_49 : i32
    "tpu.region"() ({
      %run_scoped3A = tpu.sem_alloc : memref<!tpu.dma_semaphore, #tpu.memory_space<semaphore_mem>>
      %dma_start3A = arith.constant 0 : i32
      %dma_start3A_65 = arith.constant 0 : i32
      %dma_start3A_66 = tpu.memref_slice %arg6[%dma_start3A, %dma_start3A_65] : memref<128x128xf32, #tpu.memory_space<vmem>> -> memref<128x128xf32, #tpu.memory_space<vmem>>
      %dma_start3A_67 = arith.constant 0 : i32
      %dma_start3A_68 = tpu.memref_slice %arg7[%add3A_50, %dma_start3A_67] : memref<10112x128xf32, #tpu.memory_space<vmem_shared>> -> memref<128x128xf32, #tpu.memory_space<vmem_shared>>
      %dma_start3A_69 = arith.constant 0 : i32
      %dma_start3A_70 = arith.constant 0 : i32
      %dma_start3A_71 = tpu.memref_slice %arg6[%dma_start3A_69, %dma_start3A_70] : memref<128x128xf32, #tpu.memory_space<vmem>> -> memref<128x128xf32, #tpu.memory_space<vmem>>
      %dma_start3A_72 = arith.constant 0 : i32
      %dma_start3A_73 = tpu.memref_slice %arg7[%add3A_50, %dma_start3A_72] : memref<10112x128xf32, #tpu.memory_space<vmem_shared>> -> memref<128x128xf32, #tpu.memory_space<vmem_shared>>
      tpu.enqueue_dma source(%dma_start3A_73 : memref<128x128xf32, #tpu.memory_space<vmem_shared>>) target(%dma_start3A_71 : memref<128x128xf32, #tpu.memory_space<vmem>>) target_semaphore(%run_scoped3A : memref<!tpu.dma_semaphore, #tpu.memory_space<semaphore_mem>>)
      %dma_wait3A = arith.constant 0 : i32
      %dma_wait3A_74 = arith.constant 0 : i32
      %dma_wait3A_75 = tpu.memref_slice %arg6[%dma_wait3A, %dma_wait3A_74] : memref<128x128xf32, #tpu.memory_space<vmem>> -> memref<128x128xf32, #tpu.memory_space<vmem>>
      %dma_wait3A_76 = arith.constant 0 : i32
      %dma_wait3A_77 = tpu.memref_slice %arg7[%add3A_50, %dma_wait3A_76] : memref<10112x128xf32, #tpu.memory_space<vmem_shared>> -> memref<128x128xf32, #tpu.memory_space<vmem_shared>>
      %dma_wait3A_78 = arith.constant 0 : i32
      %dma_wait3A_79 = arith.constant 0 : i32
      %dma_wait3A_80 = tpu.memref_slice %arg6[%dma_wait3A_78, %dma_wait3A_79] : memref<128x128xf32, #tpu.memory_space<vmem>> -> memref<128x128xf32, #tpu.memory_space<vmem>>
      %dma_wait3A_81 = arith.constant 0 : i32
      %dma_wait3A_82 = tpu.memref_slice %arg7[%add3A_50, %dma_wait3A_81] : memref<10112x128xf32, #tpu.memory_space<vmem_shared>> -> memref<128x128xf32, #tpu.memory_space<vmem_shared>>
      tpu.wait_dma2 semaphore(%run_scoped3A : memref<!tpu.dma_semaphore, #tpu.memory_space<semaphore_mem>>) src(%dma_wait3A_82 : memref<128x128xf32, #tpu.memory_space<vmem_shared>>) dst(%dma_wait3A_80 : memref<128x128xf32, #tpu.memory_space<vmem>>)
      tpu.yield
    }) : () -> ()
    %add3A_51 = arith.constant 128 : i32
    %add3A_52 = arith.addi %mul3A_6, %add3A_51 : i32
    "tpu.region"() ({
      %run_scoped3A = tpu.sem_alloc : memref<!tpu.dma_semaphore, #tpu.memory_space<semaphore_mem>>
      %dma_start3A = arith.constant 0 : i32
      %dma_start3A_65 = arith.constant 0 : i32
      %dma_start3A_66 = tpu.memref_slice %arg6[%dma_start3A, %dma_start3A_65] : memref<128x128xf32, #tpu.memory_space<vmem>> -> memref<128x128xf32, #tpu.memory_space<vmem>>
      %dma_start3A_67 = arith.constant 0 : i32
      %dma_start3A_68 = tpu.memref_slice %arg4[%arg0, %add3A_52, %dma_start3A_67] : memref<2x10112x128xf32, #tpu.memory_space<hbm>> -> memref<1x128x128xf32, #tpu.memory_space<hbm>>
      %dma_start3A_69 = tpu.memref_squeeze %dma_start3A_68 : memref<1x128x128xf32, #tpu.memory_space<hbm>> -> memref<128x128xf32, #tpu.memory_space<hbm>>
      %dma_start3A_70 = arith.constant 0 : i32
      %dma_start3A_71 = tpu.memref_slice %arg4[%arg0, %add3A_52, %dma_start3A_70] : memref<2x10112x128xf32, #tpu.memory_space<hbm>> -> memref<1x128x128xf32, #tpu.memory_space<hbm>>
      %dma_start3A_72 = tpu.memref_squeeze %dma_start3A_71 : memref<1x128x128xf32, #tpu.memory_space<hbm>> -> memref<128x128xf32, #tpu.memory_space<hbm>>
      %dma_start3A_73 = arith.constant 0 : i32
      %dma_start3A_74 = arith.constant 0 : i32
      %dma_start3A_75 = tpu.memref_slice %arg6[%dma_start3A_73, %dma_start3A_74] : memref<128x128xf32, #tpu.memory_space<vmem>> -> memref<128x128xf32, #tpu.memory_space<vmem>>
      tpu.enqueue_dma source(%dma_start3A_75 : memref<128x128xf32, #tpu.memory_space<vmem>>) target(%dma_start3A_72 : memref<128x128xf32, #tpu.memory_space<hbm>>) target_semaphore(%run_scoped3A : memref<!tpu.dma_semaphore, #tpu.memory_space<semaphore_mem>>)
      %dma_wait3A = arith.constant 0 : i32
      %dma_wait3A_76 = arith.constant 0 : i32
      %dma_wait3A_77 = tpu.memref_slice %arg6[%dma_wait3A, %dma_wait3A_76] : memref<128x128xf32, #tpu.memory_space<vmem>> -> memref<128x128xf32, #tpu.memory_space<vmem>>
      %dma_wait3A_78 = arith.constant 0 : i32
      %dma_wait3A_79 = tpu.memref_slice %arg4[%arg0, %add3A_52, %dma_wait3A_78] : memref<2x10112x128xf32, #tpu.memory_space<hbm>> -> memref<1x128x128xf32, #tpu.memory_space<hbm>>
      %dma_wait3A_80 = tpu.memref_squeeze %dma_wait3A_79 : memref<1x128x128xf32, #tpu.memory_space<hbm>> -> memref<128x128xf32, #tpu.memory_space<hbm>>
      %dma_wait3A_81 = arith.constant 0 : i32
      %dma_wait3A_82 = tpu.memref_slice %arg4[%arg0, %add3A_52, %dma_wait3A_81] : memref<2x10112x128xf32, #tpu.memory_space<hbm>> -> memref<1x128x128xf32, #tpu.memory_space<hbm>>
      %dma_wait3A_83 = tpu.memref_squeeze %dma_wait3A_82 : memref<1x128x128xf32, #tpu.memory_space<hbm>> -> memref<128x128xf32, #tpu.memory_space<hbm>>
      %dma_wait3A_84 = arith.constant 0 : i32
      %dma_wait3A_85 = arith.constant 0 : i32
      %dma_wait3A_86 = tpu.memref_slice %arg6[%dma_wait3A_84, %dma_wait3A_85] : memref<128x128xf32, #tpu.memory_space<vmem>> -> memref<128x128xf32, #tpu.memory_space<vmem>>
      tpu.wait_dma2 semaphore(%run_scoped3A : memref<!tpu.dma_semaphore, #tpu.memory_space<semaphore_mem>>) src(%dma_wait3A_86 : memref<128x128xf32, #tpu.memory_space<vmem>>) dst(%dma_wait3A_83 : memref<128x128xf32, #tpu.memory_space<hbm>>)
      tpu.yield
    }) : () -> ()
    %add3A_53 = arith.constant 256 : i32
    %add3A_54 = arith.addi %mul3A_6, %add3A_53 : i32
    "tpu.region"() ({
      %run_scoped3A = tpu.sem_alloc : memref<!tpu.dma_semaphore, #tpu.memory_space<semaphore_mem>>
      %dma_start3A = arith.constant 0 : i32
      %dma_start3A_65 = arith.constant 0 : i32
      %dma_start3A_66 = tpu.memref_slice %arg6[%dma_start3A, %dma_start3A_65] : memref<128x128xf32, #tpu.memory_space<vmem>> -> memref<128x128xf32, #tpu.memory_space<vmem>>
      %dma_start3A_67 = arith.constant 0 : i32
      %dma_start3A_68 = tpu.memref_slice %arg7[%add3A_54, %dma_start3A_67] : memref<10112x128xf32, #tpu.memory_space<vmem_shared>> -> memref<128x128xf32, #tpu.memory_space<vmem_shared>>
      %dma_start3A_69 = arith.constant 0 : i32
      %dma_start3A_70 = arith.constant 0 : i32
      %dma_start3A_71 = tpu.memref_slice %arg6[%dma_start3A_69, %dma_start3A_70] : memref<128x128xf32, #tpu.memory_space<vmem>> -> memref<128x128xf32, #tpu.memory_space<vmem>>
      %dma_start3A_72 = arith.constant 0 : i32
      %dma_start3A_73 = tpu.memref_slice %arg7[%add3A_54, %dma_start3A_72] : memref<10112x128xf32, #tpu.memory_space<vmem_shared>> -> memref<128x128xf32, #tpu.memory_space<vmem_shared>>
      tpu.enqueue_dma source(%dma_start3A_73 : memref<128x128xf32, #tpu.memory_space<vmem_shared>>) target(%dma_start3A_71 : memref<128x128xf32, #tpu.memory_space<vmem>>) target_semaphore(%run_scoped3A : memref<!tpu.dma_semaphore, #tpu.memory_space<semaphore_mem>>)
      %dma_wait3A = arith.constant 0 : i32
      %dma_wait3A_74 = arith.constant 0 : i32
      %dma_wait3A_75 = tpu.memref_slice %arg6[%dma_wait3A, %dma_wait3A_74] : memref<128x128xf32, #tpu.memory_space<vmem>> -> memref<128x128xf32, #tpu.memory_space<vmem>>
      %dma_wait3A_76 = arith.constant 0 : i32
      %dma_wait3A_77 = tpu.memref_slice %arg7[%add3A_54, %dma_wait3A_76] : memref<10112x128xf32, #tpu.memory_space<vmem_shared>> -> memref<128x128xf32, #tpu.memory_space<vmem_shared>>
      %dma_wait3A_78 = arith.constant 0 : i32
      %dma_wait3A_79 = arith.constant 0 : i32
      %dma_wait3A_80 = tpu.memref_slice %arg6[%dma_wait3A_78, %dma_wait3A_79] : memref<128x128xf32, #tpu.memory_space<vmem>> -> memref<128x128xf32, #tpu.memory_space<vmem>>
      %dma_wait3A_81 = arith.constant 0 : i32
      %dma_wait3A_82 = tpu.memref_slice %arg7[%add3A_54, %dma_wait3A_81] : memref<10112x128xf32, #tpu.memory_space<vmem_shared>> -> memref<128x128xf32, #tpu.memory_space<vmem_shared>>
      tpu.wait_dma2 semaphore(%run_scoped3A : memref<!tpu.dma_semaphore, #tpu.memory_space<semaphore_mem>>) src(%dma_wait3A_82 : memref<128x128xf32, #tpu.memory_space<vmem_shared>>) dst(%dma_wait3A_80 : memref<128x128xf32, #tpu.memory_space<vmem>>)
      tpu.yield
    }) : () -> ()
    %add3A_55 = arith.constant 256 : i32
    %add3A_56 = arith.addi %mul3A_6, %add3A_55 : i32
    "tpu.region"() ({
      %run_scoped3A = tpu.sem_alloc : memref<!tpu.dma_semaphore, #tpu.memory_space<semaphore_mem>>
      %dma_start3A = arith.constant 0 : i32
      %dma_start3A_65 = arith.constant 0 : i32
      %dma_start3A_66 = tpu.memref_slice %arg6[%dma_start3A, %dma_start3A_65] : memref<128x128xf32, #tpu.memory_space<vmem>> -> memref<128x128xf32, #tpu.memory_space<vmem>>
      %dma_start3A_67 = arith.constant 0 : i32
      %dma_start3A_68 = tpu.memref_slice %arg4[%arg0, %add3A_56, %dma_start3A_67] : memref<2x10112x128xf32, #tpu.memory_space<hbm>> -> memref<1x128x128xf32, #tpu.memory_space<hbm>>
      %dma_start3A_69 = tpu.memref_squeeze %dma_start3A_68 : memref<1x128x128xf32, #tpu.memory_space<hbm>> -> memref<128x128xf32, #tpu.memory_space<hbm>>
      %dma_start3A_70 = arith.constant 0 : i32
      %dma_start3A_71 = tpu.memref_slice %arg4[%arg0, %add3A_56, %dma_start3A_70] : memref<2x10112x128xf32, #tpu.memory_space<hbm>> -> memref<1x128x128xf32, #tpu.memory_space<hbm>>
      %dma_start3A_72 = tpu.memref_squeeze %dma_start3A_71 : memref<1x128x128xf32, #tpu.memory_space<hbm>> -> memref<128x128xf32, #tpu.memory_space<hbm>>
      %dma_start3A_73 = arith.constant 0 : i32
      %dma_start3A_74 = arith.constant 0 : i32
      %dma_start3A_75 = tpu.memref_slice %arg6[%dma_start3A_73, %dma_start3A_74] : memref<128x128xf32, #tpu.memory_space<vmem>> -> memref<128x128xf32, #tpu.memory_space<vmem>>
      tpu.enqueue_dma source(%dma_start3A_75 : memref<128x128xf32, #tpu.memory_space<vmem>>) target(%dma_start3A_72 : memref<128x128xf32, #tpu.memory_space<hbm>>) target_semaphore(%run_scoped3A : memref<!tpu.dma_semaphore, #tpu.memory_space<semaphore_mem>>)
      %dma_wait3A = arith.constant 0 : i32
      %dma_wait3A_76 = arith.constant 0 : i32
      %dma_wait3A_77 = tpu.memref_slice %arg6[%dma_wait3A, %dma_wait3A_76] : memref<128x128xf32, #tpu.memory_space<vmem>> -> memref<128x128xf32, #tpu.memory_space<vmem>>
      %dma_wait3A_78 = arith.constant 0 : i32
      %dma_wait3A_79 = tpu.memref_slice %arg4[%arg0, %add3A_56, %dma_wait3A_78] : memref<2x10112x128xf32, #tpu.memory_space<hbm>> -> memref<1x128x128xf32, #tpu.memory_space<hbm>>
      %dma_wait3A_80 = tpu.memref_squeeze %dma_wait3A_79 : memref<1x128x128xf32, #tpu.memory_space<hbm>> -> memref<128x128xf32, #tpu.memory_space<hbm>>
      %dma_wait3A_81 = arith.constant 0 : i32
      %dma_wait3A_82 = tpu.memref_slice %arg4[%arg0, %add3A_56, %dma_wait3A_81] : memref<2x10112x128xf32, #tpu.memory_space<hbm>> -> memref<1x128x128xf32, #tpu.memory_space<hbm>>
      %dma_wait3A_83 = tpu.memref_squeeze %dma_wait3A_82 : memref<1x128x128xf32, #tpu.memory_space<hbm>> -> memref<128x128xf32, #tpu.memory_space<hbm>>
      %dma_wait3A_84 = arith.constant 0 : i32
      %dma_wait3A_85 = arith.constant 0 : i32
      %dma_wait3A_86 = tpu.memref_slice %arg6[%dma_wait3A_84, %dma_wait3A_85] : memref<128x128xf32, #tpu.memory_space<vmem>> -> memref<128x128xf32, #tpu.memory_space<vmem>>
      tpu.wait_dma2 semaphore(%run_scoped3A : memref<!tpu.dma_semaphore, #tpu.memory_space<semaphore_mem>>) src(%dma_wait3A_86 : memref<128x128xf32, #tpu.memory_space<vmem>>) dst(%dma_wait3A_83 : memref<128x128xf32, #tpu.memory_space<hbm>>)
      tpu.yield
    }) : () -> ()
    %add3A_57 = arith.constant 384 : i32
    %add3A_58 = arith.addi %mul3A_6, %add3A_57 : i32
    "tpu.region"() ({
      %run_scoped3A = tpu.sem_alloc : memref<!tpu.dma_semaphore, #tpu.memory_space<semaphore_mem>>
      %dma_start3A = arith.constant 0 : i32
      %dma_start3A_65 = arith.constant 0 : i32
      %dma_start3A_66 = tpu.memref_slice %arg6[%dma_start3A, %dma_start3A_65] : memref<128x128xf32, #tpu.memory_space<vmem>> -> memref<128x128xf32, #tpu.memory_space<vmem>>
      %dma_start3A_67 = arith.constant 0 : i32
      %dma_start3A_68 = tpu.memref_slice %arg7[%add3A_58, %dma_start3A_67] : memref<10112x128xf32, #tpu.memory_space<vmem_shared>> -> memref<128x128xf32, #tpu.memory_space<vmem_shared>>
      %dma_start3A_69 = arith.constant 0 : i32
      %dma_start3A_70 = arith.constant 0 : i32
      %dma_start3A_71 = tpu.memref_slice %arg6[%dma_start3A_69, %dma_start3A_70] : memref<128x128xf32, #tpu.memory_space<vmem>> -> memref<128x128xf32, #tpu.memory_space<vmem>>
      %dma_start3A_72 = arith.constant 0 : i32
      %dma_start3A_73 = tpu.memref_slice %arg7[%add3A_58, %dma_start3A_72] : memref<10112x128xf32, #tpu.memory_space<vmem_shared>> -> memref<128x128xf32, #tpu.memory_space<vmem_shared>>
      tpu.enqueue_dma source(%dma_start3A_73 : memref<128x128xf32, #tpu.memory_space<vmem_shared>>) target(%dma_start3A_71 : memref<128x128xf32, #tpu.memory_space<vmem>>) target_semaphore(%run_scoped3A : memref<!tpu.dma_semaphore, #tpu.memory_space<semaphore_mem>>)
      %dma_wait3A = arith.constant 0 : i32
      %dma_wait3A_74 = arith.constant 0 : i32
      %dma_wait3A_75 = tpu.memref_slice %arg6[%dma_wait3A, %dma_wait3A_74] : memref<128x128xf32, #tpu.memory_space<vmem>> -> memref<128x128xf32, #tpu.memory_space<vmem>>
      %dma_wait3A_76 = arith.constant 0 : i32
      %dma_wait3A_77 = tpu.memref_slice %arg7[%add3A_58, %dma_wait3A_76] : memref<10112x128xf32, #tpu.memory_space<vmem_shared>> -> memref<128x128xf32, #tpu.memory_space<vmem_shared>>
      %dma_wait3A_78 = arith.constant 0 : i32
      %dma_wait3A_79 = arith.constant 0 : i32
      %dma_wait3A_80 = tpu.memref_slice %arg6[%dma_wait3A_78, %dma_wait3A_79] : memref<128x128xf32, #tpu.memory_space<vmem>> -> memref<128x128xf32, #tpu.memory_space<vmem>>
      %dma_wait3A_81 = arith.constant 0 : i32
      %dma_wait3A_82 = tpu.memref_slice %arg7[%add3A_58, %dma_wait3A_81] : memref<10112x128xf32, #tpu.memory_space<vmem_shared>> -> memref<128x128xf32, #tpu.memory_space<vmem_shared>>
      tpu.wait_dma2 semaphore(%run_scoped3A : memref<!tpu.dma_semaphore, #tpu.memory_space<semaphore_mem>>) src(%dma_wait3A_82 : memref<128x128xf32, #tpu.memory_space<vmem_shared>>) dst(%dma_wait3A_80 : memref<128x128xf32, #tpu.memory_space<vmem>>)
      tpu.yield
    }) : () -> ()
    %add3A_59 = arith.constant 384 : i32
    %add3A_60 = arith.addi %mul3A_6, %add3A_59 : i32
    "tpu.region"() ({
      %run_scoped3A = tpu.sem_alloc : memref<!tpu.dma_semaphore, #tpu.memory_space<semaphore_mem>>
      %dma_start3A = arith.constant 0 : i32
      %dma_start3A_65 = arith.constant 0 : i32
      %dma_start3A_66 = tpu.memref_slice %arg6[%dma_start3A, %dma_start3A_65] : memref<128x128xf32, #tpu.memory_space<vmem>> -> memref<128x128xf32, #tpu.memory_space<vmem>>
      %dma_start3A_67 = arith.constant 0 : i32
      %dma_start3A_68 = tpu.memref_slice %arg4[%arg0, %add3A_60, %dma_start3A_67] : memref<2x10112x128xf32, #tpu.memory_space<hbm>> -> memref<1x128x128xf32, #tpu.memory_space<hbm>>
      %dma_start3A_69 = tpu.memref_squeeze %dma_start3A_68 : memref<1x128x128xf32, #tpu.memory_space<hbm>> -> memref<128x128xf32, #tpu.memory_space<hbm>>
      %dma_start3A_70 = arith.constant 0 : i32
      %dma_start3A_71 = tpu.memref_slice %arg4[%arg0, %add3A_60, %dma_start3A_70] : memref<2x10112x128xf32, #tpu.memory_space<hbm>> -> memref<1x128x128xf32, #tpu.memory_space<hbm>>
      %dma_start3A_72 = tpu.memref_squeeze %dma_start3A_71 : memref<1x128x128xf32, #tpu.memory_space<hbm>> -> memref<128x128xf32, #tpu.memory_space<hbm>>
      %dma_start3A_73 = arith.constant 0 : i32
      %dma_start3A_74 = arith.constant 0 : i32
      %dma_start3A_75 = tpu.memref_slice %arg6[%dma_start3A_73, %dma_start3A_74] : memref<128x128xf32, #tpu.memory_space<vmem>> -> memref<128x128xf32, #tpu.memory_space<vmem>>
      tpu.enqueue_dma source(%dma_start3A_75 : memref<128x128xf32, #tpu.memory_space<vmem>>) target(%dma_start3A_72 : memref<128x128xf32, #tpu.memory_space<hbm>>) target_semaphore(%run_scoped3A : memref<!tpu.dma_semaphore, #tpu.memory_space<semaphore_mem>>)
      %dma_wait3A = arith.constant 0 : i32
      %dma_wait3A_76 = arith.constant 0 : i32
      %dma_wait3A_77 = tpu.memref_slice %arg6[%dma_wait3A, %dma_wait3A_76] : memref<128x128xf32, #tpu.memory_space<vmem>> -> memref<128x128xf32, #tpu.memory_space<vmem>>
      %dma_wait3A_78 = arith.constant 0 : i32
      %dma_wait3A_79 = tpu.memref_slice %arg4[%arg0, %add3A_60, %dma_wait3A_78] : memref<2x10112x128xf32, #tpu.memory_space<hbm>> -> memref<1x128x128xf32, #tpu.memory_space<hbm>>
      %dma_wait3A_80 = tpu.memref_squeeze %dma_wait3A_79 : memref<1x128x128xf32, #tpu.memory_space<hbm>> -> memref<128x128xf32, #tpu.memory_space<hbm>>
      %dma_wait3A_81 = arith.constant 0 : i32
      %dma_wait3A_82 = tpu.memref_slice %arg4[%arg0, %add3A_60, %dma_wait3A_81] : memref<2x10112x128xf32, #tpu.memory_space<hbm>> -> memref<1x128x128xf32, #tpu.memory_space<hbm>>
      %dma_wait3A_83 = tpu.memref_squeeze %dma_wait3A_82 : memref<1x128x128xf32, #tpu.memory_space<hbm>> -> memref<128x128xf32, #tpu.memory_space<hbm>>
      %dma_wait3A_84 = arith.constant 0 : i32
      %dma_wait3A_85 = arith.constant 0 : i32
      %dma_wait3A_86 = tpu.memref_slice %arg6[%dma_wait3A_84, %dma_wait3A_85] : memref<128x128xf32, #tpu.memory_space<vmem>> -> memref<128x128xf32, #tpu.memory_space<vmem>>
      tpu.wait_dma2 semaphore(%run_scoped3A : memref<!tpu.dma_semaphore, #tpu.memory_space<semaphore_mem>>) src(%dma_wait3A_86 : memref<128x128xf32, #tpu.memory_space<vmem>>) dst(%dma_wait3A_83 : memref<128x128xf32, #tpu.memory_space<hbm>>)
      tpu.yield
    }) : () -> ()
    %add3A_61 = arith.constant 512 : i32
    %add3A_62 = arith.addi %mul3A_6, %add3A_61 : i32
    "tpu.region"() ({
      %run_scoped3A = tpu.sem_alloc : memref<!tpu.dma_semaphore, #tpu.memory_space<semaphore_mem>>
      %dma_start3A = arith.constant 0 : i32
      %dma_start3A_65 = arith.constant 0 : i32
      %dma_start3A_66 = tpu.memref_slice %arg6[%dma_start3A, %dma_start3A_65] : memref<128x128xf32, #tpu.memory_space<vmem>> -> memref<120x128xf32, #tpu.memory_space<vmem>>
      %dma_start3A_67 = arith.constant 0 : i32
      %dma_start3A_68 = tpu.memref_slice %arg7[%add3A_62, %dma_start3A_67] : memref<10112x128xf32, #tpu.memory_space<vmem_shared>> -> memref<120x128xf32, #tpu.memory_space<vmem_shared>>
      %dma_start3A_69 = arith.constant 0 : i32
      %dma_start3A_70 = arith.constant 0 : i32
      %dma_start3A_71 = tpu.memref_slice %arg6[%dma_start3A_69, %dma_start3A_70] : memref<128x128xf32, #tpu.memory_space<vmem>> -> memref<120x128xf32, #tpu.memory_space<vmem>>
      %dma_start3A_72 = arith.constant 0 : i32
      %dma_start3A_73 = tpu.memref_slice %arg7[%add3A_62, %dma_start3A_72] : memref<10112x128xf32, #tpu.memory_space<vmem_shared>> -> memref<120x128xf32, #tpu.memory_space<vmem_shared>>
      tpu.enqueue_dma source(%dma_start3A_73 : memref<120x128xf32, #tpu.memory_space<vmem_shared>>) target(%dma_start3A_71 : memref<120x128xf32, #tpu.memory_space<vmem>>) target_semaphore(%run_scoped3A : memref<!tpu.dma_semaphore, #tpu.memory_space<semaphore_mem>>)
      %dma_wait3A = arith.constant 0 : i32
      %dma_wait3A_74 = arith.constant 0 : i32
      %dma_wait3A_75 = tpu.memref_slice %arg6[%dma_wait3A, %dma_wait3A_74] : memref<128x128xf32, #tpu.memory_space<vmem>> -> memref<120x128xf32, #tpu.memory_space<vmem>>
      %dma_wait3A_76 = arith.constant 0 : i32
      %dma_wait3A_77 = tpu.memref_slice %arg7[%add3A_62, %dma_wait3A_76] : memref<10112x128xf32, #tpu.memory_space<vmem_shared>> -> memref<120x128xf32, #tpu.memory_space<vmem_shared>>
      %dma_wait3A_78 = arith.constant 0 : i32
      %dma_wait3A_79 = arith.constant 0 : i32
      %dma_wait3A_80 = tpu.memref_slice %arg6[%dma_wait3A_78, %dma_wait3A_79] : memref<128x128xf32, #tpu.memory_space<vmem>> -> memref<120x128xf32, #tpu.memory_space<vmem>>
      %dma_wait3A_81 = arith.constant 0 : i32
      %dma_wait3A_82 = tpu.memref_slice %arg7[%add3A_62, %dma_wait3A_81] : memref<10112x128xf32, #tpu.memory_space<vmem_shared>> -> memref<120x128xf32, #tpu.memory_space<vmem_shared>>
      tpu.wait_dma2 semaphore(%run_scoped3A : memref<!tpu.dma_semaphore, #tpu.memory_space<semaphore_mem>>) src(%dma_wait3A_82 : memref<120x128xf32, #tpu.memory_space<vmem_shared>>) dst(%dma_wait3A_80 : memref<120x128xf32, #tpu.memory_space<vmem>>)
      tpu.yield
    }) : () -> ()
    %add3A_63 = arith.constant 512 : i32
    %add3A_64 = arith.addi %mul3A_6, %add3A_63 : i32
    "tpu.region"() ({
      %run_scoped3A = tpu.sem_alloc : memref<!tpu.dma_semaphore, #tpu.memory_space<semaphore_mem>>
      %dma_start3A = arith.constant 0 : i32
      %dma_start3A_65 = arith.constant 0 : i32
      %dma_start3A_66 = tpu.memref_slice %arg6[%dma_start3A, %dma_start3A_65] : memref<128x128xf32, #tpu.memory_space<vmem>> -> memref<120x128xf32, #tpu.memory_space<vmem>>
      %dma_start3A_67 = arith.constant 0 : i32
      %dma_start3A_68 = tpu.memref_slice %arg4[%arg0, %add3A_64, %dma_start3A_67] : memref<2x10112x128xf32, #tpu.memory_space<hbm>> -> memref<1x120x128xf32, #tpu.memory_space<hbm>>
      %dma_start3A_69 = tpu.memref_squeeze %dma_start3A_68 : memref<1x120x128xf32, #tpu.memory_space<hbm>> -> memref<120x128xf32, #tpu.memory_space<hbm>>
      %dma_start3A_70 = arith.constant 0 : i32
      %dma_start3A_71 = tpu.memref_slice %arg4[%arg0, %add3A_64, %dma_start3A_70] : memref<2x10112x128xf32, #tpu.memory_space<hbm>> -> memref<1x120x128xf32, #tpu.memory_space<hbm>>
      %dma_start3A_72 = tpu.memref_squeeze %dma_start3A_71 : memref<1x120x128xf32, #tpu.memory_space<hbm>> -> memref<120x128xf32, #tpu.memory_space<hbm>>
      %dma_start3A_73 = arith.constant 0 : i32
      %dma_start3A_74 = arith.constant 0 : i32
      %dma_start3A_75 = tpu.memref_slice %arg6[%dma_start3A_73, %dma_start3A_74] : memref<128x128xf32, #tpu.memory_space<vmem>> -> memref<120x128xf32, #tpu.memory_space<vmem>>
      tpu.enqueue_dma source(%dma_start3A_75 : memref<120x128xf32, #tpu.memory_space<vmem>>) target(%dma_start3A_72 : memref<120x128xf32, #tpu.memory_space<hbm>>) target_semaphore(%run_scoped3A : memref<!tpu.dma_semaphore, #tpu.memory_space<semaphore_mem>>)
      %dma_wait3A = arith.constant 0 : i32
      %dma_wait3A_76 = arith.constant 0 : i32
      %dma_wait3A_77 = tpu.memref_slice %arg6[%dma_wait3A, %dma_wait3A_76] : memref<128x128xf32, #tpu.memory_space<vmem>> -> memref<120x128xf32, #tpu.memory_space<vmem>>
      %dma_wait3A_78 = arith.constant 0 : i32
      %dma_wait3A_79 = tpu.memref_slice %arg4[%arg0, %add3A_64, %dma_wait3A_78] : memref<2x10112x128xf32, #tpu.memory_space<hbm>> -> memref<1x120x128xf32, #tpu.memory_space<hbm>>
      %dma_wait3A_80 = tpu.memref_squeeze %dma_wait3A_79 : memref<1x120x128xf32, #tpu.memory_space<hbm>> -> memref<120x128xf32, #tpu.memory_space<hbm>>
      %dma_wait3A_81 = arith.constant 0 : i32
      %dma_wait3A_82 = tpu.memref_slice %arg4[%arg0, %add3A_64, %dma_wait3A_81] : memref<2x10112x128xf32, #tpu.memory_space<hbm>> -> memref<1x120x128xf32, #tpu.memory_space<hbm>>
      %dma_wait3A_83 = tpu.memref_squeeze %dma_wait3A_82 : memref<1x120x128xf32, #tpu.memory_space<hbm>> -> memref<120x128xf32, #tpu.memory_space<hbm>>
      %dma_wait3A_84 = arith.constant 0 : i32
      %dma_wait3A_85 = arith.constant 0 : i32
      %dma_wait3A_86 = tpu.memref_slice %arg6[%dma_wait3A_84, %dma_wait3A_85] : memref<128x128xf32, #tpu.memory_space<vmem>> -> memref<120x128xf32, #tpu.memory_space<vmem>>
      tpu.wait_dma2 semaphore(%run_scoped3A : memref<!tpu.dma_semaphore, #tpu.memory_space<semaphore_mem>>) src(%dma_wait3A_86 : memref<120x128xf32, #tpu.memory_space<vmem>>) dst(%dma_wait3A_83 : memref<120x128xf32, #tpu.memory_space<hbm>>)
      tpu.yield
    }) : () -> ()
    return
  }
}

#map = affine_map<(d0, d1) -> (0, 0)>
#map1 = affine_map<(d0, d1) -> (0)>
#map2 = affine_map<(d0, d1) -> (0, 0, 0)>
module attributes {stable_mosaic.version = 14 : i64} {
  func.func @_scat_body(%arg0: i32, %arg1: i32, %arg2: memref<10112x128xf32, #tpu.memory_space<hbm>>, %arg3: memref<327680xi32, #tpu.memory_space<hbm>>, %arg4: memref<32x80x128xi32, #tpu.memory_space<hbm>>, %arg5: memref<2x10112x128xf32, #tpu.memory_space<hbm>>, %arg6: memref<256x128xf32, #tpu.memory_space<vmem>>, %arg7: memref<384xi32, #tpu.memory_space<vmem>>, %arg8: memref<2x128xi32, #tpu.memory_space<vmem>>, %arg9: memref<10112x128xf32, #tpu.memory_space<vmem_shared>>, %arg10: memref<!tpu.dma_semaphore, #tpu.memory_space<semaphore_mem>>, %arg11: memref<!tpu.dma_semaphore, #tpu.memory_space<semaphore_mem>>, %arg12: memref<!tpu.dma_semaphore, #tpu.memory_space<semaphore_mem>>) attributes {dimension_semantics = [#tpu.dimension_semantics<core_parallel>, #tpu.dimension_semantics<subcore_parallel>], iteration_bounds = array<i64: 2, 16>, scalar_prefetch = 0 : i64, scratch_operands = 7 : i64, tpu.core_type = #tpu.core_type<sc_vector_subcore>, window_params = [{transform_indices = #map}, {transform_indices = #map1}, {transform_indices = #map2}, {transform_indices = #map2}]} {
    %mul3A = arith.constant 16 : i32
    %mul3A_0 = arith.muli %arg0, %mul3A : i32
    %add3A = arith.addi %mul3A_0, %arg1 : i32
    %mul3A_1 = arith.constant 10240 : i32
    %mul3A_2 = arith.muli %add3A, %mul3A_1 : i32
    %scan3A = arith.constant 0 : i32
    %scan3A_3 = arith.constant 0 : i32
    %scan3A_4 = arith.constant 128 : i32
    %scan3A_5 = arith.addi %scan3A_3, %scan3A_4 : i32
    %scan3A_6 = arith.constant 1 : i32
    %scan3A_7 = scf.for %scan3A_92 = %scan3A_3 to %scan3A_5 step %scan3A_6 iter_args(%scan3A_93 = %scan3A) -> (i32)  : i32 {
      %broadcast_in_dim3A = arith.constant 0.000000e+00 : f32
      %broadcast_in_dim3A_94 = vector.broadcast %broadcast_in_dim3A : f32 to vector<16xf32>
      %swap3A = arith.index_cast %scan3A_92 : i32 to index
      %swap3A_95 = arith.constant 0 : index
      %swap3A_96 = tpu.vector_load %arg6[%swap3A, %swap3A_95] {strides = array<i32>} : memref<256x128xf32, #tpu.memory_space<vmem>>, vector<1x16xf32>,
      %swap3A_97 = vector.shape_cast %swap3A_96 : vector<1x16xf32> to vector<16xf32>
      %swap3A_98 = vector.shape_cast %broadcast_in_dim3A_94 : vector<16xf32> to vector<1x16xf32>
      tpu.vector_store %arg6[%swap3A, %swap3A_95], %swap3A_98 {strides = array<i32>} : memref<256x128xf32, #tpu.memory_space<vmem>>, vector<1x16xf32>,
      %broadcast_in_dim3A_99 = arith.constant 0.000000e+00 : f32
      %broadcast_in_dim3A_100 = vector.broadcast %broadcast_in_dim3A_99 : f32 to vector<16xf32>
      %swap3A_101 = arith.index_cast %scan3A_92 : i32 to index
      %swap3A_102 = arith.constant 16 : index
      %swap3A_103 = tpu.vector_load %arg6[%swap3A_101, %swap3A_102] {strides = array<i32>} : memref<256x128xf32, #tpu.memory_space<vmem>>, vector<1x16xf32>,
      %swap3A_104 = vector.shape_cast %swap3A_103 : vector<1x16xf32> to vector<16xf32>
      %swap3A_105 = vector.shape_cast %broadcast_in_dim3A_100 : vector<16xf32> to vector<1x16xf32>
      tpu.vector_store %arg6[%swap3A_101, %swap3A_102], %swap3A_105 {strides = array<i32>} : memref<256x128xf32, #tpu.memory_space<vmem>>, vector<1x16xf32>,
      %broadcast_in_dim3A_106 = arith.constant 0.000000e+00 : f32
      %broadcast_in_dim3A_107 = vector.broadcast %broadcast_in_dim3A_106 : f32 to vector<16xf32>
      %swap3A_108 = arith.index_cast %scan3A_92 : i32 to index
      %swap3A_109 = arith.constant 32 : index
      %swap3A_110 = tpu.vector_load %arg6[%swap3A_108, %swap3A_109] {strides = array<i32>} : memref<256x128xf32, #tpu.memory_space<vmem>>, vector<1x16xf32>,
      %swap3A_111 = vector.shape_cast %swap3A_110 : vector<1x16xf32> to vector<16xf32>
      %swap3A_112 = vector.shape_cast %broadcast_in_dim3A_107 : vector<16xf32> to vector<1x16xf32>
      tpu.vector_store %arg6[%swap3A_108, %swap3A_109], %swap3A_112 {strides = array<i32>} : memref<256x128xf32, #tpu.memory_space<vmem>>, vector<1x16xf32>,
      %broadcast_in_dim3A_113 = arith.constant 0.000000e+00 : f32
      %broadcast_in_dim3A_114 = vector.broadcast %broadcast_in_dim3A_113 : f32 to vector<16xf32>
      %swap3A_115 = arith.index_cast %scan3A_92 : i32 to index
      %swap3A_116 = arith.constant 48 : index
      %swap3A_117 = tpu.vector_load %arg6[%swap3A_115, %swap3A_116] {strides = array<i32>} : memref<256x128xf32, #tpu.memory_space<vmem>>, vector<1x16xf32>,
      %swap3A_118 = vector.shape_cast %swap3A_117 : vector<1x16xf32> to vector<16xf32>
      %swap3A_119 = vector.shape_cast %broadcast_in_dim3A_114 : vector<16xf32> to vector<1x16xf32>
      tpu.vector_store %arg6[%swap3A_115, %swap3A_116], %swap3A_119 {strides = array<i32>} : memref<256x128xf32, #tpu.memory_space<vmem>>, vector<1x16xf32>,
      %broadcast_in_dim3A_120 = arith.constant 0.000000e+00 : f32
      %broadcast_in_dim3A_121 = vector.broadcast %broadcast_in_dim3A_120 : f32 to vector<16xf32>
      %swap3A_122 = arith.index_cast %scan3A_92 : i32 to index
      %swap3A_123 = arith.constant 64 : index
      %swap3A_124 = tpu.vector_load %arg6[%swap3A_122, %swap3A_123] {strides = array<i32>} : memref<256x128xf32, #tpu.memory_space<vmem>>, vector<1x16xf32>,
      %swap3A_125 = vector.shape_cast %swap3A_124 : vector<1x16xf32> to vector<16xf32>
      %swap3A_126 = vector.shape_cast %broadcast_in_dim3A_121 : vector<16xf32> to vector<1x16xf32>
      tpu.vector_store %arg6[%swap3A_122, %swap3A_123], %swap3A_126 {strides = array<i32>} : memref<256x128xf32, #tpu.memory_space<vmem>>, vector<1x16xf32>,
      %broadcast_in_dim3A_127 = arith.constant 0.000000e+00 : f32
      %broadcast_in_dim3A_128 = vector.broadcast %broadcast_in_dim3A_127 : f32 to vector<16xf32>
      %swap3A_129 = arith.index_cast %scan3A_92 : i32 to index
      %swap3A_130 = arith.constant 80 : index
      %swap3A_131 = tpu.vector_load %arg6[%swap3A_129, %swap3A_130] {strides = array<i32>} : memref<256x128xf32, #tpu.memory_space<vmem>>, vector<1x16xf32>,
      %swap3A_132 = vector.shape_cast %swap3A_131 : vector<1x16xf32> to vector<16xf32>
      %swap3A_133 = vector.shape_cast %broadcast_in_dim3A_128 : vector<16xf32> to vector<1x16xf32>
      tpu.vector_store %arg6[%swap3A_129, %swap3A_130], %swap3A_133 {strides = array<i32>} : memref<256x128xf32, #tpu.memory_space<vmem>>, vector<1x16xf32>,
      %broadcast_in_dim3A_134 = arith.constant 0.000000e+00 : f32
      %broadcast_in_dim3A_135 = vector.broadcast %broadcast_in_dim3A_134 : f32 to vector<16xf32>
      %swap3A_136 = arith.index_cast %scan3A_92 : i32 to index
      %swap3A_137 = arith.constant 96 : index
      %swap3A_138 = tpu.vector_load %arg6[%swap3A_136, %swap3A_137] {strides = array<i32>} : memref<256x128xf32, #tpu.memory_space<vmem>>, vector<1x16xf32>,
      %swap3A_139 = vector.shape_cast %swap3A_138 : vector<1x16xf32> to vector<16xf32>
      %swap3A_140 = vector.shape_cast %broadcast_in_dim3A_135 : vector<16xf32> to vector<1x16xf32>
      tpu.vector_store %arg6[%swap3A_136, %swap3A_137], %swap3A_140 {strides = array<i32>} : memref<256x128xf32, #tpu.memory_space<vmem>>, vector<1x16xf32>,
      %broadcast_in_dim3A_141 = arith.constant 0.000000e+00 : f32
      %broadcast_in_dim3A_142 = vector.broadcast %broadcast_in_dim3A_141 : f32 to vector<16xf32>
      %swap3A_143 = arith.index_cast %scan3A_92 : i32 to index
      %swap3A_144 = arith.constant 112 : index
      %swap3A_145 = tpu.vector_load %arg6[%swap3A_143, %swap3A_144] {strides = array<i32>} : memref<256x128xf32, #tpu.memory_space<vmem>>, vector<1x16xf32>,
      %swap3A_146 = vector.shape_cast %swap3A_145 : vector<1x16xf32> to vector<16xf32>
      %swap3A_147 = vector.shape_cast %broadcast_in_dim3A_142 : vector<16xf32> to vector<1x16xf32>
      tpu.vector_store %arg6[%swap3A_143, %swap3A_144], %swap3A_147 {strides = array<i32>} : memref<256x128xf32, #tpu.memory_space<vmem>>, vector<1x16xf32>,
      %scan3A_148 = arith.constant 0 : i32
      scf.yield %scan3A_148 : i32
    }
    %scan3A_8 = arith.constant 128 : i32
    %mul3A_9 = arith.constant 632 : i32
    %mul3A_10 = arith.muli %arg1, %mul3A_9 : i32
    %add3A_11 = arith.constant 0 : i32
    %add3A_12 = arith.addi %mul3A_10, %add3A_11 : i32
    "tpu.region"() ({
      %run_scoped3A = tpu.sem_alloc : memref<!tpu.dma_semaphore, #tpu.memory_space<semaphore_mem>>
      %dma_start3A_92 = arith.constant 0 : i32
      %dma_start3A_93 = arith.constant 0 : i32
      %dma_start3A_94 = tpu.memref_slice %arg6[%dma_start3A_92, %dma_start3A_93] : memref<256x128xf32, #tpu.memory_space<vmem>> -> memref<128x128xf32, #tpu.memory_space<vmem>>
      %dma_start3A_95 = arith.constant 0 : i32
      %dma_start3A_96 = tpu.memref_slice %arg9[%add3A_12, %dma_start3A_95] : memref<10112x128xf32, #tpu.memory_space<vmem_shared>> -> memref<128x128xf32, #tpu.memory_space<vmem_shared>>
      %dma_start3A_97 = arith.constant 0 : i32
      %dma_start3A_98 = tpu.memref_slice %arg9[%add3A_12, %dma_start3A_97] : memref<10112x128xf32, #tpu.memory_space<vmem_shared>> -> memref<128x128xf32, #tpu.memory_space<vmem_shared>>
      %dma_start3A_99 = arith.constant 0 : i32
      %dma_start3A_100 = arith.constant 0 : i32
      %dma_start3A_101 = tpu.memref_slice %arg6[%dma_start3A_99, %dma_start3A_100] : memref<256x128xf32, #tpu.memory_space<vmem>> -> memref<128x128xf32, #tpu.memory_space<vmem>>
      tpu.enqueue_dma source(%dma_start3A_101 : memref<128x128xf32, #tpu.memory_space<vmem>>) target(%dma_start3A_98 : memref<128x128xf32, #tpu.memory_space<vmem_shared>>) target_semaphore(%run_scoped3A : memref<!tpu.dma_semaphore, #tpu.memory_space<semaphore_mem>>)
      %dma_wait3A = arith.constant 0 : i32
      %dma_wait3A_102 = arith.constant 0 : i32
      %dma_wait3A_103 = tpu.memref_slice %arg6[%dma_wait3A, %dma_wait3A_102] : memref<256x128xf32, #tpu.memory_space<vmem>> -> memref<128x128xf32, #tpu.memory_space<vmem>>
      %dma_wait3A_104 = arith.constant 0 : i32
      %dma_wait3A_105 = tpu.memref_slice %arg9[%add3A_12, %dma_wait3A_104] : memref<10112x128xf32, #tpu.memory_space<vmem_shared>> -> memref<128x128xf32, #tpu.memory_space<vmem_shared>>
      %dma_wait3A_106 = arith.constant 0 : i32
      %dma_wait3A_107 = tpu.memref_slice %arg9[%add3A_12, %dma_wait3A_106] : memref<10112x128xf32, #tpu.memory_space<vmem_shared>> -> memref<128x128xf32, #tpu.memory_space<vmem_shared>>
      %dma_wait3A_108 = arith.constant 0 : i32
      %dma_wait3A_109 = arith.constant 0 : i32
      %dma_wait3A_110 = tpu.memref_slice %arg6[%dma_wait3A_108, %dma_wait3A_109] : memref<256x128xf32, #tpu.memory_space<vmem>> -> memref<128x128xf32, #tpu.memory_space<vmem>>
      tpu.wait_dma2 semaphore(%run_scoped3A : memref<!tpu.dma_semaphore, #tpu.memory_space<semaphore_mem>>) src(%dma_wait3A_110 : memref<128x128xf32, #tpu.memory_space<vmem>>) dst(%dma_wait3A_107 : memref<128x128xf32, #tpu.memory_space<vmem_shared>>)
      tpu.yield
    }) : () -> ()
    %add3A_13 = arith.constant 128 : i32
    %add3A_14 = arith.addi %mul3A_10, %add3A_13 : i32
    "tpu.region"() ({
      %run_scoped3A = tpu.sem_alloc : memref<!tpu.dma_semaphore, #tpu.memory_space<semaphore_mem>>
      %dma_start3A_92 = arith.constant 0 : i32
      %dma_start3A_93 = arith.constant 0 : i32
      %dma_start3A_94 = tpu.memref_slice %arg6[%dma_start3A_92, %dma_start3A_93] : memref<256x128xf32, #tpu.memory_space<vmem>> -> memref<128x128xf32, #tpu.memory_space<vmem>>
      %dma_start3A_95 = arith.constant 0 : i32
      %dma_start3A_96 = tpu.memref_slice %arg9[%add3A_14, %dma_start3A_95] : memref<10112x128xf32, #tpu.memory_space<vmem_shared>> -> memref<128x128xf32, #tpu.memory_space<vmem_shared>>
      %dma_start3A_97 = arith.constant 0 : i32
      %dma_start3A_98 = tpu.memref_slice %arg9[%add3A_14, %dma_start3A_97] : memref<10112x128xf32, #tpu.memory_space<vmem_shared>> -> memref<128x128xf32, #tpu.memory_space<vmem_shared>>
      %dma_start3A_99 = arith.constant 0 : i32
      %dma_start3A_100 = arith.constant 0 : i32
      %dma_start3A_101 = tpu.memref_slice %arg6[%dma_start3A_99, %dma_start3A_100] : memref<256x128xf32, #tpu.memory_space<vmem>> -> memref<128x128xf32, #tpu.memory_space<vmem>>
      tpu.enqueue_dma source(%dma_start3A_101 : memref<128x128xf32, #tpu.memory_space<vmem>>) target(%dma_start3A_98 : memref<128x128xf32, #tpu.memory_space<vmem_shared>>) target_semaphore(%run_scoped3A : memref<!tpu.dma_semaphore, #tpu.memory_space<semaphore_mem>>)
      %dma_wait3A = arith.constant 0 : i32
      %dma_wait3A_102 = arith.constant 0 : i32
      %dma_wait3A_103 = tpu.memref_slice %arg6[%dma_wait3A, %dma_wait3A_102] : memref<256x128xf32, #tpu.memory_space<vmem>> -> memref<128x128xf32, #tpu.memory_space<vmem>>
      %dma_wait3A_104 = arith.constant 0 : i32
      %dma_wait3A_105 = tpu.memref_slice %arg9[%add3A_14, %dma_wait3A_104] : memref<10112x128xf32, #tpu.memory_space<vmem_shared>> -> memref<128x128xf32, #tpu.memory_space<vmem_shared>>
      %dma_wait3A_106 = arith.constant 0 : i32
      %dma_wait3A_107 = tpu.memref_slice %arg9[%add3A_14, %dma_wait3A_106] : memref<10112x128xf32, #tpu.memory_space<vmem_shared>> -> memref<128x128xf32, #tpu.memory_space<vmem_shared>>
      %dma_wait3A_108 = arith.constant 0 : i32
      %dma_wait3A_109 = arith.constant 0 : i32
      %dma_wait3A_110 = tpu.memref_slice %arg6[%dma_wait3A_108, %dma_wait3A_109] : memref<256x128xf32, #tpu.memory_space<vmem>> -> memref<128x128xf32, #tpu.memory_space<vmem>>
      tpu.wait_dma2 semaphore(%run_scoped3A : memref<!tpu.dma_semaphore, #tpu.memory_space<semaphore_mem>>) src(%dma_wait3A_110 : memref<128x128xf32, #tpu.memory_space<vmem>>) dst(%dma_wait3A_107 : memref<128x128xf32, #tpu.memory_space<vmem_shared>>)
      tpu.yield
    }) : () -> ()
    %add3A_15 = arith.constant 256 : i32
    %add3A_16 = arith.addi %mul3A_10, %add3A_15 : i32
    "tpu.region"() ({
      %run_scoped3A = tpu.sem_alloc : memref<!tpu.dma_semaphore, #tpu.memory_space<semaphore_mem>>
      %dma_start3A_92 = arith.constant 0 : i32
      %dma_start3A_93 = arith.constant 0 : i32
      %dma_start3A_94 = tpu.memref_slice %arg6[%dma_start3A_92, %dma_start3A_93] : memref<256x128xf32, #tpu.memory_space<vmem>> -> memref<128x128xf32, #tpu.memory_space<vmem>>
      %dma_start3A_95 = arith.constant 0 : i32
      %dma_start3A_96 = tpu.memref_slice %arg9[%add3A_16, %dma_start3A_95] : memref<10112x128xf32, #tpu.memory_space<vmem_shared>> -> memref<128x128xf32, #tpu.memory_space<vmem_shared>>
      %dma_start3A_97 = arith.constant 0 : i32
      %dma_start3A_98 = tpu.memref_slice %arg9[%add3A_16, %dma_start3A_97] : memref<10112x128xf32, #tpu.memory_space<vmem_shared>> -> memref<128x128xf32, #tpu.memory_space<vmem_shared>>
      %dma_start3A_99 = arith.constant 0 : i32
      %dma_start3A_100 = arith.constant 0 : i32
      %dma_start3A_101 = tpu.memref_slice %arg6[%dma_start3A_99, %dma_start3A_100] : memref<256x128xf32, #tpu.memory_space<vmem>> -> memref<128x128xf32, #tpu.memory_space<vmem>>
      tpu.enqueue_dma source(%dma_start3A_101 : memref<128x128xf32, #tpu.memory_space<vmem>>) target(%dma_start3A_98 : memref<128x128xf32, #tpu.memory_space<vmem_shared>>) target_semaphore(%run_scoped3A : memref<!tpu.dma_semaphore, #tpu.memory_space<semaphore_mem>>)
      %dma_wait3A = arith.constant 0 : i32
      %dma_wait3A_102 = arith.constant 0 : i32
      %dma_wait3A_103 = tpu.memref_slice %arg6[%dma_wait3A, %dma_wait3A_102] : memref<256x128xf32, #tpu.memory_space<vmem>> -> memref<128x128xf32, #tpu.memory_space<vmem>>
      %dma_wait3A_104 = arith.constant 0 : i32
      %dma_wait3A_105 = tpu.memref_slice %arg9[%add3A_16, %dma_wait3A_104] : memref<10112x128xf32, #tpu.memory_space<vmem_shared>> -> memref<128x128xf32, #tpu.memory_space<vmem_shared>>
      %dma_wait3A_106 = arith.constant 0 : i32
      %dma_wait3A_107 = tpu.memref_slice %arg9[%add3A_16, %dma_wait3A_106] : memref<10112x128xf32, #tpu.memory_space<vmem_shared>> -> memref<128x128xf32, #tpu.memory_space<vmem_shared>>
      %dma_wait3A_108 = arith.constant 0 : i32
      %dma_wait3A_109 = arith.constant 0 : i32
      %dma_wait3A_110 = tpu.memref_slice %arg6[%dma_wait3A_108, %dma_wait3A_109] : memref<256x128xf32, #tpu.memory_space<vmem>> -> memref<128x128xf32, #tpu.memory_space<vmem>>
      tpu.wait_dma2 semaphore(%run_scoped3A : memref<!tpu.dma_semaphore, #tpu.memory_space<semaphore_mem>>) src(%dma_wait3A_110 : memref<128x128xf32, #tpu.memory_space<vmem>>) dst(%dma_wait3A_107 : memref<128x128xf32, #tpu.memory_space<vmem_shared>>)
      tpu.yield
    }) : () -> ()
    %add3A_17 = arith.constant 384 : i32
    %add3A_18 = arith.addi %mul3A_10, %add3A_17 : i32
    "tpu.region"() ({
      %run_scoped3A = tpu.sem_alloc : memref<!tpu.dma_semaphore, #tpu.memory_space<semaphore_mem>>
      %dma_start3A_92 = arith.constant 0 : i32
      %dma_start3A_93 = arith.constant 0 : i32
      %dma_start3A_94 = tpu.memref_slice %arg6[%dma_start3A_92, %dma_start3A_93] : memref<256x128xf32, #tpu.memory_space<vmem>> -> memref<128x128xf32, #tpu.memory_space<vmem>>
      %dma_start3A_95 = arith.constant 0 : i32
      %dma_start3A_96 = tpu.memref_slice %arg9[%add3A_18, %dma_start3A_95] : memref<10112x128xf32, #tpu.memory_space<vmem_shared>> -> memref<128x128xf32, #tpu.memory_space<vmem_shared>>
      %dma_start3A_97 = arith.constant 0 : i32
      %dma_start3A_98 = tpu.memref_slice %arg9[%add3A_18, %dma_start3A_97] : memref<10112x128xf32, #tpu.memory_space<vmem_shared>> -> memref<128x128xf32, #tpu.memory_space<vmem_shared>>
      %dma_start3A_99 = arith.constant 0 : i32
      %dma_start3A_100 = arith.constant 0 : i32
      %dma_start3A_101 = tpu.memref_slice %arg6[%dma_start3A_99, %dma_start3A_100] : memref<256x128xf32, #tpu.memory_space<vmem>> -> memref<128x128xf32, #tpu.memory_space<vmem>>
      tpu.enqueue_dma source(%dma_start3A_101 : memref<128x128xf32, #tpu.memory_space<vmem>>) target(%dma_start3A_98 : memref<128x128xf32, #tpu.memory_space<vmem_shared>>) target_semaphore(%run_scoped3A : memref<!tpu.dma_semaphore, #tpu.memory_space<semaphore_mem>>)
      %dma_wait3A = arith.constant 0 : i32
      %dma_wait3A_102 = arith.constant 0 : i32
      %dma_wait3A_103 = tpu.memref_slice %arg6[%dma_wait3A, %dma_wait3A_102] : memref<256x128xf32, #tpu.memory_space<vmem>> -> memref<128x128xf32, #tpu.memory_space<vmem>>
      %dma_wait3A_104 = arith.constant 0 : i32
      %dma_wait3A_105 = tpu.memref_slice %arg9[%add3A_18, %dma_wait3A_104] : memref<10112x128xf32, #tpu.memory_space<vmem_shared>> -> memref<128x128xf32, #tpu.memory_space<vmem_shared>>
      %dma_wait3A_106 = arith.constant 0 : i32
      %dma_wait3A_107 = tpu.memref_slice %arg9[%add3A_18, %dma_wait3A_106] : memref<10112x128xf32, #tpu.memory_space<vmem_shared>> -> memref<128x128xf32, #tpu.memory_space<vmem_shared>>
      %dma_wait3A_108 = arith.constant 0 : i32
      %dma_wait3A_109 = arith.constant 0 : i32
      %dma_wait3A_110 = tpu.memref_slice %arg6[%dma_wait3A_108, %dma_wait3A_109] : memref<256x128xf32, #tpu.memory_space<vmem>> -> memref<128x128xf32, #tpu.memory_space<vmem>>
      tpu.wait_dma2 semaphore(%run_scoped3A : memref<!tpu.dma_semaphore, #tpu.memory_space<semaphore_mem>>) src(%dma_wait3A_110 : memref<128x128xf32, #tpu.memory_space<vmem>>) dst(%dma_wait3A_107 : memref<128x128xf32, #tpu.memory_space<vmem_shared>>)
      tpu.yield
    }) : () -> ()
    %add3A_19 = arith.constant 512 : i32
    %add3A_20 = arith.addi %mul3A_10, %add3A_19 : i32
    "tpu.region"() ({
      %run_scoped3A = tpu.sem_alloc : memref<!tpu.dma_semaphore, #tpu.memory_space<semaphore_mem>>
      %dma_start3A_92 = arith.constant 0 : i32
      %dma_start3A_93 = arith.constant 0 : i32
      %dma_start3A_94 = tpu.memref_slice %arg6[%dma_start3A_92, %dma_start3A_93] : memref<256x128xf32, #tpu.memory_space<vmem>> -> memref<120x128xf32, #tpu.memory_space<vmem>>
      %dma_start3A_95 = arith.constant 0 : i32
      %dma_start3A_96 = tpu.memref_slice %arg9[%add3A_20, %dma_start3A_95] : memref<10112x128xf32, #tpu.memory_space<vmem_shared>> -> memref<120x128xf32, #tpu.memory_space<vmem_shared>>
      %dma_start3A_97 = arith.constant 0 : i32
      %dma_start3A_98 = tpu.memref_slice %arg9[%add3A_20, %dma_start3A_97] : memref<10112x128xf32, #tpu.memory_space<vmem_shared>> -> memref<120x128xf32, #tpu.memory_space<vmem_shared>>
      %dma_start3A_99 = arith.constant 0 : i32
      %dma_start3A_100 = arith.constant 0 : i32
      %dma_start3A_101 = tpu.memref_slice %arg6[%dma_start3A_99, %dma_start3A_100] : memref<256x128xf32, #tpu.memory_space<vmem>> -> memref<120x128xf32, #tpu.memory_space<vmem>>
      tpu.enqueue_dma source(%dma_start3A_101 : memref<120x128xf32, #tpu.memory_space<vmem>>) target(%dma_start3A_98 : memref<120x128xf32, #tpu.memory_space<vmem_shared>>) target_semaphore(%run_scoped3A : memref<!tpu.dma_semaphore, #tpu.memory_space<semaphore_mem>>)
      %dma_wait3A = arith.constant 0 : i32
      %dma_wait3A_102 = arith.constant 0 : i32
      %dma_wait3A_103 = tpu.memref_slice %arg6[%dma_wait3A, %dma_wait3A_102] : memref<256x128xf32, #tpu.memory_space<vmem>> -> memref<120x128xf32, #tpu.memory_space<vmem>>
      %dma_wait3A_104 = arith.constant 0 : i32
      %dma_wait3A_105 = tpu.memref_slice %arg9[%add3A_20, %dma_wait3A_104] : memref<10112x128xf32, #tpu.memory_space<vmem_shared>> -> memref<120x128xf32, #tpu.memory_space<vmem_shared>>
      %dma_wait3A_106 = arith.constant 0 : i32
      %dma_wait3A_107 = tpu.memref_slice %arg9[%add3A_20, %dma_wait3A_106] : memref<10112x128xf32, #tpu.memory_space<vmem_shared>> -> memref<120x128xf32, #tpu.memory_space<vmem_shared>>
      %dma_wait3A_108 = arith.constant 0 : i32
      %dma_wait3A_109 = arith.constant 0 : i32
      %dma_wait3A_110 = tpu.memref_slice %arg6[%dma_wait3A_108, %dma_wait3A_109] : memref<256x128xf32, #tpu.memory_space<vmem>> -> memref<120x128xf32, #tpu.memory_space<vmem>>
      tpu.wait_dma2 semaphore(%run_scoped3A : memref<!tpu.dma_semaphore, #tpu.memory_space<semaphore_mem>>) src(%dma_wait3A_110 : memref<120x128xf32, #tpu.memory_space<vmem>>) dst(%dma_wait3A_107 : memref<120x128xf32, #tpu.memory_space<vmem_shared>>)
      tpu.yield
    }) : () -> ()
    %dma_start3A = arith.constant 0 : i32
    %dma_start3A_21 = arith.constant 0 : i32
    %dma_start3A_22 = arith.constant 0 : i32
    %dma_start3A_23 = tpu.memref_slice %arg8[%dma_start3A_21, %dma_start3A_22] : memref<2x128xi32, #tpu.memory_space<vmem>> -> memref<1x128xi32, #tpu.memory_space<vmem>>
    %dma_start3A_24 = tpu.memref_squeeze %dma_start3A_23 : memref<1x128xi32, #tpu.memory_space<vmem>> -> memref<128xi32, #tpu.memory_space<vmem>>
    %dma_start3A_25 = arith.constant 0 : i32
    %dma_start3A_26 = arith.constant 0 : i32
    %dma_start3A_27 = tpu.memref_slice %arg4[%add3A, %dma_start3A_25, %dma_start3A_26] : memref<32x80x128xi32, #tpu.memory_space<hbm>> -> memref<1x80x128xi32, #tpu.memory_space<hbm>>
    %dma_start3A_28 = tpu.memref_squeeze %dma_start3A_27 : memref<1x80x128xi32, #tpu.memory_space<hbm>> -> memref<80x128xi32, #tpu.memory_space<hbm>>
    %dma_start3A_29 = arith.constant 0 : i32
    %dma_start3A_30 = tpu.memref_slice %dma_start3A_28[%dma_start3A, %dma_start3A_29] : memref<80x128xi32, #tpu.memory_space<hbm>> -> memref<1x128xi32, #tpu.memory_space<hbm>>
    %dma_start3A_31 = tpu.memref_squeeze %dma_start3A_30 : memref<1x128xi32, #tpu.memory_space<hbm>> -> memref<128xi32, #tpu.memory_space<hbm>>
    %dma_start3A_32 = arith.constant 0 : i32
    %dma_start3A_33 = tpu.memref_slice %arg8[%dma_start3A_21, %dma_start3A_32] : memref<2x128xi32, #tpu.memory_space<vmem>> -> memref<1x128xi32, #tpu.memory_space<vmem>>
    %dma_start3A_34 = tpu.memref_squeeze %dma_start3A_33 : memref<1x128xi32, #tpu.memory_space<vmem>> -> memref<128xi32, #tpu.memory_space<vmem>>
    %dma_start3A_35 = arith.constant 0 : i32
    %dma_start3A_36 = arith.constant 0 : i32
    %dma_start3A_37 = tpu.memref_slice %arg4[%add3A, %dma_start3A_35, %dma_start3A_36] : memref<32x80x128xi32, #tpu.memory_space<hbm>> -> memref<1x80x128xi32, #tpu.memory_space<hbm>>
    %dma_start3A_38 = tpu.memref_squeeze %dma_start3A_37 : memref<1x80x128xi32, #tpu.memory_space<hbm>> -> memref<80x128xi32, #tpu.memory_space<hbm>>
    %dma_start3A_39 = arith.constant 0 : i32
    %dma_start3A_40 = tpu.memref_slice %dma_start3A_38[%dma_start3A, %dma_start3A_39] : memref<80x128xi32, #tpu.memory_space<hbm>> -> memref<1x128xi32, #tpu.memory_space<hbm>>
    %dma_start3A_41 = tpu.memref_squeeze %dma_start3A_40 : memref<1x128xi32, #tpu.memory_space<hbm>> -> memref<128xi32, #tpu.memory_space<hbm>>
    tpu.enqueue_dma source(%dma_start3A_41 : memref<128xi32, #tpu.memory_space<hbm>>) target(%dma_start3A_34 : memref<128xi32, #tpu.memory_space<vmem>>) target_semaphore(%arg12 : memref<!tpu.dma_semaphore, #tpu.memory_space<semaphore_mem>>)
    %dma_start3A_42 = arith.constant 1 : i32
    %dma_start3A_43 = arith.constant 1 : i32
    %dma_start3A_44 = arith.constant 0 : i32
    %dma_start3A_45 = tpu.memref_slice %arg8[%dma_start3A_43, %dma_start3A_44] : memref<2x128xi32, #tpu.memory_space<vmem>> -> memref<1x128xi32, #tpu.memory_space<vmem>>
    %dma_start3A_46 = tpu.memref_squeeze %dma_start3A_45 : memref<1x128xi32, #tpu.memory_space<vmem>> -> memref<128xi32, #tpu.memory_space<vmem>>
    %dma_start3A_47 = arith.constant 0 : i32
    %dma_start3A_48 = arith.constant 0 : i32
    %dma_start3A_49 = tpu.memref_slice %arg4[%add3A, %dma_start3A_47, %dma_start3A_48] : memref<32x80x128xi32, #tpu.memory_space<hbm>> -> memref<1x80x128xi32, #tpu.memory_space<hbm>>
    %dma_start3A_50 = tpu.memref_squeeze %dma_start3A_49 : memref<1x80x128xi32, #tpu.memory_space<hbm>> -> memref<80x128xi32, #tpu.memory_space<hbm>>
    %dma_start3A_51 = arith.constant 0 : i32
    %dma_start3A_52 = tpu.memref_slice %dma_start3A_50[%dma_start3A_42, %dma_start3A_51] : memref<80x128xi32, #tpu.memory_space<hbm>> -> memref<1x128xi32, #tpu.memory_space<hbm>>
    %dma_start3A_53 = tpu.memref_squeeze %dma_start3A_52 : memref<1x128xi32, #tpu.memory_space<hbm>> -> memref<128xi32, #tpu.memory_space<hbm>>
    %dma_start3A_54 = arith.constant 0 : i32
    %dma_start3A_55 = tpu.memref_slice %arg8[%dma_start3A_43, %dma_start3A_54] : memref<2x128xi32, #tpu.memory_space<vmem>> -> memref<1x128xi32, #tpu.memory_space<vmem>>
    %dma_start3A_56 = tpu.memref_squeeze %dma_start3A_55 : memref<1x128xi32, #tpu.memory_space<vmem>> -> memref<128xi32, #tpu.memory_space<vmem>>
    %dma_start3A_57 = arith.constant 0 : i32
    %dma_start3A_58 = arith.constant 0 : i32
    %dma_start3A_59 = tpu.memref_slice %arg4[%add3A, %dma_start3A_57, %dma_start3A_58] : memref<32x80x128xi32, #tpu.memory_space<hbm>> -> memref<1x80x128xi32, #tpu.memory_space<hbm>>
    %dma_start3A_60 = tpu.memref_squeeze %dma_start3A_59 : memref<1x80x128xi32, #tpu.memory_space<hbm>> -> memref<80x128xi32, #tpu.memory_space<hbm>>
    %dma_start3A_61 = arith.constant 0 : i32
    %dma_start3A_62 = tpu.memref_slice %dma_start3A_60[%dma_start3A_42, %dma_start3A_61] : memref<80x128xi32, #tpu.memory_space<hbm>> -> memref<1x128xi32, #tpu.memory_space<hbm>>
    %dma_start3A_63 = tpu.memref_squeeze %dma_start3A_62 : memref<1x128xi32, #tpu.memory_space<hbm>> -> memref<128xi32, #tpu.memory_space<hbm>>
    tpu.enqueue_dma source(%dma_start3A_63 : memref<128xi32, #tpu.memory_space<hbm>>) target(%dma_start3A_56 : memref<128xi32, #tpu.memory_space<vmem>>) target_semaphore(%arg12 : memref<!tpu.dma_semaphore, #tpu.memory_space<semaphore_mem>>)
    %barrier3A = arith.constant 0 : index
    tpu.barrier barrier_id(%barrier3A)
    %scan3A_64 = arith.constant 0 : i32
    %scan3A_65 = arith.constant 0 : i32
    %scan3A_66 = arith.constant 164 : i32
    %scan3A_67 = arith.addi %scan3A_65, %scan3A_66 : i32
    %scan3A_68 = arith.constant 1 : i32
    %scan3A_69 = scf.for %scan3A_92 = %scan3A_65 to %scan3A_67 step %scan3A_68 iter_args(%scan3A_93 = %scan3A_64) -> (i32)  : i32 {
      %lt3A = arith.constant 160 : i32
      %lt3A_94 = arith.cmpi slt, %scan3A_92, %lt3A : i32
      %convert_element_type3A = arith.extui %lt3A_94 : i1 to i32
      %cond3A = arith.constant 0 : i32
      %cond3A_95 = arith.cmpi ne, %convert_element_type3A, %cond3A : i32
      scf.if %cond3A_95 {
        %rem3A_111 = arith.constant 6 : i32
        %rem3A_112 = arith.remsi %scan3A_92, %rem3A_111 : i32
        %mul3A_113 = arith.constant 64 : i32
        %mul3A_114 = arith.muli %scan3A_92, %mul3A_113 : i32
        %add3A_115 = arith.addi %mul3A_2, %mul3A_114 : i32
        %mul3A_116 = arith.constant 64 : i32
        %mul3A_117 = arith.muli %rem3A_112, %mul3A_116 : i32
        %dma_start3A_118 = tpu.memref_slice %arg7[%mul3A_117] : memref<384xi32, #tpu.memory_space<vmem>> -> memref<64xi32, #tpu.memory_space<vmem>>
        %dma_start3A_119 = tpu.memref_slice %arg3[%add3A_115] : memref<327680xi32, #tpu.memory_space<hbm>> -> memref<64xi32, #tpu.memory_space<hbm>>
        %dma_start3A_120 = tpu.memref_slice %arg7[%mul3A_117] : memref<384xi32, #tpu.memory_space<vmem>> -> memref<64xi32, #tpu.memory_space<vmem>>
        %dma_start3A_121 = tpu.memref_slice %arg3[%add3A_115] : memref<327680xi32, #tpu.memory_space<hbm>> -> memref<64xi32, #tpu.memory_space<hbm>>
        tpu.enqueue_dma source(%dma_start3A_121 : memref<64xi32, #tpu.memory_space<hbm>>) target(%dma_start3A_120 : memref<64xi32, #tpu.memory_space<vmem>>) target_semaphore(%arg10 : memref<!tpu.dma_semaphore, #tpu.memory_space<semaphore_mem>>)
      } else {
      }
      %ge3A = arith.constant 2 : i32
      %ge3A_96 = arith.cmpi sge, %scan3A_92, %ge3A : i32
      %lt3A_97 = arith.constant 162 : i32
      %lt3A_98 = arith.cmpi slt, %scan3A_92, %lt3A_97 : i32
      %and3A = arith.andi %ge3A_96, %lt3A_98 : i1
      %convert_element_type3A_99 = arith.extui %and3A : i1 to i32
      %cond3A_100 = arith.constant 0 : i32
      %cond3A_101 = arith.cmpi ne, %convert_element_type3A_99, %cond3A_100 : i32
      scf.if %cond3A_101 {
        %sub3A = arith.constant 2 : i32
        %sub3A_111 = arith.subi %scan3A_92, %sub3A : i32
        %rem3A_112 = arith.constant 6 : i32
        %rem3A_113 = arith.remsi %sub3A_111, %rem3A_112 : i32
        %rem3A_114 = arith.constant 4 : i32
        %rem3A_115 = arith.remsi %sub3A_111, %rem3A_114 : i32
        %dma_wait3A = arith.constant 0 : i32
        %dma_wait3A_116 = tpu.memref_slice %arg7[%dma_wait3A] : memref<384xi32, #tpu.memory_space<vmem>> -> memref<64xi32, #tpu.memory_space<vmem>>
        %dma_wait3A_117 = arith.constant 0 : i32
        %dma_wait3A_118 = tpu.memref_slice %arg3[%dma_wait3A_117] : memref<327680xi32, #tpu.memory_space<hbm>> -> memref<64xi32, #tpu.memory_space<hbm>>
        %dma_wait3A_119 = arith.constant 0 : i32
        %dma_wait3A_120 = tpu.memref_slice %arg7[%dma_wait3A_119] : memref<384xi32, #tpu.memory_space<vmem>> -> memref<64xi32, #tpu.memory_space<vmem>>
        %dma_wait3A_121 = arith.constant 0 : i32
        %dma_wait3A_122 = tpu.memref_slice %arg3[%dma_wait3A_121] : memref<327680xi32, #tpu.memory_space<hbm>> -> memref<64xi32, #tpu.memory_space<hbm>>
        tpu.wait_dma2 semaphore(%arg10 : memref<!tpu.dma_semaphore, #tpu.memory_space<semaphore_mem>>) src(%dma_wait3A_122 : memref<64xi32, #tpu.memory_space<hbm>>) dst(%dma_wait3A_120 : memref<64xi32, #tpu.memory_space<vmem>>)
        %mul3A_123 = arith.constant 64 : i32
        %mul3A_124 = arith.muli %rem3A_113, %mul3A_123 : i32
        %mul3A_125 = arith.constant 64 : i32
        %mul3A_126 = arith.muli %rem3A_115, %mul3A_125 : i32
        %dma_start3A_127 = arith.constant 0 : i32
        %dma_start3A_128 = tpu.memref_slice %arg6[%mul3A_126, %dma_start3A_127] : memref<256x128xf32, #tpu.memory_space<vmem>> -> memref<64x128xf32, #tpu.memory_space<vmem>>
        %dma_start3A_129 = tpu.memref_slice %arg7[%mul3A_124] : memref<384xi32, #tpu.memory_space<vmem>> -> memref<64xi32, #tpu.memory_space<vmem>>
        %dma_start3A_130 = arith.constant 0 : i32
        %dma_start3A_131 = arith.constant 0 : i32
        %dma_start3A_132 = tpu.memref_slice %arg2[%dma_start3A_130, %dma_start3A_131] : memref<10112x128xf32, #tpu.memory_space<hbm>> -> memref<10112x128xf32, #tpu.memory_space<hbm>>
        tpu.enqueue_indirect_dma source(%dma_start3A_132 : memref<10112x128xf32, #tpu.memory_space<hbm>>) target(%dma_start3A_128 : memref<64x128xf32, #tpu.memory_space<vmem>>) offsets(%dma_start3A_129 : memref<64xi32, #tpu.memory_space<vmem>>) semaphore(%arg11 : memref<!tpu.dma_semaphore, #tpu.memory_space<semaphore_mem>>)
      } else {
      }
      %ge3A_102 = arith.constant 5 : i32
      %ge3A_103 = arith.cmpi sge, %scan3A_92, %ge3A_102 : i32
      %rem3A = arith.constant 2 : i32
      %rem3A_104 = arith.remsi %scan3A_92, %rem3A : i32
      %eq3A = arith.constant 1 : i32
      %eq3A_105 = arith.cmpi eq, %rem3A_104, %eq3A : i32
      %and3A_106 = arith.andi %ge3A_103, %eq3A_105 : i1
      %convert_element_type3A_107 = arith.extui %and3A_106 : i1 to i32
      %cond3A_108 = arith.constant 0 : i32
      %cond3A_109 = arith.cmpi ne, %convert_element_type3A_107, %cond3A_108 : i32
      scf.if %cond3A_109 {
        %sub3A = arith.constant 5 : i32
        %sub3A_111 = arith.subi %scan3A_92, %sub3A : i32
        %jit3A = arith.constant 2 : i32
        %div3A = arith.divsi %sub3A_111, %jit3A : i32
        %sign3A = arith.constant 0 : i32
        %sign3A_112 = arith.cmpi sgt, %sub3A_111, %sign3A : i32
        %sign3A_113 = arith.extui %sign3A_112 : i1 to i32
        %sign3A_114 = arith.constant 0 : i32
        %sign3A_115 = arith.cmpi slt, %sub3A_111, %sign3A_114 : i32
        %sign3A_116 = arith.extui %sign3A_115 : i1 to i32
        %sign3A_117 = arith.subi %sign3A_113, %sign3A_116 : i32
        %sign3A_118 = arith.constant 0 : i32
        %sign3A_119 = arith.cmpi sgt, %jit3A, %sign3A_118 : i32
        %sign3A_120 = arith.extui %sign3A_119 : i1 to i32
        %sign3A_121 = arith.constant 0 : i32
        %sign3A_122 = arith.cmpi slt, %jit3A, %sign3A_121 : i32
        %sign3A_123 = arith.extui %sign3A_122 : i1 to i32
        %sign3A_124 = arith.subi %sign3A_120, %sign3A_123 : i32
        %ne3A = arith.cmpi ne, %sign3A_117, %sign3A_124 : i32
        %rem3A_125 = arith.remsi %sub3A_111, %jit3A : i32
        %ne3A_126 = arith.constant 0 : i32
        %ne3A_127 = arith.cmpi ne, %rem3A_125, %ne3A_126 : i32
        %and3A_128 = arith.andi %ne3A, %ne3A_127 : i1
        %sub3A_129 = arith.constant 1 : i32
        %sub3A_130 = arith.subi %div3A, %sub3A_129 : i32
        %select_n3A = arith.select %and3A_128, %sub3A_130, %div3A : i32
        %rem3A_131 = arith.constant 2 : i32
        %rem3A_132 = arith.remsi %select_n3A, %rem3A_131 : i32
        %dma_wait3A = arith.constant 0 : i32
        %dma_wait3A_133 = arith.constant 0 : i32
        %dma_wait3A_134 = tpu.memref_slice %arg6[%dma_wait3A, %dma_wait3A_133] : memref<256x128xf32, #tpu.memory_space<vmem>> -> memref<128x128xf32, #tpu.memory_space<vmem>>
        %dma_wait3A_135 = arith.constant 0 : i32
        %dma_wait3A_136 = arith.constant 0 : i32
        %dma_wait3A_137 = tpu.memref_slice %arg2[%dma_wait3A_135, %dma_wait3A_136] : memref<10112x128xf32, #tpu.memory_space<hbm>> -> memref<128x128xf32, #tpu.memory_space<hbm>>
        %dma_wait3A_138 = arith.constant 0 : i32
        %dma_wait3A_139 = arith.constant 0 : i32
        %dma_wait3A_140 = tpu.memref_slice %arg6[%dma_wait3A_138, %dma_wait3A_139] : memref<256x128xf32, #tpu.memory_space<vmem>> -> memref<128x128xf32, #tpu.memory_space<vmem>>
        %dma_wait3A_141 = arith.constant 0 : i32
        %dma_wait3A_142 = arith.constant 0 : i32
        %dma_wait3A_143 = tpu.memref_slice %arg2[%dma_wait3A_141, %dma_wait3A_142] : memref<10112x128xf32, #tpu.memory_space<hbm>> -> memref<128x128xf32, #tpu.memory_space<hbm>>
        tpu.wait_dma2 semaphore(%arg11 : memref<!tpu.dma_semaphore, #tpu.memory_space<semaphore_mem>>) src(%dma_wait3A_143 : memref<128x128xf32, #tpu.memory_space<hbm>>) dst(%dma_wait3A_140 : memref<128x128xf32, #tpu.memory_space<vmem>>)
        %dma_wait3A_144 = arith.constant 0 : i32
        %dma_wait3A_145 = arith.constant 0 : i32
        %dma_wait3A_146 = arith.constant 0 : i32
        %dma_wait3A_147 = tpu.memref_slice %arg8[%dma_wait3A_145, %dma_wait3A_146] : memref<2x128xi32, #tpu.memory_space<vmem>> -> memref<1x128xi32, #tpu.memory_space<vmem>>
        %dma_wait3A_148 = tpu.memref_squeeze %dma_wait3A_147 : memref<1x128xi32, #tpu.memory_space<vmem>> -> memref<128xi32, #tpu.memory_space<vmem>>
        %dma_wait3A_149 = arith.constant 0 : i32
        %dma_wait3A_150 = arith.constant 0 : i32
        %dma_wait3A_151 = tpu.memref_slice %arg4[%add3A, %dma_wait3A_149, %dma_wait3A_150] : memref<32x80x128xi32, #tpu.memory_space<hbm>> -> memref<1x80x128xi32, #tpu.memory_space<hbm>>
        %dma_wait3A_152 = tpu.memref_squeeze %dma_wait3A_151 : memref<1x80x128xi32, #tpu.memory_space<hbm>> -> memref<80x128xi32, #tpu.memory_space<hbm>>
        %dma_wait3A_153 = arith.constant 0 : i32
        %dma_wait3A_154 = tpu.memref_slice %dma_wait3A_152[%dma_wait3A_144, %dma_wait3A_153] : memref<80x128xi32, #tpu.memory_space<hbm>> -> memref<1x128xi32, #tpu.memory_space<hbm>>
        %dma_wait3A_155 = tpu.memref_squeeze %dma_wait3A_154 : memref<1x128xi32, #tpu.memory_space<hbm>> -> memref<128xi32, #tpu.memory_space<hbm>>
        %dma_wait3A_156 = arith.constant 0 : i32
        %dma_wait3A_157 = tpu.memref_slice %arg8[%dma_wait3A_145, %dma_wait3A_156] : memref<2x128xi32, #tpu.memory_space<vmem>> -> memref<1x128xi32, #tpu.memory_space<vmem>>
        %dma_wait3A_158 = tpu.memref_squeeze %dma_wait3A_157 : memref<1x128xi32, #tpu.memory_space<vmem>> -> memref<128xi32, #tpu.memory_space<vmem>>
        %dma_wait3A_159 = arith.constant 0 : i32
        %dma_wait3A_160 = arith.constant 0 : i32
        %dma_wait3A_161 = tpu.memref_slice %arg4[%add3A, %dma_wait3A_159, %dma_wait3A_160] : memref<32x80x128xi32, #tpu.memory_space<hbm>> -> memref<1x80x128xi32, #tpu.memory_space<hbm>>
        %dma_wait3A_162 = tpu.memref_squeeze %dma_wait3A_161 : memref<1x80x128xi32, #tpu.memory_space<hbm>> -> memref<80x128xi32, #tpu.memory_space<hbm>>
        %dma_wait3A_163 = arith.constant 0 : i32
        %dma_wait3A_164 = tpu.memref_slice %dma_wait3A_162[%dma_wait3A_144, %dma_wait3A_163] : memref<80x128xi32, #tpu.memory_space<hbm>> -> memref<1x128xi32, #tpu.memory_space<hbm>>
        %dma_wait3A_165 = tpu.memref_squeeze %dma_wait3A_164 : memref<1x128xi32, #tpu.memory_space<hbm>> -> memref<128xi32, #tpu.memory_space<hbm>>
        tpu.wait_dma2 semaphore(%arg12 : memref<!tpu.dma_semaphore, #tpu.memory_space<semaphore_mem>>) src(%dma_wait3A_165 : memref<128xi32, #tpu.memory_space<hbm>>) dst(%dma_wait3A_158 : memref<128xi32, #tpu.memory_space<vmem>>)
        %mul3A_166 = arith.constant 128 : i32
        %mul3A_167 = arith.muli %rem3A_132, %mul3A_166 : i32
        "tpu.region"() ({
          %run_scoped3A = tpu.sem_alloc : memref<!tpu.dma_semaphore, #tpu.memory_space<semaphore_mem>>
          %dma_start3A_175 = arith.constant 0 : i32
          %dma_start3A_176 = tpu.memref_slice %arg6[%mul3A_167, %dma_start3A_175] : memref<256x128xf32, #tpu.memory_space<vmem>> -> memref<128x128xf32, #tpu.memory_space<vmem>>
          %dma_start3A_177 = arith.constant 0 : i32
          %dma_start3A_178 = tpu.memref_slice %arg8[%rem3A_132, %dma_start3A_177] : memref<2x128xi32, #tpu.memory_space<vmem>> -> memref<1x128xi32, #tpu.memory_space<vmem>>
          %dma_start3A_179 = tpu.memref_squeeze %dma_start3A_178 : memref<1x128xi32, #tpu.memory_space<vmem>> -> memref<128xi32, #tpu.memory_space<vmem>>
          %dma_start3A_180 = arith.constant 0 : i32
          %dma_start3A_181 = arith.constant 0 : i32
          %dma_start3A_182 = tpu.memref_slice %arg9[%dma_start3A_180, %dma_start3A_181] : memref<10112x128xf32, #tpu.memory_space<vmem_shared>> -> memref<10112x128xf32, #tpu.memory_space<vmem_shared>>
          tpu.enqueue_indirect_dma source(%dma_start3A_176 : memref<128x128xf32, #tpu.memory_space<vmem>>) target(%dma_start3A_182 : memref<10112x128xf32, #tpu.memory_space<vmem_shared>>) offsets(%dma_start3A_179 : memref<128xi32, #tpu.memory_space<vmem>>) semaphore(%run_scoped3A : memref<!tpu.dma_semaphore, #tpu.memory_space<semaphore_mem>>) {add = true}
          %dma_wait3A_183 = arith.constant 0 : i32
          %dma_wait3A_184 = tpu.memref_slice %arg6[%mul3A_167, %dma_wait3A_183] : memref<256x128xf32, #tpu.memory_space<vmem>> -> memref<128x128xf32, #tpu.memory_space<vmem>>
          %dma_wait3A_185 = arith.constant 0 : i32
          %dma_wait3A_186 = tpu.memref_slice %arg8[%rem3A_132, %dma_wait3A_185] : memref<2x128xi32, #tpu.memory_space<vmem>> -> memref<1x128xi32, #tpu.memory_space<vmem>>
          %dma_wait3A_187 = tpu.memref_squeeze %dma_wait3A_186 : memref<1x128xi32, #tpu.memory_space<vmem>> -> memref<128xi32, #tpu.memory_space<vmem>>
          %dma_wait3A_188 = arith.constant 0 : i32
          %dma_wait3A_189 = arith.constant 0 : i32
          %dma_wait3A_190 = tpu.memref_slice %arg9[%dma_wait3A_188, %dma_wait3A_189] : memref<10112x128xf32, #tpu.memory_space<vmem_shared>> -> memref<10112x128xf32, #tpu.memory_space<vmem_shared>>
          tpu.wait_indirect_dma semaphore(%run_scoped3A : memref<!tpu.dma_semaphore, #tpu.memory_space<semaphore_mem>>) src(%dma_wait3A_184 : memref<128x128xf32, #tpu.memory_space<vmem>>) dst(%dma_wait3A_190 : memref<10112x128xf32, #tpu.memory_space<vmem_shared>>)
          tpu.yield
        }) : () -> ()
        %add3A_168 = arith.constant 2 : i32
        %add3A_169 = arith.addi %select_n3A, %add3A_168 : i32
        %lt3A_170 = arith.constant 80 : i32
        %lt3A_171 = arith.cmpi slt, %add3A_169, %lt3A_170 : i32
        %convert_element_type3A_172 = arith.extui %lt3A_171 : i1 to i32
        %cond3A_173 = arith.constant 0 : i32
        %cond3A_174 = arith.cmpi ne, %convert_element_type3A_172, %cond3A_173 : i32
        scf.if %cond3A_174 {
          %add3A_175 = arith.constant 2 : i32
          %add3A_176 = arith.addi %select_n3A, %add3A_175 : i32
          %dma_start3A_177 = arith.constant 0 : i32
          %dma_start3A_178 = tpu.memref_slice %arg8[%rem3A_132, %dma_start3A_177] : memref<2x128xi32, #tpu.memory_space<vmem>> -> memref<1x128xi32, #tpu.memory_space<vmem>>
          %dma_start3A_179 = tpu.memref_squeeze %dma_start3A_178 : memref<1x128xi32, #tpu.memory_space<vmem>> -> memref<128xi32, #tpu.memory_space<vmem>>
          %dma_start3A_180 = arith.constant 0 : i32
          %dma_start3A_181 = arith.constant 0 : i32
          %dma_start3A_182 = tpu.memref_slice %arg4[%add3A, %dma_start3A_180, %dma_start3A_181] : memref<32x80x128xi32, #tpu.memory_space<hbm>> -> memref<1x80x128xi32, #tpu.memory_space<hbm>>
          %dma_start3A_183 = tpu.memref_squeeze %dma_start3A_182 : memref<1x80x128xi32, #tpu.memory_space<hbm>> -> memref<80x128xi32, #tpu.memory_space<hbm>>
          %dma_start3A_184 = arith.constant 0 : i32
          %dma_start3A_185 = tpu.memref_slice %dma_start3A_183[%add3A_176, %dma_start3A_184] : memref<80x128xi32, #tpu.memory_space<hbm>> -> memref<1x128xi32, #tpu.memory_space<hbm>>
          %dma_start3A_186 = tpu.memref_squeeze %dma_start3A_185 : memref<1x128xi32, #tpu.memory_space<hbm>> -> memref<128xi32, #tpu.memory_space<hbm>>
          %dma_start3A_187 = arith.constant 0 : i32
          %dma_start3A_188 = tpu.memref_slice %arg8[%rem3A_132, %dma_start3A_187] : memref<2x128xi32, #tpu.memory_space<vmem>> -> memref<1x128xi32, #tpu.memory_space<vmem>>
          %dma_start3A_189 = tpu.memref_squeeze %dma_start3A_188 : memref<1x128xi32, #tpu.memory_space<vmem>> -> memref<128xi32, #tpu.memory_space<vmem>>
          %dma_start3A_190 = arith.constant 0 : i32
          %dma_start3A_191 = arith.constant 0 : i32
          %dma_start3A_192 = tpu.memref_slice %arg4[%add3A, %dma_start3A_190, %dma_start3A_191] : memref<32x80x128xi32, #tpu.memory_space<hbm>> -> memref<1x80x128xi32, #tpu.memory_space<hbm>>
          %dma_start3A_193 = tpu.memref_squeeze %dma_start3A_192 : memref<1x80x128xi32, #tpu.memory_space<hbm>> -> memref<80x128xi32, #tpu.memory_space<hbm>>
          %dma_start3A_194 = arith.constant 0 : i32
          %dma_start3A_195 = tpu.memref_slice %dma_start3A_193[%add3A_176, %dma_start3A_194] : memref<80x128xi32, #tpu.memory_space<hbm>> -> memref<1x128xi32, #tpu.memory_space<hbm>>
          %dma_start3A_196 = tpu.memref_squeeze %dma_start3A_195 : memref<1x128xi32, #tpu.memory_space<hbm>> -> memref<128xi32, #tpu.memory_space<hbm>>
          tpu.enqueue_dma source(%dma_start3A_196 : memref<128xi32, #tpu.memory_space<hbm>>) target(%dma_start3A_189 : memref<128xi32, #tpu.memory_space<vmem>>) target_semaphore(%arg12 : memref<!tpu.dma_semaphore, #tpu.memory_space<semaphore_mem>>)
        } else {
        }
      } else {
      }
      %scan3A_110 = arith.constant 0 : i32
      scf.yield %scan3A_110 : i32
    }
    %scan3A_70 = arith.constant 164 : i32
    %barrier3A_71 = arith.constant 0 : index
    tpu.barrier barrier_id(%barrier3A_71)
    %add3A_72 = arith.constant 0 : i32
    %add3A_73 = arith.addi %mul3A_10, %add3A_72 : i32
    "tpu.region"() ({
      %run_scoped3A = tpu.sem_alloc : memref<!tpu.dma_semaphore, #tpu.memory_space<semaphore_mem>>
      %dma_start3A_92 = arith.constant 0 : i32
      %dma_start3A_93 = arith.constant 0 : i32
      %dma_start3A_94 = tpu.memref_slice %arg6[%dma_start3A_92, %dma_start3A_93] : memref<256x128xf32, #tpu.memory_space<vmem>> -> memref<128x128xf32, #tpu.memory_space<vmem>>
      %dma_start3A_95 = arith.constant 0 : i32
      %dma_start3A_96 = tpu.memref_slice %arg9[%add3A_73, %dma_start3A_95] : memref<10112x128xf32, #tpu.memory_space<vmem_shared>> -> memref<128x128xf32, #tpu.memory_space<vmem_shared>>
      %dma_start3A_97 = arith.constant 0 : i32
      %dma_start3A_98 = arith.constant 0 : i32
      %dma_start3A_99 = tpu.memref_slice %arg6[%dma_start3A_97, %dma_start3A_98] : memref<256x128xf32, #tpu.memory_space<vmem>> -> memref<128x128xf32, #tpu.memory_space<vmem>>
      %dma_start3A_100 = arith.constant 0 : i32
      %dma_start3A_101 = tpu.memref_slice %arg9[%add3A_73, %dma_start3A_100] : memref<10112x128xf32, #tpu.memory_space<vmem_shared>> -> memref<128x128xf32, #tpu.memory_space<vmem_shared>>
      tpu.enqueue_dma source(%dma_start3A_101 : memref<128x128xf32, #tpu.memory_space<vmem_shared>>) target(%dma_start3A_99 : memref<128x128xf32, #tpu.memory_space<vmem>>) target_semaphore(%run_scoped3A : memref<!tpu.dma_semaphore, #tpu.memory_space<semaphore_mem>>)
      %dma_wait3A = arith.constant 0 : i32
      %dma_wait3A_102 = arith.constant 0 : i32
      %dma_wait3A_103 = tpu.memref_slice %arg6[%dma_wait3A, %dma_wait3A_102] : memref<256x128xf32, #tpu.memory_space<vmem>> -> memref<128x128xf32, #tpu.memory_space<vmem>>
      %dma_wait3A_104 = arith.constant 0 : i32
      %dma_wait3A_105 = tpu.memref_slice %arg9[%add3A_73, %dma_wait3A_104] : memref<10112x128xf32, #tpu.memory_space<vmem_shared>> -> memref<128x128xf32, #tpu.memory_space<vmem_shared>>
      %dma_wait3A_106 = arith.constant 0 : i32
      %dma_wait3A_107 = arith.constant 0 : i32
      %dma_wait3A_108 = tpu.memref_slice %arg6[%dma_wait3A_106, %dma_wait3A_107] : memref<256x128xf32, #tpu.memory_space<vmem>> -> memref<128x128xf32, #tpu.memory_space<vmem>>
      %dma_wait3A_109 = arith.constant 0 : i32
      %dma_wait3A_110 = tpu.memref_slice %arg9[%add3A_73, %dma_wait3A_109] : memref<10112x128xf32, #tpu.memory_space<vmem_shared>> -> memref<128x128xf32, #tpu.memory_space<vmem_shared>>
      tpu.wait_dma2 semaphore(%run_scoped3A : memref<!tpu.dma_semaphore, #tpu.memory_space<semaphore_mem>>) src(%dma_wait3A_110 : memref<128x128xf32, #tpu.memory_space<vmem_shared>>) dst(%dma_wait3A_108 : memref<128x128xf32, #tpu.memory_space<vmem>>)
      tpu.yield
    }) : () -> ()
    %add3A_74 = arith.constant 0 : i32
    %add3A_75 = arith.addi %mul3A_10, %add3A_74 : i32
    "tpu.region"() ({
      %run_scoped3A = tpu.sem_alloc : memref<!tpu.dma_semaphore, #tpu.memory_space<semaphore_mem>>
      %dma_start3A_92 = arith.constant 0 : i32
      %dma_start3A_93 = arith.constant 0 : i32
      %dma_start3A_94 = tpu.memref_slice %arg6[%dma_start3A_92, %dma_start3A_93] : memref<256x128xf32, #tpu.memory_space<vmem>> -> memref<128x128xf32, #tpu.memory_space<vmem>>
      %dma_start3A_95 = arith.constant 0 : i32
      %dma_start3A_96 = tpu.memref_slice %arg5[%arg0, %add3A_75, %dma_start3A_95] : memref<2x10112x128xf32, #tpu.memory_space<hbm>> -> memref<1x128x128xf32, #tpu.memory_space<hbm>>
      %dma_start3A_97 = tpu.memref_squeeze %dma_start3A_96 : memref<1x128x128xf32, #tpu.memory_space<hbm>> -> memref<128x128xf32, #tpu.memory_space<hbm>>
      %dma_start3A_98 = arith.constant 0 : i32
      %dma_start3A_99 = tpu.memref_slice %arg5[%arg0, %add3A_75, %dma_start3A_98] : memref<2x10112x128xf32, #tpu.memory_space<hbm>> -> memref<1x128x128xf32, #tpu.memory_space<hbm>>
      %dma_start3A_100 = tpu.memref_squeeze %dma_start3A_99 : memref<1x128x128xf32, #tpu.memory_space<hbm>> -> memref<128x128xf32, #tpu.memory_space<hbm>>
      %dma_start3A_101 = arith.constant 0 : i32
      %dma_start3A_102 = arith.constant 0 : i32
      %dma_start3A_103 = tpu.memref_slice %arg6[%dma_start3A_101, %dma_start3A_102] : memref<256x128xf32, #tpu.memory_space<vmem>> -> memref<128x128xf32, #tpu.memory_space<vmem>>
      tpu.enqueue_dma source(%dma_start3A_103 : memref<128x128xf32, #tpu.memory_space<vmem>>) target(%dma_start3A_100 : memref<128x128xf32, #tpu.memory_space<hbm>>) target_semaphore(%run_scoped3A : memref<!tpu.dma_semaphore, #tpu.memory_space<semaphore_mem>>)
      %dma_wait3A = arith.constant 0 : i32
      %dma_wait3A_104 = arith.constant 0 : i32
      %dma_wait3A_105 = tpu.memref_slice %arg6[%dma_wait3A, %dma_wait3A_104] : memref<256x128xf32, #tpu.memory_space<vmem>> -> memref<128x128xf32, #tpu.memory_space<vmem>>
      %dma_wait3A_106 = arith.constant 0 : i32
      %dma_wait3A_107 = tpu.memref_slice %arg5[%arg0, %add3A_75, %dma_wait3A_106] : memref<2x10112x128xf32, #tpu.memory_space<hbm>> -> memref<1x128x128xf32, #tpu.memory_space<hbm>>
      %dma_wait3A_108 = tpu.memref_squeeze %dma_wait3A_107 : memref<1x128x128xf32, #tpu.memory_space<hbm>> -> memref<128x128xf32, #tpu.memory_space<hbm>>
      %dma_wait3A_109 = arith.constant 0 : i32
      %dma_wait3A_110 = tpu.memref_slice %arg5[%arg0, %add3A_75, %dma_wait3A_109] : memref<2x10112x128xf32, #tpu.memory_space<hbm>> -> memref<1x128x128xf32, #tpu.memory_space<hbm>>
      %dma_wait3A_111 = tpu.memref_squeeze %dma_wait3A_110 : memref<1x128x128xf32, #tpu.memory_space<hbm>> -> memref<128x128xf32, #tpu.memory_space<hbm>>
      %dma_wait3A_112 = arith.constant 0 : i32
      %dma_wait3A_113 = arith.constant 0 : i32
      %dma_wait3A_114 = tpu.memref_slice %arg6[%dma_wait3A_112, %dma_wait3A_113] : memref<256x128xf32, #tpu.memory_space<vmem>> -> memref<128x128xf32, #tpu.memory_space<vmem>>
      tpu.wait_dma2 semaphore(%run_scoped3A : memref<!tpu.dma_semaphore, #tpu.memory_space<semaphore_mem>>) src(%dma_wait3A_114 : memref<128x128xf32, #tpu.memory_space<vmem>>) dst(%dma_wait3A_111 : memref<128x128xf32, #tpu.memory_space<hbm>>)
      tpu.yield
    }) : () -> ()
    %add3A_76 = arith.constant 128 : i32
    %add3A_77 = arith.addi %mul3A_10, %add3A_76 : i32
    "tpu.region"() ({
      %run_scoped3A = tpu.sem_alloc : memref<!tpu.dma_semaphore, #tpu.memory_space<semaphore_mem>>
      %dma_start3A_92 = arith.constant 0 : i32
      %dma_start3A_93 = arith.constant 0 : i32
      %dma_start3A_94 = tpu.memref_slice %arg6[%dma_start3A_92, %dma_start3A_93] : memref<256x128xf32, #tpu.memory_space<vmem>> -> memref<128x128xf32, #tpu.memory_space<vmem>>
      %dma_start3A_95 = arith.constant 0 : i32
      %dma_start3A_96 = tpu.memref_slice %arg9[%add3A_77, %dma_start3A_95] : memref<10112x128xf32, #tpu.memory_space<vmem_shared>> -> memref<128x128xf32, #tpu.memory_space<vmem_shared>>
      %dma_start3A_97 = arith.constant 0 : i32
      %dma_start3A_98 = arith.constant 0 : i32
      %dma_start3A_99 = tpu.memref_slice %arg6[%dma_start3A_97, %dma_start3A_98] : memref<256x128xf32, #tpu.memory_space<vmem>> -> memref<128x128xf32, #tpu.memory_space<vmem>>
      %dma_start3A_100 = arith.constant 0 : i32
      %dma_start3A_101 = tpu.memref_slice %arg9[%add3A_77, %dma_start3A_100] : memref<10112x128xf32, #tpu.memory_space<vmem_shared>> -> memref<128x128xf32, #tpu.memory_space<vmem_shared>>
      tpu.enqueue_dma source(%dma_start3A_101 : memref<128x128xf32, #tpu.memory_space<vmem_shared>>) target(%dma_start3A_99 : memref<128x128xf32, #tpu.memory_space<vmem>>) target_semaphore(%run_scoped3A : memref<!tpu.dma_semaphore, #tpu.memory_space<semaphore_mem>>)
      %dma_wait3A = arith.constant 0 : i32
      %dma_wait3A_102 = arith.constant 0 : i32
      %dma_wait3A_103 = tpu.memref_slice %arg6[%dma_wait3A, %dma_wait3A_102] : memref<256x128xf32, #tpu.memory_space<vmem>> -> memref<128x128xf32, #tpu.memory_space<vmem>>
      %dma_wait3A_104 = arith.constant 0 : i32
      %dma_wait3A_105 = tpu.memref_slice %arg9[%add3A_77, %dma_wait3A_104] : memref<10112x128xf32, #tpu.memory_space<vmem_shared>> -> memref<128x128xf32, #tpu.memory_space<vmem_shared>>
      %dma_wait3A_106 = arith.constant 0 : i32
      %dma_wait3A_107 = arith.constant 0 : i32
      %dma_wait3A_108 = tpu.memref_slice %arg6[%dma_wait3A_106, %dma_wait3A_107] : memref<256x128xf32, #tpu.memory_space<vmem>> -> memref<128x128xf32, #tpu.memory_space<vmem>>
      %dma_wait3A_109 = arith.constant 0 : i32
      %dma_wait3A_110 = tpu.memref_slice %arg9[%add3A_77, %dma_wait3A_109] : memref<10112x128xf32, #tpu.memory_space<vmem_shared>> -> memref<128x128xf32, #tpu.memory_space<vmem_shared>>
      tpu.wait_dma2 semaphore(%run_scoped3A : memref<!tpu.dma_semaphore, #tpu.memory_space<semaphore_mem>>) src(%dma_wait3A_110 : memref<128x128xf32, #tpu.memory_space<vmem_shared>>) dst(%dma_wait3A_108 : memref<128x128xf32, #tpu.memory_space<vmem>>)
      tpu.yield
    }) : () -> ()
    %add3A_78 = arith.constant 128 : i32
    %add3A_79 = arith.addi %mul3A_10, %add3A_78 : i32
    "tpu.region"() ({
      %run_scoped3A = tpu.sem_alloc : memref<!tpu.dma_semaphore, #tpu.memory_space<semaphore_mem>>
      %dma_start3A_92 = arith.constant 0 : i32
      %dma_start3A_93 = arith.constant 0 : i32
      %dma_start3A_94 = tpu.memref_slice %arg6[%dma_start3A_92, %dma_start3A_93] : memref<256x128xf32, #tpu.memory_space<vmem>> -> memref<128x128xf32, #tpu.memory_space<vmem>>
      %dma_start3A_95 = arith.constant 0 : i32
      %dma_start3A_96 = tpu.memref_slice %arg5[%arg0, %add3A_79, %dma_start3A_95] : memref<2x10112x128xf32, #tpu.memory_space<hbm>> -> memref<1x128x128xf32, #tpu.memory_space<hbm>>
      %dma_start3A_97 = tpu.memref_squeeze %dma_start3A_96 : memref<1x128x128xf32, #tpu.memory_space<hbm>> -> memref<128x128xf32, #tpu.memory_space<hbm>>
      %dma_start3A_98 = arith.constant 0 : i32
      %dma_start3A_99 = tpu.memref_slice %arg5[%arg0, %add3A_79, %dma_start3A_98] : memref<2x10112x128xf32, #tpu.memory_space<hbm>> -> memref<1x128x128xf32, #tpu.memory_space<hbm>>
      %dma_start3A_100 = tpu.memref_squeeze %dma_start3A_99 : memref<1x128x128xf32, #tpu.memory_space<hbm>> -> memref<128x128xf32, #tpu.memory_space<hbm>>
      %dma_start3A_101 = arith.constant 0 : i32
      %dma_start3A_102 = arith.constant 0 : i32
      %dma_start3A_103 = tpu.memref_slice %arg6[%dma_start3A_101, %dma_start3A_102] : memref<256x128xf32, #tpu.memory_space<vmem>> -> memref<128x128xf32, #tpu.memory_space<vmem>>
      tpu.enqueue_dma source(%dma_start3A_103 : memref<128x128xf32, #tpu.memory_space<vmem>>) target(%dma_start3A_100 : memref<128x128xf32, #tpu.memory_space<hbm>>) target_semaphore(%run_scoped3A : memref<!tpu.dma_semaphore, #tpu.memory_space<semaphore_mem>>)
      %dma_wait3A = arith.constant 0 : i32
      %dma_wait3A_104 = arith.constant 0 : i32
      %dma_wait3A_105 = tpu.memref_slice %arg6[%dma_wait3A, %dma_wait3A_104] : memref<256x128xf32, #tpu.memory_space<vmem>> -> memref<128x128xf32, #tpu.memory_space<vmem>>
      %dma_wait3A_106 = arith.constant 0 : i32
      %dma_wait3A_107 = tpu.memref_slice %arg5[%arg0, %add3A_79, %dma_wait3A_106] : memref<2x10112x128xf32, #tpu.memory_space<hbm>> -> memref<1x128x128xf32, #tpu.memory_space<hbm>>
      %dma_wait3A_108 = tpu.memref_squeeze %dma_wait3A_107 : memref<1x128x128xf32, #tpu.memory_space<hbm>> -> memref<128x128xf32, #tpu.memory_space<hbm>>
      %dma_wait3A_109 = arith.constant 0 : i32
      %dma_wait3A_110 = tpu.memref_slice %arg5[%arg0, %add3A_79, %dma_wait3A_109] : memref<2x10112x128xf32, #tpu.memory_space<hbm>> -> memref<1x128x128xf32, #tpu.memory_space<hbm>>
      %dma_wait3A_111 = tpu.memref_squeeze %dma_wait3A_110 : memref<1x128x128xf32, #tpu.memory_space<hbm>> -> memref<128x128xf32, #tpu.memory_space<hbm>>
      %dma_wait3A_112 = arith.constant 0 : i32
      %dma_wait3A_113 = arith.constant 0 : i32
      %dma_wait3A_114 = tpu.memref_slice %arg6[%dma_wait3A_112, %dma_wait3A_113] : memref<256x128xf32, #tpu.memory_space<vmem>> -> memref<128x128xf32, #tpu.memory_space<vmem>>
      tpu.wait_dma2 semaphore(%run_scoped3A : memref<!tpu.dma_semaphore, #tpu.memory_space<semaphore_mem>>) src(%dma_wait3A_114 : memref<128x128xf32, #tpu.memory_space<vmem>>) dst(%dma_wait3A_111 : memref<128x128xf32, #tpu.memory_space<hbm>>)
      tpu.yield
    }) : () -> ()
    %add3A_80 = arith.constant 256 : i32
    %add3A_81 = arith.addi %mul3A_10, %add3A_80 : i32
    "tpu.region"() ({
      %run_scoped3A = tpu.sem_alloc : memref<!tpu.dma_semaphore, #tpu.memory_space<semaphore_mem>>
      %dma_start3A_92 = arith.constant 0 : i32
      %dma_start3A_93 = arith.constant 0 : i32
      %dma_start3A_94 = tpu.memref_slice %arg6[%dma_start3A_92, %dma_start3A_93] : memref<256x128xf32, #tpu.memory_space<vmem>> -> memref<128x128xf32, #tpu.memory_space<vmem>>
      %dma_start3A_95 = arith.constant 0 : i32
      %dma_start3A_96 = tpu.memref_slice %arg9[%add3A_81, %dma_start3A_95] : memref<10112x128xf32, #tpu.memory_space<vmem_shared>> -> memref<128x128xf32, #tpu.memory_space<vmem_shared>>
      %dma_start3A_97 = arith.constant 0 : i32
      %dma_start3A_98 = arith.constant 0 : i32
      %dma_start3A_99 = tpu.memref_slice %arg6[%dma_start3A_97, %dma_start3A_98] : memref<256x128xf32, #tpu.memory_space<vmem>> -> memref<128x128xf32, #tpu.memory_space<vmem>>
      %dma_start3A_100 = arith.constant 0 : i32
      %dma_start3A_101 = tpu.memref_slice %arg9[%add3A_81, %dma_start3A_100] : memref<10112x128xf32, #tpu.memory_space<vmem_shared>> -> memref<128x128xf32, #tpu.memory_space<vmem_shared>>
      tpu.enqueue_dma source(%dma_start3A_101 : memref<128x128xf32, #tpu.memory_space<vmem_shared>>) target(%dma_start3A_99 : memref<128x128xf32, #tpu.memory_space<vmem>>) target_semaphore(%run_scoped3A : memref<!tpu.dma_semaphore, #tpu.memory_space<semaphore_mem>>)
      %dma_wait3A = arith.constant 0 : i32
      %dma_wait3A_102 = arith.constant 0 : i32
      %dma_wait3A_103 = tpu.memref_slice %arg6[%dma_wait3A, %dma_wait3A_102] : memref<256x128xf32, #tpu.memory_space<vmem>> -> memref<128x128xf32, #tpu.memory_space<vmem>>
      %dma_wait3A_104 = arith.constant 0 : i32
      %dma_wait3A_105 = tpu.memref_slice %arg9[%add3A_81, %dma_wait3A_104] : memref<10112x128xf32, #tpu.memory_space<vmem_shared>> -> memref<128x128xf32, #tpu.memory_space<vmem_shared>>
      %dma_wait3A_106 = arith.constant 0 : i32
      %dma_wait3A_107 = arith.constant 0 : i32
      %dma_wait3A_108 = tpu.memref_slice %arg6[%dma_wait3A_106, %dma_wait3A_107] : memref<256x128xf32, #tpu.memory_space<vmem>> -> memref<128x128xf32, #tpu.memory_space<vmem>>
      %dma_wait3A_109 = arith.constant 0 : i32
      %dma_wait3A_110 = tpu.memref_slice %arg9[%add3A_81, %dma_wait3A_109] : memref<10112x128xf32, #tpu.memory_space<vmem_shared>> -> memref<128x128xf32, #tpu.memory_space<vmem_shared>>
      tpu.wait_dma2 semaphore(%run_scoped3A : memref<!tpu.dma_semaphore, #tpu.memory_space<semaphore_mem>>) src(%dma_wait3A_110 : memref<128x128xf32, #tpu.memory_space<vmem_shared>>) dst(%dma_wait3A_108 : memref<128x128xf32, #tpu.memory_space<vmem>>)
      tpu.yield
    }) : () -> ()
    %add3A_82 = arith.constant 256 : i32
    %add3A_83 = arith.addi %mul3A_10, %add3A_82 : i32
    "tpu.region"() ({
      %run_scoped3A = tpu.sem_alloc : memref<!tpu.dma_semaphore, #tpu.memory_space<semaphore_mem>>
      %dma_start3A_92 = arith.constant 0 : i32
      %dma_start3A_93 = arith.constant 0 : i32
      %dma_start3A_94 = tpu.memref_slice %arg6[%dma_start3A_92, %dma_start3A_93] : memref<256x128xf32, #tpu.memory_space<vmem>> -> memref<128x128xf32, #tpu.memory_space<vmem>>
      %dma_start3A_95 = arith.constant 0 : i32
      %dma_start3A_96 = tpu.memref_slice %arg5[%arg0, %add3A_83, %dma_start3A_95] : memref<2x10112x128xf32, #tpu.memory_space<hbm>> -> memref<1x128x128xf32, #tpu.memory_space<hbm>>
      %dma_start3A_97 = tpu.memref_squeeze %dma_start3A_96 : memref<1x128x128xf32, #tpu.memory_space<hbm>> -> memref<128x128xf32, #tpu.memory_space<hbm>>
      %dma_start3A_98 = arith.constant 0 : i32
      %dma_start3A_99 = tpu.memref_slice %arg5[%arg0, %add3A_83, %dma_start3A_98] : memref<2x10112x128xf32, #tpu.memory_space<hbm>> -> memref<1x128x128xf32, #tpu.memory_space<hbm>>
      %dma_start3A_100 = tpu.memref_squeeze %dma_start3A_99 : memref<1x128x128xf32, #tpu.memory_space<hbm>> -> memref<128x128xf32, #tpu.memory_space<hbm>>
      %dma_start3A_101 = arith.constant 0 : i32
      %dma_start3A_102 = arith.constant 0 : i32
      %dma_start3A_103 = tpu.memref_slice %arg6[%dma_start3A_101, %dma_start3A_102] : memref<256x128xf32, #tpu.memory_space<vmem>> -> memref<128x128xf32, #tpu.memory_space<vmem>>
      tpu.enqueue_dma source(%dma_start3A_103 : memref<128x128xf32, #tpu.memory_space<vmem>>) target(%dma_start3A_100 : memref<128x128xf32, #tpu.memory_space<hbm>>) target_semaphore(%run_scoped3A : memref<!tpu.dma_semaphore, #tpu.memory_space<semaphore_mem>>)
      %dma_wait3A = arith.constant 0 : i32
      %dma_wait3A_104 = arith.constant 0 : i32
      %dma_wait3A_105 = tpu.memref_slice %arg6[%dma_wait3A, %dma_wait3A_104] : memref<256x128xf32, #tpu.memory_space<vmem>> -> memref<128x128xf32, #tpu.memory_space<vmem>>
      %dma_wait3A_106 = arith.constant 0 : i32
      %dma_wait3A_107 = tpu.memref_slice %arg5[%arg0, %add3A_83, %dma_wait3A_106] : memref<2x10112x128xf32, #tpu.memory_space<hbm>> -> memref<1x128x128xf32, #tpu.memory_space<hbm>>
      %dma_wait3A_108 = tpu.memref_squeeze %dma_wait3A_107 : memref<1x128x128xf32, #tpu.memory_space<hbm>> -> memref<128x128xf32, #tpu.memory_space<hbm>>
      %dma_wait3A_109 = arith.constant 0 : i32
      %dma_wait3A_110 = tpu.memref_slice %arg5[%arg0, %add3A_83, %dma_wait3A_109] : memref<2x10112x128xf32, #tpu.memory_space<hbm>> -> memref<1x128x128xf32, #tpu.memory_space<hbm>>
      %dma_wait3A_111 = tpu.memref_squeeze %dma_wait3A_110 : memref<1x128x128xf32, #tpu.memory_space<hbm>> -> memref<128x128xf32, #tpu.memory_space<hbm>>
      %dma_wait3A_112 = arith.constant 0 : i32
      %dma_wait3A_113 = arith.constant 0 : i32
      %dma_wait3A_114 = tpu.memref_slice %arg6[%dma_wait3A_112, %dma_wait3A_113] : memref<256x128xf32, #tpu.memory_space<vmem>> -> memref<128x128xf32, #tpu.memory_space<vmem>>
      tpu.wait_dma2 semaphore(%run_scoped3A : memref<!tpu.dma_semaphore, #tpu.memory_space<semaphore_mem>>) src(%dma_wait3A_114 : memref<128x128xf32, #tpu.memory_space<vmem>>) dst(%dma_wait3A_111 : memref<128x128xf32, #tpu.memory_space<hbm>>)
      tpu.yield
    }) : () -> ()
    %add3A_84 = arith.constant 384 : i32
    %add3A_85 = arith.addi %mul3A_10, %add3A_84 : i32
    "tpu.region"() ({
      %run_scoped3A = tpu.sem_alloc : memref<!tpu.dma_semaphore, #tpu.memory_space<semaphore_mem>>
      %dma_start3A_92 = arith.constant 0 : i32
      %dma_start3A_93 = arith.constant 0 : i32
      %dma_start3A_94 = tpu.memref_slice %arg6[%dma_start3A_92, %dma_start3A_93] : memref<256x128xf32, #tpu.memory_space<vmem>> -> memref<128x128xf32, #tpu.memory_space<vmem>>
      %dma_start3A_95 = arith.constant 0 : i32
      %dma_start3A_96 = tpu.memref_slice %arg9[%add3A_85, %dma_start3A_95] : memref<10112x128xf32, #tpu.memory_space<vmem_shared>> -> memref<128x128xf32, #tpu.memory_space<vmem_shared>>
      %dma_start3A_97 = arith.constant 0 : i32
      %dma_start3A_98 = arith.constant 0 : i32
      %dma_start3A_99 = tpu.memref_slice %arg6[%dma_start3A_97, %dma_start3A_98] : memref<256x128xf32, #tpu.memory_space<vmem>> -> memref<128x128xf32, #tpu.memory_space<vmem>>
      %dma_start3A_100 = arith.constant 0 : i32
      %dma_start3A_101 = tpu.memref_slice %arg9[%add3A_85, %dma_start3A_100] : memref<10112x128xf32, #tpu.memory_space<vmem_shared>> -> memref<128x128xf32, #tpu.memory_space<vmem_shared>>
      tpu.enqueue_dma source(%dma_start3A_101 : memref<128x128xf32, #tpu.memory_space<vmem_shared>>) target(%dma_start3A_99 : memref<128x128xf32, #tpu.memory_space<vmem>>) target_semaphore(%run_scoped3A : memref<!tpu.dma_semaphore, #tpu.memory_space<semaphore_mem>>)
      %dma_wait3A = arith.constant 0 : i32
      %dma_wait3A_102 = arith.constant 0 : i32
      %dma_wait3A_103 = tpu.memref_slice %arg6[%dma_wait3A, %dma_wait3A_102] : memref<256x128xf32, #tpu.memory_space<vmem>> -> memref<128x128xf32, #tpu.memory_space<vmem>>
      %dma_wait3A_104 = arith.constant 0 : i32
      %dma_wait3A_105 = tpu.memref_slice %arg9[%add3A_85, %dma_wait3A_104] : memref<10112x128xf32, #tpu.memory_space<vmem_shared>> -> memref<128x128xf32, #tpu.memory_space<vmem_shared>>
      %dma_wait3A_106 = arith.constant 0 : i32
      %dma_wait3A_107 = arith.constant 0 : i32
      %dma_wait3A_108 = tpu.memref_slice %arg6[%dma_wait3A_106, %dma_wait3A_107] : memref<256x128xf32, #tpu.memory_space<vmem>> -> memref<128x128xf32, #tpu.memory_space<vmem>>
      %dma_wait3A_109 = arith.constant 0 : i32
      %dma_wait3A_110 = tpu.memref_slice %arg9[%add3A_85, %dma_wait3A_109] : memref<10112x128xf32, #tpu.memory_space<vmem_shared>> -> memref<128x128xf32, #tpu.memory_space<vmem_shared>>
      tpu.wait_dma2 semaphore(%run_scoped3A : memref<!tpu.dma_semaphore, #tpu.memory_space<semaphore_mem>>) src(%dma_wait3A_110 : memref<128x128xf32, #tpu.memory_space<vmem_shared>>) dst(%dma_wait3A_108 : memref<128x128xf32, #tpu.memory_space<vmem>>)
      tpu.yield
    }) : () -> ()
    %add3A_86 = arith.constant 384 : i32
    %add3A_87 = arith.addi %mul3A_10, %add3A_86 : i32
    "tpu.region"() ({
      %run_scoped3A = tpu.sem_alloc : memref<!tpu.dma_semaphore, #tpu.memory_space<semaphore_mem>>
      %dma_start3A_92 = arith.constant 0 : i32
      %dma_start3A_93 = arith.constant 0 : i32
      %dma_start3A_94 = tpu.memref_slice %arg6[%dma_start3A_92, %dma_start3A_93] : memref<256x128xf32, #tpu.memory_space<vmem>> -> memref<128x128xf32, #tpu.memory_space<vmem>>
      %dma_start3A_95 = arith.constant 0 : i32
      %dma_start3A_96 = tpu.memref_slice %arg5[%arg0, %add3A_87, %dma_start3A_95] : memref<2x10112x128xf32, #tpu.memory_space<hbm>> -> memref<1x128x128xf32, #tpu.memory_space<hbm>>
      %dma_start3A_97 = tpu.memref_squeeze %dma_start3A_96 : memref<1x128x128xf32, #tpu.memory_space<hbm>> -> memref<128x128xf32, #tpu.memory_space<hbm>>
      %dma_start3A_98 = arith.constant 0 : i32
      %dma_start3A_99 = tpu.memref_slice %arg5[%arg0, %add3A_87, %dma_start3A_98] : memref<2x10112x128xf32, #tpu.memory_space<hbm>> -> memref<1x128x128xf32, #tpu.memory_space<hbm>>
      %dma_start3A_100 = tpu.memref_squeeze %dma_start3A_99 : memref<1x128x128xf32, #tpu.memory_space<hbm>> -> memref<128x128xf32, #tpu.memory_space<hbm>>
      %dma_start3A_101 = arith.constant 0 : i32
      %dma_start3A_102 = arith.constant 0 : i32
      %dma_start3A_103 = tpu.memref_slice %arg6[%dma_start3A_101, %dma_start3A_102] : memref<256x128xf32, #tpu.memory_space<vmem>> -> memref<128x128xf32, #tpu.memory_space<vmem>>
      tpu.enqueue_dma source(%dma_start3A_103 : memref<128x128xf32, #tpu.memory_space<vmem>>) target(%dma_start3A_100 : memref<128x128xf32, #tpu.memory_space<hbm>>) target_semaphore(%run_scoped3A : memref<!tpu.dma_semaphore, #tpu.memory_space<semaphore_mem>>)
      %dma_wait3A = arith.constant 0 : i32
      %dma_wait3A_104 = arith.constant 0 : i32
      %dma_wait3A_105 = tpu.memref_slice %arg6[%dma_wait3A, %dma_wait3A_104] : memref<256x128xf32, #tpu.memory_space<vmem>> -> memref<128x128xf32, #tpu.memory_space<vmem>>
      %dma_wait3A_106 = arith.constant 0 : i32
      %dma_wait3A_107 = tpu.memref_slice %arg5[%arg0, %add3A_87, %dma_wait3A_106] : memref<2x10112x128xf32, #tpu.memory_space<hbm>> -> memref<1x128x128xf32, #tpu.memory_space<hbm>>
      %dma_wait3A_108 = tpu.memref_squeeze %dma_wait3A_107 : memref<1x128x128xf32, #tpu.memory_space<hbm>> -> memref<128x128xf32, #tpu.memory_space<hbm>>
      %dma_wait3A_109 = arith.constant 0 : i32
      %dma_wait3A_110 = tpu.memref_slice %arg5[%arg0, %add3A_87, %dma_wait3A_109] : memref<2x10112x128xf32, #tpu.memory_space<hbm>> -> memref<1x128x128xf32, #tpu.memory_space<hbm>>
      %dma_wait3A_111 = tpu.memref_squeeze %dma_wait3A_110 : memref<1x128x128xf32, #tpu.memory_space<hbm>> -> memref<128x128xf32, #tpu.memory_space<hbm>>
      %dma_wait3A_112 = arith.constant 0 : i32
      %dma_wait3A_113 = arith.constant 0 : i32
      %dma_wait3A_114 = tpu.memref_slice %arg6[%dma_wait3A_112, %dma_wait3A_113] : memref<256x128xf32, #tpu.memory_space<vmem>> -> memref<128x128xf32, #tpu.memory_space<vmem>>
      tpu.wait_dma2 semaphore(%run_scoped3A : memref<!tpu.dma_semaphore, #tpu.memory_space<semaphore_mem>>) src(%dma_wait3A_114 : memref<128x128xf32, #tpu.memory_space<vmem>>) dst(%dma_wait3A_111 : memref<128x128xf32, #tpu.memory_space<hbm>>)
      tpu.yield
    }) : () -> ()
    %add3A_88 = arith.constant 512 : i32
    %add3A_89 = arith.addi %mul3A_10, %add3A_88 : i32
    "tpu.region"() ({
      %run_scoped3A = tpu.sem_alloc : memref<!tpu.dma_semaphore, #tpu.memory_space<semaphore_mem>>
      %dma_start3A_92 = arith.constant 0 : i32
      %dma_start3A_93 = arith.constant 0 : i32
      %dma_start3A_94 = tpu.memref_slice %arg6[%dma_start3A_92, %dma_start3A_93] : memref<256x128xf32, #tpu.memory_space<vmem>> -> memref<120x128xf32, #tpu.memory_space<vmem>>
      %dma_start3A_95 = arith.constant 0 : i32
      %dma_start3A_96 = tpu.memref_slice %arg9[%add3A_89, %dma_start3A_95] : memref<10112x128xf32, #tpu.memory_space<vmem_shared>> -> memref<120x128xf32, #tpu.memory_space<vmem_shared>>
      %dma_start3A_97 = arith.constant 0 : i32
      %dma_start3A_98 = arith.constant 0 : i32
      %dma_start3A_99 = tpu.memref_slice %arg6[%dma_start3A_97, %dma_start3A_98] : memref<256x128xf32, #tpu.memory_space<vmem>> -> memref<120x128xf32, #tpu.memory_space<vmem>>
      %dma_start3A_100 = arith.constant 0 : i32
      %dma_start3A_101 = tpu.memref_slice %arg9[%add3A_89, %dma_start3A_100] : memref<10112x128xf32, #tpu.memory_space<vmem_shared>> -> memref<120x128xf32, #tpu.memory_space<vmem_shared>>
      tpu.enqueue_dma source(%dma_start3A_101 : memref<120x128xf32, #tpu.memory_space<vmem_shared>>) target(%dma_start3A_99 : memref<120x128xf32, #tpu.memory_space<vmem>>) target_semaphore(%run_scoped3A : memref<!tpu.dma_semaphore, #tpu.memory_space<semaphore_mem>>)
      %dma_wait3A = arith.constant 0 : i32
      %dma_wait3A_102 = arith.constant 0 : i32
      %dma_wait3A_103 = tpu.memref_slice %arg6[%dma_wait3A, %dma_wait3A_102] : memref<256x128xf32, #tpu.memory_space<vmem>> -> memref<120x128xf32, #tpu.memory_space<vmem>>
      %dma_wait3A_104 = arith.constant 0 : i32
      %dma_wait3A_105 = tpu.memref_slice %arg9[%add3A_89, %dma_wait3A_104] : memref<10112x128xf32, #tpu.memory_space<vmem_shared>> -> memref<120x128xf32, #tpu.memory_space<vmem_shared>>
      %dma_wait3A_106 = arith.constant 0 : i32
      %dma_wait3A_107 = arith.constant 0 : i32
      %dma_wait3A_108 = tpu.memref_slice %arg6[%dma_wait3A_106, %dma_wait3A_107] : memref<256x128xf32, #tpu.memory_space<vmem>> -> memref<120x128xf32, #tpu.memory_space<vmem>>
      %dma_wait3A_109 = arith.constant 0 : i32
      %dma_wait3A_110 = tpu.memref_slice %arg9[%add3A_89, %dma_wait3A_109] : memref<10112x128xf32, #tpu.memory_space<vmem_shared>> -> memref<120x128xf32, #tpu.memory_space<vmem_shared>>
      tpu.wait_dma2 semaphore(%run_scoped3A : memref<!tpu.dma_semaphore, #tpu.memory_space<semaphore_mem>>) src(%dma_wait3A_110 : memref<120x128xf32, #tpu.memory_space<vmem_shared>>) dst(%dma_wait3A_108 : memref<120x128xf32, #tpu.memory_space<vmem>>)
      tpu.yield
    }) : () -> ()
    %add3A_90 = arith.constant 512 : i32
    %add3A_91 = arith.addi %mul3A_10, %add3A_90 : i32
    "tpu.region"() ({
      %run_scoped3A = tpu.sem_alloc : memref<!tpu.dma_semaphore, #tpu.memory_space<semaphore_mem>>
      %dma_start3A_92 = arith.constant 0 : i32
      %dma_start3A_93 = arith.constant 0 : i32
      %dma_start3A_94 = tpu.memref_slice %arg6[%dma_start3A_92, %dma_start3A_93] : memref<256x128xf32, #tpu.memory_space<vmem>> -> memref<120x128xf32, #tpu.memory_space<vmem>>
      %dma_start3A_95 = arith.constant 0 : i32
      %dma_start3A_96 = tpu.memref_slice %arg5[%arg0, %add3A_91, %dma_start3A_95] : memref<2x10112x128xf32, #tpu.memory_space<hbm>> -> memref<1x120x128xf32, #tpu.memory_space<hbm>>
      %dma_start3A_97 = tpu.memref_squeeze %dma_start3A_96 : memref<1x120x128xf32, #tpu.memory_space<hbm>> -> memref<120x128xf32, #tpu.memory_space<hbm>>
      %dma_start3A_98 = arith.constant 0 : i32
      %dma_start3A_99 = tpu.memref_slice %arg5[%arg0, %add3A_91, %dma_start3A_98] : memref<2x10112x128xf32, #tpu.memory_space<hbm>> -> memref<1x120x128xf32, #tpu.memory_space<hbm>>
      %dma_start3A_100 = tpu.memref_squeeze %dma_start3A_99 : memref<1x120x128xf32, #tpu.memory_space<hbm>> -> memref<120x128xf32, #tpu.memory_space<hbm>>
      %dma_start3A_101 = arith.constant 0 : i32
      %dma_start3A_102 = arith.constant 0 : i32
      %dma_start3A_103 = tpu.memref_slice %arg6[%dma_start3A_101, %dma_start3A_102] : memref<256x128xf32, #tpu.memory_space<vmem>> -> memref<120x128xf32, #tpu.memory_space<vmem>>
      tpu.enqueue_dma source(%dma_start3A_103 : memref<120x128xf32, #tpu.memory_space<vmem>>) target(%dma_start3A_100 : memref<120x128xf32, #tpu.memory_space<hbm>>) target_semaphore(%run_scoped3A : memref<!tpu.dma_semaphore, #tpu.memory_space<semaphore_mem>>)
      %dma_wait3A = arith.constant 0 : i32
      %dma_wait3A_104 = arith.constant 0 : i32
      %dma_wait3A_105 = tpu.memref_slice %arg6[%dma_wait3A, %dma_wait3A_104] : memref<256x128xf32, #tpu.memory_space<vmem>> -> memref<120x128xf32, #tpu.memory_space<vmem>>
      %dma_wait3A_106 = arith.constant 0 : i32
      %dma_wait3A_107 = tpu.memref_slice %arg5[%arg0, %add3A_91, %dma_wait3A_106] : memref<2x10112x128xf32, #tpu.memory_space<hbm>> -> memref<1x120x128xf32, #tpu.memory_space<hbm>>
      %dma_wait3A_108 = tpu.memref_squeeze %dma_wait3A_107 : memref<1x120x128xf32, #tpu.memory_space<hbm>> -> memref<120x128xf32, #tpu.memory_space<hbm>>
      %dma_wait3A_109 = arith.constant 0 : i32
      %dma_wait3A_110 = tpu.memref_slice %arg5[%arg0, %add3A_91, %dma_wait3A_109] : memref<2x10112x128xf32, #tpu.memory_space<hbm>> -> memref<1x120x128xf32, #tpu.memory_space<hbm>>
      %dma_wait3A_111 = tpu.memref_squeeze %dma_wait3A_110 : memref<1x120x128xf32, #tpu.memory_space<hbm>> -> memref<120x128xf32, #tpu.memory_space<hbm>>
      %dma_wait3A_112 = arith.constant 0 : i32
      %dma_wait3A_113 = arith.constant 0 : i32
      %dma_wait3A_114 = tpu.memref_slice %arg6[%dma_wait3A_112, %dma_wait3A_113] : memref<256x128xf32, #tpu.memory_space<vmem>> -> memref<120x128xf32, #tpu.memory_space<vmem>>
      tpu.wait_dma2 semaphore(%run_scoped3A : memref<!tpu.dma_semaphore, #tpu.memory_space<semaphore_mem>>) src(%dma_wait3A_114 : memref<120x128xf32, #tpu.memory_space<vmem>>) dst(%dma_wait3A_111 : memref<120x128xf32, #tpu.memory_space<hbm>>)
      tpu.yield
    }) : () -> ()
    return
  }
}

#map = affine_map<(d0, d1) -> (0, 0)>
#map1 = affine_map<(d0, d1) -> (0)>
#map2 = affine_map<(d0, d1) -> (0, 0, 0)>
module attributes {stable_mosaic.version = 14 : i64} {
  func.func @_scat_body(%arg0: i32, %arg1: i32, %arg2: memref<10112x128xf32, #tpu.memory_space<hbm>>, %arg3: memref<327680xi32, #tpu.memory_space<hbm>>, %arg4: memref<32x80x128xi32, #tpu.memory_space<hbm>>, %arg5: memref<2x10112x128xf32, #tpu.memory_space<hbm>>, %arg6: memref<256x128xf32, #tpu.memory_space<vmem>>, %arg7: memref<384xi32, #tpu.memory_space<vmem>>, %arg8: memref<2x128xi32, #tpu.memory_space<vmem>>, %arg9: memref<10112x128xf32, #tpu.memory_space<vmem_shared>>, %arg10: memref<!tpu.dma_semaphore, #tpu.memory_space<semaphore_mem>>, %arg11: memref<!tpu.dma_semaphore, #tpu.memory_space<semaphore_mem>>, %arg12: memref<!tpu.dma_semaphore, #tpu.memory_space<semaphore_mem>>) attributes {dimension_semantics = [#tpu.dimension_semantics<core_parallel>, #tpu.dimension_semantics<subcore_parallel>], iteration_bounds = array<i64: 2, 16>, scalar_prefetch = 0 : i64, scratch_operands = 7 : i64, tpu.core_type = #tpu.core_type<sc_vector_subcore>, window_params = [{transform_indices = #map}, {transform_indices = #map1}, {transform_indices = #map2}, {transform_indices = #map2}]} {
    %mul3A = arith.constant 16 : i32
    %mul3A_0 = arith.muli %arg0, %mul3A : i32
    %add3A = arith.addi %mul3A_0, %arg1 : i32
    %mul3A_1 = arith.constant 10240 : i32
    %mul3A_2 = arith.muli %add3A, %mul3A_1 : i32
    %scan3A = arith.constant 0 : i32
    %scan3A_3 = arith.constant 0 : i32
    %scan3A_4 = arith.constant 128 : i32
    %scan3A_5 = arith.addi %scan3A_3, %scan3A_4 : i32
    %scan3A_6 = arith.constant 1 : i32
    %scan3A_7 = scf.for %scan3A_92 = %scan3A_3 to %scan3A_5 step %scan3A_6 iter_args(%scan3A_93 = %scan3A) -> (i32)  : i32 {
      %broadcast_in_dim3A = arith.constant 0.000000e+00 : f32
      %broadcast_in_dim3A_94 = vector.broadcast %broadcast_in_dim3A : f32 to vector<16xf32>
      %swap3A = arith.index_cast %scan3A_92 : i32 to index
      %swap3A_95 = arith.constant 0 : index
      %swap3A_96 = tpu.vector_load %arg6[%swap3A, %swap3A_95] {strides = array<i32>} : memref<256x128xf32, #tpu.memory_space<vmem>>, vector<1x16xf32>,
      %swap3A_97 = vector.shape_cast %swap3A_96 : vector<1x16xf32> to vector<16xf32>
      %swap3A_98 = vector.shape_cast %broadcast_in_dim3A_94 : vector<16xf32> to vector<1x16xf32>
      tpu.vector_store %arg6[%swap3A, %swap3A_95], %swap3A_98 {strides = array<i32>} : memref<256x128xf32, #tpu.memory_space<vmem>>, vector<1x16xf32>,
      %broadcast_in_dim3A_99 = arith.constant 0.000000e+00 : f32
      %broadcast_in_dim3A_100 = vector.broadcast %broadcast_in_dim3A_99 : f32 to vector<16xf32>
      %swap3A_101 = arith.index_cast %scan3A_92 : i32 to index
      %swap3A_102 = arith.constant 16 : index
      %swap3A_103 = tpu.vector_load %arg6[%swap3A_101, %swap3A_102] {strides = array<i32>} : memref<256x128xf32, #tpu.memory_space<vmem>>, vector<1x16xf32>,
      %swap3A_104 = vector.shape_cast %swap3A_103 : vector<1x16xf32> to vector<16xf32>
      %swap3A_105 = vector.shape_cast %broadcast_in_dim3A_100 : vector<16xf32> to vector<1x16xf32>
      tpu.vector_store %arg6[%swap3A_101, %swap3A_102], %swap3A_105 {strides = array<i32>} : memref<256x128xf32, #tpu.memory_space<vmem>>, vector<1x16xf32>,
      %broadcast_in_dim3A_106 = arith.constant 0.000000e+00 : f32
      %broadcast_in_dim3A_107 = vector.broadcast %broadcast_in_dim3A_106 : f32 to vector<16xf32>
      %swap3A_108 = arith.index_cast %scan3A_92 : i32 to index
      %swap3A_109 = arith.constant 32 : index
      %swap3A_110 = tpu.vector_load %arg6[%swap3A_108, %swap3A_109] {strides = array<i32>} : memref<256x128xf32, #tpu.memory_space<vmem>>, vector<1x16xf32>,
      %swap3A_111 = vector.shape_cast %swap3A_110 : vector<1x16xf32> to vector<16xf32>
      %swap3A_112 = vector.shape_cast %broadcast_in_dim3A_107 : vector<16xf32> to vector<1x16xf32>
      tpu.vector_store %arg6[%swap3A_108, %swap3A_109], %swap3A_112 {strides = array<i32>} : memref<256x128xf32, #tpu.memory_space<vmem>>, vector<1x16xf32>,
      %broadcast_in_dim3A_113 = arith.constant 0.000000e+00 : f32
      %broadcast_in_dim3A_114 = vector.broadcast %broadcast_in_dim3A_113 : f32 to vector<16xf32>
      %swap3A_115 = arith.index_cast %scan3A_92 : i32 to index
      %swap3A_116 = arith.constant 48 : index
      %swap3A_117 = tpu.vector_load %arg6[%swap3A_115, %swap3A_116] {strides = array<i32>} : memref<256x128xf32, #tpu.memory_space<vmem>>, vector<1x16xf32>,
      %swap3A_118 = vector.shape_cast %swap3A_117 : vector<1x16xf32> to vector<16xf32>
      %swap3A_119 = vector.shape_cast %broadcast_in_dim3A_114 : vector<16xf32> to vector<1x16xf32>
      tpu.vector_store %arg6[%swap3A_115, %swap3A_116], %swap3A_119 {strides = array<i32>} : memref<256x128xf32, #tpu.memory_space<vmem>>, vector<1x16xf32>,
      %broadcast_in_dim3A_120 = arith.constant 0.000000e+00 : f32
      %broadcast_in_dim3A_121 = vector.broadcast %broadcast_in_dim3A_120 : f32 to vector<16xf32>
      %swap3A_122 = arith.index_cast %scan3A_92 : i32 to index
      %swap3A_123 = arith.constant 64 : index
      %swap3A_124 = tpu.vector_load %arg6[%swap3A_122, %swap3A_123] {strides = array<i32>} : memref<256x128xf32, #tpu.memory_space<vmem>>, vector<1x16xf32>,
      %swap3A_125 = vector.shape_cast %swap3A_124 : vector<1x16xf32> to vector<16xf32>
      %swap3A_126 = vector.shape_cast %broadcast_in_dim3A_121 : vector<16xf32> to vector<1x16xf32>
      tpu.vector_store %arg6[%swap3A_122, %swap3A_123], %swap3A_126 {strides = array<i32>} : memref<256x128xf32, #tpu.memory_space<vmem>>, vector<1x16xf32>,
      %broadcast_in_dim3A_127 = arith.constant 0.000000e+00 : f32
      %broadcast_in_dim3A_128 = vector.broadcast %broadcast_in_dim3A_127 : f32 to vector<16xf32>
      %swap3A_129 = arith.index_cast %scan3A_92 : i32 to index
      %swap3A_130 = arith.constant 80 : index
      %swap3A_131 = tpu.vector_load %arg6[%swap3A_129, %swap3A_130] {strides = array<i32>} : memref<256x128xf32, #tpu.memory_space<vmem>>, vector<1x16xf32>,
      %swap3A_132 = vector.shape_cast %swap3A_131 : vector<1x16xf32> to vector<16xf32>
      %swap3A_133 = vector.shape_cast %broadcast_in_dim3A_128 : vector<16xf32> to vector<1x16xf32>
      tpu.vector_store %arg6[%swap3A_129, %swap3A_130], %swap3A_133 {strides = array<i32>} : memref<256x128xf32, #tpu.memory_space<vmem>>, vector<1x16xf32>,
      %broadcast_in_dim3A_134 = arith.constant 0.000000e+00 : f32
      %broadcast_in_dim3A_135 = vector.broadcast %broadcast_in_dim3A_134 : f32 to vector<16xf32>
      %swap3A_136 = arith.index_cast %scan3A_92 : i32 to index
      %swap3A_137 = arith.constant 96 : index
      %swap3A_138 = tpu.vector_load %arg6[%swap3A_136, %swap3A_137] {strides = array<i32>} : memref<256x128xf32, #tpu.memory_space<vmem>>, vector<1x16xf32>,
      %swap3A_139 = vector.shape_cast %swap3A_138 : vector<1x16xf32> to vector<16xf32>
      %swap3A_140 = vector.shape_cast %broadcast_in_dim3A_135 : vector<16xf32> to vector<1x16xf32>
      tpu.vector_store %arg6[%swap3A_136, %swap3A_137], %swap3A_140 {strides = array<i32>} : memref<256x128xf32, #tpu.memory_space<vmem>>, vector<1x16xf32>,
      %broadcast_in_dim3A_141 = arith.constant 0.000000e+00 : f32
      %broadcast_in_dim3A_142 = vector.broadcast %broadcast_in_dim3A_141 : f32 to vector<16xf32>
      %swap3A_143 = arith.index_cast %scan3A_92 : i32 to index
      %swap3A_144 = arith.constant 112 : index
      %swap3A_145 = tpu.vector_load %arg6[%swap3A_143, %swap3A_144] {strides = array<i32>} : memref<256x128xf32, #tpu.memory_space<vmem>>, vector<1x16xf32>,
      %swap3A_146 = vector.shape_cast %swap3A_145 : vector<1x16xf32> to vector<16xf32>
      %swap3A_147 = vector.shape_cast %broadcast_in_dim3A_142 : vector<16xf32> to vector<1x16xf32>
      tpu.vector_store %arg6[%swap3A_143, %swap3A_144], %swap3A_147 {strides = array<i32>} : memref<256x128xf32, #tpu.memory_space<vmem>>, vector<1x16xf32>,
      %scan3A_148 = arith.constant 0 : i32
      scf.yield %scan3A_148 : i32
    }
    %scan3A_8 = arith.constant 128 : i32
    %mul3A_9 = arith.constant 632 : i32
    %mul3A_10 = arith.muli %arg1, %mul3A_9 : i32
    %add3A_11 = arith.constant 0 : i32
    %add3A_12 = arith.addi %mul3A_10, %add3A_11 : i32
    "tpu.region"() ({
      %run_scoped3A = tpu.sem_alloc : memref<!tpu.dma_semaphore, #tpu.memory_space<semaphore_mem>>
      %dma_start3A_92 = arith.constant 0 : i32
      %dma_start3A_93 = arith.constant 0 : i32
      %dma_start3A_94 = tpu.memref_slice %arg6[%dma_start3A_92, %dma_start3A_93] : memref<256x128xf32, #tpu.memory_space<vmem>> -> memref<128x128xf32, #tpu.memory_space<vmem>>
      %dma_start3A_95 = arith.constant 0 : i32
      %dma_start3A_96 = tpu.memref_slice %arg9[%add3A_12, %dma_start3A_95] : memref<10112x128xf32, #tpu.memory_space<vmem_shared>> -> memref<128x128xf32, #tpu.memory_space<vmem_shared>>
      %dma_start3A_97 = arith.constant 0 : i32
      %dma_start3A_98 = tpu.memref_slice %arg9[%add3A_12, %dma_start3A_97] : memref<10112x128xf32, #tpu.memory_space<vmem_shared>> -> memref<128x128xf32, #tpu.memory_space<vmem_shared>>
      %dma_start3A_99 = arith.constant 0 : i32
      %dma_start3A_100 = arith.constant 0 : i32
      %dma_start3A_101 = tpu.memref_slice %arg6[%dma_start3A_99, %dma_start3A_100] : memref<256x128xf32, #tpu.memory_space<vmem>> -> memref<128x128xf32, #tpu.memory_space<vmem>>
      tpu.enqueue_dma source(%dma_start3A_101 : memref<128x128xf32, #tpu.memory_space<vmem>>) target(%dma_start3A_98 : memref<128x128xf32, #tpu.memory_space<vmem_shared>>) target_semaphore(%run_scoped3A : memref<!tpu.dma_semaphore, #tpu.memory_space<semaphore_mem>>)
      %dma_wait3A = arith.constant 0 : i32
      %dma_wait3A_102 = arith.constant 0 : i32
      %dma_wait3A_103 = tpu.memref_slice %arg6[%dma_wait3A, %dma_wait3A_102] : memref<256x128xf32, #tpu.memory_space<vmem>> -> memref<128x128xf32, #tpu.memory_space<vmem>>
      %dma_wait3A_104 = arith.constant 0 : i32
      %dma_wait3A_105 = tpu.memref_slice %arg9[%add3A_12, %dma_wait3A_104] : memref<10112x128xf32, #tpu.memory_space<vmem_shared>> -> memref<128x128xf32, #tpu.memory_space<vmem_shared>>
      %dma_wait3A_106 = arith.constant 0 : i32
      %dma_wait3A_107 = tpu.memref_slice %arg9[%add3A_12, %dma_wait3A_106] : memref<10112x128xf32, #tpu.memory_space<vmem_shared>> -> memref<128x128xf32, #tpu.memory_space<vmem_shared>>
      %dma_wait3A_108 = arith.constant 0 : i32
      %dma_wait3A_109 = arith.constant 0 : i32
      %dma_wait3A_110 = tpu.memref_slice %arg6[%dma_wait3A_108, %dma_wait3A_109] : memref<256x128xf32, #tpu.memory_space<vmem>> -> memref<128x128xf32, #tpu.memory_space<vmem>>
      tpu.wait_dma2 semaphore(%run_scoped3A : memref<!tpu.dma_semaphore, #tpu.memory_space<semaphore_mem>>) src(%dma_wait3A_110 : memref<128x128xf32, #tpu.memory_space<vmem>>) dst(%dma_wait3A_107 : memref<128x128xf32, #tpu.memory_space<vmem_shared>>)
      tpu.yield
    }) : () -> ()
    %add3A_13 = arith.constant 128 : i32
    %add3A_14 = arith.addi %mul3A_10, %add3A_13 : i32
    "tpu.region"() ({
      %run_scoped3A = tpu.sem_alloc : memref<!tpu.dma_semaphore, #tpu.memory_space<semaphore_mem>>
      %dma_start3A_92 = arith.constant 0 : i32
      %dma_start3A_93 = arith.constant 0 : i32
      %dma_start3A_94 = tpu.memref_slice %arg6[%dma_start3A_92, %dma_start3A_93] : memref<256x128xf32, #tpu.memory_space<vmem>> -> memref<128x128xf32, #tpu.memory_space<vmem>>
      %dma_start3A_95 = arith.constant 0 : i32
      %dma_start3A_96 = tpu.memref_slice %arg9[%add3A_14, %dma_start3A_95] : memref<10112x128xf32, #tpu.memory_space<vmem_shared>> -> memref<128x128xf32, #tpu.memory_space<vmem_shared>>
      %dma_start3A_97 = arith.constant 0 : i32
      %dma_start3A_98 = tpu.memref_slice %arg9[%add3A_14, %dma_start3A_97] : memref<10112x128xf32, #tpu.memory_space<vmem_shared>> -> memref<128x128xf32, #tpu.memory_space<vmem_shared>>
      %dma_start3A_99 = arith.constant 0 : i32
      %dma_start3A_100 = arith.constant 0 : i32
      %dma_start3A_101 = tpu.memref_slice %arg6[%dma_start3A_99, %dma_start3A_100] : memref<256x128xf32, #tpu.memory_space<vmem>> -> memref<128x128xf32, #tpu.memory_space<vmem>>
      tpu.enqueue_dma source(%dma_start3A_101 : memref<128x128xf32, #tpu.memory_space<vmem>>) target(%dma_start3A_98 : memref<128x128xf32, #tpu.memory_space<vmem_shared>>) target_semaphore(%run_scoped3A : memref<!tpu.dma_semaphore, #tpu.memory_space<semaphore_mem>>)
      %dma_wait3A = arith.constant 0 : i32
      %dma_wait3A_102 = arith.constant 0 : i32
      %dma_wait3A_103 = tpu.memref_slice %arg6[%dma_wait3A, %dma_wait3A_102] : memref<256x128xf32, #tpu.memory_space<vmem>> -> memref<128x128xf32, #tpu.memory_space<vmem>>
      %dma_wait3A_104 = arith.constant 0 : i32
      %dma_wait3A_105 = tpu.memref_slice %arg9[%add3A_14, %dma_wait3A_104] : memref<10112x128xf32, #tpu.memory_space<vmem_shared>> -> memref<128x128xf32, #tpu.memory_space<vmem_shared>>
      %dma_wait3A_106 = arith.constant 0 : i32
      %dma_wait3A_107 = tpu.memref_slice %arg9[%add3A_14, %dma_wait3A_106] : memref<10112x128xf32, #tpu.memory_space<vmem_shared>> -> memref<128x128xf32, #tpu.memory_space<vmem_shared>>
      %dma_wait3A_108 = arith.constant 0 : i32
      %dma_wait3A_109 = arith.constant 0 : i32
      %dma_wait3A_110 = tpu.memref_slice %arg6[%dma_wait3A_108, %dma_wait3A_109] : memref<256x128xf32, #tpu.memory_space<vmem>> -> memref<128x128xf32, #tpu.memory_space<vmem>>
      tpu.wait_dma2 semaphore(%run_scoped3A : memref<!tpu.dma_semaphore, #tpu.memory_space<semaphore_mem>>) src(%dma_wait3A_110 : memref<128x128xf32, #tpu.memory_space<vmem>>) dst(%dma_wait3A_107 : memref<128x128xf32, #tpu.memory_space<vmem_shared>>)
      tpu.yield
    }) : () -> ()
    %add3A_15 = arith.constant 256 : i32
    %add3A_16 = arith.addi %mul3A_10, %add3A_15 : i32
    "tpu.region"() ({
      %run_scoped3A = tpu.sem_alloc : memref<!tpu.dma_semaphore, #tpu.memory_space<semaphore_mem>>
      %dma_start3A_92 = arith.constant 0 : i32
      %dma_start3A_93 = arith.constant 0 : i32
      %dma_start3A_94 = tpu.memref_slice %arg6[%dma_start3A_92, %dma_start3A_93] : memref<256x128xf32, #tpu.memory_space<vmem>> -> memref<128x128xf32, #tpu.memory_space<vmem>>
      %dma_start3A_95 = arith.constant 0 : i32
      %dma_start3A_96 = tpu.memref_slice %arg9[%add3A_16, %dma_start3A_95] : memref<10112x128xf32, #tpu.memory_space<vmem_shared>> -> memref<128x128xf32, #tpu.memory_space<vmem_shared>>
      %dma_start3A_97 = arith.constant 0 : i32
      %dma_start3A_98 = tpu.memref_slice %arg9[%add3A_16, %dma_start3A_97] : memref<10112x128xf32, #tpu.memory_space<vmem_shared>> -> memref<128x128xf32, #tpu.memory_space<vmem_shared>>
      %dma_start3A_99 = arith.constant 0 : i32
      %dma_start3A_100 = arith.constant 0 : i32
      %dma_start3A_101 = tpu.memref_slice %arg6[%dma_start3A_99, %dma_start3A_100] : memref<256x128xf32, #tpu.memory_space<vmem>> -> memref<128x128xf32, #tpu.memory_space<vmem>>
      tpu.enqueue_dma source(%dma_start3A_101 : memref<128x128xf32, #tpu.memory_space<vmem>>) target(%dma_start3A_98 : memref<128x128xf32, #tpu.memory_space<vmem_shared>>) target_semaphore(%run_scoped3A : memref<!tpu.dma_semaphore, #tpu.memory_space<semaphore_mem>>)
      %dma_wait3A = arith.constant 0 : i32
      %dma_wait3A_102 = arith.constant 0 : i32
      %dma_wait3A_103 = tpu.memref_slice %arg6[%dma_wait3A, %dma_wait3A_102] : memref<256x128xf32, #tpu.memory_space<vmem>> -> memref<128x128xf32, #tpu.memory_space<vmem>>
      %dma_wait3A_104 = arith.constant 0 : i32
      %dma_wait3A_105 = tpu.memref_slice %arg9[%add3A_16, %dma_wait3A_104] : memref<10112x128xf32, #tpu.memory_space<vmem_shared>> -> memref<128x128xf32, #tpu.memory_space<vmem_shared>>
      %dma_wait3A_106 = arith.constant 0 : i32
      %dma_wait3A_107 = tpu.memref_slice %arg9[%add3A_16, %dma_wait3A_106] : memref<10112x128xf32, #tpu.memory_space<vmem_shared>> -> memref<128x128xf32, #tpu.memory_space<vmem_shared>>
      %dma_wait3A_108 = arith.constant 0 : i32
      %dma_wait3A_109 = arith.constant 0 : i32
      %dma_wait3A_110 = tpu.memref_slice %arg6[%dma_wait3A_108, %dma_wait3A_109] : memref<256x128xf32, #tpu.memory_space<vmem>> -> memref<128x128xf32, #tpu.memory_space<vmem>>
      tpu.wait_dma2 semaphore(%run_scoped3A : memref<!tpu.dma_semaphore, #tpu.memory_space<semaphore_mem>>) src(%dma_wait3A_110 : memref<128x128xf32, #tpu.memory_space<vmem>>) dst(%dma_wait3A_107 : memref<128x128xf32, #tpu.memory_space<vmem_shared>>)
      tpu.yield
    }) : () -> ()
    %add3A_17 = arith.constant 384 : i32
    %add3A_18 = arith.addi %mul3A_10, %add3A_17 : i32
    "tpu.region"() ({
      %run_scoped3A = tpu.sem_alloc : memref<!tpu.dma_semaphore, #tpu.memory_space<semaphore_mem>>
      %dma_start3A_92 = arith.constant 0 : i32
      %dma_start3A_93 = arith.constant 0 : i32
      %dma_start3A_94 = tpu.memref_slice %arg6[%dma_start3A_92, %dma_start3A_93] : memref<256x128xf32, #tpu.memory_space<vmem>> -> memref<128x128xf32, #tpu.memory_space<vmem>>
      %dma_start3A_95 = arith.constant 0 : i32
      %dma_start3A_96 = tpu.memref_slice %arg9[%add3A_18, %dma_start3A_95] : memref<10112x128xf32, #tpu.memory_space<vmem_shared>> -> memref<128x128xf32, #tpu.memory_space<vmem_shared>>
      %dma_start3A_97 = arith.constant 0 : i32
      %dma_start3A_98 = tpu.memref_slice %arg9[%add3A_18, %dma_start3A_97] : memref<10112x128xf32, #tpu.memory_space<vmem_shared>> -> memref<128x128xf32, #tpu.memory_space<vmem_shared>>
      %dma_start3A_99 = arith.constant 0 : i32
      %dma_start3A_100 = arith.constant 0 : i32
      %dma_start3A_101 = tpu.memref_slice %arg6[%dma_start3A_99, %dma_start3A_100] : memref<256x128xf32, #tpu.memory_space<vmem>> -> memref<128x128xf32, #tpu.memory_space<vmem>>
      tpu.enqueue_dma source(%dma_start3A_101 : memref<128x128xf32, #tpu.memory_space<vmem>>) target(%dma_start3A_98 : memref<128x128xf32, #tpu.memory_space<vmem_shared>>) target_semaphore(%run_scoped3A : memref<!tpu.dma_semaphore, #tpu.memory_space<semaphore_mem>>)
      %dma_wait3A = arith.constant 0 : i32
      %dma_wait3A_102 = arith.constant 0 : i32
      %dma_wait3A_103 = tpu.memref_slice %arg6[%dma_wait3A, %dma_wait3A_102] : memref<256x128xf32, #tpu.memory_space<vmem>> -> memref<128x128xf32, #tpu.memory_space<vmem>>
      %dma_wait3A_104 = arith.constant 0 : i32
      %dma_wait3A_105 = tpu.memref_slice %arg9[%add3A_18, %dma_wait3A_104] : memref<10112x128xf32, #tpu.memory_space<vmem_shared>> -> memref<128x128xf32, #tpu.memory_space<vmem_shared>>
      %dma_wait3A_106 = arith.constant 0 : i32
      %dma_wait3A_107 = tpu.memref_slice %arg9[%add3A_18, %dma_wait3A_106] : memref<10112x128xf32, #tpu.memory_space<vmem_shared>> -> memref<128x128xf32, #tpu.memory_space<vmem_shared>>
      %dma_wait3A_108 = arith.constant 0 : i32
      %dma_wait3A_109 = arith.constant 0 : i32
      %dma_wait3A_110 = tpu.memref_slice %arg6[%dma_wait3A_108, %dma_wait3A_109] : memref<256x128xf32, #tpu.memory_space<vmem>> -> memref<128x128xf32, #tpu.memory_space<vmem>>
      tpu.wait_dma2 semaphore(%run_scoped3A : memref<!tpu.dma_semaphore, #tpu.memory_space<semaphore_mem>>) src(%dma_wait3A_110 : memref<128x128xf32, #tpu.memory_space<vmem>>) dst(%dma_wait3A_107 : memref<128x128xf32, #tpu.memory_space<vmem_shared>>)
      tpu.yield
    }) : () -> ()
    %add3A_19 = arith.constant 512 : i32
    %add3A_20 = arith.addi %mul3A_10, %add3A_19 : i32
    "tpu.region"() ({
      %run_scoped3A = tpu.sem_alloc : memref<!tpu.dma_semaphore, #tpu.memory_space<semaphore_mem>>
      %dma_start3A_92 = arith.constant 0 : i32
      %dma_start3A_93 = arith.constant 0 : i32
      %dma_start3A_94 = tpu.memref_slice %arg6[%dma_start3A_92, %dma_start3A_93] : memref<256x128xf32, #tpu.memory_space<vmem>> -> memref<120x128xf32, #tpu.memory_space<vmem>>
      %dma_start3A_95 = arith.constant 0 : i32
      %dma_start3A_96 = tpu.memref_slice %arg9[%add3A_20, %dma_start3A_95] : memref<10112x128xf32, #tpu.memory_space<vmem_shared>> -> memref<120x128xf32, #tpu.memory_space<vmem_shared>>
      %dma_start3A_97 = arith.constant 0 : i32
      %dma_start3A_98 = tpu.memref_slice %arg9[%add3A_20, %dma_start3A_97] : memref<10112x128xf32, #tpu.memory_space<vmem_shared>> -> memref<120x128xf32, #tpu.memory_space<vmem_shared>>
      %dma_start3A_99 = arith.constant 0 : i32
      %dma_start3A_100 = arith.constant 0 : i32
      %dma_start3A_101 = tpu.memref_slice %arg6[%dma_start3A_99, %dma_start3A_100] : memref<256x128xf32, #tpu.memory_space<vmem>> -> memref<120x128xf32, #tpu.memory_space<vmem>>
      tpu.enqueue_dma source(%dma_start3A_101 : memref<120x128xf32, #tpu.memory_space<vmem>>) target(%dma_start3A_98 : memref<120x128xf32, #tpu.memory_space<vmem_shared>>) target_semaphore(%run_scoped3A : memref<!tpu.dma_semaphore, #tpu.memory_space<semaphore_mem>>)
      %dma_wait3A = arith.constant 0 : i32
      %dma_wait3A_102 = arith.constant 0 : i32
      %dma_wait3A_103 = tpu.memref_slice %arg6[%dma_wait3A, %dma_wait3A_102] : memref<256x128xf32, #tpu.memory_space<vmem>> -> memref<120x128xf32, #tpu.memory_space<vmem>>
      %dma_wait3A_104 = arith.constant 0 : i32
      %dma_wait3A_105 = tpu.memref_slice %arg9[%add3A_20, %dma_wait3A_104] : memref<10112x128xf32, #tpu.memory_space<vmem_shared>> -> memref<120x128xf32, #tpu.memory_space<vmem_shared>>
      %dma_wait3A_106 = arith.constant 0 : i32
      %dma_wait3A_107 = tpu.memref_slice %arg9[%add3A_20, %dma_wait3A_106] : memref<10112x128xf32, #tpu.memory_space<vmem_shared>> -> memref<120x128xf32, #tpu.memory_space<vmem_shared>>
      %dma_wait3A_108 = arith.constant 0 : i32
      %dma_wait3A_109 = arith.constant 0 : i32
      %dma_wait3A_110 = tpu.memref_slice %arg6[%dma_wait3A_108, %dma_wait3A_109] : memref<256x128xf32, #tpu.memory_space<vmem>> -> memref<120x128xf32, #tpu.memory_space<vmem>>
      tpu.wait_dma2 semaphore(%run_scoped3A : memref<!tpu.dma_semaphore, #tpu.memory_space<semaphore_mem>>) src(%dma_wait3A_110 : memref<120x128xf32, #tpu.memory_space<vmem>>) dst(%dma_wait3A_107 : memref<120x128xf32, #tpu.memory_space<vmem_shared>>)
      tpu.yield
    }) : () -> ()
    %dma_start3A = arith.constant 0 : i32
    %dma_start3A_21 = arith.constant 0 : i32
    %dma_start3A_22 = arith.constant 0 : i32
    %dma_start3A_23 = tpu.memref_slice %arg8[%dma_start3A_21, %dma_start3A_22] : memref<2x128xi32, #tpu.memory_space<vmem>> -> memref<1x128xi32, #tpu.memory_space<vmem>>
    %dma_start3A_24 = tpu.memref_squeeze %dma_start3A_23 : memref<1x128xi32, #tpu.memory_space<vmem>> -> memref<128xi32, #tpu.memory_space<vmem>>
    %dma_start3A_25 = arith.constant 0 : i32
    %dma_start3A_26 = arith.constant 0 : i32
    %dma_start3A_27 = tpu.memref_slice %arg4[%add3A, %dma_start3A_25, %dma_start3A_26] : memref<32x80x128xi32, #tpu.memory_space<hbm>> -> memref<1x80x128xi32, #tpu.memory_space<hbm>>
    %dma_start3A_28 = tpu.memref_squeeze %dma_start3A_27 : memref<1x80x128xi32, #tpu.memory_space<hbm>> -> memref<80x128xi32, #tpu.memory_space<hbm>>
    %dma_start3A_29 = arith.constant 0 : i32
    %dma_start3A_30 = tpu.memref_slice %dma_start3A_28[%dma_start3A, %dma_start3A_29] : memref<80x128xi32, #tpu.memory_space<hbm>> -> memref<1x128xi32, #tpu.memory_space<hbm>>
    %dma_start3A_31 = tpu.memref_squeeze %dma_start3A_30 : memref<1x128xi32, #tpu.memory_space<hbm>> -> memref<128xi32, #tpu.memory_space<hbm>>
    %dma_start3A_32 = arith.constant 0 : i32
    %dma_start3A_33 = tpu.memref_slice %arg8[%dma_start3A_21, %dma_start3A_32] : memref<2x128xi32, #tpu.memory_space<vmem>> -> memref<1x128xi32, #tpu.memory_space<vmem>>
    %dma_start3A_34 = tpu.memref_squeeze %dma_start3A_33 : memref<1x128xi32, #tpu.memory_space<vmem>> -> memref<128xi32, #tpu.memory_space<vmem>>
    %dma_start3A_35 = arith.constant 0 : i32
    %dma_start3A_36 = arith.constant 0 : i32
    %dma_start3A_37 = tpu.memref_slice %arg4[%add3A, %dma_start3A_35, %dma_start3A_36] : memref<32x80x128xi32, #tpu.memory_space<hbm>> -> memref<1x80x128xi32, #tpu.memory_space<hbm>>
    %dma_start3A_38 = tpu.memref_squeeze %dma_start3A_37 : memref<1x80x128xi32, #tpu.memory_space<hbm>> -> memref<80x128xi32, #tpu.memory_space<hbm>>
    %dma_start3A_39 = arith.constant 0 : i32
    %dma_start3A_40 = tpu.memref_slice %dma_start3A_38[%dma_start3A, %dma_start3A_39] : memref<80x128xi32, #tpu.memory_space<hbm>> -> memref<1x128xi32, #tpu.memory_space<hbm>>
    %dma_start3A_41 = tpu.memref_squeeze %dma_start3A_40 : memref<1x128xi32, #tpu.memory_space<hbm>> -> memref<128xi32, #tpu.memory_space<hbm>>
    tpu.enqueue_dma source(%dma_start3A_41 : memref<128xi32, #tpu.memory_space<hbm>>) target(%dma_start3A_34 : memref<128xi32, #tpu.memory_space<vmem>>) target_semaphore(%arg12 : memref<!tpu.dma_semaphore, #tpu.memory_space<semaphore_mem>>)
    %dma_start3A_42 = arith.constant 1 : i32
    %dma_start3A_43 = arith.constant 1 : i32
    %dma_start3A_44 = arith.constant 0 : i32
    %dma_start3A_45 = tpu.memref_slice %arg8[%dma_start3A_43, %dma_start3A_44] : memref<2x128xi32, #tpu.memory_space<vmem>> -> memref<1x128xi32, #tpu.memory_space<vmem>>
    %dma_start3A_46 = tpu.memref_squeeze %dma_start3A_45 : memref<1x128xi32, #tpu.memory_space<vmem>> -> memref<128xi32, #tpu.memory_space<vmem>>
    %dma_start3A_47 = arith.constant 0 : i32
    %dma_start3A_48 = arith.constant 0 : i32
    %dma_start3A_49 = tpu.memref_slice %arg4[%add3A, %dma_start3A_47, %dma_start3A_48] : memref<32x80x128xi32, #tpu.memory_space<hbm>> -> memref<1x80x128xi32, #tpu.memory_space<hbm>>
    %dma_start3A_50 = tpu.memref_squeeze %dma_start3A_49 : memref<1x80x128xi32, #tpu.memory_space<hbm>> -> memref<80x128xi32, #tpu.memory_space<hbm>>
    %dma_start3A_51 = arith.constant 0 : i32
    %dma_start3A_52 = tpu.memref_slice %dma_start3A_50[%dma_start3A_42, %dma_start3A_51] : memref<80x128xi32, #tpu.memory_space<hbm>> -> memref<1x128xi32, #tpu.memory_space<hbm>>
    %dma_start3A_53 = tpu.memref_squeeze %dma_start3A_52 : memref<1x128xi32, #tpu.memory_space<hbm>> -> memref<128xi32, #tpu.memory_space<hbm>>
    %dma_start3A_54 = arith.constant 0 : i32
    %dma_start3A_55 = tpu.memref_slice %arg8[%dma_start3A_43, %dma_start3A_54] : memref<2x128xi32, #tpu.memory_space<vmem>> -> memref<1x128xi32, #tpu.memory_space<vmem>>
    %dma_start3A_56 = tpu.memref_squeeze %dma_start3A_55 : memref<1x128xi32, #tpu.memory_space<vmem>> -> memref<128xi32, #tpu.memory_space<vmem>>
    %dma_start3A_57 = arith.constant 0 : i32
    %dma_start3A_58 = arith.constant 0 : i32
    %dma_start3A_59 = tpu.memref_slice %arg4[%add3A, %dma_start3A_57, %dma_start3A_58] : memref<32x80x128xi32, #tpu.memory_space<hbm>> -> memref<1x80x128xi32, #tpu.memory_space<hbm>>
    %dma_start3A_60 = tpu.memref_squeeze %dma_start3A_59 : memref<1x80x128xi32, #tpu.memory_space<hbm>> -> memref<80x128xi32, #tpu.memory_space<hbm>>
    %dma_start3A_61 = arith.constant 0 : i32
    %dma_start3A_62 = tpu.memref_slice %dma_start3A_60[%dma_start3A_42, %dma_start3A_61] : memref<80x128xi32, #tpu.memory_space<hbm>> -> memref<1x128xi32, #tpu.memory_space<hbm>>
    %dma_start3A_63 = tpu.memref_squeeze %dma_start3A_62 : memref<1x128xi32, #tpu.memory_space<hbm>> -> memref<128xi32, #tpu.memory_space<hbm>>
    tpu.enqueue_dma source(%dma_start3A_63 : memref<128xi32, #tpu.memory_space<hbm>>) target(%dma_start3A_56 : memref<128xi32, #tpu.memory_space<vmem>>) target_semaphore(%arg12 : memref<!tpu.dma_semaphore, #tpu.memory_space<semaphore_mem>>)
    %barrier3A = arith.constant 0 : index
    tpu.barrier barrier_id(%barrier3A)
    %scan3A_64 = arith.constant 0 : i32
    %scan3A_65 = arith.constant 0 : i32
    %scan3A_66 = arith.constant 164 : i32
    %scan3A_67 = arith.addi %scan3A_65, %scan3A_66 : i32
    %scan3A_68 = arith.constant 1 : i32
    %scan3A_69 = scf.for %scan3A_92 = %scan3A_65 to %scan3A_67 step %scan3A_68 iter_args(%scan3A_93 = %scan3A_64) -> (i32)  : i32 {
      %lt3A = arith.constant 160 : i32
      %lt3A_94 = arith.cmpi slt, %scan3A_92, %lt3A : i32
      %convert_element_type3A = arith.extui %lt3A_94 : i1 to i32
      %cond3A = arith.constant 0 : i32
      %cond3A_95 = arith.cmpi ne, %convert_element_type3A, %cond3A : i32
      scf.if %cond3A_95 {
        %rem3A_111 = arith.constant 6 : i32
        %rem3A_112 = arith.remsi %scan3A_92, %rem3A_111 : i32
        %mul3A_113 = arith.constant 64 : i32
        %mul3A_114 = arith.muli %scan3A_92, %mul3A_113 : i32
        %add3A_115 = arith.addi %mul3A_2, %mul3A_114 : i32
        %mul3A_116 = arith.constant 64 : i32
        %mul3A_117 = arith.muli %rem3A_112, %mul3A_116 : i32
        %dma_start3A_118 = tpu.memref_slice %arg7[%mul3A_117] : memref<384xi32, #tpu.memory_space<vmem>> -> memref<64xi32, #tpu.memory_space<vmem>>
        %dma_start3A_119 = tpu.memref_slice %arg3[%add3A_115] : memref<327680xi32, #tpu.memory_space<hbm>> -> memref<64xi32, #tpu.memory_space<hbm>>
        %dma_start3A_120 = tpu.memref_slice %arg7[%mul3A_117] : memref<384xi32, #tpu.memory_space<vmem>> -> memref<64xi32, #tpu.memory_space<vmem>>
        %dma_start3A_121 = tpu.memref_slice %arg3[%add3A_115] : memref<327680xi32, #tpu.memory_space<hbm>> -> memref<64xi32, #tpu.memory_space<hbm>>
        tpu.enqueue_dma source(%dma_start3A_121 : memref<64xi32, #tpu.memory_space<hbm>>) target(%dma_start3A_120 : memref<64xi32, #tpu.memory_space<vmem>>) target_semaphore(%arg10 : memref<!tpu.dma_semaphore, #tpu.memory_space<semaphore_mem>>)
      } else {
      }
      %ge3A = arith.constant 2 : i32
      %ge3A_96 = arith.cmpi sge, %scan3A_92, %ge3A : i32
      %lt3A_97 = arith.constant 162 : i32
      %lt3A_98 = arith.cmpi slt, %scan3A_92, %lt3A_97 : i32
      %and3A = arith.andi %ge3A_96, %lt3A_98 : i1
      %convert_element_type3A_99 = arith.extui %and3A : i1 to i32
      %cond3A_100 = arith.constant 0 : i32
      %cond3A_101 = arith.cmpi ne, %convert_element_type3A_99, %cond3A_100 : i32
      scf.if %cond3A_101 {
        %sub3A = arith.constant 2 : i32
        %sub3A_111 = arith.subi %scan3A_92, %sub3A : i32
        %rem3A_112 = arith.constant 6 : i32
        %rem3A_113 = arith.remsi %sub3A_111, %rem3A_112 : i32
        %rem3A_114 = arith.constant 4 : i32
        %rem3A_115 = arith.remsi %sub3A_111, %rem3A_114 : i32
        %dma_wait3A = arith.constant 0 : i32
        %dma_wait3A_116 = tpu.memref_slice %arg7[%dma_wait3A] : memref<384xi32, #tpu.memory_space<vmem>> -> memref<64xi32, #tpu.memory_space<vmem>>
        %dma_wait3A_117 = arith.constant 0 : i32
        %dma_wait3A_118 = tpu.memref_slice %arg3[%dma_wait3A_117] : memref<327680xi32, #tpu.memory_space<hbm>> -> memref<64xi32, #tpu.memory_space<hbm>>
        %dma_wait3A_119 = arith.constant 0 : i32
        %dma_wait3A_120 = tpu.memref_slice %arg7[%dma_wait3A_119] : memref<384xi32, #tpu.memory_space<vmem>> -> memref<64xi32, #tpu.memory_space<vmem>>
        %dma_wait3A_121 = arith.constant 0 : i32
        %dma_wait3A_122 = tpu.memref_slice %arg3[%dma_wait3A_121] : memref<327680xi32, #tpu.memory_space<hbm>> -> memref<64xi32, #tpu.memory_space<hbm>>
        tpu.wait_dma2 semaphore(%arg10 : memref<!tpu.dma_semaphore, #tpu.memory_space<semaphore_mem>>) src(%dma_wait3A_122 : memref<64xi32, #tpu.memory_space<hbm>>) dst(%dma_wait3A_120 : memref<64xi32, #tpu.memory_space<vmem>>)
        %mul3A_123 = arith.constant 64 : i32
        %mul3A_124 = arith.muli %rem3A_113, %mul3A_123 : i32
        %mul3A_125 = arith.constant 64 : i32
        %mul3A_126 = arith.muli %rem3A_115, %mul3A_125 : i32
        %dma_start3A_127 = arith.constant 0 : i32
        %dma_start3A_128 = tpu.memref_slice %arg6[%mul3A_126, %dma_start3A_127] : memref<256x128xf32, #tpu.memory_space<vmem>> -> memref<64x128xf32, #tpu.memory_space<vmem>>
        %dma_start3A_129 = tpu.memref_slice %arg7[%mul3A_124] : memref<384xi32, #tpu.memory_space<vmem>> -> memref<64xi32, #tpu.memory_space<vmem>>
        %dma_start3A_130 = arith.constant 0 : i32
        %dma_start3A_131 = arith.constant 0 : i32
        %dma_start3A_132 = tpu.memref_slice %arg2[%dma_start3A_130, %dma_start3A_131] : memref<10112x128xf32, #tpu.memory_space<hbm>> -> memref<10112x128xf32, #tpu.memory_space<hbm>>
        tpu.enqueue_indirect_dma source(%dma_start3A_132 : memref<10112x128xf32, #tpu.memory_space<hbm>>) target(%dma_start3A_128 : memref<64x128xf32, #tpu.memory_space<vmem>>) offsets(%dma_start3A_129 : memref<64xi32, #tpu.memory_space<vmem>>) semaphore(%arg11 : memref<!tpu.dma_semaphore, #tpu.memory_space<semaphore_mem>>)
      } else {
      }
      %ge3A_102 = arith.constant 5 : i32
      %ge3A_103 = arith.cmpi sge, %scan3A_92, %ge3A_102 : i32
      %rem3A = arith.constant 2 : i32
      %rem3A_104 = arith.remsi %scan3A_92, %rem3A : i32
      %eq3A = arith.constant 1 : i32
      %eq3A_105 = arith.cmpi eq, %rem3A_104, %eq3A : i32
      %and3A_106 = arith.andi %ge3A_103, %eq3A_105 : i1
      %convert_element_type3A_107 = arith.extui %and3A_106 : i1 to i32
      %cond3A_108 = arith.constant 0 : i32
      %cond3A_109 = arith.cmpi ne, %convert_element_type3A_107, %cond3A_108 : i32
      scf.if %cond3A_109 {
        %sub3A = arith.constant 5 : i32
        %sub3A_111 = arith.subi %scan3A_92, %sub3A : i32
        %jit3A = arith.constant 2 : i32
        %div3A = arith.divsi %sub3A_111, %jit3A : i32
        %sign3A = arith.constant 0 : i32
        %sign3A_112 = arith.cmpi sgt, %sub3A_111, %sign3A : i32
        %sign3A_113 = arith.extui %sign3A_112 : i1 to i32
        %sign3A_114 = arith.constant 0 : i32
        %sign3A_115 = arith.cmpi slt, %sub3A_111, %sign3A_114 : i32
        %sign3A_116 = arith.extui %sign3A_115 : i1 to i32
        %sign3A_117 = arith.subi %sign3A_113, %sign3A_116 : i32
        %sign3A_118 = arith.constant 0 : i32
        %sign3A_119 = arith.cmpi sgt, %jit3A, %sign3A_118 : i32
        %sign3A_120 = arith.extui %sign3A_119 : i1 to i32
        %sign3A_121 = arith.constant 0 : i32
        %sign3A_122 = arith.cmpi slt, %jit3A, %sign3A_121 : i32
        %sign3A_123 = arith.extui %sign3A_122 : i1 to i32
        %sign3A_124 = arith.subi %sign3A_120, %sign3A_123 : i32
        %ne3A = arith.cmpi ne, %sign3A_117, %sign3A_124 : i32
        %rem3A_125 = arith.remsi %sub3A_111, %jit3A : i32
        %ne3A_126 = arith.constant 0 : i32
        %ne3A_127 = arith.cmpi ne, %rem3A_125, %ne3A_126 : i32
        %and3A_128 = arith.andi %ne3A, %ne3A_127 : i1
        %sub3A_129 = arith.constant 1 : i32
        %sub3A_130 = arith.subi %div3A, %sub3A_129 : i32
        %select_n3A = arith.select %and3A_128, %sub3A_130, %div3A : i32
        %rem3A_131 = arith.constant 2 : i32
        %rem3A_132 = arith.remsi %select_n3A, %rem3A_131 : i32
        %dma_wait3A = arith.constant 0 : i32
        %dma_wait3A_133 = arith.constant 0 : i32
        %dma_wait3A_134 = tpu.memref_slice %arg6[%dma_wait3A, %dma_wait3A_133] : memref<256x128xf32, #tpu.memory_space<vmem>> -> memref<128x128xf32, #tpu.memory_space<vmem>>
        %dma_wait3A_135 = arith.constant 0 : i32
        %dma_wait3A_136 = arith.constant 0 : i32
        %dma_wait3A_137 = tpu.memref_slice %arg2[%dma_wait3A_135, %dma_wait3A_136] : memref<10112x128xf32, #tpu.memory_space<hbm>> -> memref<128x128xf32, #tpu.memory_space<hbm>>
        %dma_wait3A_138 = arith.constant 0 : i32
        %dma_wait3A_139 = arith.constant 0 : i32
        %dma_wait3A_140 = tpu.memref_slice %arg6[%dma_wait3A_138, %dma_wait3A_139] : memref<256x128xf32, #tpu.memory_space<vmem>> -> memref<128x128xf32, #tpu.memory_space<vmem>>
        %dma_wait3A_141 = arith.constant 0 : i32
        %dma_wait3A_142 = arith.constant 0 : i32
        %dma_wait3A_143 = tpu.memref_slice %arg2[%dma_wait3A_141, %dma_wait3A_142] : memref<10112x128xf32, #tpu.memory_space<hbm>> -> memref<128x128xf32, #tpu.memory_space<hbm>>
        tpu.wait_dma2 semaphore(%arg11 : memref<!tpu.dma_semaphore, #tpu.memory_space<semaphore_mem>>) src(%dma_wait3A_143 : memref<128x128xf32, #tpu.memory_space<hbm>>) dst(%dma_wait3A_140 : memref<128x128xf32, #tpu.memory_space<vmem>>)
        %dma_wait3A_144 = arith.constant 0 : i32
        %dma_wait3A_145 = arith.constant 0 : i32
        %dma_wait3A_146 = arith.constant 0 : i32
        %dma_wait3A_147 = tpu.memref_slice %arg8[%dma_wait3A_145, %dma_wait3A_146] : memref<2x128xi32, #tpu.memory_space<vmem>> -> memref<1x128xi32, #tpu.memory_space<vmem>>
        %dma_wait3A_148 = tpu.memref_squeeze %dma_wait3A_147 : memref<1x128xi32, #tpu.memory_space<vmem>> -> memref<128xi32, #tpu.memory_space<vmem>>
        %dma_wait3A_149 = arith.constant 0 : i32
        %dma_wait3A_150 = arith.constant 0 : i32
        %dma_wait3A_151 = tpu.memref_slice %arg4[%add3A, %dma_wait3A_149, %dma_wait3A_150] : memref<32x80x128xi32, #tpu.memory_space<hbm>> -> memref<1x80x128xi32, #tpu.memory_space<hbm>>
        %dma_wait3A_152 = tpu.memref_squeeze %dma_wait3A_151 : memref<1x80x128xi32, #tpu.memory_space<hbm>> -> memref<80x128xi32, #tpu.memory_space<hbm>>
        %dma_wait3A_153 = arith.constant 0 : i32
        %dma_wait3A_154 = tpu.memref_slice %dma_wait3A_152[%dma_wait3A_144, %dma_wait3A_153] : memref<80x128xi32, #tpu.memory_space<hbm>> -> memref<1x128xi32, #tpu.memory_space<hbm>>
        %dma_wait3A_155 = tpu.memref_squeeze %dma_wait3A_154 : memref<1x128xi32, #tpu.memory_space<hbm>> -> memref<128xi32, #tpu.memory_space<hbm>>
        %dma_wait3A_156 = arith.constant 0 : i32
        %dma_wait3A_157 = tpu.memref_slice %arg8[%dma_wait3A_145, %dma_wait3A_156] : memref<2x128xi32, #tpu.memory_space<vmem>> -> memref<1x128xi32, #tpu.memory_space<vmem>>
        %dma_wait3A_158 = tpu.memref_squeeze %dma_wait3A_157 : memref<1x128xi32, #tpu.memory_space<vmem>> -> memref<128xi32, #tpu.memory_space<vmem>>
        %dma_wait3A_159 = arith.constant 0 : i32
        %dma_wait3A_160 = arith.constant 0 : i32
        %dma_wait3A_161 = tpu.memref_slice %arg4[%add3A, %dma_wait3A_159, %dma_wait3A_160] : memref<32x80x128xi32, #tpu.memory_space<hbm>> -> memref<1x80x128xi32, #tpu.memory_space<hbm>>
        %dma_wait3A_162 = tpu.memref_squeeze %dma_wait3A_161 : memref<1x80x128xi32, #tpu.memory_space<hbm>> -> memref<80x128xi32, #tpu.memory_space<hbm>>
        %dma_wait3A_163 = arith.constant 0 : i32
        %dma_wait3A_164 = tpu.memref_slice %dma_wait3A_162[%dma_wait3A_144, %dma_wait3A_163] : memref<80x128xi32, #tpu.memory_space<hbm>> -> memref<1x128xi32, #tpu.memory_space<hbm>>
        %dma_wait3A_165 = tpu.memref_squeeze %dma_wait3A_164 : memref<1x128xi32, #tpu.memory_space<hbm>> -> memref<128xi32, #tpu.memory_space<hbm>>
        tpu.wait_dma2 semaphore(%arg12 : memref<!tpu.dma_semaphore, #tpu.memory_space<semaphore_mem>>) src(%dma_wait3A_165 : memref<128xi32, #tpu.memory_space<hbm>>) dst(%dma_wait3A_158 : memref<128xi32, #tpu.memory_space<vmem>>)
        %mul3A_166 = arith.constant 128 : i32
        %mul3A_167 = arith.muli %rem3A_132, %mul3A_166 : i32
        "tpu.region"() ({
          %run_scoped3A = tpu.sem_alloc : memref<!tpu.dma_semaphore, #tpu.memory_space<semaphore_mem>>
          %dma_start3A_175 = arith.constant 0 : i32
          %dma_start3A_176 = tpu.memref_slice %arg6[%mul3A_167, %dma_start3A_175] : memref<256x128xf32, #tpu.memory_space<vmem>> -> memref<128x128xf32, #tpu.memory_space<vmem>>
          %dma_start3A_177 = arith.constant 0 : i32
          %dma_start3A_178 = tpu.memref_slice %arg8[%rem3A_132, %dma_start3A_177] : memref<2x128xi32, #tpu.memory_space<vmem>> -> memref<1x128xi32, #tpu.memory_space<vmem>>
          %dma_start3A_179 = tpu.memref_squeeze %dma_start3A_178 : memref<1x128xi32, #tpu.memory_space<vmem>> -> memref<128xi32, #tpu.memory_space<vmem>>
          %dma_start3A_180 = arith.constant 0 : i32
          %dma_start3A_181 = arith.constant 0 : i32
          %dma_start3A_182 = tpu.memref_slice %arg9[%dma_start3A_180, %dma_start3A_181] : memref<10112x128xf32, #tpu.memory_space<vmem_shared>> -> memref<10112x128xf32, #tpu.memory_space<vmem_shared>>
          tpu.enqueue_indirect_dma source(%dma_start3A_176 : memref<128x128xf32, #tpu.memory_space<vmem>>) target(%dma_start3A_182 : memref<10112x128xf32, #tpu.memory_space<vmem_shared>>) offsets(%dma_start3A_179 : memref<128xi32, #tpu.memory_space<vmem>>) semaphore(%run_scoped3A : memref<!tpu.dma_semaphore, #tpu.memory_space<semaphore_mem>>) {add = true}
          %dma_wait3A_183 = arith.constant 0 : i32
          %dma_wait3A_184 = tpu.memref_slice %arg6[%mul3A_167, %dma_wait3A_183] : memref<256x128xf32, #tpu.memory_space<vmem>> -> memref<128x128xf32, #tpu.memory_space<vmem>>
          %dma_wait3A_185 = arith.constant 0 : i32
          %dma_wait3A_186 = tpu.memref_slice %arg8[%rem3A_132, %dma_wait3A_185] : memref<2x128xi32, #tpu.memory_space<vmem>> -> memref<1x128xi32, #tpu.memory_space<vmem>>
          %dma_wait3A_187 = tpu.memref_squeeze %dma_wait3A_186 : memref<1x128xi32, #tpu.memory_space<vmem>> -> memref<128xi32, #tpu.memory_space<vmem>>
          %dma_wait3A_188 = arith.constant 0 : i32
          %dma_wait3A_189 = arith.constant 0 : i32
          %dma_wait3A_190 = tpu.memref_slice %arg9[%dma_wait3A_188, %dma_wait3A_189] : memref<10112x128xf32, #tpu.memory_space<vmem_shared>> -> memref<10112x128xf32, #tpu.memory_space<vmem_shared>>
          tpu.wait_indirect_dma semaphore(%run_scoped3A : memref<!tpu.dma_semaphore, #tpu.memory_space<semaphore_mem>>) src(%dma_wait3A_184 : memref<128x128xf32, #tpu.memory_space<vmem>>) dst(%dma_wait3A_190 : memref<10112x128xf32, #tpu.memory_space<vmem_shared>>)
          tpu.yield
        }) : () -> ()
        %add3A_168 = arith.constant 2 : i32
        %add3A_169 = arith.addi %select_n3A, %add3A_168 : i32
        %lt3A_170 = arith.constant 80 : i32
        %lt3A_171 = arith.cmpi slt, %add3A_169, %lt3A_170 : i32
        %convert_element_type3A_172 = arith.extui %lt3A_171 : i1 to i32
        %cond3A_173 = arith.constant 0 : i32
        %cond3A_174 = arith.cmpi ne, %convert_element_type3A_172, %cond3A_173 : i32
        scf.if %cond3A_174 {
          %add3A_175 = arith.constant 2 : i32
          %add3A_176 = arith.addi %select_n3A, %add3A_175 : i32
          %dma_start3A_177 = arith.constant 0 : i32
          %dma_start3A_178 = tpu.memref_slice %arg8[%rem3A_132, %dma_start3A_177] : memref<2x128xi32, #tpu.memory_space<vmem>> -> memref<1x128xi32, #tpu.memory_space<vmem>>
          %dma_start3A_179 = tpu.memref_squeeze %dma_start3A_178 : memref<1x128xi32, #tpu.memory_space<vmem>> -> memref<128xi32, #tpu.memory_space<vmem>>
          %dma_start3A_180 = arith.constant 0 : i32
          %dma_start3A_181 = arith.constant 0 : i32
          %dma_start3A_182 = tpu.memref_slice %arg4[%add3A, %dma_start3A_180, %dma_start3A_181] : memref<32x80x128xi32, #tpu.memory_space<hbm>> -> memref<1x80x128xi32, #tpu.memory_space<hbm>>
          %dma_start3A_183 = tpu.memref_squeeze %dma_start3A_182 : memref<1x80x128xi32, #tpu.memory_space<hbm>> -> memref<80x128xi32, #tpu.memory_space<hbm>>
          %dma_start3A_184 = arith.constant 0 : i32
          %dma_start3A_185 = tpu.memref_slice %dma_start3A_183[%add3A_176, %dma_start3A_184] : memref<80x128xi32, #tpu.memory_space<hbm>> -> memref<1x128xi32, #tpu.memory_space<hbm>>
          %dma_start3A_186 = tpu.memref_squeeze %dma_start3A_185 : memref<1x128xi32, #tpu.memory_space<hbm>> -> memref<128xi32, #tpu.memory_space<hbm>>
          %dma_start3A_187 = arith.constant 0 : i32
          %dma_start3A_188 = tpu.memref_slice %arg8[%rem3A_132, %dma_start3A_187] : memref<2x128xi32, #tpu.memory_space<vmem>> -> memref<1x128xi32, #tpu.memory_space<vmem>>
          %dma_start3A_189 = tpu.memref_squeeze %dma_start3A_188 : memref<1x128xi32, #tpu.memory_space<vmem>> -> memref<128xi32, #tpu.memory_space<vmem>>
          %dma_start3A_190 = arith.constant 0 : i32
          %dma_start3A_191 = arith.constant 0 : i32
          %dma_start3A_192 = tpu.memref_slice %arg4[%add3A, %dma_start3A_190, %dma_start3A_191] : memref<32x80x128xi32, #tpu.memory_space<hbm>> -> memref<1x80x128xi32, #tpu.memory_space<hbm>>
          %dma_start3A_193 = tpu.memref_squeeze %dma_start3A_192 : memref<1x80x128xi32, #tpu.memory_space<hbm>> -> memref<80x128xi32, #tpu.memory_space<hbm>>
          %dma_start3A_194 = arith.constant 0 : i32
          %dma_start3A_195 = tpu.memref_slice %dma_start3A_193[%add3A_176, %dma_start3A_194] : memref<80x128xi32, #tpu.memory_space<hbm>> -> memref<1x128xi32, #tpu.memory_space<hbm>>
          %dma_start3A_196 = tpu.memref_squeeze %dma_start3A_195 : memref<1x128xi32, #tpu.memory_space<hbm>> -> memref<128xi32, #tpu.memory_space<hbm>>
          tpu.enqueue_dma source(%dma_start3A_196 : memref<128xi32, #tpu.memory_space<hbm>>) target(%dma_start3A_189 : memref<128xi32, #tpu.memory_space<vmem>>) target_semaphore(%arg12 : memref<!tpu.dma_semaphore, #tpu.memory_space<semaphore_mem>>)
        } else {
        }
      } else {
      }
      %scan3A_110 = arith.constant 0 : i32
      scf.yield %scan3A_110 : i32
    }
    %scan3A_70 = arith.constant 164 : i32
    %barrier3A_71 = arith.constant 0 : index
    tpu.barrier barrier_id(%barrier3A_71)
    %add3A_72 = arith.constant 0 : i32
    %add3A_73 = arith.addi %mul3A_10, %add3A_72 : i32
    "tpu.region"() ({
      %run_scoped3A = tpu.sem_alloc : memref<!tpu.dma_semaphore, #tpu.memory_space<semaphore_mem>>
      %dma_start3A_92 = arith.constant 0 : i32
      %dma_start3A_93 = arith.constant 0 : i32
      %dma_start3A_94 = tpu.memref_slice %arg6[%dma_start3A_92, %dma_start3A_93] : memref<256x128xf32, #tpu.memory_space<vmem>> -> memref<128x128xf32, #tpu.memory_space<vmem>>
      %dma_start3A_95 = arith.constant 0 : i32
      %dma_start3A_96 = tpu.memref_slice %arg9[%add3A_73, %dma_start3A_95] : memref<10112x128xf32, #tpu.memory_space<vmem_shared>> -> memref<128x128xf32, #tpu.memory_space<vmem_shared>>
      %dma_start3A_97 = arith.constant 0 : i32
      %dma_start3A_98 = arith.constant 0 : i32
      %dma_start3A_99 = tpu.memref_slice %arg6[%dma_start3A_97, %dma_start3A_98] : memref<256x128xf32, #tpu.memory_space<vmem>> -> memref<128x128xf32, #tpu.memory_space<vmem>>
      %dma_start3A_100 = arith.constant 0 : i32
      %dma_start3A_101 = tpu.memref_slice %arg9[%add3A_73, %dma_start3A_100] : memref<10112x128xf32, #tpu.memory_space<vmem_shared>> -> memref<128x128xf32, #tpu.memory_space<vmem_shared>>
      tpu.enqueue_dma source(%dma_start3A_101 : memref<128x128xf32, #tpu.memory_space<vmem_shared>>) target(%dma_start3A_99 : memref<128x128xf32, #tpu.memory_space<vmem>>) target_semaphore(%run_scoped3A : memref<!tpu.dma_semaphore, #tpu.memory_space<semaphore_mem>>)
      %dma_wait3A = arith.constant 0 : i32
      %dma_wait3A_102 = arith.constant 0 : i32
      %dma_wait3A_103 = tpu.memref_slice %arg6[%dma_wait3A, %dma_wait3A_102] : memref<256x128xf32, #tpu.memory_space<vmem>> -> memref<128x128xf32, #tpu.memory_space<vmem>>
      %dma_wait3A_104 = arith.constant 0 : i32
      %dma_wait3A_105 = tpu.memref_slice %arg9[%add3A_73, %dma_wait3A_104] : memref<10112x128xf32, #tpu.memory_space<vmem_shared>> -> memref<128x128xf32, #tpu.memory_space<vmem_shared>>
      %dma_wait3A_106 = arith.constant 0 : i32
      %dma_wait3A_107 = arith.constant 0 : i32
      %dma_wait3A_108 = tpu.memref_slice %arg6[%dma_wait3A_106, %dma_wait3A_107] : memref<256x128xf32, #tpu.memory_space<vmem>> -> memref<128x128xf32, #tpu.memory_space<vmem>>
      %dma_wait3A_109 = arith.constant 0 : i32
      %dma_wait3A_110 = tpu.memref_slice %arg9[%add3A_73, %dma_wait3A_109] : memref<10112x128xf32, #tpu.memory_space<vmem_shared>> -> memref<128x128xf32, #tpu.memory_space<vmem_shared>>
      tpu.wait_dma2 semaphore(%run_scoped3A : memref<!tpu.dma_semaphore, #tpu.memory_space<semaphore_mem>>) src(%dma_wait3A_110 : memref<128x128xf32, #tpu.memory_space<vmem_shared>>) dst(%dma_wait3A_108 : memref<128x128xf32, #tpu.memory_space<vmem>>)
      tpu.yield
    }) : () -> ()
    %add3A_74 = arith.constant 0 : i32
    %add3A_75 = arith.addi %mul3A_10, %add3A_74 : i32
    "tpu.region"() ({
      %run_scoped3A = tpu.sem_alloc : memref<!tpu.dma_semaphore, #tpu.memory_space<semaphore_mem>>
      %dma_start3A_92 = arith.constant 0 : i32
      %dma_start3A_93 = arith.constant 0 : i32
      %dma_start3A_94 = tpu.memref_slice %arg6[%dma_start3A_92, %dma_start3A_93] : memref<256x128xf32, #tpu.memory_space<vmem>> -> memref<128x128xf32, #tpu.memory_space<vmem>>
      %dma_start3A_95 = arith.constant 0 : i32
      %dma_start3A_96 = tpu.memref_slice %arg5[%arg0, %add3A_75, %dma_start3A_95] : memref<2x10112x128xf32, #tpu.memory_space<hbm>> -> memref<1x128x128xf32, #tpu.memory_space<hbm>>
      %dma_start3A_97 = tpu.memref_squeeze %dma_start3A_96 : memref<1x128x128xf32, #tpu.memory_space<hbm>> -> memref<128x128xf32, #tpu.memory_space<hbm>>
      %dma_start3A_98 = arith.constant 0 : i32
      %dma_start3A_99 = tpu.memref_slice %arg5[%arg0, %add3A_75, %dma_start3A_98] : memref<2x10112x128xf32, #tpu.memory_space<hbm>> -> memref<1x128x128xf32, #tpu.memory_space<hbm>>
      %dma_start3A_100 = tpu.memref_squeeze %dma_start3A_99 : memref<1x128x128xf32, #tpu.memory_space<hbm>> -> memref<128x128xf32, #tpu.memory_space<hbm>>
      %dma_start3A_101 = arith.constant 0 : i32
      %dma_start3A_102 = arith.constant 0 : i32
      %dma_start3A_103 = tpu.memref_slice %arg6[%dma_start3A_101, %dma_start3A_102] : memref<256x128xf32, #tpu.memory_space<vmem>> -> memref<128x128xf32, #tpu.memory_space<vmem>>
      tpu.enqueue_dma source(%dma_start3A_103 : memref<128x128xf32, #tpu.memory_space<vmem>>) target(%dma_start3A_100 : memref<128x128xf32, #tpu.memory_space<hbm>>) target_semaphore(%run_scoped3A : memref<!tpu.dma_semaphore, #tpu.memory_space<semaphore_mem>>)
      %dma_wait3A = arith.constant 0 : i32
      %dma_wait3A_104 = arith.constant 0 : i32
      %dma_wait3A_105 = tpu.memref_slice %arg6[%dma_wait3A, %dma_wait3A_104] : memref<256x128xf32, #tpu.memory_space<vmem>> -> memref<128x128xf32, #tpu.memory_space<vmem>>
      %dma_wait3A_106 = arith.constant 0 : i32
      %dma_wait3A_107 = tpu.memref_slice %arg5[%arg0, %add3A_75, %dma_wait3A_106] : memref<2x10112x128xf32, #tpu.memory_space<hbm>> -> memref<1x128x128xf32, #tpu.memory_space<hbm>>
      %dma_wait3A_108 = tpu.memref_squeeze %dma_wait3A_107 : memref<1x128x128xf32, #tpu.memory_space<hbm>> -> memref<128x128xf32, #tpu.memory_space<hbm>>
      %dma_wait3A_109 = arith.constant 0 : i32
      %dma_wait3A_110 = tpu.memref_slice %arg5[%arg0, %add3A_75, %dma_wait3A_109] : memref<2x10112x128xf32, #tpu.memory_space<hbm>> -> memref<1x128x128xf32, #tpu.memory_space<hbm>>
      %dma_wait3A_111 = tpu.memref_squeeze %dma_wait3A_110 : memref<1x128x128xf32, #tpu.memory_space<hbm>> -> memref<128x128xf32, #tpu.memory_space<hbm>>
      %dma_wait3A_112 = arith.constant 0 : i32
      %dma_wait3A_113 = arith.constant 0 : i32
      %dma_wait3A_114 = tpu.memref_slice %arg6[%dma_wait3A_112, %dma_wait3A_113] : memref<256x128xf32, #tpu.memory_space<vmem>> -> memref<128x128xf32, #tpu.memory_space<vmem>>
      tpu.wait_dma2 semaphore(%run_scoped3A : memref<!tpu.dma_semaphore, #tpu.memory_space<semaphore_mem>>) src(%dma_wait3A_114 : memref<128x128xf32, #tpu.memory_space<vmem>>) dst(%dma_wait3A_111 : memref<128x128xf32, #tpu.memory_space<hbm>>)
      tpu.yield
    }) : () -> ()
    %add3A_76 = arith.constant 128 : i32
    %add3A_77 = arith.addi %mul3A_10, %add3A_76 : i32
    "tpu.region"() ({
      %run_scoped3A = tpu.sem_alloc : memref<!tpu.dma_semaphore, #tpu.memory_space<semaphore_mem>>
      %dma_start3A_92 = arith.constant 0 : i32
      %dma_start3A_93 = arith.constant 0 : i32
      %dma_start3A_94 = tpu.memref_slice %arg6[%dma_start3A_92, %dma_start3A_93] : memref<256x128xf32, #tpu.memory_space<vmem>> -> memref<128x128xf32, #tpu.memory_space<vmem>>
      %dma_start3A_95 = arith.constant 0 : i32
      %dma_start3A_96 = tpu.memref_slice %arg9[%add3A_77, %dma_start3A_95] : memref<10112x128xf32, #tpu.memory_space<vmem_shared>> -> memref<128x128xf32, #tpu.memory_space<vmem_shared>>
      %dma_start3A_97 = arith.constant 0 : i32
      %dma_start3A_98 = arith.constant 0 : i32
      %dma_start3A_99 = tpu.memref_slice %arg6[%dma_start3A_97, %dma_start3A_98] : memref<256x128xf32, #tpu.memory_space<vmem>> -> memref<128x128xf32, #tpu.memory_space<vmem>>
      %dma_start3A_100 = arith.constant 0 : i32
      %dma_start3A_101 = tpu.memref_slice %arg9[%add3A_77, %dma_start3A_100] : memref<10112x128xf32, #tpu.memory_space<vmem_shared>> -> memref<128x128xf32, #tpu.memory_space<vmem_shared>>
      tpu.enqueue_dma source(%dma_start3A_101 : memref<128x128xf32, #tpu.memory_space<vmem_shared>>) target(%dma_start3A_99 : memref<128x128xf32, #tpu.memory_space<vmem>>) target_semaphore(%run_scoped3A : memref<!tpu.dma_semaphore, #tpu.memory_space<semaphore_mem>>)
      %dma_wait3A = arith.constant 0 : i32
      %dma_wait3A_102 = arith.constant 0 : i32
      %dma_wait3A_103 = tpu.memref_slice %arg6[%dma_wait3A, %dma_wait3A_102] : memref<256x128xf32, #tpu.memory_space<vmem>> -> memref<128x128xf32, #tpu.memory_space<vmem>>
      %dma_wait3A_104 = arith.constant 0 : i32
      %dma_wait3A_105 = tpu.memref_slice %arg9[%add3A_77, %dma_wait3A_104] : memref<10112x128xf32, #tpu.memory_space<vmem_shared>> -> memref<128x128xf32, #tpu.memory_space<vmem_shared>>
      %dma_wait3A_106 = arith.constant 0 : i32
      %dma_wait3A_107 = arith.constant 0 : i32
      %dma_wait3A_108 = tpu.memref_slice %arg6[%dma_wait3A_106, %dma_wait3A_107] : memref<256x128xf32, #tpu.memory_space<vmem>> -> memref<128x128xf32, #tpu.memory_space<vmem>>
      %dma_wait3A_109 = arith.constant 0 : i32
      %dma_wait3A_110 = tpu.memref_slice %arg9[%add3A_77, %dma_wait3A_109] : memref<10112x128xf32, #tpu.memory_space<vmem_shared>> -> memref<128x128xf32, #tpu.memory_space<vmem_shared>>
      tpu.wait_dma2 semaphore(%run_scoped3A : memref<!tpu.dma_semaphore, #tpu.memory_space<semaphore_mem>>) src(%dma_wait3A_110 : memref<128x128xf32, #tpu.memory_space<vmem_shared>>) dst(%dma_wait3A_108 : memref<128x128xf32, #tpu.memory_space<vmem>>)
      tpu.yield
    }) : () -> ()
    %add3A_78 = arith.constant 128 : i32
    %add3A_79 = arith.addi %mul3A_10, %add3A_78 : i32
    "tpu.region"() ({
      %run_scoped3A = tpu.sem_alloc : memref<!tpu.dma_semaphore, #tpu.memory_space<semaphore_mem>>
      %dma_start3A_92 = arith.constant 0 : i32
      %dma_start3A_93 = arith.constant 0 : i32
      %dma_start3A_94 = tpu.memref_slice %arg6[%dma_start3A_92, %dma_start3A_93] : memref<256x128xf32, #tpu.memory_space<vmem>> -> memref<128x128xf32, #tpu.memory_space<vmem>>
      %dma_start3A_95 = arith.constant 0 : i32
      %dma_start3A_96 = tpu.memref_slice %arg5[%arg0, %add3A_79, %dma_start3A_95] : memref<2x10112x128xf32, #tpu.memory_space<hbm>> -> memref<1x128x128xf32, #tpu.memory_space<hbm>>
      %dma_start3A_97 = tpu.memref_squeeze %dma_start3A_96 : memref<1x128x128xf32, #tpu.memory_space<hbm>> -> memref<128x128xf32, #tpu.memory_space<hbm>>
      %dma_start3A_98 = arith.constant 0 : i32
      %dma_start3A_99 = tpu.memref_slice %arg5[%arg0, %add3A_79, %dma_start3A_98] : memref<2x10112x128xf32, #tpu.memory_space<hbm>> -> memref<1x128x128xf32, #tpu.memory_space<hbm>>
      %dma_start3A_100 = tpu.memref_squeeze %dma_start3A_99 : memref<1x128x128xf32, #tpu.memory_space<hbm>> -> memref<128x128xf32, #tpu.memory_space<hbm>>
      %dma_start3A_101 = arith.constant 0 : i32
      %dma_start3A_102 = arith.constant 0 : i32
      %dma_start3A_103 = tpu.memref_slice %arg6[%dma_start3A_101, %dma_start3A_102] : memref<256x128xf32, #tpu.memory_space<vmem>> -> memref<128x128xf32, #tpu.memory_space<vmem>>
      tpu.enqueue_dma source(%dma_start3A_103 : memref<128x128xf32, #tpu.memory_space<vmem>>) target(%dma_start3A_100 : memref<128x128xf32, #tpu.memory_space<hbm>>) target_semaphore(%run_scoped3A : memref<!tpu.dma_semaphore, #tpu.memory_space<semaphore_mem>>)
      %dma_wait3A = arith.constant 0 : i32
      %dma_wait3A_104 = arith.constant 0 : i32
      %dma_wait3A_105 = tpu.memref_slice %arg6[%dma_wait3A, %dma_wait3A_104] : memref<256x128xf32, #tpu.memory_space<vmem>> -> memref<128x128xf32, #tpu.memory_space<vmem>>
      %dma_wait3A_106 = arith.constant 0 : i32
      %dma_wait3A_107 = tpu.memref_slice %arg5[%arg0, %add3A_79, %dma_wait3A_106] : memref<2x10112x128xf32, #tpu.memory_space<hbm>> -> memref<1x128x128xf32, #tpu.memory_space<hbm>>
      %dma_wait3A_108 = tpu.memref_squeeze %dma_wait3A_107 : memref<1x128x128xf32, #tpu.memory_space<hbm>> -> memref<128x128xf32, #tpu.memory_space<hbm>>
      %dma_wait3A_109 = arith.constant 0 : i32
      %dma_wait3A_110 = tpu.memref_slice %arg5[%arg0, %add3A_79, %dma_wait3A_109] : memref<2x10112x128xf32, #tpu.memory_space<hbm>> -> memref<1x128x128xf32, #tpu.memory_space<hbm>>
      %dma_wait3A_111 = tpu.memref_squeeze %dma_wait3A_110 : memref<1x128x128xf32, #tpu.memory_space<hbm>> -> memref<128x128xf32, #tpu.memory_space<hbm>>
      %dma_wait3A_112 = arith.constant 0 : i32
      %dma_wait3A_113 = arith.constant 0 : i32
      %dma_wait3A_114 = tpu.memref_slice %arg6[%dma_wait3A_112, %dma_wait3A_113] : memref<256x128xf32, #tpu.memory_space<vmem>> -> memref<128x128xf32, #tpu.memory_space<vmem>>
      tpu.wait_dma2 semaphore(%run_scoped3A : memref<!tpu.dma_semaphore, #tpu.memory_space<semaphore_mem>>) src(%dma_wait3A_114 : memref<128x128xf32, #tpu.memory_space<vmem>>) dst(%dma_wait3A_111 : memref<128x128xf32, #tpu.memory_space<hbm>>)
      tpu.yield
    }) : () -> ()
    %add3A_80 = arith.constant 256 : i32
    %add3A_81 = arith.addi %mul3A_10, %add3A_80 : i32
    "tpu.region"() ({
      %run_scoped3A = tpu.sem_alloc : memref<!tpu.dma_semaphore, #tpu.memory_space<semaphore_mem>>
      %dma_start3A_92 = arith.constant 0 : i32
      %dma_start3A_93 = arith.constant 0 : i32
      %dma_start3A_94 = tpu.memref_slice %arg6[%dma_start3A_92, %dma_start3A_93] : memref<256x128xf32, #tpu.memory_space<vmem>> -> memref<128x128xf32, #tpu.memory_space<vmem>>
      %dma_start3A_95 = arith.constant 0 : i32
      %dma_start3A_96 = tpu.memref_slice %arg9[%add3A_81, %dma_start3A_95] : memref<10112x128xf32, #tpu.memory_space<vmem_shared>> -> memref<128x128xf32, #tpu.memory_space<vmem_shared>>
      %dma_start3A_97 = arith.constant 0 : i32
      %dma_start3A_98 = arith.constant 0 : i32
      %dma_start3A_99 = tpu.memref_slice %arg6[%dma_start3A_97, %dma_start3A_98] : memref<256x128xf32, #tpu.memory_space<vmem>> -> memref<128x128xf32, #tpu.memory_space<vmem>>
      %dma_start3A_100 = arith.constant 0 : i32
      %dma_start3A_101 = tpu.memref_slice %arg9[%add3A_81, %dma_start3A_100] : memref<10112x128xf32, #tpu.memory_space<vmem_shared>> -> memref<128x128xf32, #tpu.memory_space<vmem_shared>>
      tpu.enqueue_dma source(%dma_start3A_101 : memref<128x128xf32, #tpu.memory_space<vmem_shared>>) target(%dma_start3A_99 : memref<128x128xf32, #tpu.memory_space<vmem>>) target_semaphore(%run_scoped3A : memref<!tpu.dma_semaphore, #tpu.memory_space<semaphore_mem>>)
      %dma_wait3A = arith.constant 0 : i32
      %dma_wait3A_102 = arith.constant 0 : i32
      %dma_wait3A_103 = tpu.memref_slice %arg6[%dma_wait3A, %dma_wait3A_102] : memref<256x128xf32, #tpu.memory_space<vmem>> -> memref<128x128xf32, #tpu.memory_space<vmem>>
      %dma_wait3A_104 = arith.constant 0 : i32
      %dma_wait3A_105 = tpu.memref_slice %arg9[%add3A_81, %dma_wait3A_104] : memref<10112x128xf32, #tpu.memory_space<vmem_shared>> -> memref<128x128xf32, #tpu.memory_space<vmem_shared>>
      %dma_wait3A_106 = arith.constant 0 : i32
      %dma_wait3A_107 = arith.constant 0 : i32
      %dma_wait3A_108 = tpu.memref_slice %arg6[%dma_wait3A_106, %dma_wait3A_107] : memref<256x128xf32, #tpu.memory_space<vmem>> -> memref<128x128xf32, #tpu.memory_space<vmem>>
      %dma_wait3A_109 = arith.constant 0 : i32
      %dma_wait3A_110 = tpu.memref_slice %arg9[%add3A_81, %dma_wait3A_109] : memref<10112x128xf32, #tpu.memory_space<vmem_shared>> -> memref<128x128xf32, #tpu.memory_space<vmem_shared>>
      tpu.wait_dma2 semaphore(%run_scoped3A : memref<!tpu.dma_semaphore, #tpu.memory_space<semaphore_mem>>) src(%dma_wait3A_110 : memref<128x128xf32, #tpu.memory_space<vmem_shared>>) dst(%dma_wait3A_108 : memref<128x128xf32, #tpu.memory_space<vmem>>)
      tpu.yield
    }) : () -> ()
    %add3A_82 = arith.constant 256 : i32
    %add3A_83 = arith.addi %mul3A_10, %add3A_82 : i32
    "tpu.region"() ({
      %run_scoped3A = tpu.sem_alloc : memref<!tpu.dma_semaphore, #tpu.memory_space<semaphore_mem>>
      %dma_start3A_92 = arith.constant 0 : i32
      %dma_start3A_93 = arith.constant 0 : i32
      %dma_start3A_94 = tpu.memref_slice %arg6[%dma_start3A_92, %dma_start3A_93] : memref<256x128xf32, #tpu.memory_space<vmem>> -> memref<128x128xf32, #tpu.memory_space<vmem>>
      %dma_start3A_95 = arith.constant 0 : i32
      %dma_start3A_96 = tpu.memref_slice %arg5[%arg0, %add3A_83, %dma_start3A_95] : memref<2x10112x128xf32, #tpu.memory_space<hbm>> -> memref<1x128x128xf32, #tpu.memory_space<hbm>>
      %dma_start3A_97 = tpu.memref_squeeze %dma_start3A_96 : memref<1x128x128xf32, #tpu.memory_space<hbm>> -> memref<128x128xf32, #tpu.memory_space<hbm>>
      %dma_start3A_98 = arith.constant 0 : i32
      %dma_start3A_99 = tpu.memref_slice %arg5[%arg0, %add3A_83, %dma_start3A_98] : memref<2x10112x128xf32, #tpu.memory_space<hbm>> -> memref<1x128x128xf32, #tpu.memory_space<hbm>>
      %dma_start3A_100 = tpu.memref_squeeze %dma_start3A_99 : memref<1x128x128xf32, #tpu.memory_space<hbm>> -> memref<128x128xf32, #tpu.memory_space<hbm>>
      %dma_start3A_101 = arith.constant 0 : i32
      %dma_start3A_102 = arith.constant 0 : i32
      %dma_start3A_103 = tpu.memref_slice %arg6[%dma_start3A_101, %dma_start3A_102] : memref<256x128xf32, #tpu.memory_space<vmem>> -> memref<128x128xf32, #tpu.memory_space<vmem>>
      tpu.enqueue_dma source(%dma_start3A_103 : memref<128x128xf32, #tpu.memory_space<vmem>>) target(%dma_start3A_100 : memref<128x128xf32, #tpu.memory_space<hbm>>) target_semaphore(%run_scoped3A : memref<!tpu.dma_semaphore, #tpu.memory_space<semaphore_mem>>)
      %dma_wait3A = arith.constant 0 : i32
      %dma_wait3A_104 = arith.constant 0 : i32
      %dma_wait3A_105 = tpu.memref_slice %arg6[%dma_wait3A, %dma_wait3A_104] : memref<256x128xf32, #tpu.memory_space<vmem>> -> memref<128x128xf32, #tpu.memory_space<vmem>>
      %dma_wait3A_106 = arith.constant 0 : i32
      %dma_wait3A_107 = tpu.memref_slice %arg5[%arg0, %add3A_83, %dma_wait3A_106] : memref<2x10112x128xf32, #tpu.memory_space<hbm>> -> memref<1x128x128xf32, #tpu.memory_space<hbm>>
      %dma_wait3A_108 = tpu.memref_squeeze %dma_wait3A_107 : memref<1x128x128xf32, #tpu.memory_space<hbm>> -> memref<128x128xf32, #tpu.memory_space<hbm>>
      %dma_wait3A_109 = arith.constant 0 : i32
      %dma_wait3A_110 = tpu.memref_slice %arg5[%arg0, %add3A_83, %dma_wait3A_109] : memref<2x10112x128xf32, #tpu.memory_space<hbm>> -> memref<1x128x128xf32, #tpu.memory_space<hbm>>
      %dma_wait3A_111 = tpu.memref_squeeze %dma_wait3A_110 : memref<1x128x128xf32, #tpu.memory_space<hbm>> -> memref<128x128xf32, #tpu.memory_space<hbm>>
      %dma_wait3A_112 = arith.constant 0 : i32
      %dma_wait3A_113 = arith.constant 0 : i32
      %dma_wait3A_114 = tpu.memref_slice %arg6[%dma_wait3A_112, %dma_wait3A_113] : memref<256x128xf32, #tpu.memory_space<vmem>> -> memref<128x128xf32, #tpu.memory_space<vmem>>
      tpu.wait_dma2 semaphore(%run_scoped3A : memref<!tpu.dma_semaphore, #tpu.memory_space<semaphore_mem>>) src(%dma_wait3A_114 : memref<128x128xf32, #tpu.memory_space<vmem>>) dst(%dma_wait3A_111 : memref<128x128xf32, #tpu.memory_space<hbm>>)
      tpu.yield
    }) : () -> ()
    %add3A_84 = arith.constant 384 : i32
    %add3A_85 = arith.addi %mul3A_10, %add3A_84 : i32
    "tpu.region"() ({
      %run_scoped3A = tpu.sem_alloc : memref<!tpu.dma_semaphore, #tpu.memory_space<semaphore_mem>>
      %dma_start3A_92 = arith.constant 0 : i32
      %dma_start3A_93 = arith.constant 0 : i32
      %dma_start3A_94 = tpu.memref_slice %arg6[%dma_start3A_92, %dma_start3A_93] : memref<256x128xf32, #tpu.memory_space<vmem>> -> memref<128x128xf32, #tpu.memory_space<vmem>>
      %dma_start3A_95 = arith.constant 0 : i32
      %dma_start3A_96 = tpu.memref_slice %arg9[%add3A_85, %dma_start3A_95] : memref<10112x128xf32, #tpu.memory_space<vmem_shared>> -> memref<128x128xf32, #tpu.memory_space<vmem_shared>>
      %dma_start3A_97 = arith.constant 0 : i32
      %dma_start3A_98 = arith.constant 0 : i32
      %dma_start3A_99 = tpu.memref_slice %arg6[%dma_start3A_97, %dma_start3A_98] : memref<256x128xf32, #tpu.memory_space<vmem>> -> memref<128x128xf32, #tpu.memory_space<vmem>>
      %dma_start3A_100 = arith.constant 0 : i32
      %dma_start3A_101 = tpu.memref_slice %arg9[%add3A_85, %dma_start3A_100] : memref<10112x128xf32, #tpu.memory_space<vmem_shared>> -> memref<128x128xf32, #tpu.memory_space<vmem_shared>>
      tpu.enqueue_dma source(%dma_start3A_101 : memref<128x128xf32, #tpu.memory_space<vmem_shared>>) target(%dma_start3A_99 : memref<128x128xf32, #tpu.memory_space<vmem>>) target_semaphore(%run_scoped3A : memref<!tpu.dma_semaphore, #tpu.memory_space<semaphore_mem>>)
      %dma_wait3A = arith.constant 0 : i32
      %dma_wait3A_102 = arith.constant 0 : i32
      %dma_wait3A_103 = tpu.memref_slice %arg6[%dma_wait3A, %dma_wait3A_102] : memref<256x128xf32, #tpu.memory_space<vmem>> -> memref<128x128xf32, #tpu.memory_space<vmem>>
      %dma_wait3A_104 = arith.constant 0 : i32
      %dma_wait3A_105 = tpu.memref_slice %arg9[%add3A_85, %dma_wait3A_104] : memref<10112x128xf32, #tpu.memory_space<vmem_shared>> -> memref<128x128xf32, #tpu.memory_space<vmem_shared>>
      %dma_wait3A_106 = arith.constant 0 : i32
      %dma_wait3A_107 = arith.constant 0 : i32
      %dma_wait3A_108 = tpu.memref_slice %arg6[%dma_wait3A_106, %dma_wait3A_107] : memref<256x128xf32, #tpu.memory_space<vmem>> -> memref<128x128xf32, #tpu.memory_space<vmem>>
      %dma_wait3A_109 = arith.constant 0 : i32
      %dma_wait3A_110 = tpu.memref_slice %arg9[%add3A_85, %dma_wait3A_109] : memref<10112x128xf32, #tpu.memory_space<vmem_shared>> -> memref<128x128xf32, #tpu.memory_space<vmem_shared>>
      tpu.wait_dma2 semaphore(%run_scoped3A : memref<!tpu.dma_semaphore, #tpu.memory_space<semaphore_mem>>) src(%dma_wait3A_110 : memref<128x128xf32, #tpu.memory_space<vmem_shared>>) dst(%dma_wait3A_108 : memref<128x128xf32, #tpu.memory_space<vmem>>)
      tpu.yield
    }) : () -> ()
    %add3A_86 = arith.constant 384 : i32
    %add3A_87 = arith.addi %mul3A_10, %add3A_86 : i32
    "tpu.region"() ({
      %run_scoped3A = tpu.sem_alloc : memref<!tpu.dma_semaphore, #tpu.memory_space<semaphore_mem>>
      %dma_start3A_92 = arith.constant 0 : i32
      %dma_start3A_93 = arith.constant 0 : i32
      %dma_start3A_94 = tpu.memref_slice %arg6[%dma_start3A_92, %dma_start3A_93] : memref<256x128xf32, #tpu.memory_space<vmem>> -> memref<128x128xf32, #tpu.memory_space<vmem>>
      %dma_start3A_95 = arith.constant 0 : i32
      %dma_start3A_96 = tpu.memref_slice %arg5[%arg0, %add3A_87, %dma_start3A_95] : memref<2x10112x128xf32, #tpu.memory_space<hbm>> -> memref<1x128x128xf32, #tpu.memory_space<hbm>>
      %dma_start3A_97 = tpu.memref_squeeze %dma_start3A_96 : memref<1x128x128xf32, #tpu.memory_space<hbm>> -> memref<128x128xf32, #tpu.memory_space<hbm>>
      %dma_start3A_98 = arith.constant 0 : i32
      %dma_start3A_99 = tpu.memref_slice %arg5[%arg0, %add3A_87, %dma_start3A_98] : memref<2x10112x128xf32, #tpu.memory_space<hbm>> -> memref<1x128x128xf32, #tpu.memory_space<hbm>>
      %dma_start3A_100 = tpu.memref_squeeze %dma_start3A_99 : memref<1x128x128xf32, #tpu.memory_space<hbm>> -> memref<128x128xf32, #tpu.memory_space<hbm>>
      %dma_start3A_101 = arith.constant 0 : i32
      %dma_start3A_102 = arith.constant 0 : i32
      %dma_start3A_103 = tpu.memref_slice %arg6[%dma_start3A_101, %dma_start3A_102] : memref<256x128xf32, #tpu.memory_space<vmem>> -> memref<128x128xf32, #tpu.memory_space<vmem>>
      tpu.enqueue_dma source(%dma_start3A_103 : memref<128x128xf32, #tpu.memory_space<vmem>>) target(%dma_start3A_100 : memref<128x128xf32, #tpu.memory_space<hbm>>) target_semaphore(%run_scoped3A : memref<!tpu.dma_semaphore, #tpu.memory_space<semaphore_mem>>)
      %dma_wait3A = arith.constant 0 : i32
      %dma_wait3A_104 = arith.constant 0 : i32
      %dma_wait3A_105 = tpu.memref_slice %arg6[%dma_wait3A, %dma_wait3A_104] : memref<256x128xf32, #tpu.memory_space<vmem>> -> memref<128x128xf32, #tpu.memory_space<vmem>>
      %dma_wait3A_106 = arith.constant 0 : i32
      %dma_wait3A_107 = tpu.memref_slice %arg5[%arg0, %add3A_87, %dma_wait3A_106] : memref<2x10112x128xf32, #tpu.memory_space<hbm>> -> memref<1x128x128xf32, #tpu.memory_space<hbm>>
      %dma_wait3A_108 = tpu.memref_squeeze %dma_wait3A_107 : memref<1x128x128xf32, #tpu.memory_space<hbm>> -> memref<128x128xf32, #tpu.memory_space<hbm>>
      %dma_wait3A_109 = arith.constant 0 : i32
      %dma_wait3A_110 = tpu.memref_slice %arg5[%arg0, %add3A_87, %dma_wait3A_109] : memref<2x10112x128xf32, #tpu.memory_space<hbm>> -> memref<1x128x128xf32, #tpu.memory_space<hbm>>
      %dma_wait3A_111 = tpu.memref_squeeze %dma_wait3A_110 : memref<1x128x128xf32, #tpu.memory_space<hbm>> -> memref<128x128xf32, #tpu.memory_space<hbm>>
      %dma_wait3A_112 = arith.constant 0 : i32
      %dma_wait3A_113 = arith.constant 0 : i32
      %dma_wait3A_114 = tpu.memref_slice %arg6[%dma_wait3A_112, %dma_wait3A_113] : memref<256x128xf32, #tpu.memory_space<vmem>> -> memref<128x128xf32, #tpu.memory_space<vmem>>
      tpu.wait_dma2 semaphore(%run_scoped3A : memref<!tpu.dma_semaphore, #tpu.memory_space<semaphore_mem>>) src(%dma_wait3A_114 : memref<128x128xf32, #tpu.memory_space<vmem>>) dst(%dma_wait3A_111 : memref<128x128xf32, #tpu.memory_space<hbm>>)
      tpu.yield
    }) : () -> ()
    %add3A_88 = arith.constant 512 : i32
    %add3A_89 = arith.addi %mul3A_10, %add3A_88 : i32
    "tpu.region"() ({
      %run_scoped3A = tpu.sem_alloc : memref<!tpu.dma_semaphore, #tpu.memory_space<semaphore_mem>>
      %dma_start3A_92 = arith.constant 0 : i32
      %dma_start3A_93 = arith.constant 0 : i32
      %dma_start3A_94 = tpu.memref_slice %arg6[%dma_start3A_92, %dma_start3A_93] : memref<256x128xf32, #tpu.memory_space<vmem>> -> memref<120x128xf32, #tpu.memory_space<vmem>>
      %dma_start3A_95 = arith.constant 0 : i32
      %dma_start3A_96 = tpu.memref_slice %arg9[%add3A_89, %dma_start3A_95] : memref<10112x128xf32, #tpu.memory_space<vmem_shared>> -> memref<120x128xf32, #tpu.memory_space<vmem_shared>>
      %dma_start3A_97 = arith.constant 0 : i32
      %dma_start3A_98 = arith.constant 0 : i32
      %dma_start3A_99 = tpu.memref_slice %arg6[%dma_start3A_97, %dma_start3A_98] : memref<256x128xf32, #tpu.memory_space<vmem>> -> memref<120x128xf32, #tpu.memory_space<vmem>>
      %dma_start3A_100 = arith.constant 0 : i32
      %dma_start3A_101 = tpu.memref_slice %arg9[%add3A_89, %dma_start3A_100] : memref<10112x128xf32, #tpu.memory_space<vmem_shared>> -> memref<120x128xf32, #tpu.memory_space<vmem_shared>>
      tpu.enqueue_dma source(%dma_start3A_101 : memref<120x128xf32, #tpu.memory_space<vmem_shared>>) target(%dma_start3A_99 : memref<120x128xf32, #tpu.memory_space<vmem>>) target_semaphore(%run_scoped3A : memref<!tpu.dma_semaphore, #tpu.memory_space<semaphore_mem>>)
      %dma_wait3A = arith.constant 0 : i32
      %dma_wait3A_102 = arith.constant 0 : i32
      %dma_wait3A_103 = tpu.memref_slice %arg6[%dma_wait3A, %dma_wait3A_102] : memref<256x128xf32, #tpu.memory_space<vmem>> -> memref<120x128xf32, #tpu.memory_space<vmem>>
      %dma_wait3A_104 = arith.constant 0 : i32
      %dma_wait3A_105 = tpu.memref_slice %arg9[%add3A_89, %dma_wait3A_104] : memref<10112x128xf32, #tpu.memory_space<vmem_shared>> -> memref<120x128xf32, #tpu.memory_space<vmem_shared>>
      %dma_wait3A_106 = arith.constant 0 : i32
      %dma_wait3A_107 = arith.constant 0 : i32
      %dma_wait3A_108 = tpu.memref_slice %arg6[%dma_wait3A_106, %dma_wait3A_107] : memref<256x128xf32, #tpu.memory_space<vmem>> -> memref<120x128xf32, #tpu.memory_space<vmem>>
      %dma_wait3A_109 = arith.constant 0 : i32
      %dma_wait3A_110 = tpu.memref_slice %arg9[%add3A_89, %dma_wait3A_109] : memref<10112x128xf32, #tpu.memory_space<vmem_shared>> -> memref<120x128xf32, #tpu.memory_space<vmem_shared>>
      tpu.wait_dma2 semaphore(%run_scoped3A : memref<!tpu.dma_semaphore, #tpu.memory_space<semaphore_mem>>) src(%dma_wait3A_110 : memref<120x128xf32, #tpu.memory_space<vmem_shared>>) dst(%dma_wait3A_108 : memref<120x128xf32, #tpu.memory_space<vmem>>)
      tpu.yield
    }) : () -> ()
    %add3A_90 = arith.constant 512 : i32
    %add3A_91 = arith.addi %mul3A_10, %add3A_90 : i32
    "tpu.region"() ({
      %run_scoped3A = tpu.sem_alloc : memref<!tpu.dma_semaphore, #tpu.memory_space<semaphore_mem>>
      %dma_start3A_92 = arith.constant 0 : i32
      %dma_start3A_93 = arith.constant 0 : i32
      %dma_start3A_94 = tpu.memref_slice %arg6[%dma_start3A_92, %dma_start3A_93] : memref<256x128xf32, #tpu.memory_space<vmem>> -> memref<120x128xf32, #tpu.memory_space<vmem>>
      %dma_start3A_95 = arith.constant 0 : i32
      %dma_start3A_96 = tpu.memref_slice %arg5[%arg0, %add3A_91, %dma_start3A_95] : memref<2x10112x128xf32, #tpu.memory_space<hbm>> -> memref<1x120x128xf32, #tpu.memory_space<hbm>>
      %dma_start3A_97 = tpu.memref_squeeze %dma_start3A_96 : memref<1x120x128xf32, #tpu.memory_space<hbm>> -> memref<120x128xf32, #tpu.memory_space<hbm>>
      %dma_start3A_98 = arith.constant 0 : i32
      %dma_start3A_99 = tpu.memref_slice %arg5[%arg0, %add3A_91, %dma_start3A_98] : memref<2x10112x128xf32, #tpu.memory_space<hbm>> -> memref<1x120x128xf32, #tpu.memory_space<hbm>>
      %dma_start3A_100 = tpu.memref_squeeze %dma_start3A_99 : memref<1x120x128xf32, #tpu.memory_space<hbm>> -> memref<120x128xf32, #tpu.memory_space<hbm>>
      %dma_start3A_101 = arith.constant 0 : i32
      %dma_start3A_102 = arith.constant 0 : i32
      %dma_start3A_103 = tpu.memref_slice %arg6[%dma_start3A_101, %dma_start3A_102] : memref<256x128xf32, #tpu.memory_space<vmem>> -> memref<120x128xf32, #tpu.memory_space<vmem>>
      tpu.enqueue_dma source(%dma_start3A_103 : memref<120x128xf32, #tpu.memory_space<vmem>>) target(%dma_start3A_100 : memref<120x128xf32, #tpu.memory_space<hbm>>) target_semaphore(%run_scoped3A : memref<!tpu.dma_semaphore, #tpu.memory_space<semaphore_mem>>)
      %dma_wait3A = arith.constant 0 : i32
      %dma_wait3A_104 = arith.constant 0 : i32
      %dma_wait3A_105 = tpu.memref_slice %arg6[%dma_wait3A, %dma_wait3A_104] : memref<256x128xf32, #tpu.memory_space<vmem>> -> memref<120x128xf32, #tpu.memory_space<vmem>>
      %dma_wait3A_106 = arith.constant 0 : i32
      %dma_wait3A_107 = tpu.memref_slice %arg5[%arg0, %add3A_91, %dma_wait3A_106] : memref<2x10112x128xf32, #tpu.memory_space<hbm>> -> memref<1x120x128xf32, #tpu.memory_space<hbm>>
      %dma_wait3A_108 = tpu.memref_squeeze %dma_wait3A_107 : memref<1x120x128xf32, #tpu.memory_space<hbm>> -> memref<120x128xf32, #tpu.memory_space<hbm>>
      %dma_wait3A_109 = arith.constant 0 : i32
      %dma_wait3A_110 = tpu.memref_slice %arg5[%arg0, %add3A_91, %dma_wait3A_109] : memref<2x10112x128xf32, #tpu.memory_space<hbm>> -> memref<1x120x128xf32, #tpu.memory_space<hbm>>
      %dma_wait3A_111 = tpu.memref_squeeze %dma_wait3A_110 : memref<1x120x128xf32, #tpu.memory_space<hbm>> -> memref<120x128xf32, #tpu.memory_space<hbm>>
      %dma_wait3A_112 = arith.constant 0 : i32
      %dma_wait3A_113 = arith.constant 0 : i32
      %dma_wait3A_114 = tpu.memref_slice %arg6[%dma_wait3A_112, %dma_wait3A_113] : memref<256x128xf32, #tpu.memory_space<vmem>> -> memref<120x128xf32, #tpu.memory_space<vmem>>
      tpu.wait_dma2 semaphore(%run_scoped3A : memref<!tpu.dma_semaphore, #tpu.memory_space<semaphore_mem>>) src(%dma_wait3A_114 : memref<120x128xf32, #tpu.memory_space<vmem>>) dst(%dma_wait3A_111 : memref<120x128xf32, #tpu.memory_space<hbm>>)
      tpu.yield
    }) : () -> ()
    return
  }
}

#map = affine_map<(d0, d1) -> (0, 0)>
module attributes {stable_mosaic.version = 14 : i64} {
  func.func @_pair_body(%arg0: i32, %arg1: i32, %arg2: memref<10112x128xf32, #tpu.memory_space<hbm>>, %arg3: memref<32x128xi32, #tpu.memory_space<hbm>>, %arg4: memref<32x128xi32, #tpu.memory_space<hbm>>, %arg5: memref<4096x128xf32, #tpu.memory_space<hbm>>, %arg6: memref<4096x128xf32, #tpu.memory_space<hbm>>, %arg7: memref<128xi32, #tpu.memory_space<vmem>>, %arg8: memref<128x128xf32, #tpu.memory_space<vmem>>) attributes {dimension_semantics = [#tpu.dimension_semantics<core_parallel>, #tpu.dimension_semantics<subcore_parallel>], iteration_bounds = array<i64: 2, 16>, scalar_prefetch = 0 : i64, scratch_operands = 2 : i64, tpu.core_type = #tpu.core_type<sc_vector_subcore>, window_params = [{transform_indices = #map}, {transform_indices = #map}, {transform_indices = #map}, {transform_indices = #map}, {transform_indices = #map}]} {
    %mul3A = arith.constant 16 : i32
    %mul3A_0 = arith.muli %arg0, %mul3A : i32
    %add3A = arith.addi %mul3A_0, %arg1 : i32
    "tpu.region"() ({
      %run_scoped3A = tpu.sem_alloc : memref<!tpu.dma_semaphore, #tpu.memory_space<semaphore_mem>>
      %dma_start3A = arith.constant 0 : i32
      %dma_start3A_5 = tpu.memref_slice %arg3[%add3A, %dma_start3A] : memref<32x128xi32, #tpu.memory_space<hbm>> -> memref<1x128xi32, #tpu.memory_space<hbm>>
      %dma_start3A_6 = tpu.memref_squeeze %dma_start3A_5 : memref<1x128xi32, #tpu.memory_space<hbm>> -> memref<128xi32, #tpu.memory_space<hbm>>
      %dma_start3A_7 = arith.constant 0 : i32
      %dma_start3A_8 = tpu.memref_slice %arg3[%add3A, %dma_start3A_7] : memref<32x128xi32, #tpu.memory_space<hbm>> -> memref<1x128xi32, #tpu.memory_space<hbm>>
      %dma_start3A_9 = tpu.memref_squeeze %dma_start3A_8 : memref<1x128xi32, #tpu.memory_space<hbm>> -> memref<128xi32, #tpu.memory_space<hbm>>
      tpu.enqueue_dma source(%dma_start3A_9 : memref<128xi32, #tpu.memory_space<hbm>>) target(%arg7 : memref<128xi32, #tpu.memory_space<vmem>>) target_semaphore(%run_scoped3A : memref<!tpu.dma_semaphore, #tpu.memory_space<semaphore_mem>>)
      %dma_wait3A = arith.constant 0 : i32
      %dma_wait3A_10 = tpu.memref_slice %arg3[%add3A, %dma_wait3A] : memref<32x128xi32, #tpu.memory_space<hbm>> -> memref<1x128xi32, #tpu.memory_space<hbm>>
      %dma_wait3A_11 = tpu.memref_squeeze %dma_wait3A_10 : memref<1x128xi32, #tpu.memory_space<hbm>> -> memref<128xi32, #tpu.memory_space<hbm>>
      %dma_wait3A_12 = arith.constant 0 : i32
      %dma_wait3A_13 = tpu.memref_slice %arg3[%add3A, %dma_wait3A_12] : memref<32x128xi32, #tpu.memory_space<hbm>> -> memref<1x128xi32, #tpu.memory_space<hbm>>
      %dma_wait3A_14 = tpu.memref_squeeze %dma_wait3A_13 : memref<1x128xi32, #tpu.memory_space<hbm>> -> memref<128xi32, #tpu.memory_space<hbm>>
      tpu.wait_dma2 semaphore(%run_scoped3A : memref<!tpu.dma_semaphore, #tpu.memory_space<semaphore_mem>>) src(%dma_wait3A_14 : memref<128xi32, #tpu.memory_space<hbm>>) dst(%arg7 : memref<128xi32, #tpu.memory_space<vmem>>)
      tpu.yield
    }) : () -> ()
    "tpu.region"() ({
      %run_scoped3A = tpu.sem_alloc : memref<!tpu.dma_semaphore, #tpu.memory_space<semaphore_mem>>
      %dma_start3A = arith.constant 0 : i32
      %dma_start3A_5 = arith.constant 0 : i32
      %dma_start3A_6 = tpu.memref_slice %arg2[%dma_start3A, %dma_start3A_5] : memref<10112x128xf32, #tpu.memory_space<hbm>> -> memref<10112x128xf32, #tpu.memory_space<hbm>>
      tpu.enqueue_indirect_dma source(%dma_start3A_6 : memref<10112x128xf32, #tpu.memory_space<hbm>>) target(%arg8 : memref<128x128xf32, #tpu.memory_space<vmem>>) offsets(%arg7 : memref<128xi32, #tpu.memory_space<vmem>>) semaphore(%run_scoped3A : memref<!tpu.dma_semaphore, #tpu.memory_space<semaphore_mem>>)
      %dma_wait3A = arith.constant 0 : i32
      %dma_wait3A_7 = arith.constant 0 : i32
      %dma_wait3A_8 = tpu.memref_slice %arg2[%dma_wait3A, %dma_wait3A_7] : memref<10112x128xf32, #tpu.memory_space<hbm>> -> memref<10112x128xf32, #tpu.memory_space<hbm>>
      tpu.wait_indirect_dma semaphore(%run_scoped3A : memref<!tpu.dma_semaphore, #tpu.memory_space<semaphore_mem>>) src(%dma_wait3A_8 : memref<10112x128xf32, #tpu.memory_space<hbm>>) dst(%arg8 : memref<128x128xf32, #tpu.memory_space<vmem>>)
      tpu.yield
    }) : () -> ()
    %mul3A_1 = arith.constant 128 : i32
    %mul3A_2 = arith.muli %add3A, %mul3A_1 : i32
    "tpu.region"() ({
      %run_scoped3A = tpu.sem_alloc : memref<!tpu.dma_semaphore, #tpu.memory_space<semaphore_mem>>
      %dma_start3A = arith.constant 0 : i32
      %dma_start3A_5 = tpu.memref_slice %arg5[%mul3A_2, %dma_start3A] : memref<4096x128xf32, #tpu.memory_space<hbm>> -> memref<128x128xf32, #tpu.memory_space<hbm>>
      %dma_start3A_6 = arith.constant 0 : i32
      %dma_start3A_7 = tpu.memref_slice %arg5[%mul3A_2, %dma_start3A_6] : memref<4096x128xf32, #tpu.memory_space<hbm>> -> memref<128x128xf32, #tpu.memory_space<hbm>>
      tpu.enqueue_dma source(%arg8 : memref<128x128xf32, #tpu.memory_space<vmem>>) target(%dma_start3A_7 : memref<128x128xf32, #tpu.memory_space<hbm>>) target_semaphore(%run_scoped3A : memref<!tpu.dma_semaphore, #tpu.memory_space<semaphore_mem>>)
      %dma_wait3A = arith.constant 0 : i32
      %dma_wait3A_8 = tpu.memref_slice %arg5[%mul3A_2, %dma_wait3A] : memref<4096x128xf32, #tpu.memory_space<hbm>> -> memref<128x128xf32, #tpu.memory_space<hbm>>
      %dma_wait3A_9 = arith.constant 0 : i32
      %dma_wait3A_10 = tpu.memref_slice %arg5[%mul3A_2, %dma_wait3A_9] : memref<4096x128xf32, #tpu.memory_space<hbm>> -> memref<128x128xf32, #tpu.memory_space<hbm>>
      tpu.wait_dma2 semaphore(%run_scoped3A : memref<!tpu.dma_semaphore, #tpu.memory_space<semaphore_mem>>) src(%arg8 : memref<128x128xf32, #tpu.memory_space<vmem>>) dst(%dma_wait3A_10 : memref<128x128xf32, #tpu.memory_space<hbm>>)
      tpu.yield
    }) : () -> ()
    "tpu.region"() ({
      %run_scoped3A = tpu.sem_alloc : memref<!tpu.dma_semaphore, #tpu.memory_space<semaphore_mem>>
      %dma_start3A = arith.constant 0 : i32
      %dma_start3A_5 = tpu.memref_slice %arg4[%add3A, %dma_start3A] : memref<32x128xi32, #tpu.memory_space<hbm>> -> memref<1x128xi32, #tpu.memory_space<hbm>>
      %dma_start3A_6 = tpu.memref_squeeze %dma_start3A_5 : memref<1x128xi32, #tpu.memory_space<hbm>> -> memref<128xi32, #tpu.memory_space<hbm>>
      %dma_start3A_7 = arith.constant 0 : i32
      %dma_start3A_8 = tpu.memref_slice %arg4[%add3A, %dma_start3A_7] : memref<32x128xi32, #tpu.memory_space<hbm>> -> memref<1x128xi32, #tpu.memory_space<hbm>>
      %dma_start3A_9 = tpu.memref_squeeze %dma_start3A_8 : memref<1x128xi32, #tpu.memory_space<hbm>> -> memref<128xi32, #tpu.memory_space<hbm>>
      tpu.enqueue_dma source(%dma_start3A_9 : memref<128xi32, #tpu.memory_space<hbm>>) target(%arg7 : memref<128xi32, #tpu.memory_space<vmem>>) target_semaphore(%run_scoped3A : memref<!tpu.dma_semaphore, #tpu.memory_space<semaphore_mem>>)
      %dma_wait3A = arith.constant 0 : i32
      %dma_wait3A_10 = tpu.memref_slice %arg4[%add3A, %dma_wait3A] : memref<32x128xi32, #tpu.memory_space<hbm>> -> memref<1x128xi32, #tpu.memory_space<hbm>>
      %dma_wait3A_11 = tpu.memref_squeeze %dma_wait3A_10 : memref<1x128xi32, #tpu.memory_space<hbm>> -> memref<128xi32, #tpu.memory_space<hbm>>
      %dma_wait3A_12 = arith.constant 0 : i32
      %dma_wait3A_13 = tpu.memref_slice %arg4[%add3A, %dma_wait3A_12] : memref<32x128xi32, #tpu.memory_space<hbm>> -> memref<1x128xi32, #tpu.memory_space<hbm>>
      %dma_wait3A_14 = tpu.memref_squeeze %dma_wait3A_13 : memref<1x128xi32, #tpu.memory_space<hbm>> -> memref<128xi32, #tpu.memory_space<hbm>>
      tpu.wait_dma2 semaphore(%run_scoped3A : memref<!tpu.dma_semaphore, #tpu.memory_space<semaphore_mem>>) src(%dma_wait3A_14 : memref<128xi32, #tpu.memory_space<hbm>>) dst(%arg7 : memref<128xi32, #tpu.memory_space<vmem>>)
      tpu.yield
    }) : () -> ()
    "tpu.region"() ({
      %run_scoped3A = tpu.sem_alloc : memref<!tpu.dma_semaphore, #tpu.memory_space<semaphore_mem>>
      %dma_start3A = arith.constant 0 : i32
      %dma_start3A_5 = arith.constant 0 : i32
      %dma_start3A_6 = tpu.memref_slice %arg2[%dma_start3A, %dma_start3A_5] : memref<10112x128xf32, #tpu.memory_space<hbm>> -> memref<10112x128xf32, #tpu.memory_space<hbm>>
      tpu.enqueue_indirect_dma source(%dma_start3A_6 : memref<10112x128xf32, #tpu.memory_space<hbm>>) target(%arg8 : memref<128x128xf32, #tpu.memory_space<vmem>>) offsets(%arg7 : memref<128xi32, #tpu.memory_space<vmem>>) semaphore(%run_scoped3A : memref<!tpu.dma_semaphore, #tpu.memory_space<semaphore_mem>>)
      %dma_wait3A = arith.constant 0 : i32
      %dma_wait3A_7 = arith.constant 0 : i32
      %dma_wait3A_8 = tpu.memref_slice %arg2[%dma_wait3A, %dma_wait3A_7] : memref<10112x128xf32, #tpu.memory_space<hbm>> -> memref<10112x128xf32, #tpu.memory_space<hbm>>
      tpu.wait_indirect_dma semaphore(%run_scoped3A : memref<!tpu.dma_semaphore, #tpu.memory_space<semaphore_mem>>) src(%dma_wait3A_8 : memref<10112x128xf32, #tpu.memory_space<hbm>>) dst(%arg8 : memref<128x128xf32, #tpu.memory_space<vmem>>)
      tpu.yield
    }) : () -> ()
    %mul3A_3 = arith.constant 128 : i32
    %mul3A_4 = arith.muli %add3A, %mul3A_3 : i32
    "tpu.region"() ({
      %run_scoped3A = tpu.sem_alloc : memref<!tpu.dma_semaphore, #tpu.memory_space<semaphore_mem>>
      %dma_start3A = arith.constant 0 : i32
      %dma_start3A_5 = tpu.memref_slice %arg6[%mul3A_4, %dma_start3A] : memref<4096x128xf32, #tpu.memory_space<hbm>> -> memref<128x128xf32, #tpu.memory_space<hbm>>
      %dma_start3A_6 = arith.constant 0 : i32
      %dma_start3A_7 = tpu.memref_slice %arg6[%mul3A_4, %dma_start3A_6] : memref<4096x128xf32, #tpu.memory_space<hbm>> -> memref<128x128xf32, #tpu.memory_space<hbm>>
      tpu.enqueue_dma source(%arg8 : memref<128x128xf32, #tpu.memory_space<vmem>>) target(%dma_start3A_7 : memref<128x128xf32, #tpu.memory_space<hbm>>) target_semaphore(%run_scoped3A : memref<!tpu.dma_semaphore, #tpu.memory_space<semaphore_mem>>)
      %dma_wait3A = arith.constant 0 : i32
      %dma_wait3A_8 = tpu.memref_slice %arg6[%mul3A_4, %dma_wait3A] : memref<4096x128xf32, #tpu.memory_space<hbm>> -> memref<128x128xf32, #tpu.memory_space<hbm>>
      %dma_wait3A_9 = arith.constant 0 : i32
      %dma_wait3A_10 = tpu.memref_slice %arg6[%mul3A_4, %dma_wait3A_9] : memref<4096x128xf32, #tpu.memory_space<hbm>> -> memref<128x128xf32, #tpu.memory_space<hbm>>
      tpu.wait_dma2 semaphore(%run_scoped3A : memref<!tpu.dma_semaphore, #tpu.memory_space<semaphore_mem>>) src(%arg8 : memref<128x128xf32, #tpu.memory_space<vmem>>) dst(%dma_wait3A_10 : memref<128x128xf32, #tpu.memory_space<hbm>>)
      tpu.yield
    }) : () -> ()
    return
  }
}

module attributes {stable_mosaic.version = 14 : i64} {
  func.func @_l1_body(%arg0: i32, %arg1: memref<2528x128xf32, #tpu.memory_space<vmem>>, %arg2: memref<2528x128xf32, #tpu.memory_space<vmem>>, %arg3: memref<128x128xf32, #tpu.memory_space<vmem>>, %arg4: memref<2528x128xf32, #tpu.memory_space<vmem>>) attributes {dimension_semantics = [#tpu.dimension_semantics<arbitrary>], iteration_bounds = array<i64: 4>, scalar_prefetch = 0 : i64, scratch_operands = 0 : i64, tpu.core_type = #tpu.core_type<tc>, window_params = [{transform_indices = @transform_0, window_bounds = array<i64: 2528, 128>}, {transform_indices = @transform_1, window_bounds = array<i64: 2528, 128>}, {pipeline_mode = #tpu.pipeline_mode<synchronous>, transform_indices = @transform_2, window_bounds = array<i64: 128, 128>}, {transform_indices = @transform_3, window_bounds = array<i64: 2528, 128>}]} {
    %get3A = arith.constant 0 : index
    %get3A_0 = arith.constant 0 : index
    %get3A_1 = vector.load %arg2[%get3A, %get3A_0] : memref<2528x128xf32, #tpu.memory_space<vmem>>, vector<2528x128xf32>
    %max3A = arith.constant 1.000000e+00 : f32
    %max3A_2 = vector.broadcast %max3A : f32 to vector<2528x128xf32>
    %max3A_3 = arith.maximumf %get3A_1, %max3A_2 : vector<2528x128xf32>
    %rsqrt3A = math.rsqrt %max3A_3 : vector<2528x128xf32>
    %get3A_4 = arith.constant 0 : index
    %get3A_5 = arith.constant 0 : index
    %get3A_6 = vector.load %arg1[%get3A_4, %get3A_5] : memref<2528x128xf32, #tpu.memory_space<vmem>>, vector<2528x128xf32>
    %get3A_7 = arith.constant 0 : index
    %get3A_8 = arith.constant 0 : index
    %get3A_9 = vector.load %arg3[%get3A_7, %get3A_8] : memref<128x128xf32, #tpu.memory_space<vmem>>, vector<128x128xf32>
    %dot_general3A = arith.constant dense<0.000000e+00> : vector<2528x128xf32>
    %dot_general3A_10 = tpu.matmul %get3A_6, %get3A_9, %dot_general3A {dimension_numbers = #tpu.dot_dimension_numbers<[1], [0], [0], [1], [0, 0, 1, 1], [], []>, transpose_lhs_hint = false} : vector<2528x128xf32>, vector<128x128xf32>, vector<2528x128xf32> -> vector<2528x128xf32>
    %mul3A = arith.mulf %dot_general3A_10, %rsqrt3A : vector<2528x128xf32>
    %swap3A = arith.constant 0 : index
    %swap3A_11 = arith.constant 0 : index
    %swap3A_12 = vector.load %arg4[%swap3A, %swap3A_11] : memref<2528x128xf32, #tpu.memory_space<vmem>>, vector<2528x128xf32>
    tpu.vector_store %arg4[%swap3A, %swap3A_11], %mul3A {strides = array<i32>} : memref<2528x128xf32, #tpu.memory_space<vmem>>, vector<2528x128xf32>,
    return
  }
  func.func @transform_0(%arg0: i32) -> (i32, i32) {
    %c0_i32 = arith.constant 0 : i32
    %c0_i32_0 = arith.constant 0 : i32
    return %arg0, %c0_i32 : i32, i32
  }
  func.func @transform_1(%arg0: i32) -> (i32, i32) {
    %c0_i32 = arith.constant 0 : i32
    %c0_i32_0 = arith.constant 0 : i32
    return %arg0, %c0_i32 : i32, i32
  }
  func.func @transform_2(%arg0: i32) -> (i32, i32) {
    %c0_i32 = arith.constant 0 : i32
    %c0_i32_0 = arith.constant 0 : i32
    %c0_i32_1 = arith.constant 0 : i32
    return %c0_i32, %c0_i32_0 : i32, i32
  }
  func.func @transform_3(%arg0: i32) -> (i32, i32) {
    %c0_i32 = arith.constant 0 : i32
    %c0_i32_0 = arith.constant 0 : i32
    return %arg0, %c0_i32 : i32, i32
  }
}

module attributes {stable_mosaic.version = 14 : i64} {
  func.func @_l23_body(%arg0: i32, %arg1: memref<2x2528x128xf32, #tpu.memory_space<vmem>>, %arg2: memref<2528x128xf32, #tpu.memory_space<vmem>>, %arg3: memref<2528x128xf32, #tpu.memory_space<vmem>>, %arg4: memref<1x128xf32, #tpu.memory_space<vmem>>, %arg5: memref<128x128xf32, #tpu.memory_space<vmem>>, %arg6: memref<2528x128xf32, #tpu.memory_space<vmem>>) attributes {dimension_semantics = [#tpu.dimension_semantics<arbitrary>], iteration_bounds = array<i64: 4>, scalar_prefetch = 0 : i64, scratch_operands = 0 : i64, tpu.core_type = #tpu.core_type<tc>, window_params = [{transform_indices = @transform_0, window_bounds = array<i64: 2, 2528, 128>}, {transform_indices = @transform_1, window_bounds = array<i64: 2528, 128>}, {transform_indices = @transform_2, window_bounds = array<i64: 2528, 128>}, {pipeline_mode = #tpu.pipeline_mode<synchronous>, transform_indices = @transform_3, window_bounds = array<i64: 1, 128>}, {pipeline_mode = #tpu.pipeline_mode<synchronous>, transform_indices = @transform_4, window_bounds = array<i64: 128, 128>}, {transform_indices = @transform_5, window_bounds = array<i64: 2528, 128>}]} {
    %get3A = arith.constant 0 : index
    %get3A_0 = arith.constant 0 : index
    %get3A_1 = vector.load %arg2[%get3A, %get3A_0] : memref<2528x128xf32, #tpu.memory_space<vmem>>, vector<2528x128xf32>
    %max3A = arith.constant 1.000000e+00 : f32
    %max3A_2 = vector.broadcast %max3A : f32 to vector<2528x128xf32>
    %max3A_3 = arith.maximumf %get3A_1, %max3A_2 : vector<2528x128xf32>
    %rsqrt3A = math.rsqrt %max3A_3 : vector<2528x128xf32>
    %get3A_4 = arith.constant 0 : index
    %get3A_5 = arith.constant 0 : index
    %get3A_6 = vector.load %arg3[%get3A_4, %get3A_5] : memref<2528x128xf32, #tpu.memory_space<vmem>>, vector<2528x128xf32>
    %max3A_7 = arith.constant 1.000000e+00 : f32
    %max3A_8 = vector.broadcast %max3A_7 : f32 to vector<2528x128xf32>
    %max3A_9 = arith.maximumf %get3A_6, %max3A_8 : vector<2528x128xf32>
    %rsqrt3A_10 = math.rsqrt %max3A_9 : vector<2528x128xf32>
    %get3A_11 = arith.constant 0 : index
    %get3A_12 = arith.constant 0 : index
    %get3A_13 = arith.constant 0 : index
    %get3A_14 = vector.load %arg1[%get3A_11, %get3A_12, %get3A_13] : memref<2x2528x128xf32, #tpu.memory_space<vmem>>, vector<1x2528x128xf32>
    %get3A_15 = vector.shape_cast %get3A_14 : vector<1x2528x128xf32> to vector<2528x128xf32>
    %get3A_16 = arith.constant 1 : index
    %get3A_17 = arith.constant 0 : index
    %get3A_18 = arith.constant 0 : index
    %get3A_19 = vector.load %arg1[%get3A_16, %get3A_17, %get3A_18] : memref<2x2528x128xf32, #tpu.memory_space<vmem>>, vector<1x2528x128xf32>
    %get3A_20 = vector.shape_cast %get3A_19 : vector<1x2528x128xf32> to vector<2528x128xf32>
    %add3A = arith.addf %get3A_15, %get3A_20 : vector<2528x128xf32>
    %mul3A = arith.mulf %add3A, %rsqrt3A : vector<2528x128xf32>
    %get3A_21 = arith.constant 0 : index
    %get3A_22 = arith.constant 0 : index
    %get3A_23 = vector.load %arg4[%get3A_21, %get3A_22] : memref<1x128xf32, #tpu.memory_space<vmem>>, vector<1x128xf32>
    %add3A_24 = vector.broadcast %get3A_23 : vector<1x128xf32> to vector<2528x128xf32>
    %add3A_25 = arith.addf %mul3A, %add3A_24 : vector<2528x128xf32>
    %max3A_26 = arith.constant 0.000000e+00 : f32
    %max3A_27 = vector.broadcast %max3A_26 : f32 to vector<2528x128xf32>
    %max3A_28 = arith.maximumf %add3A_25, %max3A_27 : vector<2528x128xf32>
    %get3A_29 = arith.constant 0 : index
    %get3A_30 = arith.constant 0 : index
    %get3A_31 = vector.load %arg5[%get3A_29, %get3A_30] : memref<128x128xf32, #tpu.memory_space<vmem>>, vector<128x128xf32>
    %dot_general3A = arith.constant dense<0.000000e+00> : vector<2528x128xf32>
    %dot_general3A_32 = tpu.matmul %max3A_28, %get3A_31, %dot_general3A {dimension_numbers = #tpu.dot_dimension_numbers<[1], [0], [0], [1], [0, 0, 1, 1], [], []>, transpose_lhs_hint = false} : vector<2528x128xf32>, vector<128x128xf32>, vector<2528x128xf32> -> vector<2528x128xf32>
    %mul3A_33 = arith.mulf %dot_general3A_32, %rsqrt3A_10 : vector<2528x128xf32>
    %swap3A = arith.constant 0 : index
    %swap3A_34 = arith.constant 0 : index
    %swap3A_35 = vector.load %arg6[%swap3A, %swap3A_34] : memref<2528x128xf32, #tpu.memory_space<vmem>>, vector<2528x128xf32>
    tpu.vector_store %arg6[%swap3A, %swap3A_34], %mul3A_33 {strides = array<i32>} : memref<2528x128xf32, #tpu.memory_space<vmem>>, vector<2528x128xf32>,
    return
  }
  func.func @transform_0(%arg0: i32) -> (i32, i32, i32) {
    %c0_i32 = arith.constant 0 : i32
    %c0_i32_0 = arith.constant 0 : i32
    %c0_i32_1 = arith.constant 0 : i32
    return %c0_i32, %arg0, %c0_i32_0 : i32, i32, i32
  }
  func.func @transform_1(%arg0: i32) -> (i32, i32) {
    %c0_i32 = arith.constant 0 : i32
    %c0_i32_0 = arith.constant 0 : i32
    return %arg0, %c0_i32 : i32, i32
  }
  func.func @transform_2(%arg0: i32) -> (i32, i32) {
    %c0_i32 = arith.constant 0 : i32
    %c0_i32_0 = arith.constant 0 : i32
    return %arg0, %c0_i32 : i32, i32
  }
  func.func @transform_3(%arg0: i32) -> (i32, i32) {
    %c0_i32 = arith.constant 0 : i32
    %c0_i32_0 = arith.constant 0 : i32
    %c0_i32_1 = arith.constant 0 : i32
    return %c0_i32, %c0_i32_0 : i32, i32
  }
  func.func @transform_4(%arg0: i32) -> (i32, i32) {
    %c0_i32 = arith.constant 0 : i32
    %c0_i32_0 = arith.constant 0 : i32
    %c0_i32_1 = arith.constant 0 : i32
    return %c0_i32, %c0_i32_0 : i32, i32
  }
  func.func @transform_5(%arg0: i32) -> (i32, i32) {
    %c0_i32 = arith.constant 0 : i32
    %c0_i32_0 = arith.constant 0 : i32
    return %arg0, %c0_i32 : i32, i32
  }
}

module attributes {stable_mosaic.version = 14 : i64} {
  func.func @_fin_body(%arg0: i32, %arg1: memref<2x2528x128xf32, #tpu.memory_space<vmem>>, %arg2: memref<2528x128xf32, #tpu.memory_space<vmem>>, %arg3: memref<1x128xf32, #tpu.memory_space<vmem>>, %arg4: memref<2528x128xf32, #tpu.memory_space<vmem>>) attributes {dimension_semantics = [#tpu.dimension_semantics<arbitrary>], iteration_bounds = array<i64: 4>, scalar_prefetch = 0 : i64, scratch_operands = 0 : i64, tpu.core_type = #tpu.core_type<tc>, window_params = [{transform_indices = @transform_0, window_bounds = array<i64: 2, 2528, 128>}, {transform_indices = @transform_1, window_bounds = array<i64: 2528, 128>}, {pipeline_mode = #tpu.pipeline_mode<synchronous>, transform_indices = @transform_2, window_bounds = array<i64: 1, 128>}, {transform_indices = @transform_3, window_bounds = array<i64: 2528, 128>}]} {
    %get3A = arith.constant 0 : index
    %get3A_0 = arith.constant 0 : index
    %get3A_1 = vector.load %arg2[%get3A, %get3A_0] : memref<2528x128xf32, #tpu.memory_space<vmem>>, vector<2528x128xf32>
    %max3A = arith.constant 1.000000e+00 : f32
    %max3A_2 = vector.broadcast %max3A : f32 to vector<2528x128xf32>
    %max3A_3 = arith.maximumf %get3A_1, %max3A_2 : vector<2528x128xf32>
    %rsqrt3A = math.rsqrt %max3A_3 : vector<2528x128xf32>
    %get3A_4 = arith.constant 0 : index
    %get3A_5 = arith.constant 0 : index
    %get3A_6 = arith.constant 0 : index
    %get3A_7 = vector.load %arg1[%get3A_4, %get3A_5, %get3A_6] : memref<2x2528x128xf32, #tpu.memory_space<vmem>>, vector<1x2528x128xf32>
    %get3A_8 = vector.shape_cast %get3A_7 : vector<1x2528x128xf32> to vector<2528x128xf32>
    %get3A_9 = arith.constant 1 : index
    %get3A_10 = arith.constant 0 : index
    %get3A_11 = arith.constant 0 : index
    %get3A_12 = vector.load %arg1[%get3A_9, %get3A_10, %get3A_11] : memref<2x2528x128xf32, #tpu.memory_space<vmem>>, vector<1x2528x128xf32>
    %get3A_13 = vector.shape_cast %get3A_12 : vector<1x2528x128xf32> to vector<2528x128xf32>
    %add3A = arith.addf %get3A_8, %get3A_13 : vector<2528x128xf32>
    %mul3A = arith.mulf %add3A, %rsqrt3A : vector<2528x128xf32>
    %get3A_14 = arith.constant 0 : index
    %get3A_15 = arith.constant 0 : index
    %get3A_16 = vector.load %arg3[%get3A_14, %get3A_15] : memref<1x128xf32, #tpu.memory_space<vmem>>, vector<1x128xf32>
    %add3A_17 = vector.broadcast %get3A_16 : vector<1x128xf32> to vector<2528x128xf32>
    %add3A_18 = arith.addf %mul3A, %add3A_17 : vector<2528x128xf32>
    %swap3A = arith.constant 0 : index
    %swap3A_19 = arith.constant 0 : index
    %swap3A_20 = vector.load %arg4[%swap3A, %swap3A_19] : memref<2528x128xf32, #tpu.memory_space<vmem>>, vector<2528x128xf32>
    tpu.vector_store %arg4[%swap3A, %swap3A_19], %add3A_18 {strides = array<i32>} : memref<2528x128xf32, #tpu.memory_space<vmem>>, vector<2528x128xf32>,
    return
  }
  func.func @transform_0(%arg0: i32) -> (i32, i32, i32) {
    %c0_i32 = arith.constant 0 : i32
    %c0_i32_0 = arith.constant 0 : i32
    %c0_i32_1 = arith.constant 0 : i32
    return %c0_i32, %arg0, %c0_i32_0 : i32, i32, i32
  }
  func.func @transform_1(%arg0: i32) -> (i32, i32) {
    %c0_i32 = arith.constant 0 : i32
    %c0_i32_0 = arith.constant 0 : i32
    return %arg0, %c0_i32 : i32, i32
  }
  func.func @transform_2(%arg0: i32) -> (i32, i32) {
    %c0_i32 = arith.constant 0 : i32
    %c0_i32_0 = arith.constant 0 : i32
    %c0_i32_1 = arith.constant 0 : i32
    return %c0_i32, %c0_i32_0 : i32, i32
  }
  func.func @transform_3(%arg0: i32) -> (i32, i32) {
    %c0_i32 = arith.constant 0 : i32
    %c0_i32_0 = arith.constant 0 : i32
    return %arg0, %c0_i32 : i32, i32
  }
}

module attributes {stable_mosaic.version = 14 : i64} {
  func.func @_mlp_body(%arg0: memref<4096x128xf32, #tpu.memory_space<vmem>>, %arg1: memref<4096x128xf32, #tpu.memory_space<vmem>>, %arg2: memref<128x128xf32, #tpu.memory_space<vmem>>, %arg3: memref<128x128xf32, #tpu.memory_space<vmem>>, %arg4: memref<1x128xf32, #tpu.memory_space<vmem>>, %arg5: memref<128x128xf32, #tpu.memory_space<vmem>>, %arg6: memref<1x128xf32, #tpu.memory_space<vmem>>, %arg7: memref<4096x128xf32, #tpu.memory_space<vmem>>) attributes {dimension_semantics = [], scalar_prefetch = 0 : i64, scratch_operands = 0 : i64, tpu.core_type = #tpu.core_type<tc>} {
    %get3A = arith.constant 0 : index
    %get3A_0 = arith.constant 0 : index
    %get3A_1 = vector.load %arg0[%get3A, %get3A_0] : memref<4096x128xf32, #tpu.memory_space<vmem>>, vector<4096x128xf32>
    %get3A_2 = arith.constant 0 : index
    %get3A_3 = arith.constant 0 : index
    %get3A_4 = vector.load %arg2[%get3A_2, %get3A_3] : memref<128x128xf32, #tpu.memory_space<vmem>>, vector<128x128xf32>
    %dot_general3A = arith.constant dense<0.000000e+00> : vector<4096x128xf32>
    %dot_general3A_5 = tpu.matmul %get3A_1, %get3A_4, %dot_general3A {dimension_numbers = #tpu.dot_dimension_numbers<[1], [0], [0], [1], [0, 0, 1, 1], [], []>, transpose_lhs_hint = false} : vector<4096x128xf32>, vector<128x128xf32>, vector<4096x128xf32> -> vector<4096x128xf32>
    %get3A_6 = arith.constant 0 : index
    %get3A_7 = arith.constant 0 : index
    %get3A_8 = vector.load %arg1[%get3A_6, %get3A_7] : memref<4096x128xf32, #tpu.memory_space<vmem>>, vector<4096x128xf32>
    %get3A_9 = arith.constant 0 : index
    %get3A_10 = arith.constant 0 : index
    %get3A_11 = vector.load %arg3[%get3A_9, %get3A_10] : memref<128x128xf32, #tpu.memory_space<vmem>>, vector<128x128xf32>
    %dot_general3A_12 = arith.constant dense<0.000000e+00> : vector<4096x128xf32>
    %dot_general3A_13 = tpu.matmul %get3A_8, %get3A_11, %dot_general3A_12 {dimension_numbers = #tpu.dot_dimension_numbers<[1], [0], [0], [1], [0, 0, 1, 1], [], []>, transpose_lhs_hint = false} : vector<4096x128xf32>, vector<128x128xf32>, vector<4096x128xf32> -> vector<4096x128xf32>
    %add3A = arith.addf %dot_general3A_5, %dot_general3A_13 : vector<4096x128xf32>
    %get3A_14 = arith.constant 0 : index
    %get3A_15 = arith.constant 0 : index
    %get3A_16 = vector.load %arg4[%get3A_14, %get3A_15] : memref<1x128xf32, #tpu.memory_space<vmem>>, vector<1x128xf32>
    %add3A_17 = vector.broadcast %get3A_16 : vector<1x128xf32> to vector<4096x128xf32>
    %add3A_18 = arith.addf %add3A, %add3A_17 : vector<4096x128xf32>
    %max3A = arith.constant 0.000000e+00 : f32
    %max3A_19 = vector.broadcast %max3A : f32 to vector<4096x128xf32>
    %max3A_20 = arith.maximumf %add3A_18, %max3A_19 : vector<4096x128xf32>
    %get3A_21 = arith.constant 0 : index
    %get3A_22 = arith.constant 0 : index
    %get3A_23 = vector.load %arg5[%get3A_21, %get3A_22] : memref<128x128xf32, #tpu.memory_space<vmem>>, vector<128x128xf32>
    %dot_general3A_24 = arith.constant dense<0.000000e+00> : vector<4096x128xf32>
    %dot_general3A_25 = tpu.matmul %max3A_20, %get3A_23, %dot_general3A_24 {dimension_numbers = #tpu.dot_dimension_numbers<[1], [0], [0], [1], [0, 0, 1, 1], [], []>, transpose_lhs_hint = false} : vector<4096x128xf32>, vector<128x128xf32>, vector<4096x128xf32> -> vector<4096x128xf32>
    %get3A_26 = arith.constant 0 : index
    %get3A_27 = arith.constant 0 : index
    %get3A_28 = vector.load %arg6[%get3A_26, %get3A_27] : memref<1x128xf32, #tpu.memory_space<vmem>>, vector<1x128xf32>
    %add3A_29 = vector.broadcast %get3A_28 : vector<1x128xf32> to vector<4096x128xf32>
    %add3A_30 = arith.addf %dot_general3A_25, %add3A_29 : vector<4096x128xf32>
    %slice3A = vector.extract_strided_slice %add3A_30 {offsets = [0, 0], sizes = [4096, 1], strides = [1, 1]} : vector<4096x128xf32> to vector<4096x1xf32>
    %slice3A_31 = vector.extract_strided_slice %add3A_30 {offsets = [0, 1], sizes = [4096, 1], strides = [1, 1]} : vector<4096x128xf32> to vector<4096x1xf32>
    %max3A_32 = arith.maximumf %slice3A, %slice3A_31 : vector<4096x1xf32>
    %sub3A = arith.subf %slice3A, %max3A_32 : vector<4096x1xf32>
    %exp3A = math.exp %sub3A : vector<4096x1xf32>
    %sub3A_33 = arith.subf %slice3A_31, %max3A_32 : vector<4096x1xf32>
    %exp3A_34 = math.exp %sub3A_33 : vector<4096x1xf32>
    %add3A_35 = arith.addf %exp3A, %exp3A_34 : vector<4096x1xf32>
    %iota3A = tpu.iota {dimensions = array<i32: 1>} : vector<4096x128xi32>
    %eq3A = arith.constant 0 : i32
    %eq3A_36 = vector.broadcast %eq3A : i32 to vector<4096x128xi32>
    %eq3A_37 = arith.cmpi eq, %iota3A, %eq3A_36 : vector<4096x128xi32>
    %div3A = arith.divf %exp3A, %add3A_35 : vector<4096x1xf32>
    %eq3A_38 = arith.constant 1 : i32
    %eq3A_39 = vector.broadcast %eq3A_38 : i32 to vector<4096x128xi32>
    %eq3A_40 = arith.cmpi eq, %iota3A, %eq3A_39 : vector<4096x128xi32>
    %div3A_41 = arith.divf %exp3A_34, %add3A_35 : vector<4096x1xf32>
    %jit3A = arith.constant 0.000000e+00 : f32
    %broadcast_in_dim3A = vector.shape_cast %div3A_41 : vector<4096x1xf32> to vector<4096x1xf32>
    %broadcast_in_dim3A_42 = vector.broadcast %broadcast_in_dim3A : vector<4096x1xf32> to vector<4096x128xf32>
    %broadcast_in_dim3A_43 = vector.broadcast %jit3A : f32 to vector<4096x128xf32>
    %select_n3A = arith.select %eq3A_40, %broadcast_in_dim3A_42, %broadcast_in_dim3A_43 : vector<4096x128xi1>, vector<4096x128xf32>
    %broadcast_in_dim3A_44 = vector.shape_cast %div3A : vector<4096x1xf32> to vector<4096x1xf32>
    %broadcast_in_dim3A_45 = vector.broadcast %broadcast_in_dim3A_44 : vector<4096x1xf32> to vector<4096x128xf32>
    %select_n3A_46 = arith.select %eq3A_37, %broadcast_in_dim3A_45, %select_n3A : vector<4096x128xi1>, vector<4096x128xf32>
    %swap3A = arith.constant 0 : index
    %swap3A_47 = arith.constant 0 : index
    %swap3A_48 = vector.load %arg7[%swap3A, %swap3A_47] : memref<4096x128xf32, #tpu.memory_space<vmem>>, vector<4096x128xf32>
    tpu.vector_store %arg7[%swap3A, %swap3A_47], %select_n3A_46 {strides = array<i32>} : memref<4096x128xf32, #tpu.memory_space<vmem>>, vector<4096x128xf32>,
    return
  }
}

</mosaic_0001>

<sc_bundles>
// kernel: kernel.12.cloned.1.call-start
scs
__scs_entry_jumppad:
0x0: {  	(pc) =	sbr.rel $0x88, $3  }
0x1: {  	(tag) =	ssettag $0x0;
	lr =	simm.s32 $0x1  }
0x2: {  	[smem:$0x3F93] =	sst lr;
	_ =	strace $0xD0000000  }
0x3: {  	_ = 	snop  }
0x4: {  	_ = 	snop  }
0x5: {  	_ = 	snop  }
0x6: {  	_ = 	snop  }
0x7: {  	_ = 	snop  }
__scs_overlays_trampoline_lowered:
0x8: {  	[smem:$0x3FA2] =	sst s0  }
0x9: {  	[smem:$0x3FA3] =	sst s1  }
0xa: {  	[smem:$0x3FA4] =	sst s2  }
0xb: {  	[smem:$0x3FA5] =	sst s3  }
0xc: {  	[smem:$0x3FA6] =	sst s4  }
0xd: {  	[smem:$0x3FA7] =	sst s5  }
0xe: {  	[smem:$0x3FA8] =	sst s6  }
0xf: {  	[smem:$0x3FA9] =	sst s7  }
0x10: {  	[smem:$0x3FAA] =	sst s8  }
0x11: {  	[smem:$0x3FAB] =	sst s9;
	s0 =	simm.s32 @!p0 $0x0  }
0x12: {  	s1 =	sld [smem:$0x3F91];
	s0 =	simm.s32 @p0 $0x1  }
0x13: {  	[smem:$0x3FAC] =	sst s0;
	s0 =	simm.s32 @!p1 $0x0  }
0x14: {  	s2 =	sld [smem:$0x3F90];
	s0 =	simm.s32 @p1 $0x1  }
0x15: {  	[smem:$0x3FAD] =	sst s0;
	s0 =	simm.s32 @!p2 $0x0  }
0x16: {  	s3 =	sld [smem:$0x3FDB];
	s0 =	simm.s32 @p2 $0x1  }
0x17: {  	s4 =	simm.s32 $0x1BF5;
	[smem:$0x3FAF] =	sst s0  }
0x18: {  	s0 =	sld [smem:$0x3F92];
	_ =	swait.ge [sflag:s4], $0x0  }
0x19: {  	s7 =	sld [smem:$0x3F93]  }
0x1a: {  	s8 =	sadd.s32 $0xFFFFE003, lr  }
0x1b: {  	s9 =	sadd.s32 $0xFFFFFEF7, lr;
	s5 =	simm.s32 $0xFFFFFFFF;
	p2 =	slt.u32 s8, $0xFFFFF086  }
0x1c: {  	p1 =	slt.u32 s9, $0xF7A;
	s5 =	simm.s32 @!p2 $0x0  }
0x1d: {  	s5 =	simm.s32 @p1 $0x1;
	p0 =	seq.s32 s7, s2  }
0x1e: {  	s7 =	smul.u32 @!p0 $0xF7A, s2;
	p2 =	seq.s32 @!p0 s5, $0x0  }
0x1f: {  	s9 =	smul.u32 $0xF7A, s1;
	s8 =	simm.s32 @!p0 $0x1BF5;
	p2 =	por !p2, p0  }
0x20: {  	[sflag:s8] =	ssyncset.s32 @!p0 $0xFFFFF086;
	s6 =	sadd.s32 @!p0 s3, s7;
	s7 =	simm.s32 @!p0 $0x108  }
0x21: {  	s3 =	sadd.s32 s3, s9;
	s6 =	sadd.s32 @!p0 $0x88, s6;
	s7 =	simm.s32 @p2 $0x1082  }
0x22: {  	[simem:s7], [sflag:s8] =	dma.local @!p0 [hbm:s6], $0xF7A  }
0x23: {  	s9 =	sor.u32 $0xD0000000, s2;
	s6 =	simm.s32 $0x108;
	_ =	swait.ge @!p0 [sflag:s8], $0x0  }
0x24: {  	s3 =	sadd.s32 $0x88, s3;
	s6 =	simm.s32 @!p1 $0x1082;
	[sflag:s4] =	ssyncset.s32 $0xFFFFF086  }
0x25: {  	[simem:s6], [sflag:s4] =	dma.local [hbm:s3], $0xF7A  }
0x26: {  	[smem:$0x3F93] =	sst s1;
	(tag) =	ssettag s2;
	_ =	strace s9  }
0x27: {  	s1 =	sld [smem:$0x3FA3]  }
0x28: {  	s2 =	sld [smem:$0x3FA4]  }
0x29: {  	s4 =	sld [smem:$0x3FA6]  }
0x2a: {  	p0 =	seq.s32 s5, $0x0;
	s5 =	sld [smem:$0x3FA7]  }
0x2b: {  	s6 =	sld [smem:$0x3FA8]  }
0x2c: {  	s7 =	sld [smem:$0x3FA9]  }
0x2d: {  	s3 =	simm.s32 $0x108;
	s8 =	sld [smem:$0x3FAA]  }
0x2e: {  	s3 =	simm.s32 @!p0 $0x1082;
	s9 =	sld [smem:$0x3FAB]  }
0x2f: {  	lr =	sadd.s32 s0, s3;
	s0 =	sld [smem:$0x3FA2]  }
0x30: {  	s3 =	sld [smem:$0x3FA5]  }
0x31: {  	[smem:$0x3FAE] =	sst s10  }
0x32: {  	s10 =	sld [smem:$0x3FAC];
	_ =	sdelay $0x3  }
0x33: {  	p0 =	seq.s32 s10, $0x1;
	s10 =	sld [smem:$0x3FAE];
	_ =	sdelay $0x3  }
0x34: {  	[smem:$0x3FAE] =	sst s10  }
0x35: {  	s10 =	sld [smem:$0x3FAD];
	_ =	sdelay $0x3  }
0x36: {  	p1 =	seq.s32 s10, $0x1;
	s10 =	sld [smem:$0x3FAE];
	_ =	sdelay $0x3  }
0x37: {  	[smem:$0x3FAE] =	sst s10  }
0x38: {  	s10 =	sld [smem:$0x3FAF]  }
0x39: {  	_ = 	snop;
	(pc) =	sbr.ind lr, $3  }
0x3a: {  	_ = 	snop  }
0x3b: {  	_ = 	snop  }
0x3c: {  	p2 =	seq.s32 s10, $0x1;
	s10 =	sld [smem:$0x3FAE]  }
0x3d: {  	_ =	shalt  }
0x3e: {  	_ =	shalt  }
0x3f: {  	_ =	shalt  }
0x40: {  	_ =	shalt  }
0x41: {  	_ =	shalt  }
0x42: {  	_ =	shalt  }
0x43: {  	_ =	shalt  }
0x44: {  	_ =	shalt  }
0x45: {  	_ =	shalt  }
0x46: {  	_ =	shalt  }
0x47: {  	_ =	shalt  }
0x48: {  	_ =	shalt  }
0x49: {  	_ =	shalt  }
0x4a: {  	_ =	shalt  }
0x4b: {  	_ =	shalt  }
0x4c: {  	_ =	shalt  }
0x4d: {  	_ =	shalt  }
0x4e: {  	_ =	shalt  }
0x4f: {  	_ =	shalt  }
0x50: {  	_ =	shalt  }
0x51: {  	_ =	shalt  }
0x52: {  	_ =	shalt  }
0x53: {  	_ =	shalt  }
0x54: {  	_ =	shalt  }
0x55: {  	_ =	shalt  }
0x56: {  	_ =	shalt  }
0x57: {  	_ =	shalt  }
0x58: {  	_ =	shalt  }
0x59: {  	_ =	shalt  }
0x5a: {  	_ =	shalt  }
0x5b: {  	_ =	shalt  }
0x5c: {  	_ =	shalt  }
0x5d: {  	_ =	shalt  }
0x5e: {  	_ =	shalt  }
0x5f: {  	_ =	shalt  }
0x60: {  	_ =	shalt  }
0x61: {  	_ =	shalt  }
0x62: {  	_ =	shalt  }
0x63: {  	_ =	shalt  }
0x64: {  	_ =	shalt  }
0x65: {  	_ =	shalt  }
0x66: {  	_ =	shalt  }
0x67: {  	_ =	shalt  }
0x68: {  	_ =	shalt  }
0x69: {  	_ =	shalt  }
0x6a: {  	_ =	shalt  }
0x6b: {  	_ =	shalt  }
0x6c: {  	_ =	shalt  }
0x6d: {  	_ =	shalt  }
0x6e: {  	_ =	shalt  }
0x6f: {  	_ =	shalt  }
0x70: {  	_ =	shalt  }
0x71: {  	_ =	shalt  }
0x72: {  	_ =	shalt  }
0x73: {  	_ =	shalt  }
0x74: {  	_ =	shalt  }
0x75: {  	_ =	shalt  }
0x76: {  	_ =	shalt  }
0x77: {  	_ =	shalt  }
0x78: {  	_ =	shalt  }
0x79: {  	_ =	shalt  }
0x7a: {  	_ =	shalt  }
0x7b: {  	_ =	shalt  }
0x7c: {  	_ =	shalt  }
0x7d: {  	_ =	shalt  }
0x7e: {  	_ =	shalt  }
0x7f: {  	_ =	shalt  }
0x80: {  	_ =	shalt  }
0x81: {  	_ =	shalt  }
0x82: {  	_ =	shalt  }
0x83: {  	_ =	shalt  }
0x84: {  	_ =	shalt  }
0x85: {  	_ =	shalt  }
0x86: {  	_ =	shalt  }
0x87: {  	_ =	shalt  }
.Lfunc_end0:
.L_simem_size_0:
called_computation_lowered:
.L_overlay_start_0:
0x88: {  	s2 =	sld [smem:$0x3FD9]  }
0x89: {  	s3 =	sld [smem:$0x3FFE];
	_ =	sdelay $0x1  }
0x8a: {  	s1 =	srdreg.scid  }
0x8b: {  	s0 =	sand.u32 $0x1, s1  }
0x8c: {  	s16 =	sshll.u32 s0, $0xA;
	s2 =	sadd.s32 s3, s2  }
0x8d: {  	s2 =	sadd.s32 s2, s16  }
0x8e: {  	[smem:$0x3FBA] =	sst s2  }
0x8f: {  	_ = 	snop  }
0x90: {  	(tm) =	ssettm $0x1  }
0x91: {  	s17 =	sld [smem:$0x3FFB];
	_ =	sdelay $0x3  }
0x92: {  	_ =	strace s17  }
0x93: {  	s2 =	sld [smem:$0x3FFC];
	_ =	sdelay $0x3  }
0x94: {  	_ =	strace s2  }
0x95: {  	s2 =	sld [smem:$0x3FFD];
	_ =	sdelay $0x3  }
0x96: {  	_ =	strace s2  }
0x97: {  	_ =	strace $0x8FFFFFFF  }
0x98: {  	s18 =	sld [smem:$0x3FDB];
	_ =	sdelay $0x1  }
0x99: {  	s19 =	simm.s32 $_scs_section_size  }
0x9a: {  	s4 =	simm.s32 $_size__tile_overlayer_lowered;
	s5 =	simm.s32 $_tile_overlayer_lowered  }
0x9b: {  	s22 =	simm.s32 $0x1BFF;
	s21 =	sshll.u32 s5, $0x1;
	s2 =	sadd.s32 s19, s18  }
0x9c: {  	s6 =	simm.s32 $0x0;
	s20 =	sshll.u32 s4, $0x1;
	s4 =	sadd.s32 s21, s2  }
0x9d: {  	[timem:s6], [sflag:s22] =	dma.local [hbm:s4], s20  }
0x9e: {  	_ =	swait.ge [sflag:s22], s20  }
0x9f: {  	s3 =	ssub.s32 $0x0, s20;
	[sflag:s22] =	ssyncset.done $0x0  }
0xa0: {  	[sflag:s22] =	ssyncadd.s32 s3;
	_ =	sdelay $0x1  }
0xa1: {  	s23 =	simm.s32 $0x1B8B  }
0xa2: {  	_ =	swait.ge [sflag:s23], $0x1  }
0xa3: {  	[sflag:s23] =	ssyncset.done $0x0  }
0xa4: {  	s25 =	simm.s32 $0x1B8E;
	s24 =	sld [smem:$0x3FFE];
	[sflag:s23] =	ssyncadd.s32 $0xFFFFFFFF  }
0xa5: {  	s26 =	simm.s32 $execute0_lowered;
	[smem:$0x3FD2] =	sst s25  }
0xa6: {  	s4 =	sshll.u32 s26, $0x1;
	_ =	strace $0x80000046;
	[dreg:$0x1] =	wrdreg $0xFFFFFFFF  }
0xa7: {  	s28 =	simm.s32 $_size_execute0_lowered;
	s2 =	sadd.s32 s2, s4;
	[dreg:$0x0] =	wrdreg $0x0  }
0xa8: {  	s4 =	sshll.u32 s28, $0x1;
	[dreg:$0x2] =	wrdreg s2  }
0xa9: {  	[dreg:$0x3] =	wrdreg s4  }
0xaa: {  	[dreg:$0x4] =	wrdreg $0xC0  }
0xab: {  	_ =	task [dreg:s6], $0x5FFFF  }
0xac: {  	[dreg:$0x1] =	wrdreg $0xFFFFFFFF  }
0xad: {  	[dreg:$0x0] =	wrdreg $0x60  }
0xae: {  	[dreg:$0x2] =	wrdreg s24  }
0xaf: {  	[dreg:$0x3] =	wrdreg $0x90000  }
0xb0: {  	[dreg:$0x4] =	wrdreg $0x9  }
0xb1: {  	_ =	task.clear_ibuf [dreg:s6], $0x5FFFF;
	_ =	strace $0x90000046  }
0xb2: {  	s29 =	simm.s32 $0x9;
	_ =	strace $0x80000048  }
0xb3: {  	_ =	swait.ge [sflag:s29], $0x1  }
0xb4: {  	[sflag:s29] =	ssyncadd.s32 $0xFFFFFFFF  }
0xb5: {  	_ =	strace $0x90000048  }
0xb6: {  	_ =	sfence  }
0xb7: {  	s30 =	sld [smem:$0x0];
	_ =	sdelay $0x2  }
0xb8: {  	s31 =	sshll.u32 s1, $0xD;
	s1 =	sshrl.u32 s1, $0x2  }
0xb9: {  	s3 =	sand.u32 $0x4000, s31;
	s1 =	sadd.s32 s1, s30  }
0xba: {  	s0 =	sor.u32 s3, s0;
	s1 =	sshll.u32 s1, $0x11  }
0xbb: {  	s0 =	sor.u32 s1, s0  }
0xbc: {  	s0 =	sadd.s32 $0x8F2B, s0  }
0xbd: {  	[sflag:s0] =	ssyncadd.remote.s32 $0x1  }
0xbe: {  	_ =	sfence.sel $0xFFFF  }
0xbf: {  	[dreg:$0x0] =	wrdreg $0xFFFFFFFF;
	(pc) =	sbr.abs _section_cstart, $3  }
0xc0: {  	[dreg:$0x1] =	wrdreg $0xFFFFFFFF  }
0xc1: {  	_ =	task.clear_ibuf [dreg:s6], $0x2FFFF;
	_ =	strace $0x9FFFFFFF  }
0xc2: {  	(tm) =	ssettm $0x7FFFFFFF  }
0xc3: {  	_ =	shalt  }
tec
execute0_lowered:
.L_overlay_start_1:
0x0: {  	(tag) =	ssettag $0x1  }
0x1: {  	s15 =	rddreg [dreg:$0x0]  }
0x2: {  	s2 =	rddreg [dreg:$0x1]  }
0x3: {  	s0 =	rddreg [dreg:$0x2]  }
0x4: {  	s4 =	srdreg.scid;
	s1 =	stileid.u32  }
0x5: {  	s3 =	simm.s32 $0x0;
	s20 =	simm.s32 $0x0;
	s25 =	smul.u32 $0x4F000, s1  }
0x6: {  	s9 =	sand.u32 $0x1, s4;
	[smem:$0x7FF] =	sst s3;
	s10 =	smul.u32 $0x13C00, s1  }
0x7: {  	s13 =	sadd.s32 $0x17A00, s15;
	s19 =	smul.u32 $0xA00, s1;
	s5 =	ssub.s32 $0x2, s9  }
0x8: {  	_ =	strace $0x80000047;
	s18 =	smul.u32 $0x13C000, s9;
	p0 =	seq.s32 s9, $0x1  }
0x9: {  	s6 =	sshrl.u32 s5, $0x1;
	s4 =	sshrl.u32 s25, $0x2;
	s11 =	sadd.s32 $0x4000, s10  }
0xa: {  	s12 =	sadd.s32 $0x8000, s10;
	s16 =	sadd.s32 $0xC000, s10;
	s17 =	sadd.s32 $0x10000, s10  }
0xb: {  	s14 =	ssub.s32 s5, s6;
	s4 =	sadd.s32 s4, s2;
	s5 =	sadd.s32 s11, s2  }
0xc: {  	s6 =	sadd.s32 s12, s2;
	s7 =	sadd.s32 s16, s2;
	s8 =	sadd.s32 s17, s2  }
0xd: {  	s26 =	sadd.s32 s10, s18;
	s28 =	sadd.s32 s18, s11;
	s29 =	sadd.s32 s18, s12  }
0xe: {  	s30 =	sadd.s32 s18, s16;
	s31 =	sadd.s32 s18, s17;
	s17 =	simm.s32 $0x3A00  }
0xf: {  	s18 =	simm.s32 $0x80;
	s9 =	sshrl.u32 s26, $0x3;
	s10 =	sshrl.u32 s28, $0x3  }
0x10: {  	s11 =	sshrl.u32 s29, $0x3;
	s12 =	sshrl.u32 s30, $0x3;
	s16 =	sshrl.u32 s31, $0x3  }
0x11: {  	s17 =	simm.s32 @!p0 $0xDA00;
	s14 =	smax.u32 s14, $0x1;
	s9 =	sadd.s32 s13, s9  }
0x12: {  	s10 =	sadd.s32 s13, s10;
	s11 =	sadd.s32 s13, s11;
	s12 =	sadd.s32 s13, s12  }
0x13: {  	s13 =	sadd.s32 s13, s16;
	s15 =	sadd.s32 s17, s15;
	s16 =	simm.s32 $0x5000  }
0x14: {  	v0 =	vimm.f32 $0.0e+00;
	v1 =	vimm.f32 $1.000000000e+00;
	s17 =	simm.s32 $0x2;
	s15 =	sadd.s32 s15, s19;
	s19 =	simm.s32 $0x1  }
.LBB2_1:
0x15: {  	s21 =	simm.s32 $0x0;
	s22 =	simm.s32 $0x200  }
.LBB2_2:
0x16: {  	p0 =	sne.s32 s22, $0xFE00;
	[tilespmem:s21+$0x5070] =	vst v0  }
0x17: {  	[tilespmem:s21+$0x5000] =	vst v0  }
0x18: {  	[tilespmem:s21+$0x5010] =	vst v0  }
.Ltmp0:
0x19: {  	[tilespmem:s21+$0x5020] =	vst v0;
	(pc) =	sbr.rel @p0 .LBB2_2-.Ltmp0, $4  }
0x1a: {  	[tilespmem:s21+$0x5030] =	vst v0  }
0x1b: {  	[tilespmem:s21+$0x5040] =	vst v0  }
0x1c: {  	[tilespmem:s21+$0x5050] =	vst v0  }
0x1d: {  	[tilespmem:s21+$0x5060] =	vst v0;
	s21 =	sshra.s32 s22, $0x2;
	s22 =	sadd.s32 $0x200, s22  }
0x1e: {  	[tilespmem:s21+$0x5070] =	vst v0  }
0x1f: {  	[tilespmem:s21+$0x5000] =	vst v0  }
0x20: {  	[tilespmem:s21+$0x5010] =	vst v0  }
0x21: {  	[tilespmem:s21+$0x5020] =	vst v0  }
0x22: {  	[tilespmem:s21+$0x5030] =	vst v0  }
0x23: {  	[tilespmem:s21+$0x5040] =	vst v0  }
0x24: {  	[tilespmem:s21+$0x5050] =	vst v0  }
0x25: {  	[tilespmem:s21+$0x5060] =	vst v0  }
0x26: {  	[spmem:s4] =	stream.linear.scatter [tilespmem:s16], [sflag:$0x2], $0x4000, $0x38;
	[tilespmem:$0x1CC00] =	vst v63  }
0x27: {  	_ =	swait.ge [sflag:s17], $0x4000  }
0x28: {  	[sflag:s17] =	ssyncset.done $0x0  }
0x29: {  	[sflag:s17] =	ssyncadd.s32 $0xFFFFC000  }
0x2a: {  	[spmem:s5] =	stream.linear.scatter [tilespmem:s16], [sflag:$0x2], $0x4000, $0x38;
	[tilespmem:$0x1CC00] =	vst v63  }
0x2b: {  	_ =	swait.ge [sflag:s17], $0x4000  }
0x2c: {  	[sflag:s17] =	ssyncset.done $0x0  }
0x2d: {  	[sflag:s17] =	ssyncadd.s32 $0xFFFFC000  }
0x2e: {  	[spmem:s6] =	stream.linear.scatter [tilespmem:s16], [sflag:$0x2], $0x4000, $0x38;
	[tilespmem:$0x1CC00] =	vst v63  }
0x2f: {  	_ =	swait.ge [sflag:s17], $0x4000  }
0x30: {  	[sflag:s17] =	ssyncset.done $0x0  }
0x31: {  	[sflag:s17] =	ssyncadd.s32 $0xFFFFC000  }
0x32: {  	[spmem:s7] =	stream.linear.scatter [tilespmem:s16], [sflag:$0x2], $0x4000, $0x38;
	[tilespmem:$0x1CC00] =	vst v63  }
0x33: {  	_ =	swait.ge [sflag:s17], $0x4000  }
0x34: {  	[sflag:s17] =	ssyncset.done $0x0  }
0x35: {  	[sflag:s17] =	ssyncadd.s32 $0xFFFFC000  }
0x36: {  	[spmem:s8] =	stream.linear.scatter [tilespmem:s16], [sflag:$0x2], $0x3C00, $0x38;
	[tilespmem:$0x1CC00] =	vst v63  }
0x37: {  	_ =	swait.ge [sflag:s17], $0x3C00  }
0x38: {  	[sflag:s17] =	ssyncset.done $0x0  }
0x39: {  	s21 =	simm.s32 $0x0;
	s22 =	simm.s32 $0x200;
	[sflag:s17] =	ssyncadd.s32 $0xFFFFC400  }
.LBB2_4:
0x3a: {  	p0 =	sne.s32 s22, $0xFE00;
	[tilespmem:s21+$0x5070] =	vst v1  }
0x3b: {  	[tilespmem:s21+$0x5000] =	vst v1  }
0x3c: {  	[tilespmem:s21+$0x5010] =	vst v1  }
.Ltmp1:
0x3d: {  	[tilespmem:s21+$0x5020] =	vst v1;
	(pc) =	sbr.rel @p0 .LBB2_4-.Ltmp1, $4  }
0x3e: {  	[tilespmem:s21+$0x5030] =	vst v1  }
0x3f: {  	[tilespmem:s21+$0x5040] =	vst v1  }
0x40: {  	[tilespmem:s21+$0x5050] =	vst v1  }
0x41: {  	[tilespmem:s21+$0x5060] =	vst v1;
	s21 =	sshra.s32 s22, $0x2;
	s22 =	sadd.s32 $0x200, s22  }
0x42: {  	[tilespmem:s21+$0x5070] =	vst v1  }
0x43: {  	[tilespmem:s21+$0x5000] =	vst v1  }
0x44: {  	[tilespmem:s21+$0x5010] =	vst v1  }
0x45: {  	[tilespmem:s21+$0x5020] =	vst v1  }
0x46: {  	[tilespmem:s21+$0x5030] =	vst v1  }
0x47: {  	[tilespmem:s21+$0x5040] =	vst v1  }
0x48: {  	[tilespmem:s21+$0x5050] =	vst v1  }
0x49: {  	[tilespmem:s21+$0x5060] =	vst v1;
	s21 =	simm.s32 $0x0  }
0x4a: {  	[tilespmem:s21], [sflag:$0x2] =	stream.linear.gather [hbm4b:s15+s21], $0x5000, $0x38;
	[tilespmem:$0x1CC00] =	vst v63  }
0x4b: {  	_ =	swait.ge [sflag:s17], $0x5000  }
0x4c: {  	[sflag:s17] =	ssyncset.done $0x0  }
0x4d: {  	p0 =	por $0x1, $0x1;
	[sflag:s17] =	ssyncadd.s32 $0xFFFFB000  }
0x4e: {  	s23 =	simm.s32 @!p0 $0x1;
	[bflag:$0x0] =	sbarrier.arrive $0xFFFF  }
0x4f: {  	[spmem:s2] =	stream.indirect.scatter.add.f32 [tilespmem:s16], [sflag:$0x1], $0x80, s21, s18, $0xb8;
	[tilespmem:$0x1CC00] =	vst v63  }
0x50: {  	_ =	swait.ge @!p0 [sflag:s23], $0x4000  }
0x51: {  	s22 =	simm.s32 $0x1;
	[sflag:s23] =	ssyncset.done @!p0 $0x0  }
.LBB2_6:
0x52: {  	[sflag:s23] =	ssyncadd.s32 @!p0 $0xFFFFC000  }
0x53: {  	s21 =	sadd.s32 $0x80, s21;
	s23 =	smov.u32 s22;
	s22 =	sadd.s32 $0x1, s22  }
0x54: {  	p1 =	sne.s32 s22, $0xA0  }
0x55: {  	[spmem:s2] =	stream.indirect.scatter.add.f32 [tilespmem:s16], [sflag:$0x1], $0x80, s21, s18, $0xb8;
	[tilespmem:$0x1CC00] =	vst v63  }
.Ltmp2:
0x56: {  	_ = 	snop;
	(pc) =	sbr.rel @p1 .LBB2_6-.Ltmp2, $4  }
0x57: {  	p0 =	slt.u32 s23, $0x8  }
0x58: {  	s23 =	simm.s32 @!p0 $0x1  }
0x59: {  	_ =	swait.ge @!p0 [sflag:s23], $0x4000  }
0x5a: {  	[sflag:s23] =	ssyncset.done @!p0 $0x0  }
0x5b: {  	[sflag:s23] =	ssyncadd.s32 @!p0 $0xFFFFC000  }
0x5c: {  	_ =	swait.ge [sflag:s19], $0x4000  }
0x5d: {  	[sflag:s19] =	ssyncset.done $0x0  }
0x5e: {  	[sflag:s19] =	ssyncadd.s32 $0xFFFFC000  }
0x5f: {  	_ =	swait.ge [sflag:s19], $0x4000  }
0x60: {  	[sflag:s19] =	ssyncset.done $0x0  }
0x61: {  	[sflag:s19] =	ssyncadd.s32 $0xFFFFC000  }
0x62: {  	_ =	swait.ge [sflag:s19], $0x4000  }
0x63: {  	[sflag:s19] =	ssyncset.done $0x0  }
0x64: {  	[sflag:s19] =	ssyncadd.s32 $0xFFFFC000  }
0x65: {  	_ =	swait.ge [sflag:s19], $0x4000  }
0x66: {  	[sflag:s19] =	ssyncset.done $0x0  }
0x67: {  	[sflag:s19] =	ssyncadd.s32 $0xFFFFC000  }
0x68: {  	_ =	swait.ge [sflag:s19], $0x4000  }
0x69: {  	[sflag:s19] =	ssyncset.done $0x0  }
0x6a: {  	[sflag:s19] =	ssyncadd.s32 $0xFFFFC000  }
0x6b: {  	_ =	swait.ge [sflag:s19], $0x4000  }
0x6c: {  	[sflag:s19] =	ssyncset.done $0x0  }
0x6d: {  	[sflag:s19] =	ssyncadd.s32 $0xFFFFC000  }
0x6e: {  	_ =	swait.ge [sflag:s19], $0x4000  }
0x6f: {  	[sflag:s19] =	ssyncset.done $0x0  }
0x70: {  	[sflag:s19] =	ssyncadd.s32 $0xFFFFC000  }
0x71: {  	_ =	swait.ge [sflag:s19], $0x4000  }
0x72: {  	[sflag:s19] =	ssyncset.done $0x0  }
0x73: {  	[sflag:s19] =	ssyncadd.s32 $0xFFFFC000  }
0x74: {  	[bflag:$0x0] =	sbarrier.arrive $0xFFFF  }
0x75: {  	[tilespmem:s16], [sflag:$0x2] =	stream.linear.gather [spmem:s4], $0x4000, $0x38;
	[tilespmem:$0x1CC00] =	vst v63  }
0x76: {  	_ =	swait.ge [sflag:s17], $0x4000  }
0x77: {  	[sflag:s17] =	ssyncset.done $0x0  }
0x78: {  	[sflag:s17] =	ssyncadd.s32 $0xFFFFC000  }
0x79: {  	[hbm4b:s9+s3] =	stream.linear.scatter [tilespmem:s16], [sflag:$0x2], $0x4000, $0x38;
	[tilespmem:$0x1CC00] =	vst v63  }
0x7a: {  	_ =	swait.ge [sflag:s17], $0x4000  }
0x7b: {  	[sflag:s17] =	ssyncset.done $0x0  }
0x7c: {  	[sflag:s17] =	ssyncadd.s32 $0xFFFFC000  }
0x7d: {  	[tilespmem:s16], [sflag:$0x2] =	stream.linear.gather [spmem:s5], $0x4000, $0x38;
	[tilespmem:$0x1CC00] =	vst v63  }
0x7e: {  	_ =	swait.ge [sflag:s17], $0x4000  }
0x7f: {  	[sflag:s17] =	ssyncset.done $0x0  }
0x80: {  	[sflag:s17] =	ssyncadd.s32 $0xFFFFC000  }
0x81: {  	[hbm4b:s10+s3] =	stream.linear.scatter [tilespmem:s16], [sflag:$0x2], $0x4000, $0x38;
	[tilespmem:$0x1CC00] =	vst v63  }
0x82: {  	_ =	swait.ge [sflag:s17], $0x4000  }
0x83: {  	[sflag:s17] =	ssyncset.done $0x0  }
0x84: {  	[sflag:s17] =	ssyncadd.s32 $0xFFFFC000  }
0x85: {  	[tilespmem:s16], [sflag:$0x2] =	stream.linear.gather [spmem:s6], $0x4000, $0x38;
	[tilespmem:$0x1CC00] =	vst v63  }
0x86: {  	_ =	swait.ge [sflag:s17], $0x4000  }
0x87: {  	[sflag:s17] =	ssyncset.done $0x0  }
0x88: {  	[sflag:s17] =	ssyncadd.s32 $0xFFFFC000  }
0x89: {  	[hbm4b:s11+s3] =	stream.linear.scatter [tilespmem:s16], [sflag:$0x2], $0x4000, $0x38;
	[tilespmem:$0x1CC00] =	vst v63  }
0x8a: {  	_ =	swait.ge [sflag:s17], $0x4000  }
0x8b: {  	[sflag:s17] =	ssyncset.done $0x0  }
0x8c: {  	[sflag:s17] =	ssyncadd.s32 $0xFFFFC000  }
0x8d: {  	[tilespmem:s16], [sflag:$0x2] =	stream.linear.gather [spmem:s7], $0x4000, $0x38;
	[tilespmem:$0x1CC00] =	vst v63  }
0x8e: {  	_ =	swait.ge [sflag:s17], $0x4000  }
0x8f: {  	[sflag:s17] =	ssyncset.done $0x0  }
0x90: {  	[sflag:s17] =	ssyncadd.s32 $0xFFFFC000  }
0x91: {  	[hbm4b:s12+s3] =	stream.linear.scatter [tilespmem:s16], [sflag:$0x2], $0x4000, $0x38;
	[tilespmem:$0x1CC00] =	vst v63  }
0x92: {  	_ =	swait.ge [sflag:s17], $0x4000  }
0x93: {  	[sflag:s17] =	ssyncset.done $0x0  }
0x94: {  	[sflag:s17] =	ssyncadd.s32 $0xFFFFC000  }
0x95: {  	[tilespmem:s16], [sflag:$0x2] =	stream.linear.gather [spmem:s8], $0x3C00, $0x38;
	[tilespmem:$0x1CC00] =	vst v63  }
0x96: {  	s20 =	sadd.s32 $0x1, s20;
	_ =	swait.ge [sflag:s17], $0x3C00  }
0x97: {  	p0 =	sne.s32 s20, s14;
	[sflag:s17] =	ssyncset.done $0x0  }
.Ltmp3:
0x98: {  	[sflag:s17] =	ssyncadd.s32 $0xFFFFC400;
	(pc) =	sbr.rel @p0 .LBB2_1-.Ltmp3, $4  }
0x99: {  	[hbm4b:s13+s3] =	stream.linear.scatter [tilespmem:s16], [sflag:$0x2], $0x3C00, $0x38;
	[tilespmem:$0x1CC00] =	vst v63  }
0x9a: {  	_ =	swait.ge [sflag:s17], $0x3C00  }
0x9b: {  	[sflag:s17] =	ssyncset.done $0x0  }
0x9c: {  	[sflag:s17] =	ssyncadd.s32 $0xFFFFC400  }
0x9d: {  	_ =	sfence.sel $0x180000  }
0x9e: {  	[bflag:$0x0] =	sbarrier.arrive $0xFFFF  }
0x9f: {  	p0 =	sne.s32 s1, $0x0;
	_ =	strace $0x90000047  }
0xa0: {  	s0 =	sadd.s32 @!p0 $0x100000, s0;
	[bflag:$0x2] =	sbarrier.arrive $0xFFFF  }
0xa1: {  	[sflag:s0] =	ssyncadd.tile.s32 @!p0 $0x1;
	_ =	shalt  }
.Lfunc_end2:
_tile_overlayer_lowered:
.L_overlay_start_2:
0xa2: {  	(tag) =	ssettag $0x2  }
0xa3: {  	s0 =	rddreg [dreg:$0x0];
	s2 =	stileid.u32  }
0xa4: {  	s1 =	rddreg [dreg:$0x1];
	p0 =	sne.s32 s2, $0x0  }
0xa5: {  	s3 =	rddreg [dreg:$0x2];
	[bflag:$0x3] =	sbarrier.arrive $0xFFFF;
	s2 =	simm.s32 @!p0 $0x1C02  }
0xa6: {  	[timem:s3], [sflag:s2] =	dma.local @!p0 [hbm:s0], s1  }
0xa7: {  	s0 =	simm.s32 @!p0 $0x2  }
0xa8: {  	_ =	swait.ge @!p0 [sflag:s0], s1  }
0xa9: {  	s1 =	ssub.s32 @!p0 $0x0, s1;
	[sflag:s0] =	ssyncset.done @!p0 $0x0  }
0xaa: {  	[sflag:s0] =	ssyncadd.s32 @!p0 s1  }
0xab: {  	[bflag:$0x3] =	sbarrier.arrive $0xFFFF  }
0xac: {  	_ =	shalt  }

// kernel: kernel.15.cloned.1.call-start
scs
__scs_entry_jumppad:
0x0: {  	(pc) =	sbr.rel $0x88, $3  }
0x1: {  	(tag) =	ssettag $0x0;
	lr =	simm.s32 $0x1  }
0x2: {  	[smem:$0x3F93] =	sst lr;
	_ =	strace $0xD0000000  }
0x3: {  	_ = 	snop  }
0x4: {  	_ = 	snop  }
0x5: {  	_ = 	snop  }
0x6: {  	_ = 	snop  }
0x7: {  	_ = 	snop  }
__scs_overlays_trampoline_lowered:
0x8: {  	[smem:$0x3FA2] =	sst s0  }
0x9: {  	[smem:$0x3FA3] =	sst s1  }
0xa: {  	[smem:$0x3FA4] =	sst s2  }
0xb: {  	[smem:$0x3FA5] =	sst s3  }
0xc: {  	[smem:$0x3FA6] =	sst s4  }
0xd: {  	[smem:$0x3FA7] =	sst s5  }
0xe: {  	[smem:$0x3FA8] =	sst s6  }
0xf: {  	[smem:$0x3FA9] =	sst s7  }
0x10: {  	[smem:$0x3FAA] =	sst s8  }
0x11: {  	[smem:$0x3FAB] =	sst s9;
	s0 =	simm.s32 @!p0 $0x0  }
0x12: {  	s1 =	sld [smem:$0x3F91];
	s0 =	simm.s32 @p0 $0x1  }
0x13: {  	[smem:$0x3FAC] =	sst s0;
	s0 =	simm.s32 @!p1 $0x0  }
0x14: {  	s2 =	sld [smem:$0x3F90];
	s0 =	simm.s32 @p1 $0x1  }
0x15: {  	[smem:$0x3FAD] =	sst s0;
	s0 =	simm.s32 @!p2 $0x0  }
0x16: {  	s3 =	sld [smem:$0x3FDB];
	s0 =	simm.s32 @p2 $0x1  }
0x17: {  	s4 =	simm.s32 $0x1BF5;
	[smem:$0x3FAF] =	sst s0  }
0x18: {  	s0 =	sld [smem:$0x3F92];
	_ =	swait.ge [sflag:s4], $0x0  }
0x19: {  	s7 =	sld [smem:$0x3F93]  }
0x1a: {  	s8 =	sadd.s32 $0xFFFFE003, lr  }
0x1b: {  	s9 =	sadd.s32 $0xFFFFFEF7, lr;
	s5 =	simm.s32 $0xFFFFFFFF;
	p2 =	slt.u32 s8, $0xFFFFF086  }
0x1c: {  	p1 =	slt.u32 s9, $0xF7A;
	s5 =	simm.s32 @!p2 $0x0  }
0x1d: {  	s5 =	simm.s32 @p1 $0x1;
	p0 =	seq.s32 s7, s2  }
0x1e: {  	s7 =	smul.u32 @!p0 $0xF7A, s2;
	p2 =	seq.s32 @!p0 s5, $0x0  }
0x1f: {  	s9 =	smul.u32 $0xF7A, s1;
	s8 =	simm.s32 @!p0 $0x1BF5;
	p2 =	por !p2, p0  }
0x20: {  	[sflag:s8] =	ssyncset.s32 @!p0 $0xFFFFF086;
	s6 =	sadd.s32 @!p0 s3, s7;
	s7 =	simm.s32 @!p0 $0x108  }
0x21: {  	s3 =	sadd.s32 s3, s9;
	s6 =	sadd.s32 @!p0 $0x88, s6;
	s7 =	simm.s32 @p2 $0x1082  }
0x22: {  	[simem:s7], [sflag:s8] =	dma.local @!p0 [hbm:s6], $0xF7A  }
0x23: {  	s9 =	sor.u32 $0xD0000000, s2;
	s6 =	simm.s32 $0x108;
	_ =	swait.ge @!p0 [sflag:s8], $0x0  }
0x24: {  	s3 =	sadd.s32 $0x88, s3;
	s6 =	simm.s32 @!p1 $0x1082;
	[sflag:s4] =	ssyncset.s32 $0xFFFFF086  }
0x25: {  	[simem:s6], [sflag:s4] =	dma.local [hbm:s3], $0xF7A  }
0x26: {  	[smem:$0x3F93] =	sst s1;
	(tag) =	ssettag s2;
	_ =	strace s9  }
0x27: {  	s1 =	sld [smem:$0x3FA3]  }
0x28: {  	s2 =	sld [smem:$0x3FA4]  }
0x29: {  	s4 =	sld [smem:$0x3FA6]  }
0x2a: {  	p0 =	seq.s32 s5, $0x0;
	s5 =	sld [smem:$0x3FA7]  }
0x2b: {  	s6 =	sld [smem:$0x3FA8]  }
0x2c: {  	s7 =	sld [smem:$0x3FA9]  }
0x2d: {  	s3 =	simm.s32 $0x108;
	s8 =	sld [smem:$0x3FAA]  }
0x2e: {  	s3 =	simm.s32 @!p0 $0x1082;
	s9 =	sld [smem:$0x3FAB]  }
0x2f: {  	lr =	sadd.s32 s0, s3;
	s0 =	sld [smem:$0x3FA2]  }
0x30: {  	s3 =	sld [smem:$0x3FA5]  }
0x31: {  	[smem:$0x3FAE] =	sst s10  }
0x32: {  	s10 =	sld [smem:$0x3FAC];
	_ =	sdelay $0x3  }
0x33: {  	p0 =	seq.s32 s10, $0x1;
	s10 =	sld [smem:$0x3FAE];
	_ =	sdelay $0x3  }
0x34: {  	[smem:$0x3FAE] =	sst s10  }
0x35: {  	s10 =	sld [smem:$0x3FAD];
	_ =	sdelay $0x3  }
0x36: {  	p1 =	seq.s32 s10, $0x1;
	s10 =	sld [smem:$0x3FAE];
	_ =	sdelay $0x3  }
0x37: {  	[smem:$0x3FAE] =	sst s10  }
0x38: {  	s10 =	sld [smem:$0x3FAF]  }
0x39: {  	_ = 	snop;
	(pc) =	sbr.ind lr, $3  }
0x3a: {  	_ = 	snop  }
0x3b: {  	_ = 	snop  }
0x3c: {  	p2 =	seq.s32 s10, $0x1;
	s10 =	sld [smem:$0x3FAE]  }
0x3d: {  	_ =	shalt  }
0x3e: {  	_ =	shalt  }
0x3f: {  	_ =	shalt  }
0x40: {  	_ =	shalt  }
0x41: {  	_ =	shalt  }
0x42: {  	_ =	shalt  }
0x43: {  	_ =	shalt  }
0x44: {  	_ =	shalt  }
0x45: {  	_ =	shalt  }
0x46: {  	_ =	shalt  }
0x47: {  	_ =	shalt  }
0x48: {  	_ =	shalt  }
0x49: {  	_ =	shalt  }
0x4a: {  	_ =	shalt  }
0x4b: {  	_ =	shalt  }
0x4c: {  	_ =	shalt  }
0x4d: {  	_ =	shalt  }
0x4e: {  	_ =	shalt  }
0x4f: {  	_ =	shalt  }
0x50: {  	_ =	shalt  }
0x51: {  	_ =	shalt  }
0x52: {  	_ =	shalt  }
0x53: {  	_ =	shalt  }
0x54: {  	_ =	shalt  }
0x55: {  	_ =	shalt  }
0x56: {  	_ =	shalt  }
0x57: {  	_ =	shalt  }
0x58: {  	_ =	shalt  }
0x59: {  	_ =	shalt  }
0x5a: {  	_ =	shalt  }
0x5b: {  	_ =	shalt  }
0x5c: {  	_ =	shalt  }
0x5d: {  	_ =	shalt  }
0x5e: {  	_ =	shalt  }
0x5f: {  	_ =	shalt  }
0x60: {  	_ =	shalt  }
0x61: {  	_ =	shalt  }
0x62: {  	_ =	shalt  }
0x63: {  	_ =	shalt  }
0x64: {  	_ =	shalt  }
0x65: {  	_ =	shalt  }
0x66: {  	_ =	shalt  }
0x67: {  	_ =	shalt  }
0x68: {  	_ =	shalt  }
0x69: {  	_ =	shalt  }
0x6a: {  	_ =	shalt  }
0x6b: {  	_ =	shalt  }
0x6c: {  	_ =	shalt  }
0x6d: {  	_ =	shalt  }
0x6e: {  	_ =	shalt  }
0x6f: {  	_ =	shalt  }
0x70: {  	_ =	shalt  }
0x71: {  	_ =	shalt  }
0x72: {  	_ =	shalt  }
0x73: {  	_ =	shalt  }
0x74: {  	_ =	shalt  }
0x75: {  	_ =	shalt  }
0x76: {  	_ =	shalt  }
0x77: {  	_ =	shalt  }
0x78: {  	_ =	shalt  }
0x79: {  	_ =	shalt  }
0x7a: {  	_ =	shalt  }
0x7b: {  	_ =	shalt  }
0x7c: {  	_ =	shalt  }
0x7d: {  	_ =	shalt  }
0x7e: {  	_ =	shalt  }
0x7f: {  	_ =	shalt  }
0x80: {  	_ =	shalt  }
0x81: {  	_ =	shalt  }
0x82: {  	_ =	shalt  }
0x83: {  	_ =	shalt  }
0x84: {  	_ =	shalt  }
0x85: {  	_ =	shalt  }
0x86: {  	_ =	shalt  }
0x87: {  	_ =	shalt  }
.Lfunc_end0:
.L_simem_size_0:
called_computation.1_lowered:
.L_overlay_start_0:
0x88: {  	s2 =	sld [smem:$0x3FD9]  }
0x89: {  	s3 =	sld [smem:$0x3FFE];
	_ =	sdelay $0x1  }
0x8a: {  	s1 =	srdreg.scid  }
0x8b: {  	s0 =	sand.u32 $0x1, s1  }
0x8c: {  	s16 =	sshll.u32 s0, $0xA;
	s2 =	sadd.s32 s3, s2  }
0x8d: {  	s2 =	sadd.s32 s2, s16  }
0x8e: {  	[smem:$0x3FBA] =	sst s2  }
0x8f: {  	_ = 	snop  }
0x90: {  	(tm) =	ssettm $0x1  }
0x91: {  	s17 =	sld [smem:$0x3FFB];
	_ =	sdelay $0x3  }
0x92: {  	_ =	strace s17  }
0x93: {  	s2 =	sld [smem:$0x3FFC];
	_ =	sdelay $0x3  }
0x94: {  	_ =	strace s2  }
0x95: {  	s2 =	sld [smem:$0x3FFD];
	_ =	sdelay $0x3  }
0x96: {  	_ =	strace s2  }
0x97: {  	_ =	strace $0x8FFFFFFF  }
0x98: {  	s18 =	sld [smem:$0x3FDB];
	_ =	sdelay $0x1  }
0x99: {  	s19 =	simm.s32 $_scs_section_size  }
0x9a: {  	s4 =	simm.s32 $_size__tile_overlayer_lowered;
	s5 =	simm.s32 $_tile_overlayer_lowered  }
0x9b: {  	s22 =	simm.s32 $0x1BFF;
	s21 =	sshll.u32 s5, $0x1;
	s2 =	sadd.s32 s19, s18  }
0x9c: {  	s6 =	simm.s32 $0x0;
	s20 =	sshll.u32 s4, $0x1;
	s4 =	sadd.s32 s21, s2  }
0x9d: {  	[timem:s6], [sflag:s22] =	dma.local [hbm:s4], s20  }
0x9e: {  	_ =	swait.ge [sflag:s22], s20  }
0x9f: {  	s3 =	ssub.s32 $0x0, s20;
	[sflag:s22] =	ssyncset.done $0x0  }
0xa0: {  	[sflag:s22] =	ssyncadd.s32 s3;
	_ =	sdelay $0x1  }
0xa1: {  	s23 =	simm.s32 $0x1B8B  }
0xa2: {  	_ =	swait.ge [sflag:s23], $0x1  }
0xa3: {  	[sflag:s23] =	ssyncset.done $0x0  }
0xa4: {  	s25 =	simm.s32 $0x1B8E;
	s24 =	sld [smem:$0x3FFE];
	[sflag:s23] =	ssyncadd.s32 $0xFFFFFFFF  }
0xa5: {  	s26 =	simm.s32 $execute0_lowered;
	[smem:$0x3FD2] =	sst s25  }
0xa6: {  	s4 =	sshll.u32 s26, $0x1;
	_ =	strace $0x80000049;
	[dreg:$0x1] =	wrdreg $0xFFFFFFFF  }
0xa7: {  	s28 =	simm.s32 $_size_execute0_lowered;
	s2 =	sadd.s32 s2, s4;
	[dreg:$0x0] =	wrdreg $0x0  }
0xa8: {  	s4 =	sshll.u32 s28, $0x1;
	[dreg:$0x2] =	wrdreg s2  }
0xa9: {  	[dreg:$0x3] =	wrdreg s4  }
0xaa: {  	[dreg:$0x4] =	wrdreg $0xC0  }
0xab: {  	_ =	task [dreg:s6], $0x5FFFF  }
0xac: {  	[dreg:$0x1] =	wrdreg $0xFFFFFFFF  }
0xad: {  	[dreg:$0x0] =	wrdreg $0x60  }
0xae: {  	[dreg:$0x2] =	wrdreg s24  }
0xaf: {  	[dreg:$0x3] =	wrdreg $0x82800  }
0xb0: {  	[dreg:$0x4] =	wrdreg $0x9  }
0xb1: {  	_ =	task.clear_ibuf [dreg:s6], $0x5FFFF;
	_ =	strace $0x90000049  }
0xb2: {  	s29 =	simm.s32 $0x9;
	_ =	strace $0x8000004B  }
0xb3: {  	_ =	swait.ge [sflag:s29], $0x1  }
0xb4: {  	[sflag:s29] =	ssyncadd.s32 $0xFFFFFFFF  }
0xb5: {  	_ =	strace $0x9000004B  }
0xb6: {  	_ =	sfence  }
0xb7: {  	s30 =	sld [smem:$0x0];
	_ =	sdelay $0x2  }
0xb8: {  	s31 =	sshll.u32 s1, $0xD;
	s1 =	sshrl.u32 s1, $0x2  }
0xb9: {  	s3 =	sand.u32 $0x4000, s31;
	s1 =	sadd.s32 s1, s30  }
0xba: {  	s0 =	sor.u32 s3, s0;
	s1 =	sshll.u32 s1, $0x11  }
0xbb: {  	s0 =	sor.u32 s1, s0  }
0xbc: {  	s0 =	sadd.s32 $0x8F2B, s0  }
0xbd: {  	[sflag:s0] =	ssyncadd.remote.s32 $0x1  }
0xbe: {  	_ =	sfence.sel $0xFFFF  }
0xbf: {  	[dreg:$0x0] =	wrdreg $0xFFFFFFFF;
	(pc) =	sbr.abs _section_cstart, $3  }
0xc0: {  	[dreg:$0x1] =	wrdreg $0xFFFFFFFF  }
0xc1: {  	_ =	task.clear_ibuf [dreg:s6], $0x2FFFF;
	_ =	strace $0x9FFFFFFF  }
0xc2: {  	(tm) =	ssettm $0x7FFFFFFF  }
0xc3: {  	_ =	shalt  }
tec
execute0_lowered:
.L_overlay_start_1:
0x0: {  	(tag) =	ssettag $0x1  }
0x1: {  	s4 =	rddreg [dreg:$0x0]  }
0x2: {  	s1 =	rddreg [dreg:$0x1];
	s0 =	stileid.u32  }
0x3: {  	s2 =	srdreg.scid;
	s3 =	simm.s32 $0x0;
	s7 =	smul.u32 $0x2800, s0  }
0x4: {  	s6 =	sand.u32 $0x1, s2;
	[smem:$0x7FF] =	sst s3;
	s23 =	smul.u32 $0x4F000, s0  }
0x5: {  	s9 =	sadd.s32 $0x17A00, s4;
	s25 =	smul.u32 $0x13C00, s0;
	s14 =	sadd.s32 $0x3F200, s4  }
0x6: {  	s5 =	smul.u32 $0x28000, s6;
	s8 =	sshll.u32 s6, $0x4;
	_ =	strace $0x8000004A  }
0x7: {  	[dreg:$0x4] =	wrdreg s9;
	s26 =	ssub.s32 $0x2, s6;
	s17 =	smul.u32 $0x13C000, s6  }
0x8: {  	s8 =	sor.u32 s0, s8;
	s28 =	sshrl.u32 s26, $0x1;
	s29 =	sshrl.u32 s23, $0x2  }
0x9: {  	s11 =	sadd.s32 $0x4000, s25;
	s12 =	sadd.s32 $0x8000, s25;
	s13 =	sadd.s32 $0xC000, s25  }
0xa: {  	s18 =	sadd.s32 $0x10000, s25;
	s5 =	sadd.s32 s7, s5;
	s22 =	smul.u32 $0x2800, s8  }
0xb: {  	s16 =	ssub.s32 s26, s28;
	s6 =	sadd.s32 s12, s1;
	s7 =	sadd.s32 s13, s1  }
0xc: {  	s8 =	sadd.s32 s18, s1;
	s19 =	sadd.s32 s25, s17;
	s12 =	sadd.s32 s17, s12  }
0xd: {  	s13 =	sadd.s32 s17, s13;
	s5 =	sshrl.u32 s5, $0x3;
	s30 =	sshrl.u32 s19, $0x3  }
0xe: {  	s12 =	sshrl.u32 s12, $0x3;
	s13 =	sshrl.u32 s13, $0x3;
	s19 =	simm.s32 $0x0  }
0xf: {  	s15 =	sadd.s32 s5, s4;
	s24 =	sshrl.u32 s22, $0x3;
	s5 =	sadd.s32 s11, s1  }
0x10: {  	s11 =	sadd.s32 s17, s11;
	s17 =	sadd.s32 s17, s18;
	s12 =	sadd.s32 s14, s12  }
0x11: {  	s13 =	sadd.s32 s14, s13;
	s18 =	simm.s32 $0x8200;
	s10 =	sadd.s32 s24, s4  }
0x12: {  	s4 =	sadd.s32 s29, s1;
	s11 =	sshrl.u32 s11, $0x3;
	s17 =	sshrl.u32 s17, $0x3  }
0x13: {  	s31 =	sadd.s32 $0xDA00, s15;
	s15 =	smax.u32 s16, $0x1;
	s16 =	simm.s32 $0x4  }
0x14: {  	s9 =	sadd.s32 $0x3A00, s10;
	s10 =	sadd.s32 s14, s30;
	s11 =	sadd.s32 s14, s11  }
0x15: {  	v0 =	vimm.f32 $0.0e+00;
	s14 =	sadd.s32 s14, s17;
	[dreg:$0x3] =	wrdreg s31;
	s17 =	simm.s32 $0x8180  }
.LBB2_1:
0x16: {  	s20 =	simm.s32 $0x0;
	s21 =	simm.s32 $0x200  }
.LBB2_2:
0x17: {  	p0 =	sne.s32 s21, $0xFE00;
	[tilespmem:s20+$0x70] =	vst v0  }
0x18: {  	[tilespmem:s20+$0x0] =	vst v0  }
0x19: {  	[tilespmem:s20+$0x10] =	vst v0  }
.Ltmp0:
0x1a: {  	[tilespmem:s20+$0x20] =	vst v0;
	(pc) =	sbr.rel @p0 .LBB2_2-.Ltmp0, $4  }
0x1b: {  	[tilespmem:s20+$0x30] =	vst v0  }
0x1c: {  	[tilespmem:s20+$0x40] =	vst v0  }
0x1d: {  	[tilespmem:s20+$0x50] =	vst v0  }
0x1e: {  	[tilespmem:s20+$0x60] =	vst v0;
	s20 =	sshra.s32 s21, $0x2;
	s21 =	sadd.s32 $0x200, s21  }
0x1f: {  	[tilespmem:s20+$0x70] =	vst v0  }
0x20: {  	[tilespmem:s20+$0x0] =	vst v0  }
0x21: {  	[tilespmem:s20+$0x10] =	vst v0  }
0x22: {  	[tilespmem:s20+$0x20] =	vst v0  }
0x23: {  	[tilespmem:s20+$0x30] =	vst v0  }
0x24: {  	[tilespmem:s20+$0x40] =	vst v0  }
0x25: {  	[tilespmem:s20+$0x50] =	vst v0  }
0x26: {  	[tilespmem:s20+$0x60] =	vst v0  }
0x27: {  	[spmem:s4] =	stream.linear.scatter [tilespmem:s3], [sflag:$0x4], $0x4000, $0x38;
	[tilespmem:$0x1BE80] =	vst v63  }
0x28: {  	_ =	swait.ge [sflag:s16], $0x4000  }
0x29: {  	[sflag:s16] =	ssyncset.done $0x0  }
0x2a: {  	[sflag:s16] =	ssyncadd.s32 $0xFFFFC000  }
0x2b: {  	[spmem:s5] =	stream.linear.scatter [tilespmem:s3], [sflag:$0x4], $0x4000, $0x38;
	[tilespmem:$0x1BE80] =	vst v63  }
0x2c: {  	_ =	swait.ge [sflag:s16], $0x4000  }
0x2d: {  	[sflag:s16] =	ssyncset.done $0x0  }
0x2e: {  	[sflag:s16] =	ssyncadd.s32 $0xFFFFC000  }
0x2f: {  	[spmem:s6] =	stream.linear.scatter [tilespmem:s3], [sflag:$0x4], $0x4000, $0x38;
	[tilespmem:$0x1BE80] =	vst v63  }
0x30: {  	_ =	swait.ge [sflag:s16], $0x4000  }
0x31: {  	[sflag:s16] =	ssyncset.done $0x0  }
0x32: {  	[sflag:s16] =	ssyncadd.s32 $0xFFFFC000  }
0x33: {  	[spmem:s7] =	stream.linear.scatter [tilespmem:s3], [sflag:$0x4], $0x4000, $0x38;
	[tilespmem:$0x1BE80] =	vst v63  }
0x34: {  	_ =	swait.ge [sflag:s16], $0x4000  }
0x35: {  	[sflag:s16] =	ssyncset.done $0x0  }
0x36: {  	[sflag:s16] =	ssyncadd.s32 $0xFFFFC000  }
0x37: {  	[spmem:s8] =	stream.linear.scatter [tilespmem:s3], [sflag:$0x4], $0x3C00, $0x38;
	[tilespmem:$0x1BE80] =	vst v63  }
0x38: {  	_ =	swait.ge [sflag:s16], $0x3C00  }
0x39: {  	[sflag:s16] =	ssyncset.done $0x0  }
0x3a: {  	s20 =	simm.s32 $0x0;
	p1 =	por $0x0, $0x0;
	[sflag:s16] =	ssyncadd.s32 $0xFFFFC400  }
0x3b: {  	[tilespmem:s17], [sflag:$0x3] =	stream.linear.gather [hbm4b:s9+s3], $0x80, $0x38;
	[tilespmem:$0x1BE80] =	vst v63  }
0x3c: {  	s21 =	sadd.s32 $0x10, s9;
	s22 =	smul.u32 @!p1 $0xAB, s20  }
0x3d: {  	[tilespmem:s18], [sflag:$0x3] =	stream.linear.gather [hbm4b:s21+s3], $0x80, $0x38;
	[tilespmem:$0x1BE80] =	vst v63  }
0x3e: {  	s23 =	simm.s32 $0xFFFFFFFE;
	p2 =	por $0x1, $0x1;
	s21 =	sshrl.u32 @!p1 s22, $0xA  }
0x3f: {  	s23 =	smul.u32 @!p2 $0xAB, s23;
	s21 =	sand.u32 @!p1 $0x3F, s21  }
0x40: {  	p0 =	por $0x1, $0x1;
	s25 =	simm.s32 @!p1 $0x0;
	s21 =	smul.u32 @!p1 $0x6, s21  }
0x41: {  	s26 =	simm.s32 @!p2 $0x1;
	s20 =	sand.u32 $0x1, s20;
	s23 =	sshrl.u32 @!p2 s23, $0xA  }
0x42: {  	s23 =	sand.u32 @!p2 $0x3F, s23;
	[bflag:$0x0] =	sbarrier.arrive $0xFFFF;
	s21 =	ssub.s32 @!p1 $0x0, s21  }
0x43: {  	s23 =	smul.u32 @!p2 $0x6, s23;
	s24 =	rddreg [dreg:$0x3];
	s21 =	sand.u32 @!p1 $0xFF, s21  }
0x44: {  	s22 =	simm.s32 $0xFFFF0000;
	s24 =	sadd.s32 @!p1 $0xFFFFFFF8, s24;
	s21 =	sshll.u32 @!p1 s21, $0x6  }
0x45: {  	s22 =	sand.u32 @!p2 $0x18000, s22;
	s24 =	sadd.s32 @!p1 $0x8, s24;
	s21 =	sor.u32 @!p1 $0x8000, s21  }
0x46: {  	[tilespmem:s21], [sflag:$0x1] =	stream.linear.gather @!p1 [hbm4b:s24+s25], $0x40, $0x38;
	[tilespmem:$0x1BE80] =	vst v63  }
0x47: {  	p3 =	seq.s32 s20, $0x1;
	s22 =	sshrl.u32 @!p2 s22, $0x2;
	s21 =	ssub.s32 @!p2 $0xFFFFFFFE, s23  }
0x48: {  	p1 =	por !p3, p0;
	_ =	swait.ge @!p2 [sflag:s26], $0x40;
	s21 =	sand.u32 @!p2 $0xFF, s21  }
0x49: {  	[sflag:s26] =	ssyncset.done @!p2 $0x0;
	s23 =	rddreg [dreg:$0x4];
	s21 =	sshll.u32 @!p2 s21, $0x6  }
0x4a: {  	[sflag:s26] =	ssyncadd.s32 @!p2 $0xFFFFFFC0;
	s20 =	sor.u32 @!p2 $0x8000, s21;
	s21 =	simm.s32 @!p2 $0x40  }
0x4b: {  	[tilespmem:s22], [sflag:$0x2] =	stream.indirect.gather @!p2 [hbm4b:s23+s21], $0x80, s20, s21, $0xb8;
	[tilespmem:$0x1BE80] =	vst v63  }
0x4c: {  	s25 =	simm.s32 $0xFFFFFFF8;
	s20 =	simm.s32 @!p1 $0x2  }
0x4d: {  	s26 =	simm.s32 @!p1 $0x4;
	s21 =	simm.s32 $0xFFFFFFFC;
	_ =	swait.ge @!p1 [sflag:s20], $0x4000  }
0x4e: {  	s22 =	simm.s32 $0xFFFFFFFD;
	s23 =	simm.s32 @!p1 $0x7FFFFFFD;
	[sflag:s20] =	ssyncset.done @!p1 $0x0  }
0x4f: {  	p2 =	por @!p1 $0x0, $0x0;
	[sflag:s20] =	ssyncadd.s32 @!p1 $0xFFFFC000;
	s20 =	simm.s32 @!p1 $0x3  }
0x50: {  	s23 =	sand.u32 @!p1 $0x1, s23;
	p2 =	por @!p0 p2, !p3;
	_ =	swait.ge @!p1 [sflag:s20], $0x80  }
0x51: {  	s24 =	sshll.u32 @!p1 s23, $0xE;
	s23 =	sshll.u32 @!p1 s23, $0x7;
	[sflag:s20] =	ssyncset.done @!p1 $0x0  }
0x52: {  	s28 =	sadd.s32 @!p1 $0x8180, s23;
	[sflag:s20] =	ssyncadd.s32 @!p1 $0xFFFFFF80;
	s20 =	simm.s32 @!p1 $0x80  }
0x53: {  	[spmem:s1] =	stream.indirect.scatter.add.f32 @!p1 [tilespmem:s24], [sflag:$0x4], $0x80, s28, s20, $0xb8;
	[tilespmem:$0x1BE80] =	vst v63  }
0x54: {  	p4 =	por p2, p0;
	s23 =	simm.s32 $0xFFFF8000;
	_ =	swait.ge @!p1 [sflag:s26], $0x4000  }
0x55: {  	s20 =	simm.s32 $0x0;
	s24 =	simm.s32 $0x1;
	[sflag:s26] =	ssyncset.done @!p1 $0x0  }
.LBB2_4:
0x56: {  	p3 =	sgt.u32 s24, $0x9F;
	s25 =	sand.u32 @!p4 $0xFF0, s25;
	s29 =	simm.s32 @!p4 $0x0  }
0x57: {  	[sflag:s26] =	ssyncadd.s32 @!p1 $0xFFFFC000;
	s30 =	smul.u32 @!p3 $0xAB, s24;
	s25 =	sadd.s32 @!p4 s9, s25  }
0x58: {  	[tilespmem:s28], [sflag:$0x3] =	stream.linear.gather @!p4 [hbm4b:s25+s29], $0x80, $0x38;
	[tilespmem:$0x1BE80] =	vst v63  }
0x59: {  	p2 =	slt.u32 s24, $0x5;
	s26 =	sshrl.u32 @!p3 s30, $0xA  }
0x5a: {  	s0 =	simm.s32 @!p3 $0x0;
	s28 =	sadd.s32 $0x3, s21;
	s26 =	sand.u32 @!p3 $0x3F, s26  }
0x5b: {  	s25 =	smov.u32 s22;
	p4 =	sgt.u32 s28, $0x9F;
	s26 =	smul.u32 @!p3 $0x6, s26  }
0x5c: {  	s22 =	sadd.s32 $0x1, s22;
	s29 =	rddreg [dreg:$0x3];
	s30 =	smul.u32 @!p4 $0xAB, s28  }
0x5d: {  	s29 =	sadd.s32 @!p3 s20, s29;
	s31 =	sand.u32 @!p4 $0x18000, s23;
	s26 =	ssub.s32 @!p3 s24, s26  }
0x5e: {  	s2 =	simm.s32 @!p4 $0x1;
	s30 =	sshrl.u32 @!p4 s30, $0xA;
	s26 =	sand.u32 @!p3 $0xFF, s26  }
0x5f: {  	s29 =	sadd.s32 @!p3 $0x8, s29;
	s30 =	sand.u32 @!p4 $0x3F, s30;
	s26 =	sshll.u32 @!p3 s26, $0x6  }
0x60: {  	s31 =	sshrl.u32 @!p4 s31, $0x2;
	s30 =	smul.u32 @!p4 $0x6, s30;
	s26 =	sor.u32 @!p3 $0x8000, s26  }
0x61: {  	[tilespmem:s26], [sflag:$0x1] =	stream.linear.gather @!p3 [hbm4b:s29+s0], $0x40, $0x38;
	[tilespmem:$0x1BE80] =	vst v63  }
0x62: {  	s0 =	ssub.s32 @!p4 s28, s30;
	s30 =	sand.u32 $0x1, s24;
	_ =	swait.ge @!p4 [sflag:s2], $0x40  }
0x63: {  	s0 =	sand.u32 @!p4 $0xFF, s0;
	p3 =	seq.s32 s30, $0x1;
	[sflag:s2] =	ssyncset.done @!p4 $0x0  }
0x64: {  	s28 =	rddreg [dreg:$0x4];
	s0 =	sshll.u32 @!p4 s0, $0x6;
	p1 =	por !p3, p2  }
0x65: {  	[sflag:s2] =	ssyncadd.s32 @!p4 $0xFFFFFFC0;
	s0 =	sor.u32 @!p4 $0x8000, s0;
	s2 =	simm.s32 @!p4 $0x40  }
0x66: {  	[tilespmem:s31], [sflag:$0x2] =	stream.indirect.gather @!p4 [hbm4b:s28+s2], $0x80, s0, s2, $0xb8;
	[tilespmem:$0x1BE80] =	vst v63  }
0x67: {  	p0 =	sne.s32 s22, $0x9F;
	s23 =	sadd.s32 $0x8000, s23;
	s2 =	simm.s32 @!p1 $0x2  }
0x68: {  	s26 =	simm.s32 @!p1 $0x4;
	s0 =	sshrl.u32 @!p1 s21, $0x1;
	_ =	swait.ge @!p1 [sflag:s2], $0x4000  }
0x69: {  	p4 =	sgt.u32 @!p1 s24, $0xA0;
	s21 =	smov.u32 s25;
	[sflag:s2] =	ssyncset.done @!p1 $0x0  }
0x6a: {  	s0 =	sand.u32 @!p1 $0x1, s0;
	[sflag:s2] =	ssyncadd.s32 @!p1 $0xFFFFC000;
	s2 =	simm.s32 @!p1 $0x3  }
0x6b: {  	s25 =	smov.u32 s20;
	s24 =	sshll.u32 @!p1 s0, $0xE;
	_ =	swait.ge @!p1 [sflag:s2], $0x80  }
.Ltmp1:
0x6c: {  	s0 =	sshll.u32 @!p1 s0, $0x7;
	[sflag:s2] =	ssyncset.done @!p1 $0x0;
	(pc) =	sbr.rel @p0 .LBB2_4-.Ltmp1, $4  }
0x6d: {  	s28 =	sadd.s32 @!p1 $0x8180, s0;
	s0 =	simm.s32 @!p1 $0x80;
	[sflag:s2] =	ssyncadd.s32 @!p1 $0xFFFFFF80  }
0x6e: {  	[spmem:s1] =	stream.indirect.scatter.add.f32 @!p1 [tilespmem:s24], [sflag:$0x4], $0x80, s28, s0, $0xb8;
	[tilespmem:$0x1BE80] =	vst v63  }
0x6f: {  	s20 =	sadd.s32 $0x8, s20;
	p3 =	por @!p2 p4, !p3;
	_ =	swait.ge @!p1 [sflag:s26], $0x4000  }
0x70: {  	p4 =	por p3, p2;
	s24 =	sadd.s32 $0x5, s21;
	[sflag:s26] =	ssyncset.done @!p1 $0x0  }
0x71: {  	p2 =	sgt.u32 s24, $0x9F;
	s0 =	sand.u32 @!p4 $0xFF0, s25;
	s2 =	simm.s32 @!p4 $0x0  }
0x72: {  	[sflag:s26] =	ssyncadd.s32 @!p1 $0xFFFFC000;
	s22 =	smul.u32 @!p2 $0xAB, s24;
	s0 =	sadd.s32 @!p4 s9, s0  }
0x73: {  	[tilespmem:s28], [sflag:$0x3] =	stream.linear.gather @!p4 [hbm4b:s0+s2], $0x80, $0x38;
	[tilespmem:$0x1BE80] =	vst v63  }
0x74: {  	s0 =	sshrl.u32 @!p2 s22, $0xA  }
0x75: {  	s2 =	sadd.s32 $0x3, s21;
	s0 =	sand.u32 @!p2 $0x3F, s0  }
0x76: {  	p0 =	slt.u32 s24, $0x5;
	p1 =	sgt.u32 s2, $0x9F;
	s0 =	smul.u32 @!p2 $0x6, s0  }
0x77: {  	s31 =	sand.u32 $0x1, s24;
	s26 =	simm.s32 @!p2 $0x0;
	s25 =	smul.u32 @!p1 $0xAB, s2  }
0x78: {  	p3 =	seq.s32 s31, $0x1;
	s22 =	rddreg [dreg:$0x3];
	s0 =	ssub.s32 @!p2 s24, s0  }
0x79: {  	s23 =	sand.u32 @!p1 $0x18000, s23;
	s25 =	sshrl.u32 @!p1 s25, $0xA;
	s0 =	sand.u32 @!p2 $0xFF, s0  }
0x7a: {  	s22 =	sadd.s32 @!p2 s20, s22;
	s25 =	sand.u32 @!p1 $0x3F, s25;
	s0 =	sshll.u32 @!p2 s0, $0x6  }
0x7b: {  	s22 =	sadd.s32 @!p2 $0x8, s22;
	s25 =	smul.u32 @!p1 $0x6, s25;
	s0 =	sor.u32 @!p2 $0x8000, s0  }
0x7c: {  	[tilespmem:s0], [sflag:$0x1] =	stream.linear.gather @!p2 [hbm4b:s22+s26], $0x40, $0x38;
	[tilespmem:$0x1BE80] =	vst v63  }
0x7d: {  	s28 =	simm.s32 @!p1 $0x1;
	s23 =	sshrl.u32 @!p1 s23, $0x2;
	s0 =	ssub.s32 @!p1 s2, s25  }
0x7e: {  	s2 =	simm.s32 @!p1 $0x40;
	_ =	swait.ge @!p1 [sflag:s28], $0x40;
	s0 =	sand.u32 @!p1 $0xFF, s0  }
0x7f: {  	p2 =	por !p3, p0;
	[sflag:s28] =	ssyncset.done @!p1 $0x0;
	s0 =	sshll.u32 @!p1 s0, $0x6  }
0x80: {  	s22 =	rddreg [dreg:$0x4];
	[sflag:s28] =	ssyncadd.s32 @!p1 $0xFFFFFFC0;
	s0 =	sor.u32 @!p1 $0x8000, s0  }
0x81: {  	[tilespmem:s23], [sflag:$0x2] =	stream.indirect.gather @!p1 [hbm4b:s22+s2], $0x80, s0, s2, $0xb8;
	[tilespmem:$0x1BE80] =	vst v63  }
0x82: {  	s0 =	simm.s32 @!p2 $0x2  }
0x83: {  	_ =	swait.ge @!p2 [sflag:s0], $0x4000  }
0x84: {  	s2 =	sshrl.u32 @!p2 s21, $0x1;
	p1 =	sgt.u32 @!p2 s24, $0xA0;
	[sflag:s0] =	ssyncset.done @!p2 $0x0  }
0x85: {  	s22 =	simm.s32 @!p2 $0x4;
	[sflag:s0] =	ssyncadd.s32 @!p2 $0xFFFFC000;
	s0 =	simm.s32 @!p2 $0x3  }
0x86: {  	s2 =	sand.u32 @!p2 $0x1, s2;
	p1 =	por @!p0 p1, !p3;
	_ =	swait.ge @!p2 [sflag:s0], $0x80  }
0x87: {  	s21 =	sshll.u32 @!p2 s2, $0xE;
	s2 =	sshll.u32 @!p2 s2, $0x7;
	[sflag:s0] =	ssyncset.done @!p2 $0x0  }
0x88: {  	[sflag:s0] =	ssyncadd.s32 @!p2 $0xFFFFFF80;
	s0 =	sadd.s32 @!p2 $0x8180, s2;
	s2 =	simm.s32 @!p2 $0x80  }
0x89: {  	[spmem:s1] =	stream.indirect.scatter.add.f32 @!p2 [tilespmem:s21], [sflag:$0x4], $0x80, s0, s2, $0xb8;
	[tilespmem:$0x1BE80] =	vst v63  }
0x8a: {  	p0 =	por p1, p0;
	_ =	swait.ge @!p2 [sflag:s22], $0x4000  }
0x8b: {  	s2 =	sand.u32 @!p0 $0xFF0, s20;
	[sflag:s22] =	ssyncset.done @!p2 $0x0  }
0x8c: {  	s20 =	simm.s32 @!p0 $0x0;
	s2 =	sadd.s32 @!p0 s9, s2;
	[sflag:s22] =	ssyncadd.s32 @!p2 $0xFFFFC000  }
0x8d: {  	[tilespmem:s0], [sflag:$0x3] =	stream.linear.gather @!p0 [hbm4b:s2+s20], $0x80, $0x38;
	[tilespmem:$0x1BE80] =	vst v63  }
0x8e: {  	[bflag:$0x0] =	sbarrier.arrive $0xFFFF  }
0x8f: {  	[tilespmem:s3], [sflag:$0x4] =	stream.linear.gather [spmem:s4], $0x4000, $0x38;
	[tilespmem:$0x1BE80] =	vst v63  }
0x90: {  	_ =	swait.ge [sflag:s16], $0x4000  }
0x91: {  	[sflag:s16] =	ssyncset.done $0x0  }
0x92: {  	[sflag:s16] =	ssyncadd.s32 $0xFFFFC000  }
0x93: {  	[hbm4b:s10+s3] =	stream.linear.scatter [tilespmem:s3], [sflag:$0x4], $0x4000, $0x38;
	[tilespmem:$0x1BE80] =	vst v63  }
0x94: {  	_ =	swait.ge [sflag:s16], $0x4000  }
0x95: {  	[sflag:s16] =	ssyncset.done $0x0  }
0x96: {  	[sflag:s16] =	ssyncadd.s32 $0xFFFFC000  }
0x97: {  	[tilespmem:s3], [sflag:$0x4] =	stream.linear.gather [spmem:s5], $0x4000, $0x38;
	[tilespmem:$0x1BE80] =	vst v63  }
0x98: {  	_ =	swait.ge [sflag:s16], $0x4000  }
0x99: {  	[sflag:s16] =	ssyncset.done $0x0  }
0x9a: {  	[sflag:s16] =	ssyncadd.s32 $0xFFFFC000  }
0x9b: {  	[hbm4b:s11+s3] =	stream.linear.scatter [tilespmem:s3], [sflag:$0x4], $0x4000, $0x38;
	[tilespmem:$0x1BE80] =	vst v63  }
0x9c: {  	_ =	swait.ge [sflag:s16], $0x4000  }
0x9d: {  	[sflag:s16] =	ssyncset.done $0x0  }
0x9e: {  	[sflag:s16] =	ssyncadd.s32 $0xFFFFC000  }
0x9f: {  	[tilespmem:s3], [sflag:$0x4] =	stream.linear.gather [spmem:s6], $0x4000, $0x38;
	[tilespmem:$0x1BE80] =	vst v63  }
0xa0: {  	_ =	swait.ge [sflag:s16], $0x4000  }
0xa1: {  	[sflag:s16] =	ssyncset.done $0x0  }
0xa2: {  	[sflag:s16] =	ssyncadd.s32 $0xFFFFC000  }
0xa3: {  	[hbm4b:s12+s3] =	stream.linear.scatter [tilespmem:s3], [sflag:$0x4], $0x4000, $0x38;
	[tilespmem:$0x1BE80] =	vst v63  }
0xa4: {  	_ =	swait.ge [sflag:s16], $0x4000  }
0xa5: {  	[sflag:s16] =	ssyncset.done $0x0  }
0xa6: {  	[sflag:s16] =	ssyncadd.s32 $0xFFFFC000  }
0xa7: {  	[tilespmem:s3], [sflag:$0x4] =	stream.linear.gather [spmem:s7], $0x4000, $0x38;
	[tilespmem:$0x1BE80] =	vst v63  }
0xa8: {  	_ =	swait.ge [sflag:s16], $0x4000  }
0xa9: {  	[sflag:s16] =	ssyncset.done $0x0  }
0xaa: {  	[sflag:s16] =	ssyncadd.s32 $0xFFFFC000  }
0xab: {  	[hbm4b:s13+s3] =	stream.linear.scatter [tilespmem:s3], [sflag:$0x4], $0x4000, $0x38;
	[tilespmem:$0x1BE80] =	vst v63  }
0xac: {  	_ =	swait.ge [sflag:s16], $0x4000  }
0xad: {  	[sflag:s16] =	ssyncset.done $0x0  }
0xae: {  	[sflag:s16] =	ssyncadd.s32 $0xFFFFC000  }
0xaf: {  	[tilespmem:s3], [sflag:$0x4] =	stream.linear.gather [spmem:s8], $0x3C00, $0x38;
	[tilespmem:$0x1BE80] =	vst v63  }
0xb0: {  	s19 =	sadd.s32 $0x1, s19;
	_ =	swait.ge [sflag:s16], $0x3C00  }
0xb1: {  	p0 =	sne.s32 s19, s15;
	[sflag:s16] =	ssyncset.done $0x0  }
.Ltmp2:
0xb2: {  	[sflag:s16] =	ssyncadd.s32 $0xFFFFC400;
	(pc) =	sbr.rel @p0 .LBB2_1-.Ltmp2, $4  }
0xb3: {  	[hbm4b:s14+s3] =	stream.linear.scatter [tilespmem:s3], [sflag:$0x4], $0x3C00, $0x38;
	[tilespmem:$0x1BE80] =	vst v63  }
0xb4: {  	_ =	swait.ge [sflag:s16], $0x3C00  }
0xb5: {  	[sflag:s16] =	ssyncset.done $0x0  }
0xb6: {  	[sflag:s16] =	ssyncadd.s32 $0xFFFFC400  }
0xb7: {  	_ =	sfence.sel $0x180000  }
0xb8: {  	[bflag:$0x0] =	sbarrier.arrive $0xFFFF  }
0xb9: {  	_ =	strace $0x9000004A  }
0xba: {  	s0 =	stileid.u32;
	[bflag:$0x2] =	sbarrier.arrive $0xFFFF  }
0xbb: {  	p0 =	sne.s32 s0, $0x0;
	s0 =	rddreg [dreg:$0x2]  }
0xbc: {  	s0 =	sadd.s32 @!p0 $0x100000, s0  }
0xbd: {  	[sflag:s0] =	ssyncadd.tile.s32 @!p0 $0x1;
	_ =	shalt  }
.Lfunc_end2:
_tile_overlayer_lowered:
.L_overlay_start_2:
0xbe: {  	(tag) =	ssettag $0x2  }
0xbf: {  	s0 =	rddreg [dreg:$0x0];
	s2 =	stileid.u32  }
0xc0: {  	s1 =	rddreg [dreg:$0x1];
	p0 =	sne.s32 s2, $0x0  }
0xc1: {  	s3 =	rddreg [dreg:$0x2];
	[bflag:$0x3] =	sbarrier.arrive $0xFFFF;
	s2 =	simm.s32 @!p0 $0x1C04  }
0xc2: {  	[timem:s3], [sflag:s2] =	dma.local @!p0 [hbm:s0], s1  }
0xc3: {  	s0 =	simm.s32 @!p0 $0x4  }
0xc4: {  	_ =	swait.ge @!p0 [sflag:s0], s1  }
0xc5: {  	s1 =	ssub.s32 @!p0 $0x0, s1;
	[sflag:s0] =	ssyncset.done @!p0 $0x0  }
0xc6: {  	[sflag:s0] =	ssyncadd.s32 @!p0 s1  }
0xc7: {  	[bflag:$0x3] =	sbarrier.arrive $0xFFFF  }
0xc8: {  	_ =	shalt  }

// kernel: kernel.18.cloned.1.call-start
scs
__scs_entry_jumppad:
0x0: {  	(pc) =	sbr.rel $0x88, $3  }
0x1: {  	(tag) =	ssettag $0x0;
	lr =	simm.s32 $0x1  }
0x2: {  	[smem:$0x3F93] =	sst lr;
	_ =	strace $0xD0000000  }
0x3: {  	_ = 	snop  }
0x4: {  	_ = 	snop  }
0x5: {  	_ = 	snop  }
0x6: {  	_ = 	snop  }
0x7: {  	_ = 	snop  }
__scs_overlays_trampoline_lowered:
0x8: {  	[smem:$0x3FA2] =	sst s0  }
0x9: {  	[smem:$0x3FA3] =	sst s1  }
0xa: {  	[smem:$0x3FA4] =	sst s2  }
0xb: {  	[smem:$0x3FA5] =	sst s3  }
0xc: {  	[smem:$0x3FA6] =	sst s4  }
0xd: {  	[smem:$0x3FA7] =	sst s5  }
0xe: {  	[smem:$0x3FA8] =	sst s6  }
0xf: {  	[smem:$0x3FA9] =	sst s7  }
0x10: {  	[smem:$0x3FAA] =	sst s8  }
0x11: {  	[smem:$0x3FAB] =	sst s9;
	s0 =	simm.s32 @!p0 $0x0  }
0x12: {  	s1 =	sld [smem:$0x3F91];
	s0 =	simm.s32 @p0 $0x1  }
0x13: {  	[smem:$0x3FAC] =	sst s0;
	s0 =	simm.s32 @!p1 $0x0  }
0x14: {  	s2 =	sld [smem:$0x3F90];
	s0 =	simm.s32 @p1 $0x1  }
0x15: {  	[smem:$0x3FAD] =	sst s0;
	s0 =	simm.s32 @!p2 $0x0  }
0x16: {  	s3 =	sld [smem:$0x3FDB];
	s0 =	simm.s32 @p2 $0x1  }
0x17: {  	s4 =	simm.s32 $0x1BF5;
	[smem:$0x3FAF] =	sst s0  }
0x18: {  	s0 =	sld [smem:$0x3F92];
	_ =	swait.ge [sflag:s4], $0x0  }
0x19: {  	s7 =	sld [smem:$0x3F93]  }
0x1a: {  	s8 =	sadd.s32 $0xFFFFE003, lr  }
0x1b: {  	s9 =	sadd.s32 $0xFFFFFEF7, lr;
	s5 =	simm.s32 $0xFFFFFFFF;
	p2 =	slt.u32 s8, $0xFFFFF086  }
0x1c: {  	p1 =	slt.u32 s9, $0xF7A;
	s5 =	simm.s32 @!p2 $0x0  }
0x1d: {  	s5 =	simm.s32 @p1 $0x1;
	p0 =	seq.s32 s7, s2  }
0x1e: {  	s7 =	smul.u32 @!p0 $0xF7A, s2;
	p2 =	seq.s32 @!p0 s5, $0x0  }
0x1f: {  	s9 =	smul.u32 $0xF7A, s1;
	s8 =	simm.s32 @!p0 $0x1BF5;
	p2 =	por !p2, p0  }
0x20: {  	[sflag:s8] =	ssyncset.s32 @!p0 $0xFFFFF086;
	s6 =	sadd.s32 @!p0 s3, s7;
	s7 =	simm.s32 @!p0 $0x108  }
0x21: {  	s3 =	sadd.s32 s3, s9;
	s6 =	sadd.s32 @!p0 $0x88, s6;
	s7 =	simm.s32 @p2 $0x1082  }
0x22: {  	[simem:s7], [sflag:s8] =	dma.local @!p0 [hbm:s6], $0xF7A  }
0x23: {  	s9 =	sor.u32 $0xD0000000, s2;
	s6 =	simm.s32 $0x108;
	_ =	swait.ge @!p0 [sflag:s8], $0x0  }
0x24: {  	s3 =	sadd.s32 $0x88, s3;
	s6 =	simm.s32 @!p1 $0x1082;
	[sflag:s4] =	ssyncset.s32 $0xFFFFF086  }
0x25: {  	[simem:s6], [sflag:s4] =	dma.local [hbm:s3], $0xF7A  }
0x26: {  	[smem:$0x3F93] =	sst s1;
	(tag) =	ssettag s2;
	_ =	strace s9  }
0x27: {  	s1 =	sld [smem:$0x3FA3]  }
0x28: {  	s2 =	sld [smem:$0x3FA4]  }
0x29: {  	s4 =	sld [smem:$0x3FA6]  }
0x2a: {  	p0 =	seq.s32 s5, $0x0;
	s5 =	sld [smem:$0x3FA7]  }
0x2b: {  	s6 =	sld [smem:$0x3FA8]  }
0x2c: {  	s7 =	sld [smem:$0x3FA9]  }
0x2d: {  	s3 =	simm.s32 $0x108;
	s8 =	sld [smem:$0x3FAA]  }
0x2e: {  	s3 =	simm.s32 @!p0 $0x1082;
	s9 =	sld [smem:$0x3FAB]  }
0x2f: {  	lr =	sadd.s32 s0, s3;
	s0 =	sld [smem:$0x3FA2]  }
0x30: {  	s3 =	sld [smem:$0x3FA5]  }
0x31: {  	[smem:$0x3FAE] =	sst s10  }
0x32: {  	s10 =	sld [smem:$0x3FAC];
	_ =	sdelay $0x3  }
0x33: {  	p0 =	seq.s32 s10, $0x1;
	s10 =	sld [smem:$0x3FAE];
	_ =	sdelay $0x3  }
0x34: {  	[smem:$0x3FAE] =	sst s10  }
0x35: {  	s10 =	sld [smem:$0x3FAD];
	_ =	sdelay $0x3  }
0x36: {  	p1 =	seq.s32 s10, $0x1;
	s10 =	sld [smem:$0x3FAE];
	_ =	sdelay $0x3  }
0x37: {  	[smem:$0x3FAE] =	sst s10  }
0x38: {  	s10 =	sld [smem:$0x3FAF]  }
0x39: {  	_ = 	snop;
	(pc) =	sbr.ind lr, $3  }
0x3a: {  	_ = 	snop  }
0x3b: {  	_ = 	snop  }
0x3c: {  	p2 =	seq.s32 s10, $0x1;
	s10 =	sld [smem:$0x3FAE]  }
0x3d: {  	_ =	shalt  }
0x3e: {  	_ =	shalt  }
0x3f: {  	_ =	shalt  }
0x40: {  	_ =	shalt  }
0x41: {  	_ =	shalt  }
0x42: {  	_ =	shalt  }
0x43: {  	_ =	shalt  }
0x44: {  	_ =	shalt  }
0x45: {  	_ =	shalt  }
0x46: {  	_ =	shalt  }
0x47: {  	_ =	shalt  }
0x48: {  	_ =	shalt  }
0x49: {  	_ =	shalt  }
0x4a: {  	_ =	shalt  }
0x4b: {  	_ =	shalt  }
0x4c: {  	_ =	shalt  }
0x4d: {  	_ =	shalt  }
0x4e: {  	_ =	shalt  }
0x4f: {  	_ =	shalt  }
0x50: {  	_ =	shalt  }
0x51: {  	_ =	shalt  }
0x52: {  	_ =	shalt  }
0x53: {  	_ =	shalt  }
0x54: {  	_ =	shalt  }
0x55: {  	_ =	shalt  }
0x56: {  	_ =	shalt  }
0x57: {  	_ =	shalt  }
0x58: {  	_ =	shalt  }
0x59: {  	_ =	shalt  }
0x5a: {  	_ =	shalt  }
0x5b: {  	_ =	shalt  }
0x5c: {  	_ =	shalt  }
0x5d: {  	_ =	shalt  }
0x5e: {  	_ =	shalt  }
0x5f: {  	_ =	shalt  }
0x60: {  	_ =	shalt  }
0x61: {  	_ =	shalt  }
0x62: {  	_ =	shalt  }
0x63: {  	_ =	shalt  }
0x64: {  	_ =	shalt  }
0x65: {  	_ =	shalt  }
0x66: {  	_ =	shalt  }
0x67: {  	_ =	shalt  }
0x68: {  	_ =	shalt  }
0x69: {  	_ =	shalt  }
0x6a: {  	_ =	shalt  }
0x6b: {  	_ =	shalt  }
0x6c: {  	_ =	shalt  }
0x6d: {  	_ =	shalt  }
0x6e: {  	_ =	shalt  }
0x6f: {  	_ =	shalt  }
0x70: {  	_ =	shalt  }
0x71: {  	_ =	shalt  }
0x72: {  	_ =	shalt  }
0x73: {  	_ =	shalt  }
0x74: {  	_ =	shalt  }
0x75: {  	_ =	shalt  }
0x76: {  	_ =	shalt  }
0x77: {  	_ =	shalt  }
0x78: {  	_ =	shalt  }
0x79: {  	_ =	shalt  }
0x7a: {  	_ =	shalt  }
0x7b: {  	_ =	shalt  }
0x7c: {  	_ =	shalt  }
0x7d: {  	_ =	shalt  }
0x7e: {  	_ =	shalt  }
0x7f: {  	_ =	shalt  }
0x80: {  	_ =	shalt  }
0x81: {  	_ =	shalt  }
0x82: {  	_ =	shalt  }
0x83: {  	_ =	shalt  }
0x84: {  	_ =	shalt  }
0x85: {  	_ =	shalt  }
0x86: {  	_ =	shalt  }
0x87: {  	_ =	shalt  }
.Lfunc_end0:
.L_simem_size_0:
called_computation.2_lowered:
.L_overlay_start_0:
0x88: {  	s2 =	sld [smem:$0x3FD9]  }
0x89: {  	s3 =	sld [smem:$0x3FFE];
	_ =	sdelay $0x1  }
0x8a: {  	s1 =	srdreg.scid  }
0x8b: {  	s0 =	sand.u32 $0x1, s1  }
0x8c: {  	s16 =	sshll.u32 s0, $0xA;
	s2 =	sadd.s32 s3, s2  }
0x8d: {  	s2 =	sadd.s32 s2, s16  }
0x8e: {  	[smem:$0x3FBA] =	sst s2  }
0x8f: {  	_ = 	snop  }
0x90: {  	(tm) =	ssettm $0x1  }
0x91: {  	s17 =	sld [smem:$0x3FFB];
	_ =	sdelay $0x3  }
0x92: {  	_ =	strace s17  }
0x93: {  	s2 =	sld [smem:$0x3FFC];
	_ =	sdelay $0x3  }
0x94: {  	_ =	strace s2  }
0x95: {  	s2 =	sld [smem:$0x3FFD];
	_ =	sdelay $0x3  }
0x96: {  	_ =	strace s2  }
0x97: {  	_ =	strace $0x8FFFFFFF  }
0x98: {  	s18 =	sld [smem:$0x3FDB];
	_ =	sdelay $0x1  }
0x99: {  	s19 =	simm.s32 $_scs_section_size  }
0x9a: {  	s4 =	simm.s32 $_size__tile_overlayer_lowered;
	s5 =	simm.s32 $_tile_overlayer_lowered  }
0x9b: {  	s22 =	simm.s32 $0x1BFF;
	s21 =	sshll.u32 s5, $0x1;
	s2 =	sadd.s32 s19, s18  }
0x9c: {  	s6 =	simm.s32 $0x0;
	s20 =	sshll.u32 s4, $0x1;
	s4 =	sadd.s32 s21, s2  }
0x9d: {  	[timem:s6], [sflag:s22] =	dma.local [hbm:s4], s20  }
0x9e: {  	_ =	swait.ge [sflag:s22], s20  }
0x9f: {  	s3 =	ssub.s32 $0x0, s20;
	[sflag:s22] =	ssyncset.done $0x0  }
0xa0: {  	[sflag:s22] =	ssyncadd.s32 s3;
	_ =	sdelay $0x1  }
0xa1: {  	s23 =	simm.s32 $0x1B8B  }
0xa2: {  	_ =	swait.ge [sflag:s23], $0x1  }
0xa3: {  	[sflag:s23] =	ssyncset.done $0x0  }
0xa4: {  	s25 =	simm.s32 $0x1B8E;
	s24 =	sld [smem:$0x3FFE];
	[sflag:s23] =	ssyncadd.s32 $0xFFFFFFFF  }
0xa5: {  	s26 =	simm.s32 $execute0_lowered;
	[smem:$0x3FD2] =	sst s25  }
0xa6: {  	s4 =	sshll.u32 s26, $0x1;
	_ =	strace $0x8000004C;
	[dreg:$0x1] =	wrdreg $0xFFFFFFFF  }
0xa7: {  	s28 =	simm.s32 $_size_execute0_lowered;
	s2 =	sadd.s32 s2, s4;
	[dreg:$0x0] =	wrdreg $0x0  }
0xa8: {  	s4 =	sshll.u32 s28, $0x1;
	[dreg:$0x2] =	wrdreg s2  }
0xa9: {  	[dreg:$0x3] =	wrdreg s4  }
0xaa: {  	[dreg:$0x4] =	wrdreg $0xC0  }
0xab: {  	_ =	task [dreg:s6], $0x5FFFF  }
0xac: {  	[dreg:$0x1] =	wrdreg $0xFFFFFFFF  }
0xad: {  	[dreg:$0x0] =	wrdreg $0x60  }
0xae: {  	[dreg:$0x2] =	wrdreg s24  }
0xaf: {  	[dreg:$0x3] =	wrdreg $0x82800  }
0xb0: {  	[dreg:$0x4] =	wrdreg $0x9  }
0xb1: {  	_ =	task.clear_ibuf [dreg:s6], $0x5FFFF;
	_ =	strace $0x9000004C  }
0xb2: {  	s29 =	simm.s32 $0x9;
	_ =	strace $0x8000004E  }
0xb3: {  	_ =	swait.ge [sflag:s29], $0x1  }
0xb4: {  	[sflag:s29] =	ssyncadd.s32 $0xFFFFFFFF  }
0xb5: {  	_ =	strace $0x9000004E  }
0xb6: {  	_ =	sfence  }
0xb7: {  	s30 =	sld [smem:$0x0];
	_ =	sdelay $0x2  }
0xb8: {  	s31 =	sshll.u32 s1, $0xD;
	s1 =	sshrl.u32 s1, $0x2  }
0xb9: {  	s3 =	sand.u32 $0x4000, s31;
	s1 =	sadd.s32 s1, s30  }
0xba: {  	s0 =	sor.u32 s3, s0;
	s1 =	sshll.u32 s1, $0x11  }
0xbb: {  	s0 =	sor.u32 s1, s0  }
0xbc: {  	s0 =	sadd.s32 $0x8F2B, s0  }
0xbd: {  	[sflag:s0] =	ssyncadd.remote.s32 $0x1  }
0xbe: {  	_ =	sfence.sel $0xFFFF  }
0xbf: {  	[dreg:$0x0] =	wrdreg $0xFFFFFFFF;
	(pc) =	sbr.abs _section_cstart, $3  }
0xc0: {  	[dreg:$0x1] =	wrdreg $0xFFFFFFFF  }
0xc1: {  	_ =	task.clear_ibuf [dreg:s6], $0x2FFFF;
	_ =	strace $0x9FFFFFFF  }
0xc2: {  	(tm) =	ssettm $0x7FFFFFFF  }
0xc3: {  	_ =	shalt  }
tec
execute0_lowered:
.L_overlay_start_1:
0x0: {  	(tag) =	ssettag $0x1  }
0x1: {  	s4 =	rddreg [dreg:$0x0]  }
0x2: {  	s1 =	rddreg [dreg:$0x1];
	s0 =	stileid.u32  }
0x3: {  	s2 =	srdreg.scid;
	s3 =	simm.s32 $0x0;
	s7 =	smul.u32 $0x2800, s0  }
0x4: {  	s6 =	sand.u32 $0x1, s2;
	[smem:$0x7FF] =	sst s3;
	s23 =	smul.u32 $0x4F000, s0  }
0x5: {  	s9 =	sadd.s32 $0x17A00, s4;
	s25 =	smul.u32 $0x13C00, s0;
	s14 =	sadd.s32 $0x3F200, s4  }
0x6: {  	s5 =	smul.u32 $0x28000, s6;
	s8 =	sshll.u32 s6, $0x4;
	_ =	strace $0x8000004D  }
0x7: {  	[dreg:$0x4] =	wrdreg s9;
	s26 =	ssub.s32 $0x2, s6;
	s17 =	smul.u32 $0x13C000, s6  }
0x8: {  	s8 =	sor.u32 s0, s8;
	s28 =	sshrl.u32 s26, $0x1;
	s29 =	sshrl.u32 s23, $0x2  }
0x9: {  	s11 =	sadd.s32 $0x4000, s25;
	s12 =	sadd.s32 $0x8000, s25;
	s13 =	sadd.s32 $0xC000, s25  }
0xa: {  	s18 =	sadd.s32 $0x10000, s25;
	s5 =	sadd.s32 s7, s5;
	s22 =	smul.u32 $0x2800, s8  }
0xb: {  	s16 =	ssub.s32 s26, s28;
	s6 =	sadd.s32 s12, s1;
	s7 =	sadd.s32 s13, s1  }
0xc: {  	s8 =	sadd.s32 s18, s1;
	s19 =	sadd.s32 s25, s17;
	s12 =	sadd.s32 s17, s12  }
0xd: {  	s13 =	sadd.s32 s17, s13;
	s5 =	sshrl.u32 s5, $0x3;
	s30 =	sshrl.u32 s19, $0x3  }
0xe: {  	s12 =	sshrl.u32 s12, $0x3;
	s13 =	sshrl.u32 s13, $0x3;
	s19 =	simm.s32 $0x0  }
0xf: {  	s15 =	sadd.s32 s5, s4;
	s24 =	sshrl.u32 s22, $0x3;
	s5 =	sadd.s32 s11, s1  }
0x10: {  	s11 =	sadd.s32 s17, s11;
	s17 =	sadd.s32 s17, s18;
	s12 =	sadd.s32 s14, s12  }
0x11: {  	s13 =	sadd.s32 s14, s13;
	s18 =	simm.s32 $0x8200;
	s10 =	sadd.s32 s24, s4  }
0x12: {  	s4 =	sadd.s32 s29, s1;
	s11 =	sshrl.u32 s11, $0x3;
	s17 =	sshrl.u32 s17, $0x3  }
0x13: {  	s31 =	sadd.s32 $0xDA00, s15;
	s15 =	smax.u32 s16, $0x1;
	s16 =	simm.s32 $0x4  }
0x14: {  	s9 =	sadd.s32 $0x3A00, s10;
	s10 =	sadd.s32 s14, s30;
	s11 =	sadd.s32 s14, s11  }
0x15: {  	v0 =	vimm.f32 $0.0e+00;
	s14 =	sadd.s32 s14, s17;
	[dreg:$0x3] =	wrdreg s31;
	s17 =	simm.s32 $0x8180  }
.LBB2_1:
0x16: {  	s20 =	simm.s32 $0x0;
	s21 =	simm.s32 $0x200  }
.LBB2_2:
0x17: {  	p0 =	sne.s32 s21, $0xFE00;
	[tilespmem:s20+$0x70] =	vst v0  }
0x18: {  	[tilespmem:s20+$0x0] =	vst v0  }
0x19: {  	[tilespmem:s20+$0x10] =	vst v0  }
.Ltmp0:
0x1a: {  	[tilespmem:s20+$0x20] =	vst v0;
	(pc) =	sbr.rel @p0 .LBB2_2-.Ltmp0, $4  }
0x1b: {  	[tilespmem:s20+$0x30] =	vst v0  }
0x1c: {  	[tilespmem:s20+$0x40] =	vst v0  }
0x1d: {  	[tilespmem:s20+$0x50] =	vst v0  }
0x1e: {  	[tilespmem:s20+$0x60] =	vst v0;
	s20 =	sshra.s32 s21, $0x2;
	s21 =	sadd.s32 $0x200, s21  }
0x1f: {  	[tilespmem:s20+$0x70] =	vst v0  }
0x20: {  	[tilespmem:s20+$0x0] =	vst v0  }
0x21: {  	[tilespmem:s20+$0x10] =	vst v0  }
0x22: {  	[tilespmem:s20+$0x20] =	vst v0  }
0x23: {  	[tilespmem:s20+$0x30] =	vst v0  }
0x24: {  	[tilespmem:s20+$0x40] =	vst v0  }
0x25: {  	[tilespmem:s20+$0x50] =	vst v0  }
0x26: {  	[tilespmem:s20+$0x60] =	vst v0  }
0x27: {  	[spmem:s4] =	stream.linear.scatter [tilespmem:s3], [sflag:$0x4], $0x4000, $0x38;
	[tilespmem:$0x1BE80] =	vst v63  }
0x28: {  	_ =	swait.ge [sflag:s16], $0x4000  }
0x29: {  	[sflag:s16] =	ssyncset.done $0x0  }
0x2a: {  	[sflag:s16] =	ssyncadd.s32 $0xFFFFC000  }
0x2b: {  	[spmem:s5] =	stream.linear.scatter [tilespmem:s3], [sflag:$0x4], $0x4000, $0x38;
	[tilespmem:$0x1BE80] =	vst v63  }
0x2c: {  	_ =	swait.ge [sflag:s16], $0x4000  }
0x2d: {  	[sflag:s16] =	ssyncset.done $0x0  }
0x2e: {  	[sflag:s16] =	ssyncadd.s32 $0xFFFFC000  }
0x2f: {  	[spmem:s6] =	stream.linear.scatter [tilespmem:s3], [sflag:$0x4], $0x4000, $0x38;
	[tilespmem:$0x1BE80] =	vst v63  }
0x30: {  	_ =	swait.ge [sflag:s16], $0x4000  }
0x31: {  	[sflag:s16] =	ssyncset.done $0x0  }
0x32: {  	[sflag:s16] =	ssyncadd.s32 $0xFFFFC000  }
0x33: {  	[spmem:s7] =	stream.linear.scatter [tilespmem:s3], [sflag:$0x4], $0x4000, $0x38;
	[tilespmem:$0x1BE80] =	vst v63  }
0x34: {  	_ =	swait.ge [sflag:s16], $0x4000  }
0x35: {  	[sflag:s16] =	ssyncset.done $0x0  }
0x36: {  	[sflag:s16] =	ssyncadd.s32 $0xFFFFC000  }
0x37: {  	[spmem:s8] =	stream.linear.scatter [tilespmem:s3], [sflag:$0x4], $0x3C00, $0x38;
	[tilespmem:$0x1BE80] =	vst v63  }
0x38: {  	_ =	swait.ge [sflag:s16], $0x3C00  }
0x39: {  	[sflag:s16] =	ssyncset.done $0x0  }
0x3a: {  	s20 =	simm.s32 $0x0;
	p1 =	por $0x0, $0x0;
	[sflag:s16] =	ssyncadd.s32 $0xFFFFC400  }
0x3b: {  	[tilespmem:s17], [sflag:$0x3] =	stream.linear.gather [hbm4b:s9+s3], $0x80, $0x38;
	[tilespmem:$0x1BE80] =	vst v63  }
0x3c: {  	s21 =	sadd.s32 $0x10, s9;
	s22 =	smul.u32 @!p1 $0xAB, s20  }
0x3d: {  	[tilespmem:s18], [sflag:$0x3] =	stream.linear.gather [hbm4b:s21+s3], $0x80, $0x38;
	[tilespmem:$0x1BE80] =	vst v63  }
0x3e: {  	s23 =	simm.s32 $0xFFFFFFFE;
	p2 =	por $0x1, $0x1;
	s21 =	sshrl.u32 @!p1 s22, $0xA  }
0x3f: {  	s23 =	smul.u32 @!p2 $0xAB, s23;
	s21 =	sand.u32 @!p1 $0x3F, s21  }
0x40: {  	p0 =	por $0x1, $0x1;
	s25 =	simm.s32 @!p1 $0x0;
	s21 =	smul.u32 @!p1 $0x6, s21  }
0x41: {  	s26 =	simm.s32 @!p2 $0x1;
	s20 =	sand.u32 $0x1, s20;
	s23 =	sshrl.u32 @!p2 s23, $0xA  }
0x42: {  	s23 =	sand.u32 @!p2 $0x3F, s23;
	[bflag:$0x0] =	sbarrier.arrive $0xFFFF;
	s21 =	ssub.s32 @!p1 $0x0, s21  }
0x43: {  	s23 =	smul.u32 @!p2 $0x6, s23;
	s24 =	rddreg [dreg:$0x3];
	s21 =	sand.u32 @!p1 $0xFF, s21  }
0x44: {  	s22 =	simm.s32 $0xFFFF0000;
	s24 =	sadd.s32 @!p1 $0xFFFFFFF8, s24;
	s21 =	sshll.u32 @!p1 s21, $0x6  }
0x45: {  	s22 =	sand.u32 @!p2 $0x18000, s22;
	s24 =	sadd.s32 @!p1 $0x8, s24;
	s21 =	sor.u32 @!p1 $0x8000, s21  }
0x46: {  	[tilespmem:s21], [sflag:$0x1] =	stream.linear.gather @!p1 [hbm4b:s24+s25], $0x40, $0x38;
	[tilespmem:$0x1BE80] =	vst v63  }
0x47: {  	p3 =	seq.s32 s20, $0x1;
	s22 =	sshrl.u32 @!p2 s22, $0x2;
	s21 =	ssub.s32 @!p2 $0xFFFFFFFE, s23  }
0x48: {  	p1 =	por !p3, p0;
	_ =	swait.ge @!p2 [sflag:s26], $0x40;
	s21 =	sand.u32 @!p2 $0xFF, s21  }
0x49: {  	[sflag:s26] =	ssyncset.done @!p2 $0x0;
	s23 =	rddreg [dreg:$0x4];
	s21 =	sshll.u32 @!p2 s21, $0x6  }
0x4a: {  	[sflag:s26] =	ssyncadd.s32 @!p2 $0xFFFFFFC0;
	s20 =	sor.u32 @!p2 $0x8000, s21;
	s21 =	simm.s32 @!p2 $0x40  }
0x4b: {  	[tilespmem:s22], [sflag:$0x2] =	stream.indirect.gather @!p2 [hbm4b:s23+s21], $0x80, s20, s21, $0xb8;
	[tilespmem:$0x1BE80] =	vst v63  }
0x4c: {  	s25 =	simm.s32 $0xFFFFFFF8;
	s20 =	simm.s32 @!p1 $0x2  }
0x4d: {  	s26 =	simm.s32 @!p1 $0x4;
	s21 =	simm.s32 $0xFFFFFFFC;
	_ =	swait.ge @!p1 [sflag:s20], $0x4000  }
0x4e: {  	s22 =	simm.s32 $0xFFFFFFFD;
	s23 =	simm.s32 @!p1 $0x7FFFFFFD;
	[sflag:s20] =	ssyncset.done @!p1 $0x0  }
0x4f: {  	p2 =	por @!p1 $0x0, $0x0;
	[sflag:s20] =	ssyncadd.s32 @!p1 $0xFFFFC000;
	s20 =	simm.s32 @!p1 $0x3  }
0x50: {  	s23 =	sand.u32 @!p1 $0x1, s23;
	p2 =	por @!p0 p2, !p3;
	_ =	swait.ge @!p1 [sflag:s20], $0x80  }
0x51: {  	s24 =	sshll.u32 @!p1 s23, $0xE;
	s23 =	sshll.u32 @!p1 s23, $0x7;
	[sflag:s20] =	ssyncset.done @!p1 $0x0  }
0x52: {  	s28 =	sadd.s32 @!p1 $0x8180, s23;
	[sflag:s20] =	ssyncadd.s32 @!p1 $0xFFFFFF80;
	s20 =	simm.s32 @!p1 $0x80  }
0x53: {  	[spmem:s1] =	stream.indirect.scatter.add.f32 @!p1 [tilespmem:s24], [sflag:$0x4], $0x80, s28, s20, $0xb8;
	[tilespmem:$0x1BE80] =	vst v63  }
0x54: {  	p4 =	por p2, p0;
	s23 =	simm.s32 $0xFFFF8000;
	_ =	swait.ge @!p1 [sflag:s26], $0x4000  }
0x55: {  	s20 =	simm.s32 $0x0;
	s24 =	simm.s32 $0x1;
	[sflag:s26] =	ssyncset.done @!p1 $0x0  }
.LBB2_4:
0x56: {  	p3 =	sgt.u32 s24, $0x9F;
	s25 =	sand.u32 @!p4 $0xFF0, s25;
	s29 =	simm.s32 @!p4 $0x0  }
0x57: {  	[sflag:s26] =	ssyncadd.s32 @!p1 $0xFFFFC000;
	s30 =	smul.u32 @!p3 $0xAB, s24;
	s25 =	sadd.s32 @!p4 s9, s25  }
0x58: {  	[tilespmem:s28], [sflag:$0x3] =	stream.linear.gather @!p4 [hbm4b:s25+s29], $0x80, $0x38;
	[tilespmem:$0x1BE80] =	vst v63  }
0x59: {  	p2 =	slt.u32 s24, $0x5;
	s26 =	sshrl.u32 @!p3 s30, $0xA  }
0x5a: {  	s0 =	simm.s32 @!p3 $0x0;
	s28 =	sadd.s32 $0x3, s21;
	s26 =	sand.u32 @!p3 $0x3F, s26  }
0x5b: {  	s25 =	smov.u32 s22;
	p4 =	sgt.u32 s28, $0x9F;
	s26 =	smul.u32 @!p3 $0x6, s26  }
0x5c: {  	s22 =	sadd.s32 $0x1, s22;
	s29 =	rddreg [dreg:$0x3];
	s30 =	smul.u32 @!p4 $0xAB, s28  }
0x5d: {  	s29 =	sadd.s32 @!p3 s20, s29;
	s31 =	sand.u32 @!p4 $0x18000, s23;
	s26 =	ssub.s32 @!p3 s24, s26  }
0x5e: {  	s2 =	simm.s32 @!p4 $0x1;
	s30 =	sshrl.u32 @!p4 s30, $0xA;
	s26 =	sand.u32 @!p3 $0xFF, s26  }
0x5f: {  	s29 =	sadd.s32 @!p3 $0x8, s29;
	s30 =	sand.u32 @!p4 $0x3F, s30;
	s26 =	sshll.u32 @!p3 s26, $0x6  }
0x60: {  	s31 =	sshrl.u32 @!p4 s31, $0x2;
	s30 =	smul.u32 @!p4 $0x6, s30;
	s26 =	sor.u32 @!p3 $0x8000, s26  }
0x61: {  	[tilespmem:s26], [sflag:$0x1] =	stream.linear.gather @!p3 [hbm4b:s29+s0], $0x40, $0x38;
	[tilespmem:$0x1BE80] =	vst v63  }
0x62: {  	s0 =	ssub.s32 @!p4 s28, s30;
	s30 =	sand.u32 $0x1, s24;
	_ =	swait.ge @!p4 [sflag:s2], $0x40  }
0x63: {  	s0 =	sand.u32 @!p4 $0xFF, s0;
	p3 =	seq.s32 s30, $0x1;
	[sflag:s2] =	ssyncset.done @!p4 $0x0  }
0x64: {  	s28 =	rddreg [dreg:$0x4];
	s0 =	sshll.u32 @!p4 s0, $0x6;
	p1 =	por !p3, p2  }
0x65: {  	[sflag:s2] =	ssyncadd.s32 @!p4 $0xFFFFFFC0;
	s0 =	sor.u32 @!p4 $0x8000, s0;
	s2 =	simm.s32 @!p4 $0x40  }
0x66: {  	[tilespmem:s31], [sflag:$0x2] =	stream.indirect.gather @!p4 [hbm4b:s28+s2], $0x80, s0, s2, $0xb8;
	[tilespmem:$0x1BE80] =	vst v63  }
0x67: {  	p0 =	sne.s32 s22, $0x9F;
	s23 =	sadd.s32 $0x8000, s23;
	s2 =	simm.s32 @!p1 $0x2  }
0x68: {  	s26 =	simm.s32 @!p1 $0x4;
	s0 =	sshrl.u32 @!p1 s21, $0x1;
	_ =	swait.ge @!p1 [sflag:s2], $0x4000  }
0x69: {  	p4 =	sgt.u32 @!p1 s24, $0xA0;
	s21 =	smov.u32 s25;
	[sflag:s2] =	ssyncset.done @!p1 $0x0  }
0x6a: {  	s0 =	sand.u32 @!p1 $0x1, s0;
	[sflag:s2] =	ssyncadd.s32 @!p1 $0xFFFFC000;
	s2 =	simm.s32 @!p1 $0x3  }
0x6b: {  	s25 =	smov.u32 s20;
	s24 =	sshll.u32 @!p1 s0, $0xE;
	_ =	swait.ge @!p1 [sflag:s2], $0x80  }
.Ltmp1:
0x6c: {  	s0 =	sshll.u32 @!p1 s0, $0x7;
	[sflag:s2] =	ssyncset.done @!p1 $0x0;
	(pc) =	sbr.rel @p0 .LBB2_4-.Ltmp1, $4  }
0x6d: {  	s28 =	sadd.s32 @!p1 $0x8180, s0;
	s0 =	simm.s32 @!p1 $0x80;
	[sflag:s2] =	ssyncadd.s32 @!p1 $0xFFFFFF80  }
0x6e: {  	[spmem:s1] =	stream.indirect.scatter.add.f32 @!p1 [tilespmem:s24], [sflag:$0x4], $0x80, s28, s0, $0xb8;
	[tilespmem:$0x1BE80] =	vst v63  }
0x6f: {  	s20 =	sadd.s32 $0x8, s20;
	p3 =	por @!p2 p4, !p3;
	_ =	swait.ge @!p1 [sflag:s26], $0x4000  }
0x70: {  	p4 =	por p3, p2;
	s24 =	sadd.s32 $0x5, s21;
	[sflag:s26] =	ssyncset.done @!p1 $0x0  }
0x71: {  	p2 =	sgt.u32 s24, $0x9F;
	s0 =	sand.u32 @!p4 $0xFF0, s25;
	s2 =	simm.s32 @!p4 $0x0  }
0x72: {  	[sflag:s26] =	ssyncadd.s32 @!p1 $0xFFFFC000;
	s22 =	smul.u32 @!p2 $0xAB, s24;
	s0 =	sadd.s32 @!p4 s9, s0  }
0x73: {  	[tilespmem:s28], [sflag:$0x3] =	stream.linear.gather @!p4 [hbm4b:s0+s2], $0x80, $0x38;
	[tilespmem:$0x1BE80] =	vst v63  }
0x74: {  	s0 =	sshrl.u32 @!p2 s22, $0xA  }
0x75: {  	s2 =	sadd.s32 $0x3, s21;
	s0 =	sand.u32 @!p2 $0x3F, s0  }
0x76: {  	p0 =	slt.u32 s24, $0x5;
	p1 =	sgt.u32 s2, $0x9F;
	s0 =	smul.u32 @!p2 $0x6, s0  }
0x77: {  	s31 =	sand.u32 $0x1, s24;
	s26 =	simm.s32 @!p2 $0x0;
	s25 =	smul.u32 @!p1 $0xAB, s2  }
0x78: {  	p3 =	seq.s32 s31, $0x1;
	s22 =	rddreg [dreg:$0x3];
	s0 =	ssub.s32 @!p2 s24, s0  }
0x79: {  	s23 =	sand.u32 @!p1 $0x18000, s23;
	s25 =	sshrl.u32 @!p1 s25, $0xA;
	s0 =	sand.u32 @!p2 $0xFF, s0  }
0x7a: {  	s22 =	sadd.s32 @!p2 s20, s22;
	s25 =	sand.u32 @!p1 $0x3F, s25;
	s0 =	sshll.u32 @!p2 s0, $0x6  }
0x7b: {  	s22 =	sadd.s32 @!p2 $0x8, s22;
	s25 =	smul.u32 @!p1 $0x6, s25;
	s0 =	sor.u32 @!p2 $0x8000, s0  }
0x7c: {  	[tilespmem:s0], [sflag:$0x1] =	stream.linear.gather @!p2 [hbm4b:s22+s26], $0x40, $0x38;
	[tilespmem:$0x1BE80] =	vst v63  }
0x7d: {  	s28 =	simm.s32 @!p1 $0x1;
	s23 =	sshrl.u32 @!p1 s23, $0x2;
	s0 =	ssub.s32 @!p1 s2, s25  }
0x7e: {  	s2 =	simm.s32 @!p1 $0x40;
	_ =	swait.ge @!p1 [sflag:s28], $0x40;
	s0 =	sand.u32 @!p1 $0xFF, s0  }
0x7f: {  	p2 =	por !p3, p0;
	[sflag:s28] =	ssyncset.done @!p1 $0x0;
	s0 =	sshll.u32 @!p1 s0, $0x6  }
0x80: {  	s22 =	rddreg [dreg:$0x4];
	[sflag:s28] =	ssyncadd.s32 @!p1 $0xFFFFFFC0;
	s0 =	sor.u32 @!p1 $0x8000, s0  }
0x81: {  	[tilespmem:s23], [sflag:$0x2] =	stream.indirect.gather @!p1 [hbm4b:s22+s2], $0x80, s0, s2, $0xb8;
	[tilespmem:$0x1BE80] =	vst v63  }
0x82: {  	s0 =	simm.s32 @!p2 $0x2  }
0x83: {  	_ =	swait.ge @!p2 [sflag:s0], $0x4000  }
0x84: {  	s2 =	sshrl.u32 @!p2 s21, $0x1;
	p1 =	sgt.u32 @!p2 s24, $0xA0;
	[sflag:s0] =	ssyncset.done @!p2 $0x0  }
0x85: {  	s22 =	simm.s32 @!p2 $0x4;
	[sflag:s0] =	ssyncadd.s32 @!p2 $0xFFFFC000;
	s0 =	simm.s32 @!p2 $0x3  }
0x86: {  	s2 =	sand.u32 @!p2 $0x1, s2;
	p1 =	por @!p0 p1, !p3;
	_ =	swait.ge @!p2 [sflag:s0], $0x80  }
0x87: {  	s21 =	sshll.u32 @!p2 s2, $0xE;
	s2 =	sshll.u32 @!p2 s2, $0x7;
	[sflag:s0] =	ssyncset.done @!p2 $0x0  }
0x88: {  	[sflag:s0] =	ssyncadd.s32 @!p2 $0xFFFFFF80;
	s0 =	sadd.s32 @!p2 $0x8180, s2;
	s2 =	simm.s32 @!p2 $0x80  }
0x89: {  	[spmem:s1] =	stream.indirect.scatter.add.f32 @!p2 [tilespmem:s21], [sflag:$0x4], $0x80, s0, s2, $0xb8;
	[tilespmem:$0x1BE80] =	vst v63  }
0x8a: {  	p0 =	por p1, p0;
	_ =	swait.ge @!p2 [sflag:s22], $0x4000  }
0x8b: {  	s2 =	sand.u32 @!p0 $0xFF0, s20;
	[sflag:s22] =	ssyncset.done @!p2 $0x0  }
0x8c: {  	s20 =	simm.s32 @!p0 $0x0;
	s2 =	sadd.s32 @!p0 s9, s2;
	[sflag:s22] =	ssyncadd.s32 @!p2 $0xFFFFC000  }
0x8d: {  	[tilespmem:s0], [sflag:$0x3] =	stream.linear.gather @!p0 [hbm4b:s2+s20], $0x80, $0x38;
	[tilespmem:$0x1BE80] =	vst v63  }
0x8e: {  	[bflag:$0x0] =	sbarrier.arrive $0xFFFF  }
0x8f: {  	[tilespmem:s3], [sflag:$0x4] =	stream.linear.gather [spmem:s4], $0x4000, $0x38;
	[tilespmem:$0x1BE80] =	vst v63  }
0x90: {  	_ =	swait.ge [sflag:s16], $0x4000  }
0x91: {  	[sflag:s16] =	ssyncset.done $0x0  }
0x92: {  	[sflag:s16] =	ssyncadd.s32 $0xFFFFC000  }
0x93: {  	[hbm4b:s10+s3] =	stream.linear.scatter [tilespmem:s3], [sflag:$0x4], $0x4000, $0x38;
	[tilespmem:$0x1BE80] =	vst v63  }
0x94: {  	_ =	swait.ge [sflag:s16], $0x4000  }
0x95: {  	[sflag:s16] =	ssyncset.done $0x0  }
0x96: {  	[sflag:s16] =	ssyncadd.s32 $0xFFFFC000  }
0x97: {  	[tilespmem:s3], [sflag:$0x4] =	stream.linear.gather [spmem:s5], $0x4000, $0x38;
	[tilespmem:$0x1BE80] =	vst v63  }
0x98: {  	_ =	swait.ge [sflag:s16], $0x4000  }
0x99: {  	[sflag:s16] =	ssyncset.done $0x0  }
0x9a: {  	[sflag:s16] =	ssyncadd.s32 $0xFFFFC000  }
0x9b: {  	[hbm4b:s11+s3] =	stream.linear.scatter [tilespmem:s3], [sflag:$0x4], $0x4000, $0x38;
	[tilespmem:$0x1BE80] =	vst v63  }
0x9c: {  	_ =	swait.ge [sflag:s16], $0x4000  }
0x9d: {  	[sflag:s16] =	ssyncset.done $0x0  }
0x9e: {  	[sflag:s16] =	ssyncadd.s32 $0xFFFFC000  }
0x9f: {  	[tilespmem:s3], [sflag:$0x4] =	stream.linear.gather [spmem:s6], $0x4000, $0x38;
	[tilespmem:$0x1BE80] =	vst v63  }
0xa0: {  	_ =	swait.ge [sflag:s16], $0x4000  }
0xa1: {  	[sflag:s16] =	ssyncset.done $0x0  }
0xa2: {  	[sflag:s16] =	ssyncadd.s32 $0xFFFFC000  }
0xa3: {  	[hbm4b:s12+s3] =	stream.linear.scatter [tilespmem:s3], [sflag:$0x4], $0x4000, $0x38;
	[tilespmem:$0x1BE80] =	vst v63  }
0xa4: {  	_ =	swait.ge [sflag:s16], $0x4000  }
0xa5: {  	[sflag:s16] =	ssyncset.done $0x0  }
0xa6: {  	[sflag:s16] =	ssyncadd.s32 $0xFFFFC000  }
0xa7: {  	[tilespmem:s3], [sflag:$0x4] =	stream.linear.gather [spmem:s7], $0x4000, $0x38;
	[tilespmem:$0x1BE80] =	vst v63  }
0xa8: {  	_ =	swait.ge [sflag:s16], $0x4000  }
0xa9: {  	[sflag:s16] =	ssyncset.done $0x0  }
0xaa: {  	[sflag:s16] =	ssyncadd.s32 $0xFFFFC000  }
0xab: {  	[hbm4b:s13+s3] =	stream.linear.scatter [tilespmem:s3], [sflag:$0x4], $0x4000, $0x38;
	[tilespmem:$0x1BE80] =	vst v63  }
0xac: {  	_ =	swait.ge [sflag:s16], $0x4000  }
0xad: {  	[sflag:s16] =	ssyncset.done $0x0  }
0xae: {  	[sflag:s16] =	ssyncadd.s32 $0xFFFFC000  }
0xaf: {  	[tilespmem:s3], [sflag:$0x4] =	stream.linear.gather [spmem:s8], $0x3C00, $0x38;
	[tilespmem:$0x1BE80] =	vst v63  }
0xb0: {  	s19 =	sadd.s32 $0x1, s19;
	_ =	swait.ge [sflag:s16], $0x3C00  }
0xb1: {  	p0 =	sne.s32 s19, s15;
	[sflag:s16] =	ssyncset.done $0x0  }
.Ltmp2:
0xb2: {  	[sflag:s16] =	ssyncadd.s32 $0xFFFFC400;
	(pc) =	sbr.rel @p0 .LBB2_1-.Ltmp2, $4  }
0xb3: {  	[hbm4b:s14+s3] =	stream.linear.scatter [tilespmem:s3], [sflag:$0x4], $0x3C00, $0x38;
	[tilespmem:$0x1BE80] =	vst v63  }
0xb4: {  	_ =	swait.ge [sflag:s16], $0x3C00  }
0xb5: {  	[sflag:s16] =	ssyncset.done $0x0  }
0xb6: {  	[sflag:s16] =	ssyncadd.s32 $0xFFFFC400  }
0xb7: {  	_ =	sfence.sel $0x180000  }
0xb8: {  	[bflag:$0x0] =	sbarrier.arrive $0xFFFF  }
0xb9: {  	_ =	strace $0x9000004D  }
0xba: {  	s0 =	stileid.u32;
	[bflag:$0x2] =	sbarrier.arrive $0xFFFF  }
0xbb: {  	p0 =	sne.s32 s0, $0x0;
	s0 =	rddreg [dreg:$0x2]  }
0xbc: {  	s0 =	sadd.s32 @!p0 $0x100000, s0  }
0xbd: {  	[sflag:s0] =	ssyncadd.tile.s32 @!p0 $0x1;
	_ =	shalt  }
.Lfunc_end2:
_tile_overlayer_lowered:
.L_overlay_start_2:
0xbe: {  	(tag) =	ssettag $0x2  }
0xbf: {  	s0 =	rddreg [dreg:$0x0];
	s2 =	stileid.u32  }
0xc0: {  	s1 =	rddreg [dreg:$0x1];
	p0 =	sne.s32 s2, $0x0  }
0xc1: {  	s3 =	rddreg [dreg:$0x2];
	[bflag:$0x3] =	sbarrier.arrive $0xFFFF;
	s2 =	simm.s32 @!p0 $0x1C04  }
0xc2: {  	[timem:s3], [sflag:s2] =	dma.local @!p0 [hbm:s0], s1  }
0xc3: {  	s0 =	simm.s32 @!p0 $0x4  }
0xc4: {  	_ =	swait.ge @!p0 [sflag:s0], s1  }
0xc5: {  	s1 =	ssub.s32 @!p0 $0x0, s1;
	[sflag:s0] =	ssyncset.done @!p0 $0x0  }
0xc6: {  	[sflag:s0] =	ssyncadd.s32 @!p0 s1  }
0xc7: {  	[bflag:$0x3] =	sbarrier.arrive $0xFFFF  }
0xc8: {  	_ =	shalt  }

// kernel: kernel.21.cloned.1.call-start
scs
__scs_entry_jumppad:
0x0: {  	(pc) =	sbr.rel $0x88, $3  }
0x1: {  	(tag) =	ssettag $0x0;
	lr =	simm.s32 $0x1  }
0x2: {  	[smem:$0x3F93] =	sst lr;
	_ =	strace $0xD0000000  }
0x3: {  	_ = 	snop  }
0x4: {  	_ = 	snop  }
0x5: {  	_ = 	snop  }
0x6: {  	_ = 	snop  }
0x7: {  	_ = 	snop  }
__scs_overlays_trampoline_lowered:
0x8: {  	[smem:$0x3FA2] =	sst s0  }
0x9: {  	[smem:$0x3FA3] =	sst s1  }
0xa: {  	[smem:$0x3FA4] =	sst s2  }
0xb: {  	[smem:$0x3FA5] =	sst s3  }
0xc: {  	[smem:$0x3FA6] =	sst s4  }
0xd: {  	[smem:$0x3FA7] =	sst s5  }
0xe: {  	[smem:$0x3FA8] =	sst s6  }
0xf: {  	[smem:$0x3FA9] =	sst s7  }
0x10: {  	[smem:$0x3FAA] =	sst s8  }
0x11: {  	[smem:$0x3FAB] =	sst s9;
	s0 =	simm.s32 @!p0 $0x0  }
0x12: {  	s1 =	sld [smem:$0x3F91];
	s0 =	simm.s32 @p0 $0x1  }
0x13: {  	[smem:$0x3FAC] =	sst s0;
	s0 =	simm.s32 @!p1 $0x0  }
0x14: {  	s2 =	sld [smem:$0x3F90];
	s0 =	simm.s32 @p1 $0x1  }
0x15: {  	[smem:$0x3FAD] =	sst s0;
	s0 =	simm.s32 @!p2 $0x0  }
0x16: {  	s3 =	sld [smem:$0x3FDB];
	s0 =	simm.s32 @p2 $0x1  }
0x17: {  	s4 =	simm.s32 $0x1BF5;
	[smem:$0x3FAF] =	sst s0  }
0x18: {  	s0 =	sld [smem:$0x3F92];
	_ =	swait.ge [sflag:s4], $0x0  }
0x19: {  	s7 =	sld [smem:$0x3F93]  }
0x1a: {  	s8 =	sadd.s32 $0xFFFFE003, lr  }
0x1b: {  	s9 =	sadd.s32 $0xFFFFFEF7, lr;
	s5 =	simm.s32 $0xFFFFFFFF;
	p2 =	slt.u32 s8, $0xFFFFF086  }
0x1c: {  	p1 =	slt.u32 s9, $0xF7A;
	s5 =	simm.s32 @!p2 $0x0  }
0x1d: {  	s5 =	simm.s32 @p1 $0x1;
	p0 =	seq.s32 s7, s2  }
0x1e: {  	s7 =	smul.u32 @!p0 $0xF7A, s2;
	p2 =	seq.s32 @!p0 s5, $0x0  }
0x1f: {  	s9 =	smul.u32 $0xF7A, s1;
	s8 =	simm.s32 @!p0 $0x1BF5;
	p2 =	por !p2, p0  }
0x20: {  	[sflag:s8] =	ssyncset.s32 @!p0 $0xFFFFF086;
	s6 =	sadd.s32 @!p0 s3, s7;
	s7 =	simm.s32 @!p0 $0x108  }
0x21: {  	s3 =	sadd.s32 s3, s9;
	s6 =	sadd.s32 @!p0 $0x88, s6;
	s7 =	simm.s32 @p2 $0x1082  }
0x22: {  	[simem:s7], [sflag:s8] =	dma.local @!p0 [hbm:s6], $0xF7A  }
0x23: {  	s9 =	sor.u32 $0xD0000000, s2;
	s6 =	simm.s32 $0x108;
	_ =	swait.ge @!p0 [sflag:s8], $0x0  }
0x24: {  	s3 =	sadd.s32 $0x88, s3;
	s6 =	simm.s32 @!p1 $0x1082;
	[sflag:s4] =	ssyncset.s32 $0xFFFFF086  }
0x25: {  	[simem:s6], [sflag:s4] =	dma.local [hbm:s3], $0xF7A  }
0x26: {  	[smem:$0x3F93] =	sst s1;
	(tag) =	ssettag s2;
	_ =	strace s9  }
0x27: {  	s1 =	sld [smem:$0x3FA3]  }
0x28: {  	s2 =	sld [smem:$0x3FA4]  }
0x29: {  	s4 =	sld [smem:$0x3FA6]  }
0x2a: {  	p0 =	seq.s32 s5, $0x0;
	s5 =	sld [smem:$0x3FA7]  }
0x2b: {  	s6 =	sld [smem:$0x3FA8]  }
0x2c: {  	s7 =	sld [smem:$0x3FA9]  }
0x2d: {  	s3 =	simm.s32 $0x108;
	s8 =	sld [smem:$0x3FAA]  }
0x2e: {  	s3 =	simm.s32 @!p0 $0x1082;
	s9 =	sld [smem:$0x3FAB]  }
0x2f: {  	lr =	sadd.s32 s0, s3;
	s0 =	sld [smem:$0x3FA2]  }
0x30: {  	s3 =	sld [smem:$0x3FA5]  }
0x31: {  	[smem:$0x3FAE] =	sst s10  }
0x32: {  	s10 =	sld [smem:$0x3FAC];
	_ =	sdelay $0x3  }
0x33: {  	p0 =	seq.s32 s10, $0x1;
	s10 =	sld [smem:$0x3FAE];
	_ =	sdelay $0x3  }
0x34: {  	[smem:$0x3FAE] =	sst s10  }
0x35: {  	s10 =	sld [smem:$0x3FAD];
	_ =	sdelay $0x3  }
0x36: {  	p1 =	seq.s32 s10, $0x1;
	s10 =	sld [smem:$0x3FAE];
	_ =	sdelay $0x3  }
0x37: {  	[smem:$0x3FAE] =	sst s10  }
0x38: {  	s10 =	sld [smem:$0x3FAF]  }
0x39: {  	_ = 	snop;
	(pc) =	sbr.ind lr, $3  }
0x3a: {  	_ = 	snop  }
0x3b: {  	_ = 	snop  }
0x3c: {  	p2 =	seq.s32 s10, $0x1;
	s10 =	sld [smem:$0x3FAE]  }
0x3d: {  	_ =	shalt  }
0x3e: {  	_ =	shalt  }
0x3f: {  	_ =	shalt  }
0x40: {  	_ =	shalt  }
0x41: {  	_ =	shalt  }
0x42: {  	_ =	shalt  }
0x43: {  	_ =	shalt  }
0x44: {  	_ =	shalt  }
0x45: {  	_ =	shalt  }
0x46: {  	_ =	shalt  }
0x47: {  	_ =	shalt  }
0x48: {  	_ =	shalt  }
0x49: {  	_ =	shalt  }
0x4a: {  	_ =	shalt  }
0x4b: {  	_ =	shalt  }
0x4c: {  	_ =	shalt  }
0x4d: {  	_ =	shalt  }
0x4e: {  	_ =	shalt  }
0x4f: {  	_ =	shalt  }
0x50: {  	_ =	shalt  }
0x51: {  	_ =	shalt  }
0x52: {  	_ =	shalt  }
0x53: {  	_ =	shalt  }
0x54: {  	_ =	shalt  }
0x55: {  	_ =	shalt  }
0x56: {  	_ =	shalt  }
0x57: {  	_ =	shalt  }
0x58: {  	_ =	shalt  }
0x59: {  	_ =	shalt  }
0x5a: {  	_ =	shalt  }
0x5b: {  	_ =	shalt  }
0x5c: {  	_ =	shalt  }
0x5d: {  	_ =	shalt  }
0x5e: {  	_ =	shalt  }
0x5f: {  	_ =	shalt  }
0x60: {  	_ =	shalt  }
0x61: {  	_ =	shalt  }
0x62: {  	_ =	shalt  }
0x63: {  	_ =	shalt  }
0x64: {  	_ =	shalt  }
0x65: {  	_ =	shalt  }
0x66: {  	_ =	shalt  }
0x67: {  	_ =	shalt  }
0x68: {  	_ =	shalt  }
0x69: {  	_ =	shalt  }
0x6a: {  	_ =	shalt  }
0x6b: {  	_ =	shalt  }
0x6c: {  	_ =	shalt  }
0x6d: {  	_ =	shalt  }
0x6e: {  	_ =	shalt  }
0x6f: {  	_ =	shalt  }
0x70: {  	_ =	shalt  }
0x71: {  	_ =	shalt  }
0x72: {  	_ =	shalt  }
0x73: {  	_ =	shalt  }
0x74: {  	_ =	shalt  }
0x75: {  	_ =	shalt  }
0x76: {  	_ =	shalt  }
0x77: {  	_ =	shalt  }
0x78: {  	_ =	shalt  }
0x79: {  	_ =	shalt  }
0x7a: {  	_ =	shalt  }
0x7b: {  	_ =	shalt  }
0x7c: {  	_ =	shalt  }
0x7d: {  	_ =	shalt  }
0x7e: {  	_ =	shalt  }
0x7f: {  	_ =	shalt  }
0x80: {  	_ =	shalt  }
0x81: {  	_ =	shalt  }
0x82: {  	_ =	shalt  }
0x83: {  	_ =	shalt  }
0x84: {  	_ =	shalt  }
0x85: {  	_ =	shalt  }
0x86: {  	_ =	shalt  }
0x87: {  	_ =	shalt  }
.Lfunc_end0:
.L_simem_size_0:
called_computation.3_lowered:
.L_overlay_start_0:
0x88: {  	s2 =	sld [smem:$0x3FD9]  }
0x89: {  	s3 =	sld [smem:$0x3FFE];
	_ =	sdelay $0x1  }
0x8a: {  	s1 =	srdreg.scid  }
0x8b: {  	s0 =	sand.u32 $0x1, s1  }
0x8c: {  	s16 =	sshll.u32 s0, $0xA;
	s2 =	sadd.s32 s3, s2  }
0x8d: {  	s2 =	sadd.s32 s2, s16  }
0x8e: {  	[smem:$0x3FBA] =	sst s2  }
0x8f: {  	_ = 	snop  }
0x90: {  	(tm) =	ssettm $0x1  }
0x91: {  	s17 =	sld [smem:$0x3FFB];
	_ =	sdelay $0x3  }
0x92: {  	_ =	strace s17  }
0x93: {  	s2 =	sld [smem:$0x3FFC];
	_ =	sdelay $0x3  }
0x94: {  	_ =	strace s2  }
0x95: {  	s2 =	sld [smem:$0x3FFD];
	_ =	sdelay $0x3  }
0x96: {  	_ =	strace s2  }
0x97: {  	_ =	strace $0x8FFFFFFF  }
0x98: {  	s18 =	sld [smem:$0x3FDB];
	_ =	sdelay $0x1  }
0x99: {  	s19 =	simm.s32 $_scs_section_size  }
0x9a: {  	s4 =	simm.s32 $_size__tile_overlayer_lowered;
	s5 =	simm.s32 $_tile_overlayer_lowered  }
0x9b: {  	s22 =	simm.s32 $0x1BFF;
	s21 =	sshll.u32 s5, $0x1;
	s2 =	sadd.s32 s19, s18  }
0x9c: {  	s6 =	simm.s32 $0x0;
	s20 =	sshll.u32 s4, $0x1;
	s4 =	sadd.s32 s21, s2  }
0x9d: {  	[timem:s6], [sflag:s22] =	dma.local [hbm:s4], s20  }
0x9e: {  	_ =	swait.ge [sflag:s22], s20  }
0x9f: {  	s3 =	ssub.s32 $0x0, s20;
	[sflag:s22] =	ssyncset.done $0x0  }
0xa0: {  	[sflag:s22] =	ssyncadd.s32 s3;
	_ =	sdelay $0x1  }
0xa1: {  	s23 =	simm.s32 $0x1B8B  }
0xa2: {  	_ =	swait.ge [sflag:s23], $0x1  }
0xa3: {  	[sflag:s23] =	ssyncset.done $0x0  }
0xa4: {  	s25 =	simm.s32 $0x1B8E;
	s24 =	sld [smem:$0x3FFE];
	[sflag:s23] =	ssyncadd.s32 $0xFFFFFFFF  }
0xa5: {  	s26 =	simm.s32 $execute0_lowered;
	[smem:$0x3FD2] =	sst s25  }
0xa6: {  	s4 =	sshll.u32 s26, $0x1;
	_ =	strace $0x8000004F;
	[dreg:$0x1] =	wrdreg $0xFFFFFFFF  }
0xa7: {  	s28 =	simm.s32 $_size_execute0_lowered;
	s2 =	sadd.s32 s2, s4;
	[dreg:$0x0] =	wrdreg $0x0  }
0xa8: {  	s4 =	sshll.u32 s28, $0x1;
	[dreg:$0x2] =	wrdreg s2  }
0xa9: {  	[dreg:$0x3] =	wrdreg s4  }
0xaa: {  	[dreg:$0x4] =	wrdreg $0xC0  }
0xab: {  	_ =	task [dreg:s6], $0x5FFFF  }
0xac: {  	[dreg:$0x1] =	wrdreg $0xFFFFFFFF  }
0xad: {  	[dreg:$0x0] =	wrdreg $0x60  }
0xae: {  	[dreg:$0x2] =	wrdreg s24  }
0xaf: {  	[dreg:$0x3] =	wrdreg $0x82800  }
0xb0: {  	[dreg:$0x4] =	wrdreg $0x9  }
0xb1: {  	_ =	task.clear_ibuf [dreg:s6], $0x5FFFF;
	_ =	strace $0x9000004F  }
0xb2: {  	s29 =	simm.s32 $0x9;
	_ =	strace $0x80000051  }
0xb3: {  	_ =	swait.ge [sflag:s29], $0x1  }
0xb4: {  	[sflag:s29] =	ssyncadd.s32 $0xFFFFFFFF  }
0xb5: {  	_ =	strace $0x90000051  }
0xb6: {  	_ =	sfence  }
0xb7: {  	s30 =	sld [smem:$0x0];
	_ =	sdelay $0x2  }
0xb8: {  	s31 =	sshll.u32 s1, $0xD;
	s1 =	sshrl.u32 s1, $0x2  }
0xb9: {  	s3 =	sand.u32 $0x4000, s31;
	s1 =	sadd.s32 s1, s30  }
0xba: {  	s0 =	sor.u32 s3, s0;
	s1 =	sshll.u32 s1, $0x11  }
0xbb: {  	s0 =	sor.u32 s1, s0  }
0xbc: {  	s0 =	sadd.s32 $0x8F2B, s0  }
0xbd: {  	[sflag:s0] =	ssyncadd.remote.s32 $0x1  }
0xbe: {  	_ =	sfence.sel $0xFFFF  }
0xbf: {  	[dreg:$0x0] =	wrdreg $0xFFFFFFFF;
	(pc) =	sbr.abs _section_cstart, $3  }
0xc0: {  	[dreg:$0x1] =	wrdreg $0xFFFFFFFF  }
0xc1: {  	_ =	task.clear_ibuf [dreg:s6], $0x2FFFF;
	_ =	strace $0x9FFFFFFF  }
0xc2: {  	(tm) =	ssettm $0x7FFFFFFF  }
0xc3: {  	_ =	shalt  }
tec
execute0_lowered:
.L_overlay_start_1:
0x0: {  	(tag) =	ssettag $0x1  }
0x1: {  	s4 =	rddreg [dreg:$0x0]  }
0x2: {  	s1 =	rddreg [dreg:$0x1];
	s0 =	stileid.u32  }
0x3: {  	s2 =	srdreg.scid;
	s3 =	simm.s32 $0x0;
	s7 =	smul.u32 $0x2800, s0  }
0x4: {  	s6 =	sand.u32 $0x1, s2;
	[smem:$0x7FF] =	sst s3;
	s23 =	smul.u32 $0x4F000, s0  }
0x5: {  	s9 =	sadd.s32 $0x17A00, s4;
	s25 =	smul.u32 $0x13C00, s0;
	s14 =	sadd.s32 $0x3F200, s4  }
0x6: {  	s5 =	smul.u32 $0x28000, s6;
	s8 =	sshll.u32 s6, $0x4;
	_ =	strace $0x80000050  }
0x7: {  	[dreg:$0x4] =	wrdreg s9;
	s26 =	ssub.s32 $0x2, s6;
	s17 =	smul.u32 $0x13C000, s6  }
0x8: {  	s8 =	sor.u32 s0, s8;
	s28 =	sshrl.u32 s26, $0x1;
	s29 =	sshrl.u32 s23, $0x2  }
0x9: {  	s11 =	sadd.s32 $0x4000, s25;
	s12 =	sadd.s32 $0x8000, s25;
	s13 =	sadd.s32 $0xC000, s25  }
0xa: {  	s18 =	sadd.s32 $0x10000, s25;
	s5 =	sadd.s32 s7, s5;
	s22 =	smul.u32 $0x2800, s8  }
0xb: {  	s16 =	ssub.s32 s26, s28;
	s6 =	sadd.s32 s12, s1;
	s7 =	sadd.s32 s13, s1  }
0xc: {  	s8 =	sadd.s32 s18, s1;
	s19 =	sadd.s32 s25, s17;
	s12 =	sadd.s32 s17, s12  }
0xd: {  	s13 =	sadd.s32 s17, s13;
	s5 =	sshrl.u32 s5, $0x3;
	s30 =	sshrl.u32 s19, $0x3  }
0xe: {  	s12 =	sshrl.u32 s12, $0x3;
	s13 =	sshrl.u32 s13, $0x3;
	s19 =	simm.s32 $0x0  }
0xf: {  	s15 =	sadd.s32 s5, s4;
	s24 =	sshrl.u32 s22, $0x3;
	s5 =	sadd.s32 s11, s1  }
0x10: {  	s11 =	sadd.s32 s17, s11;
	s17 =	sadd.s32 s17, s18;
	s12 =	sadd.s32 s14, s12  }
0x11: {  	s13 =	sadd.s32 s14, s13;
	s18 =	simm.s32 $0x8200;
	s10 =	sadd.s32 s24, s4  }
0x12: {  	s4 =	sadd.s32 s29, s1;
	s11 =	sshrl.u32 s11, $0x3;
	s17 =	sshrl.u32 s17, $0x3  }
0x13: {  	s31 =	sadd.s32 $0xDA00, s15;
	s15 =	smax.u32 s16, $0x1;
	s16 =	simm.s32 $0x4  }
0x14: {  	s9 =	sadd.s32 $0x3A00, s10;
	s10 =	sadd.s32 s14, s30;
	s11 =	sadd.s32 s14, s11  }
0x15: {  	v0 =	vimm.f32 $0.0e+00;
	s14 =	sadd.s32 s14, s17;
	[dreg:$0x3] =	wrdreg s31;
	s17 =	simm.s32 $0x8180  }
.LBB2_1:
0x16: {  	s20 =	simm.s32 $0x0;
	s21 =	simm.s32 $0x200  }
.LBB2_2:
0x17: {  	p0 =	sne.s32 s21, $0xFE00;
	[tilespmem:s20+$0x70] =	vst v0  }
0x18: {  	[tilespmem:s20+$0x0] =	vst v0  }
0x19: {  	[tilespmem:s20+$0x10] =	vst v0  }
.Ltmp0:
0x1a: {  	[tilespmem:s20+$0x20] =	vst v0;
	(pc) =	sbr.rel @p0 .LBB2_2-.Ltmp0, $4  }
0x1b: {  	[tilespmem:s20+$0x30] =	vst v0  }
0x1c: {  	[tilespmem:s20+$0x40] =	vst v0  }
0x1d: {  	[tilespmem:s20+$0x50] =	vst v0  }
0x1e: {  	[tilespmem:s20+$0x60] =	vst v0;
	s20 =	sshra.s32 s21, $0x2;
	s21 =	sadd.s32 $0x200, s21  }
0x1f: {  	[tilespmem:s20+$0x70] =	vst v0  }
0x20: {  	[tilespmem:s20+$0x0] =	vst v0  }
0x21: {  	[tilespmem:s20+$0x10] =	vst v0  }
0x22: {  	[tilespmem:s20+$0x20] =	vst v0  }
0x23: {  	[tilespmem:s20+$0x30] =	vst v0  }
0x24: {  	[tilespmem:s20+$0x40] =	vst v0  }
0x25: {  	[tilespmem:s20+$0x50] =	vst v0  }
0x26: {  	[tilespmem:s20+$0x60] =	vst v0  }
0x27: {  	[spmem:s4] =	stream.linear.scatter [tilespmem:s3], [sflag:$0x4], $0x4000, $0x38;
	[tilespmem:$0x1BE80] =	vst v63  }
0x28: {  	_ =	swait.ge [sflag:s16], $0x4000  }
0x29: {  	[sflag:s16] =	ssyncset.done $0x0  }
0x2a: {  	[sflag:s16] =	ssyncadd.s32 $0xFFFFC000  }
0x2b: {  	[spmem:s5] =	stream.linear.scatter [tilespmem:s3], [sflag:$0x4], $0x4000, $0x38;
	[tilespmem:$0x1BE80] =	vst v63  }
0x2c: {  	_ =	swait.ge [sflag:s16], $0x4000  }
0x2d: {  	[sflag:s16] =	ssyncset.done $0x0  }
0x2e: {  	[sflag:s16] =	ssyncadd.s32 $0xFFFFC000  }
0x2f: {  	[spmem:s6] =	stream.linear.scatter [tilespmem:s3], [sflag:$0x4], $0x4000, $0x38;
	[tilespmem:$0x1BE80] =	vst v63  }
0x30: {  	_ =	swait.ge [sflag:s16], $0x4000  }
0x31: {  	[sflag:s16] =	ssyncset.done $0x0  }
0x32: {  	[sflag:s16] =	ssyncadd.s32 $0xFFFFC000  }
0x33: {  	[spmem:s7] =	stream.linear.scatter [tilespmem:s3], [sflag:$0x4], $0x4000, $0x38;
	[tilespmem:$0x1BE80] =	vst v63  }
0x34: {  	_ =	swait.ge [sflag:s16], $0x4000  }
0x35: {  	[sflag:s16] =	ssyncset.done $0x0  }
0x36: {  	[sflag:s16] =	ssyncadd.s32 $0xFFFFC000  }
0x37: {  	[spmem:s8] =	stream.linear.scatter [tilespmem:s3], [sflag:$0x4], $0x3C00, $0x38;
	[tilespmem:$0x1BE80] =	vst v63  }
0x38: {  	_ =	swait.ge [sflag:s16], $0x3C00  }
0x39: {  	[sflag:s16] =	ssyncset.done $0x0  }
0x3a: {  	s20 =	simm.s32 $0x0;
	p1 =	por $0x0, $0x0;
	[sflag:s16] =	ssyncadd.s32 $0xFFFFC400  }
0x3b: {  	[tilespmem:s17], [sflag:$0x3] =	stream.linear.gather [hbm4b:s9+s3], $0x80, $0x38;
	[tilespmem:$0x1BE80] =	vst v63  }
0x3c: {  	s21 =	sadd.s32 $0x10, s9;
	s22 =	smul.u32 @!p1 $0xAB, s20  }
0x3d: {  	[tilespmem:s18], [sflag:$0x3] =	stream.linear.gather [hbm4b:s21+s3], $0x80, $0x38;
	[tilespmem:$0x1BE80] =	vst v63  }
0x3e: {  	s23 =	simm.s32 $0xFFFFFFFE;
	p2 =	por $0x1, $0x1;
	s21 =	sshrl.u32 @!p1 s22, $0xA  }
0x3f: {  	s23 =	smul.u32 @!p2 $0xAB, s23;
	s21 =	sand.u32 @!p1 $0x3F, s21  }
0x40: {  	p0 =	por $0x1, $0x1;
	s25 =	simm.s32 @!p1 $0x0;
	s21 =	smul.u32 @!p1 $0x6, s21  }
0x41: {  	s26 =	simm.s32 @!p2 $0x1;
	s20 =	sand.u32 $0x1, s20;
	s23 =	sshrl.u32 @!p2 s23, $0xA  }
0x42: {  	s23 =	sand.u32 @!p2 $0x3F, s23;
	[bflag:$0x0] =	sbarrier.arrive $0xFFFF;
	s21 =	ssub.s32 @!p1 $0x0, s21  }
0x43: {  	s23 =	smul.u32 @!p2 $0x6, s23;
	s24 =	rddreg [dreg:$0x3];
	s21 =	sand.u32 @!p1 $0xFF, s21  }
0x44: {  	s22 =	simm.s32 $0xFFFF0000;
	s24 =	sadd.s32 @!p1 $0xFFFFFFF8, s24;
	s21 =	sshll.u32 @!p1 s21, $0x6  }
0x45: {  	s22 =	sand.u32 @!p2 $0x18000, s22;
	s24 =	sadd.s32 @!p1 $0x8, s24;
	s21 =	sor.u32 @!p1 $0x8000, s21  }
0x46: {  	[tilespmem:s21], [sflag:$0x1] =	stream.linear.gather @!p1 [hbm4b:s24+s25], $0x40, $0x38;
	[tilespmem:$0x1BE80] =	vst v63  }
0x47: {  	p3 =	seq.s32 s20, $0x1;
	s22 =	sshrl.u32 @!p2 s22, $0x2;
	s21 =	ssub.s32 @!p2 $0xFFFFFFFE, s23  }
0x48: {  	p1 =	por !p3, p0;
	_ =	swait.ge @!p2 [sflag:s26], $0x40;
	s21 =	sand.u32 @!p2 $0xFF, s21  }
0x49: {  	[sflag:s26] =	ssyncset.done @!p2 $0x0;
	s23 =	rddreg [dreg:$0x4];
	s21 =	sshll.u32 @!p2 s21, $0x6  }
0x4a: {  	[sflag:s26] =	ssyncadd.s32 @!p2 $0xFFFFFFC0;
	s20 =	sor.u32 @!p2 $0x8000, s21;
	s21 =	simm.s32 @!p2 $0x40  }
0x4b: {  	[tilespmem:s22], [sflag:$0x2] =	stream.indirect.gather @!p2 [hbm4b:s23+s21], $0x80, s20, s21, $0xb8;
	[tilespmem:$0x1BE80] =	vst v63  }
0x4c: {  	s25 =	simm.s32 $0xFFFFFFF8;
	s20 =	simm.s32 @!p1 $0x2  }
0x4d: {  	s26 =	simm.s32 @!p1 $0x4;
	s21 =	simm.s32 $0xFFFFFFFC;
	_ =	swait.ge @!p1 [sflag:s20], $0x4000  }
0x4e: {  	s22 =	simm.s32 $0xFFFFFFFD;
	s23 =	simm.s32 @!p1 $0x7FFFFFFD;
	[sflag:s20] =	ssyncset.done @!p1 $0x0  }
0x4f: {  	p2 =	por @!p1 $0x0, $0x0;
	[sflag:s20] =	ssyncadd.s32 @!p1 $0xFFFFC000;
	s20 =	simm.s32 @!p1 $0x3  }
0x50: {  	s23 =	sand.u32 @!p1 $0x1, s23;
	p2 =	por @!p0 p2, !p3;
	_ =	swait.ge @!p1 [sflag:s20], $0x80  }
0x51: {  	s24 =	sshll.u32 @!p1 s23, $0xE;
	s23 =	sshll.u32 @!p1 s23, $0x7;
	[sflag:s20] =	ssyncset.done @!p1 $0x0  }
0x52: {  	s28 =	sadd.s32 @!p1 $0x8180, s23;
	[sflag:s20] =	ssyncadd.s32 @!p1 $0xFFFFFF80;
	s20 =	simm.s32 @!p1 $0x80  }
0x53: {  	[spmem:s1] =	stream.indirect.scatter.add.f32 @!p1 [tilespmem:s24], [sflag:$0x4], $0x80, s28, s20, $0xb8;
	[tilespmem:$0x1BE80] =	vst v63  }
0x54: {  	p4 =	por p2, p0;
	s23 =	simm.s32 $0xFFFF8000;
	_ =	swait.ge @!p1 [sflag:s26], $0x4000  }
0x55: {  	s20 =	simm.s32 $0x0;
	s24 =	simm.s32 $0x1;
	[sflag:s26] =	ssyncset.done @!p1 $0x0  }
.LBB2_4:
0x56: {  	p3 =	sgt.u32 s24, $0x9F;
	s25 =	sand.u32 @!p4 $0xFF0, s25;
	s29 =	simm.s32 @!p4 $0x0  }
0x57: {  	[sflag:s26] =	ssyncadd.s32 @!p1 $0xFFFFC000;
	s30 =	smul.u32 @!p3 $0xAB, s24;
	s25 =	sadd.s32 @!p4 s9, s25  }
0x58: {  	[tilespmem:s28], [sflag:$0x3] =	stream.linear.gather @!p4 [hbm4b:s25+s29], $0x80, $0x38;
	[tilespmem:$0x1BE80] =	vst v63  }
0x59: {  	p2 =	slt.u32 s24, $0x5;
	s26 =	sshrl.u32 @!p3 s30, $0xA  }
0x5a: {  	s0 =	simm.s32 @!p3 $0x0;
	s28 =	sadd.s32 $0x3, s21;
	s26 =	sand.u32 @!p3 $0x3F, s26  }
0x5b: {  	s25 =	smov.u32 s22;
	p4 =	sgt.u32 s28, $0x9F;
	s26 =	smul.u32 @!p3 $0x6, s26  }
0x5c: {  	s22 =	sadd.s32 $0x1, s22;
	s29 =	rddreg [dreg:$0x3];
	s30 =	smul.u32 @!p4 $0xAB, s28  }
0x5d: {  	s29 =	sadd.s32 @!p3 s20, s29;
	s31 =	sand.u32 @!p4 $0x18000, s23;
	s26 =	ssub.s32 @!p3 s24, s26  }
0x5e: {  	s2 =	simm.s32 @!p4 $0x1;
	s30 =	sshrl.u32 @!p4 s30, $0xA;
	s26 =	sand.u32 @!p3 $0xFF, s26  }
0x5f: {  	s29 =	sadd.s32 @!p3 $0x8, s29;
	s30 =	sand.u32 @!p4 $0x3F, s30;
	s26 =	sshll.u32 @!p3 s26, $0x6  }
0x60: {  	s31 =	sshrl.u32 @!p4 s31, $0x2;
	s30 =	smul.u32 @!p4 $0x6, s30;
	s26 =	sor.u32 @!p3 $0x8000, s26  }
0x61: {  	[tilespmem:s26], [sflag:$0x1] =	stream.linear.gather @!p3 [hbm4b:s29+s0], $0x40, $0x38;
	[tilespmem:$0x1BE80] =	vst v63  }
0x62: {  	s0 =	ssub.s32 @!p4 s28, s30;
	s30 =	sand.u32 $0x1, s24;
	_ =	swait.ge @!p4 [sflag:s2], $0x40  }
0x63: {  	s0 =	sand.u32 @!p4 $0xFF, s0;
	p3 =	seq.s32 s30, $0x1;
	[sflag:s2] =	ssyncset.done @!p4 $0x0  }
0x64: {  	s28 =	rddreg [dreg:$0x4];
	s0 =	sshll.u32 @!p4 s0, $0x6;
	p1 =	por !p3, p2  }
0x65: {  	[sflag:s2] =	ssyncadd.s32 @!p4 $0xFFFFFFC0;
	s0 =	sor.u32 @!p4 $0x8000, s0;
	s2 =	simm.s32 @!p4 $0x40  }
0x66: {  	[tilespmem:s31], [sflag:$0x2] =	stream.indirect.gather @!p4 [hbm4b:s28+s2], $0x80, s0, s2, $0xb8;
	[tilespmem:$0x1BE80] =	vst v63  }
0x67: {  	p0 =	sne.s32 s22, $0x9F;
	s23 =	sadd.s32 $0x8000, s23;
	s2 =	simm.s32 @!p1 $0x2  }
0x68: {  	s26 =	simm.s32 @!p1 $0x4;
	s0 =	sshrl.u32 @!p1 s21, $0x1;
	_ =	swait.ge @!p1 [sflag:s2], $0x4000  }
0x69: {  	p4 =	sgt.u32 @!p1 s24, $0xA0;
	s21 =	smov.u32 s25;
	[sflag:s2] =	ssyncset.done @!p1 $0x0  }
0x6a: {  	s0 =	sand.u32 @!p1 $0x1, s0;
	[sflag:s2] =	ssyncadd.s32 @!p1 $0xFFFFC000;
	s2 =	simm.s32 @!p1 $0x3  }
0x6b: {  	s25 =	smov.u32 s20;
	s24 =	sshll.u32 @!p1 s0, $0xE;
	_ =	swait.ge @!p1 [sflag:s2], $0x80  }
.Ltmp1:
0x6c: {  	s0 =	sshll.u32 @!p1 s0, $0x7;
	[sflag:s2] =	ssyncset.done @!p1 $0x0;
	(pc) =	sbr.rel @p0 .LBB2_4-.Ltmp1, $4  }
0x6d: {  	s28 =	sadd.s32 @!p1 $0x8180, s0;
	s0 =	simm.s32 @!p1 $0x80;
	[sflag:s2] =	ssyncadd.s32 @!p1 $0xFFFFFF80  }
0x6e: {  	[spmem:s1] =	stream.indirect.scatter.add.f32 @!p1 [tilespmem:s24], [sflag:$0x4], $0x80, s28, s0, $0xb8;
	[tilespmem:$0x1BE80] =	vst v63  }
0x6f: {  	s20 =	sadd.s32 $0x8, s20;
	p3 =	por @!p2 p4, !p3;
	_ =	swait.ge @!p1 [sflag:s26], $0x4000  }
0x70: {  	p4 =	por p3, p2;
	s24 =	sadd.s32 $0x5, s21;
	[sflag:s26] =	ssyncset.done @!p1 $0x0  }
0x71: {  	p2 =	sgt.u32 s24, $0x9F;
	s0 =	sand.u32 @!p4 $0xFF0, s25;
	s2 =	simm.s32 @!p4 $0x0  }
0x72: {  	[sflag:s26] =	ssyncadd.s32 @!p1 $0xFFFFC000;
	s22 =	smul.u32 @!p2 $0xAB, s24;
	s0 =	sadd.s32 @!p4 s9, s0  }
0x73: {  	[tilespmem:s28], [sflag:$0x3] =	stream.linear.gather @!p4 [hbm4b:s0+s2], $0x80, $0x38;
	[tilespmem:$0x1BE80] =	vst v63  }
0x74: {  	s0 =	sshrl.u32 @!p2 s22, $0xA  }
0x75: {  	s2 =	sadd.s32 $0x3, s21;
	s0 =	sand.u32 @!p2 $0x3F, s0  }
0x76: {  	p0 =	slt.u32 s24, $0x5;
	p1 =	sgt.u32 s2, $0x9F;
	s0 =	smul.u32 @!p2 $0x6, s0  }
0x77: {  	s31 =	sand.u32 $0x1, s24;
	s26 =	simm.s32 @!p2 $0x0;
	s25 =	smul.u32 @!p1 $0xAB, s2  }
0x78: {  	p3 =	seq.s32 s31, $0x1;
	s22 =	rddreg [dreg:$0x3];
	s0 =	ssub.s32 @!p2 s24, s0  }
0x79: {  	s23 =	sand.u32 @!p1 $0x18000, s23;
	s25 =	sshrl.u32 @!p1 s25, $0xA;
	s0 =	sand.u32 @!p2 $0xFF, s0  }
0x7a: {  	s22 =	sadd.s32 @!p2 s20, s22;
	s25 =	sand.u32 @!p1 $0x3F, s25;
	s0 =	sshll.u32 @!p2 s0, $0x6  }
0x7b: {  	s22 =	sadd.s32 @!p2 $0x8, s22;
	s25 =	smul.u32 @!p1 $0x6, s25;
	s0 =	sor.u32 @!p2 $0x8000, s0  }
0x7c: {  	[tilespmem:s0], [sflag:$0x1] =	stream.linear.gather @!p2 [hbm4b:s22+s26], $0x40, $0x38;
	[tilespmem:$0x1BE80] =	vst v63  }
0x7d: {  	s28 =	simm.s32 @!p1 $0x1;
	s23 =	sshrl.u32 @!p1 s23, $0x2;
	s0 =	ssub.s32 @!p1 s2, s25  }
0x7e: {  	s2 =	simm.s32 @!p1 $0x40;
	_ =	swait.ge @!p1 [sflag:s28], $0x40;
	s0 =	sand.u32 @!p1 $0xFF, s0  }
0x7f: {  	p2 =	por !p3, p0;
	[sflag:s28] =	ssyncset.done @!p1 $0x0;
	s0 =	sshll.u32 @!p1 s0, $0x6  }
0x80: {  	s22 =	rddreg [dreg:$0x4];
	[sflag:s28] =	ssyncadd.s32 @!p1 $0xFFFFFFC0;
	s0 =	sor.u32 @!p1 $0x8000, s0  }
0x81: {  	[tilespmem:s23], [sflag:$0x2] =	stream.indirect.gather @!p1 [hbm4b:s22+s2], $0x80, s0, s2, $0xb8;
	[tilespmem:$0x1BE80] =	vst v63  }
0x82: {  	s0 =	simm.s32 @!p2 $0x2  }
0x83: {  	_ =	swait.ge @!p2 [sflag:s0], $0x4000  }
0x84: {  	s2 =	sshrl.u32 @!p2 s21, $0x1;
	p1 =	sgt.u32 @!p2 s24, $0xA0;
	[sflag:s0] =	ssyncset.done @!p2 $0x0  }
0x85: {  	s22 =	simm.s32 @!p2 $0x4;
	[sflag:s0] =	ssyncadd.s32 @!p2 $0xFFFFC000;
	s0 =	simm.s32 @!p2 $0x3  }
0x86: {  	s2 =	sand.u32 @!p2 $0x1, s2;
	p1 =	por @!p0 p1, !p3;
	_ =	swait.ge @!p2 [sflag:s0], $0x80  }
0x87: {  	s21 =	sshll.u32 @!p2 s2, $0xE;
	s2 =	sshll.u32 @!p2 s2, $0x7;
	[sflag:s0] =	ssyncset.done @!p2 $0x0  }
0x88: {  	[sflag:s0] =	ssyncadd.s32 @!p2 $0xFFFFFF80;
	s0 =	sadd.s32 @!p2 $0x8180, s2;
	s2 =	simm.s32 @!p2 $0x80  }
0x89: {  	[spmem:s1] =	stream.indirect.scatter.add.f32 @!p2 [tilespmem:s21], [sflag:$0x4], $0x80, s0, s2, $0xb8;
	[tilespmem:$0x1BE80] =	vst v63  }
0x8a: {  	p0 =	por p1, p0;
	_ =	swait.ge @!p2 [sflag:s22], $0x4000  }
0x8b: {  	s2 =	sand.u32 @!p0 $0xFF0, s20;
	[sflag:s22] =	ssyncset.done @!p2 $0x0  }
0x8c: {  	s20 =	simm.s32 @!p0 $0x0;
	s2 =	sadd.s32 @!p0 s9, s2;
	[sflag:s22] =	ssyncadd.s32 @!p2 $0xFFFFC000  }
0x8d: {  	[tilespmem:s0], [sflag:$0x3] =	stream.linear.gather @!p0 [hbm4b:s2+s20], $0x80, $0x38;
	[tilespmem:$0x1BE80] =	vst v63  }
0x8e: {  	[bflag:$0x0] =	sbarrier.arrive $0xFFFF  }
0x8f: {  	[tilespmem:s3], [sflag:$0x4] =	stream.linear.gather [spmem:s4], $0x4000, $0x38;
	[tilespmem:$0x1BE80] =	vst v63  }
0x90: {  	_ =	swait.ge [sflag:s16], $0x4000  }
0x91: {  	[sflag:s16] =	ssyncset.done $0x0  }
0x92: {  	[sflag:s16] =	ssyncadd.s32 $0xFFFFC000  }
0x93: {  	[hbm4b:s10+s3] =	stream.linear.scatter [tilespmem:s3], [sflag:$0x4], $0x4000, $0x38;
	[tilespmem:$0x1BE80] =	vst v63  }
0x94: {  	_ =	swait.ge [sflag:s16], $0x4000  }
0x95: {  	[sflag:s16] =	ssyncset.done $0x0  }
0x96: {  	[sflag:s16] =	ssyncadd.s32 $0xFFFFC000  }
0x97: {  	[tilespmem:s3], [sflag:$0x4] =	stream.linear.gather [spmem:s5], $0x4000, $0x38;
	[tilespmem:$0x1BE80] =	vst v63  }
0x98: {  	_ =	swait.ge [sflag:s16], $0x4000  }
0x99: {  	[sflag:s16] =	ssyncset.done $0x0  }
0x9a: {  	[sflag:s16] =	ssyncadd.s32 $0xFFFFC000  }
0x9b: {  	[hbm4b:s11+s3] =	stream.linear.scatter [tilespmem:s3], [sflag:$0x4], $0x4000, $0x38;
	[tilespmem:$0x1BE80] =	vst v63  }
0x9c: {  	_ =	swait.ge [sflag:s16], $0x4000  }
0x9d: {  	[sflag:s16] =	ssyncset.done $0x0  }
0x9e: {  	[sflag:s16] =	ssyncadd.s32 $0xFFFFC000  }
0x9f: {  	[tilespmem:s3], [sflag:$0x4] =	stream.linear.gather [spmem:s6], $0x4000, $0x38;
	[tilespmem:$0x1BE80] =	vst v63  }
0xa0: {  	_ =	swait.ge [sflag:s16], $0x4000  }
0xa1: {  	[sflag:s16] =	ssyncset.done $0x0  }
0xa2: {  	[sflag:s16] =	ssyncadd.s32 $0xFFFFC000  }
0xa3: {  	[hbm4b:s12+s3] =	stream.linear.scatter [tilespmem:s3], [sflag:$0x4], $0x4000, $0x38;
	[tilespmem:$0x1BE80] =	vst v63  }
0xa4: {  	_ =	swait.ge [sflag:s16], $0x4000  }
0xa5: {  	[sflag:s16] =	ssyncset.done $0x0  }
0xa6: {  	[sflag:s16] =	ssyncadd.s32 $0xFFFFC000  }
0xa7: {  	[tilespmem:s3], [sflag:$0x4] =	stream.linear.gather [spmem:s7], $0x4000, $0x38;
	[tilespmem:$0x1BE80] =	vst v63  }
0xa8: {  	_ =	swait.ge [sflag:s16], $0x4000  }
0xa9: {  	[sflag:s16] =	ssyncset.done $0x0  }
0xaa: {  	[sflag:s16] =	ssyncadd.s32 $0xFFFFC000  }
0xab: {  	[hbm4b:s13+s3] =	stream.linear.scatter [tilespmem:s3], [sflag:$0x4], $0x4000, $0x38;
	[tilespmem:$0x1BE80] =	vst v63  }
0xac: {  	_ =	swait.ge [sflag:s16], $0x4000  }
0xad: {  	[sflag:s16] =	ssyncset.done $0x0  }
0xae: {  	[sflag:s16] =	ssyncadd.s32 $0xFFFFC000  }
0xaf: {  	[tilespmem:s3], [sflag:$0x4] =	stream.linear.gather [spmem:s8], $0x3C00, $0x38;
	[tilespmem:$0x1BE80] =	vst v63  }
0xb0: {  	s19 =	sadd.s32 $0x1, s19;
	_ =	swait.ge [sflag:s16], $0x3C00  }
0xb1: {  	p0 =	sne.s32 s19, s15;
	[sflag:s16] =	ssyncset.done $0x0  }
.Ltmp2:
0xb2: {  	[sflag:s16] =	ssyncadd.s32 $0xFFFFC400;
	(pc) =	sbr.rel @p0 .LBB2_1-.Ltmp2, $4  }
0xb3: {  	[hbm4b:s14+s3] =	stream.linear.scatter [tilespmem:s3], [sflag:$0x4], $0x3C00, $0x38;
	[tilespmem:$0x1BE80] =	vst v63  }
0xb4: {  	_ =	swait.ge [sflag:s16], $0x3C00  }
0xb5: {  	[sflag:s16] =	ssyncset.done $0x0  }
0xb6: {  	[sflag:s16] =	ssyncadd.s32 $0xFFFFC400  }
0xb7: {  	_ =	sfence.sel $0x180000  }
0xb8: {  	[bflag:$0x0] =	sbarrier.arrive $0xFFFF  }
0xb9: {  	_ =	strace $0x90000050  }
0xba: {  	s0 =	stileid.u32;
	[bflag:$0x2] =	sbarrier.arrive $0xFFFF  }
0xbb: {  	p0 =	sne.s32 s0, $0x0;
	s0 =	rddreg [dreg:$0x2]  }
0xbc: {  	s0 =	sadd.s32 @!p0 $0x100000, s0  }
0xbd: {  	[sflag:s0] =	ssyncadd.tile.s32 @!p0 $0x1;
	_ =	shalt  }
.Lfunc_end2:
_tile_overlayer_lowered:
.L_overlay_start_2:
0xbe: {  	(tag) =	ssettag $0x2  }
0xbf: {  	s0 =	rddreg [dreg:$0x0];
	s2 =	stileid.u32  }
0xc0: {  	s1 =	rddreg [dreg:$0x1];
	p0 =	sne.s32 s2, $0x0  }
0xc1: {  	s3 =	rddreg [dreg:$0x2];
	[bflag:$0x3] =	sbarrier.arrive $0xFFFF;
	s2 =	simm.s32 @!p0 $0x1C04  }
0xc2: {  	[timem:s3], [sflag:s2] =	dma.local @!p0 [hbm:s0], s1  }
0xc3: {  	s0 =	simm.s32 @!p0 $0x4  }
0xc4: {  	_ =	swait.ge @!p0 [sflag:s0], s1  }
0xc5: {  	s1 =	ssub.s32 @!p0 $0x0, s1;
	[sflag:s0] =	ssyncset.done @!p0 $0x0  }
0xc6: {  	[sflag:s0] =	ssyncadd.s32 @!p0 s1  }
0xc7: {  	[bflag:$0x3] =	sbarrier.arrive $0xFFFF  }
0xc8: {  	_ =	shalt  }

// kernel: kernel.24.cloned.1.call-start
scs
__scs_entry_jumppad:
0x0: {  	(pc) =	sbr.rel $0x88, $3  }
0x1: {  	(tag) =	ssettag $0x0;
	lr =	simm.s32 $0x1  }
0x2: {  	[smem:$0x3F93] =	sst lr;
	_ =	strace $0xD0000000  }
0x3: {  	_ = 	snop  }
0x4: {  	_ = 	snop  }
0x5: {  	_ = 	snop  }
0x6: {  	_ = 	snop  }
0x7: {  	_ = 	snop  }
__scs_overlays_trampoline_lowered:
0x8: {  	[smem:$0x3FA2] =	sst s0  }
0x9: {  	[smem:$0x3FA3] =	sst s1  }
0xa: {  	[smem:$0x3FA4] =	sst s2  }
0xb: {  	[smem:$0x3FA5] =	sst s3  }
0xc: {  	[smem:$0x3FA6] =	sst s4  }
0xd: {  	[smem:$0x3FA7] =	sst s5  }
0xe: {  	[smem:$0x3FA8] =	sst s6  }
0xf: {  	[smem:$0x3FA9] =	sst s7  }
0x10: {  	[smem:$0x3FAA] =	sst s8  }
0x11: {  	[smem:$0x3FAB] =	sst s9;
	s0 =	simm.s32 @!p0 $0x0  }
0x12: {  	s1 =	sld [smem:$0x3F91];
	s0 =	simm.s32 @p0 $0x1  }
0x13: {  	[smem:$0x3FAC] =	sst s0;
	s0 =	simm.s32 @!p1 $0x0  }
0x14: {  	s2 =	sld [smem:$0x3F90];
	s0 =	simm.s32 @p1 $0x1  }
0x15: {  	[smem:$0x3FAD] =	sst s0;
	s0 =	simm.s32 @!p2 $0x0  }
0x16: {  	s3 =	sld [smem:$0x3FDB];
	s0 =	simm.s32 @p2 $0x1  }
0x17: {  	s4 =	simm.s32 $0x1BF5;
	[smem:$0x3FAF] =	sst s0  }
0x18: {  	s0 =	sld [smem:$0x3F92];
	_ =	swait.ge [sflag:s4], $0x0  }
0x19: {  	s7 =	sld [smem:$0x3F93]  }
0x1a: {  	s8 =	sadd.s32 $0xFFFFE003, lr  }
0x1b: {  	s9 =	sadd.s32 $0xFFFFFEF7, lr;
	s5 =	simm.s32 $0xFFFFFFFF;
	p2 =	slt.u32 s8, $0xFFFFF086  }
0x1c: {  	p1 =	slt.u32 s9, $0xF7A;
	s5 =	simm.s32 @!p2 $0x0  }
0x1d: {  	s5 =	simm.s32 @p1 $0x1;
	p0 =	seq.s32 s7, s2  }
0x1e: {  	s7 =	smul.u32 @!p0 $0xF7A, s2;
	p2 =	seq.s32 @!p0 s5, $0x0  }
0x1f: {  	s9 =	smul.u32 $0xF7A, s1;
	s8 =	simm.s32 @!p0 $0x1BF5;
	p2 =	por !p2, p0  }
0x20: {  	[sflag:s8] =	ssyncset.s32 @!p0 $0xFFFFF086;
	s6 =	sadd.s32 @!p0 s3, s7;
	s7 =	simm.s32 @!p0 $0x108  }
0x21: {  	s3 =	sadd.s32 s3, s9;
	s6 =	sadd.s32 @!p0 $0x88, s6;
	s7 =	simm.s32 @p2 $0x1082  }
0x22: {  	[simem:s7], [sflag:s8] =	dma.local @!p0 [hbm:s6], $0xF7A  }
0x23: {  	s9 =	sor.u32 $0xD0000000, s2;
	s6 =	simm.s32 $0x108;
	_ =	swait.ge @!p0 [sflag:s8], $0x0  }
0x24: {  	s3 =	sadd.s32 $0x88, s3;
	s6 =	simm.s32 @!p1 $0x1082;
	[sflag:s4] =	ssyncset.s32 $0xFFFFF086  }
0x25: {  	[simem:s6], [sflag:s4] =	dma.local [hbm:s3], $0xF7A  }
0x26: {  	[smem:$0x3F93] =	sst s1;
	(tag) =	ssettag s2;
	_ =	strace s9  }
0x27: {  	s1 =	sld [smem:$0x3FA3]  }
0x28: {  	s2 =	sld [smem:$0x3FA4]  }
0x29: {  	s4 =	sld [smem:$0x3FA6]  }
0x2a: {  	p0 =	seq.s32 s5, $0x0;
	s5 =	sld [smem:$0x3FA7]  }
0x2b: {  	s6 =	sld [smem:$0x3FA8]  }
0x2c: {  	s7 =	sld [smem:$0x3FA9]  }
0x2d: {  	s3 =	simm.s32 $0x108;
	s8 =	sld [smem:$0x3FAA]  }
0x2e: {  	s3 =	simm.s32 @!p0 $0x1082;
	s9 =	sld [smem:$0x3FAB]  }
0x2f: {  	lr =	sadd.s32 s0, s3;
	s0 =	sld [smem:$0x3FA2]  }
0x30: {  	s3 =	sld [smem:$0x3FA5]  }
0x31: {  	[smem:$0x3FAE] =	sst s10  }
0x32: {  	s10 =	sld [smem:$0x3FAC];
	_ =	sdelay $0x3  }
0x33: {  	p0 =	seq.s32 s10, $0x1;
	s10 =	sld [smem:$0x3FAE];
	_ =	sdelay $0x3  }
0x34: {  	[smem:$0x3FAE] =	sst s10  }
0x35: {  	s10 =	sld [smem:$0x3FAD];
	_ =	sdelay $0x3  }
0x36: {  	p1 =	seq.s32 s10, $0x1;
	s10 =	sld [smem:$0x3FAE];
	_ =	sdelay $0x3  }
0x37: {  	[smem:$0x3FAE] =	sst s10  }
0x38: {  	s10 =	sld [smem:$0x3FAF]  }
0x39: {  	_ = 	snop;
	(pc) =	sbr.ind lr, $3  }
0x3a: {  	_ = 	snop  }
0x3b: {  	_ = 	snop  }
0x3c: {  	p2 =	seq.s32 s10, $0x1;
	s10 =	sld [smem:$0x3FAE]  }
0x3d: {  	_ =	shalt  }
0x3e: {  	_ =	shalt  }
0x3f: {  	_ =	shalt  }
0x40: {  	_ =	shalt  }
0x41: {  	_ =	shalt  }
0x42: {  	_ =	shalt  }
0x43: {  	_ =	shalt  }
0x44: {  	_ =	shalt  }
0x45: {  	_ =	shalt  }
0x46: {  	_ =	shalt  }
0x47: {  	_ =	shalt  }
0x48: {  	_ =	shalt  }
0x49: {  	_ =	shalt  }
0x4a: {  	_ =	shalt  }
0x4b: {  	_ =	shalt  }
0x4c: {  	_ =	shalt  }
0x4d: {  	_ =	shalt  }
0x4e: {  	_ =	shalt  }
0x4f: {  	_ =	shalt  }
0x50: {  	_ =	shalt  }
0x51: {  	_ =	shalt  }
0x52: {  	_ =	shalt  }
0x53: {  	_ =	shalt  }
0x54: {  	_ =	shalt  }
0x55: {  	_ =	shalt  }
0x56: {  	_ =	shalt  }
0x57: {  	_ =	shalt  }
0x58: {  	_ =	shalt  }
0x59: {  	_ =	shalt  }
0x5a: {  	_ =	shalt  }
0x5b: {  	_ =	shalt  }
0x5c: {  	_ =	shalt  }
0x5d: {  	_ =	shalt  }
0x5e: {  	_ =	shalt  }
0x5f: {  	_ =	shalt  }
0x60: {  	_ =	shalt  }
0x61: {  	_ =	shalt  }
0x62: {  	_ =	shalt  }
0x63: {  	_ =	shalt  }
0x64: {  	_ =	shalt  }
0x65: {  	_ =	shalt  }
0x66: {  	_ =	shalt  }
0x67: {  	_ =	shalt  }
0x68: {  	_ =	shalt  }
0x69: {  	_ =	shalt  }
0x6a: {  	_ =	shalt  }
0x6b: {  	_ =	shalt  }
0x6c: {  	_ =	shalt  }
0x6d: {  	_ =	shalt  }
0x6e: {  	_ =	shalt  }
0x6f: {  	_ =	shalt  }
0x70: {  	_ =	shalt  }
0x71: {  	_ =	shalt  }
0x72: {  	_ =	shalt  }
0x73: {  	_ =	shalt  }
0x74: {  	_ =	shalt  }
0x75: {  	_ =	shalt  }
0x76: {  	_ =	shalt  }
0x77: {  	_ =	shalt  }
0x78: {  	_ =	shalt  }
0x79: {  	_ =	shalt  }
0x7a: {  	_ =	shalt  }
0x7b: {  	_ =	shalt  }
0x7c: {  	_ =	shalt  }
0x7d: {  	_ =	shalt  }
0x7e: {  	_ =	shalt  }
0x7f: {  	_ =	shalt  }
0x80: {  	_ =	shalt  }
0x81: {  	_ =	shalt  }
0x82: {  	_ =	shalt  }
0x83: {  	_ =	shalt  }
0x84: {  	_ =	shalt  }
0x85: {  	_ =	shalt  }
0x86: {  	_ =	shalt  }
0x87: {  	_ =	shalt  }
.Lfunc_end0:
.L_simem_size_0:
called_computation.4_lowered:
.L_overlay_start_0:
0x88: {  	s2 =	sld [smem:$0x3FD9]  }
0x89: {  	s3 =	sld [smem:$0x3FFE];
	_ =	sdelay $0x1  }
0x8a: {  	s1 =	srdreg.scid  }
0x8b: {  	s0 =	sand.u32 $0x1, s1  }
0x8c: {  	s17 =	sshll.u32 s0, $0xA;
	s2 =	sadd.s32 s3, s2  }
0x8d: {  	s2 =	sadd.s32 s2, s17  }
0x8e: {  	[smem:$0x3FBA] =	sst s2  }
0x8f: {  	_ = 	snop  }
0x90: {  	s2 =	sld [smem:$0x3FC7]  }
0x91: {  	s18 =	sld [smem:$0x3FC6];
	(tm) =	ssettm $0x1  }
0x92: {  	s4 =	sld [smem:$0x3FFB];
	_ =	sdelay $0x3  }
0x93: {  	_ =	strace s4  }
0x94: {  	s4 =	sld [smem:$0x3FFC];
	_ =	sdelay $0x3  }
0x95: {  	_ =	strace s4  }
0x96: {  	s4 =	sld [smem:$0x3FFD];
	_ =	sdelay $0x3  }
0x97: {  	_ =	strace s4  }
0x98: {  	_ =	strace $0x8FFFFFFF  }
0x99: {  	s19 =	sld [smem:$0x3FDB];
	_ =	sdelay $0x1  }
0x9a: {  	s5 =	simm.s32 $_scs_section_size  }
0x9b: {  	s6 =	simm.s32 $_size__tile_overlayer_lowered;
	s7 =	simm.s32 $_tile_overlayer_lowered  }
0x9c: {  	s22 =	simm.s32 $0x1BFF;
	s21 =	sshll.u32 s7, $0x1;
	s4 =	sadd.s32 s5, s19  }
0x9d: {  	s8 =	simm.s32 $0x0;
	s20 =	sshll.u32 s6, $0x1;
	s6 =	sadd.s32 s21, s4  }
0x9e: {  	[timem:s8], [sflag:s22] =	dma.local [hbm:s6], s20  }
0x9f: {  	_ =	swait.ge [sflag:s22], s20  }
0xa0: {  	s5 =	ssub.s32 $0x0, s20;
	[sflag:s22] =	ssyncset.done $0x0  }
0xa1: {  	[sflag:s22] =	ssyncadd.s32 s5;
	_ =	sdelay $0x1  }
0xa2: {  	s23 =	simm.s32 $0x1B8B  }
0xa3: {  	_ =	swait.ge [sflag:s23], $0x1  }
0xa4: {  	[sflag:s23] =	ssyncset.done $0x0  }
0xa5: {  	s25 =	simm.s32 $0x1B8E;
	s24 =	sld [smem:$0x3FFE];
	[sflag:s23] =	ssyncadd.s32 $0xFFFFFFFF  }
0xa6: {  	s26 =	simm.s32 $execute0_lowered;
	[smem:$0x3FD2] =	sst s25  }
0xa7: {  	s6 =	sshll.u32 s26, $0x1;
	_ =	strace $0x80000052;
	[dreg:$0x1] =	wrdreg $0xFFFFFFFF  }
0xa8: {  	s28 =	simm.s32 $_size_execute0_lowered;
	s4 =	sadd.s32 s4, s6;
	[dreg:$0x0] =	wrdreg $0x0  }
0xa9: {  	s6 =	sshll.u32 s28, $0x1;
	[dreg:$0x2] =	wrdreg s4  }
0xaa: {  	[dreg:$0x3] =	wrdreg s6  }
0xab: {  	[dreg:$0x4] =	wrdreg $0xC0  }
0xac: {  	_ =	task [dreg:s8], $0x5FFFF  }
0xad: {  	[dreg:$0x1] =	wrdreg $0xFFFFFFFF  }
0xae: {  	[dreg:$0x0] =	wrdreg $0x60  }
0xaf: {  	[dreg:$0x2] =	wrdreg s24  }
0xb0: {  	[dreg:$0x3] =	wrdreg s2  }
0xb1: {  	[dreg:$0x4] =	wrdreg s18  }
0xb2: {  	[dreg:$0x5] =	wrdreg $0x9  }
0xb3: {  	_ =	task.clear_ibuf [dreg:s8], $0x6FFFF;
	_ =	strace $0x90000052  }
0xb4: {  	s29 =	simm.s32 $0x9;
	_ =	strace $0x80000054  }
0xb5: {  	_ =	swait.ge [sflag:s29], $0x1  }
0xb6: {  	[sflag:s29] =	ssyncadd.s32 $0xFFFFFFFF  }
0xb7: {  	_ =	strace $0x90000054  }
0xb8: {  	_ =	sfence  }
0xb9: {  	s30 =	sld [smem:$0x0];
	_ =	sdelay $0x2  }
0xba: {  	s31 =	sshll.u32 s1, $0xD;
	s1 =	sshrl.u32 s1, $0x2  }
0xbb: {  	s3 =	sand.u32 $0x4000, s31;
	s1 =	sadd.s32 s1, s30  }
0xbc: {  	s0 =	sor.u32 s3, s0;
	s1 =	sshll.u32 s1, $0x11  }
0xbd: {  	s0 =	sor.u32 s1, s0  }
0xbe: {  	s0 =	sadd.s32 $0x8F2B, s0  }
0xbf: {  	[sflag:s0] =	ssyncadd.remote.s32 $0x1  }
0xc0: {  	_ =	sfence.sel $0xFFFF  }
0xc1: {  	[dreg:$0x0] =	wrdreg $0xFFFFFFFF;
	(pc) =	sbr.abs _section_cstart, $3  }
0xc2: {  	[dreg:$0x1] =	wrdreg $0xFFFFFFFF  }
0xc3: {  	_ =	task.clear_ibuf [dreg:s8], $0x2FFFF;
	_ =	strace $0x9FFFFFFF  }
0xc4: {  	(tm) =	ssettm $0x7FFFFFFF  }
0xc5: {  	_ =	shalt  }
tec
execute0_lowered:
.L_overlay_start_1:
0x0: {  	(tag) =	ssettag $0x1  }
0x1: {  	s0 =	srdreg.scid  }
0x2: {  	s7 =	rddreg [dreg:$0x0];
	s9 =	sand.u32 $0x1, s0  }
0x3: {  	s3 =	rddreg [dreg:$0x1];
	s0 =	stileid.u32;
	s1 =	sshll.u32 s9, $0x4  }
0x4: {  	s8 =	rddreg [dreg:$0x2];
	s10 =	sor.u32 s0, s1  }
0x5: {  	s2 =	simm.s32 $0x0;
	s5 =	sshll.u32 s0, $0x4;
	s4 =	sshll.u32 s10, $0x4  }
0x6: {  	[smem:$0x7FF] =	sst s2;
	s5 =	sand.u32 $0x70, s5;
	s4 =	sand.u32 $0x180, s4  }
0x7: {  	s1 =	rddreg [dreg:$0x3];
	s11 =	sor.u32 s5, s4  }
0x8: {  	_ =	strace $0x80000053;
	s4 =	sadd.s32 s3, s11;
	s3 =	simm.s32 $0x1  }
0x9: {  	[tilespmem:s2], [sflag:$0x1] =	stream.linear.gather [hbm4b:s4+s2], $0x80, $0x38;
	[tilespmem:$0x4080] =	vst v63  }
0xa: {  	_ =	swait.ge [sflag:s3], $0x80  }
0xb: {  	[sflag:s3] =	ssyncset.done $0x0  }
0xc: {  	s6 =	simm.s32 $0x80;
	s5 =	sadd.s32 $0x3A00, s7;
	[sflag:s3] =	ssyncadd.s32 $0xFFFFFF80  }
0xd: {  	[tilespmem:s6], [sflag:$0x1] =	stream.indirect.gather [hbm4b:s5+s6], $0x80, s2, s6, $0xb8;
	[tilespmem:$0x4080] =	vst v63  }
0xe: {  	s10 =	sshll.u32 s10, $0xB;
	_ =	swait.ge [sflag:s3], $0x4000  }
0xf: {  	s10 =	sadd.s32 s10, s7;
	[sflag:s3] =	ssyncset.done $0x0  }
0x10: {  	s7 =	sadd.s32 $0x2B200, s10;
	[sflag:s3] =	ssyncadd.s32 $0xFFFFC000  }
0x11: {  	[hbm4b:s7+s2] =	stream.linear.scatter [tilespmem:s6], [sflag:$0x1], $0x4000, $0x38;
	[tilespmem:$0x4080] =	vst v63  }
0x12: {  	_ =	swait.ge [sflag:s3], $0x4000  }
0x13: {  	[sflag:s3] =	ssyncset.done $0x0  }
0x14: {  	s9 =	ssub.s32 $0x2, s9;
	s8 =	sadd.s32 s8, s11;
	[sflag:s3] =	ssyncadd.s32 $0xFFFFC000  }
0x15: {  	[tilespmem:s2], [sflag:$0x1] =	stream.linear.gather [hbm4b:s8+s2], $0x80, $0x38;
	[tilespmem:$0x4080] =	vst v63  }
0x16: {  	s30 =	sshrl.u32 s9, $0x1;
	_ =	swait.ge [sflag:s3], $0x80  }
0x17: {  	s11 =	ssub.s32 s9, s30;
	[sflag:s3] =	ssyncset.done $0x0  }
0x18: {  	s31 =	smax.u32 s11, $0x1;
	[sflag:s3] =	ssyncadd.s32 $0xFFFFFF80  }
0x19: {  	[tilespmem:s6], [sflag:$0x1] =	stream.indirect.gather [hbm4b:s5+s6], $0x80, s2, s6, $0xb8;
	[tilespmem:$0x4080] =	vst v63  }
0x1a: {  	p0 =	sne.s32 s31, $0x1;
	_ =	swait.ge [sflag:s3], $0x4000  }
.Ltmp0:
0x1b: {  	[sflag:s3] =	ssyncset.done $0x0;
	(pc) =	sbr.rel @!p0 .LBB2_2-.Ltmp0, $4  }
0x1c: {  	s9 =	sadd.s32 $0x3B200, s10;
	[sflag:s3] =	ssyncadd.s32 $0xFFFFC000  }
0x1d: {  	[hbm4b:s9+s2] =	stream.linear.scatter [tilespmem:s6], [sflag:$0x1], $0x4000, $0x38;
	[tilespmem:$0x4080] =	vst v63  }
0x1e: {  	_ =	swait.ge [sflag:s3], $0x4000  }
0x1f: {  	s10 =	sadd.s32 $0xFFFFFFFF, s31;
	[sflag:s3] =	ssyncset.done $0x0  }
.LBB2_1:
0x20: {  	p0 =	sne.s32 s10, $0x1;
	s10 =	sadd.s32 $0xFFFFFFFF, s10;
	[sflag:s3] =	ssyncadd.s32 $0xFFFFC000  }
0x21: {  	[tilespmem:s2], [sflag:$0x1] =	stream.linear.gather [hbm4b:s4+s2], $0x80, $0x38;
	[tilespmem:$0x4080] =	vst v63  }
0x22: {  	_ =	swait.ge [sflag:s3], $0x80  }
0x23: {  	[sflag:s3] =	ssyncset.done $0x0  }
0x24: {  	[sflag:s3] =	ssyncadd.s32 $0xFFFFFF80  }
0x25: {  	[tilespmem:s6], [sflag:$0x1] =	stream.indirect.gather [hbm4b:s5+s6], $0x80, s2, s6, $0xb8;
	[tilespmem:$0x4080] =	vst v63  }
0x26: {  	_ =	swait.ge [sflag:s3], $0x4000  }
0x27: {  	[sflag:s3] =	ssyncset.done $0x0  }
0x28: {  	[sflag:s3] =	ssyncadd.s32 $0xFFFFC000  }
0x29: {  	[hbm4b:s7+s2] =	stream.linear.scatter [tilespmem:s6], [sflag:$0x1], $0x4000, $0x38;
	[tilespmem:$0x4080] =	vst v63  }
0x2a: {  	_ =	swait.ge [sflag:s3], $0x4000  }
0x2b: {  	[sflag:s3] =	ssyncset.done $0x0  }
0x2c: {  	[sflag:s3] =	ssyncadd.s32 $0xFFFFC000  }
0x2d: {  	[tilespmem:s2], [sflag:$0x1] =	stream.linear.gather [hbm4b:s8+s2], $0x80, $0x38;
	[tilespmem:$0x4080] =	vst v63  }
0x2e: {  	_ =	swait.ge [sflag:s3], $0x80  }
0x2f: {  	[sflag:s3] =	ssyncset.done $0x0  }
0x30: {  	[sflag:s3] =	ssyncadd.s32 $0xFFFFFF80  }
0x31: {  	[tilespmem:s6], [sflag:$0x1] =	stream.indirect.gather [hbm4b:s5+s6], $0x80, s2, s6, $0xb8;
	[tilespmem:$0x4080] =	vst v63  }
0x32: {  	_ =	swait.ge [sflag:s3], $0x4000  }
.Ltmp1:
0x33: {  	[sflag:s3] =	ssyncset.done $0x0;
	(pc) =	sbr.rel @p0 .LBB2_1-.Ltmp1, $4  }
0x34: {  	[sflag:s3] =	ssyncadd.s32 $0xFFFFC000  }
0x35: {  	[hbm4b:s9+s2] =	stream.linear.scatter [tilespmem:s6], [sflag:$0x1], $0x4000, $0x38;
	[tilespmem:$0x4080] =	vst v63  }
0x36: {  	_ =	swait.ge [sflag:s3], $0x4000  }
0x37: {  	[sflag:s3] =	ssyncset.done $0x0  }
.LBB2_2:
0x38: {  	[sflag:s3] =	ssyncadd.s32 $0xFFFFC000  }
0x39: {  	_ =	sfence.sel $0x180000  }
0x3a: {  	[bflag:$0x0] =	sbarrier.arrive $0xFFFF  }
0x3b: {  	p0 =	sne.s32 s0, $0x0;
	_ =	strace $0x90000053  }
0x3c: {  	s0 =	sadd.s32 @!p0 $0x100000, s1;
	[bflag:$0x2] =	sbarrier.arrive $0xFFFF  }
0x3d: {  	[sflag:s0] =	ssyncadd.tile.s32 @!p0 $0x1;
	_ =	shalt  }
.Lfunc_end2:
_tile_overlayer_lowered:
.L_overlay_start_2:
0x3e: {  	(tag) =	ssettag $0x2  }
0x3f: {  	s0 =	rddreg [dreg:$0x0];
	s2 =	stileid.u32  }
0x40: {  	s1 =	rddreg [dreg:$0x1];
	p0 =	sne.s32 s2, $0x0  }
0x41: {  	s3 =	rddreg [dreg:$0x2];
	[bflag:$0x3] =	sbarrier.arrive $0xFFFF;
	s2 =	simm.s32 @!p0 $0x1C01  }
0x42: {  	[timem:s3], [sflag:s2] =	dma.local @!p0 [hbm:s0], s1  }
0x43: {  	s0 =	simm.s32 @!p0 $0x1  }
0x44: {  	_ =	swait.ge @!p0 [sflag:s0], s1  }
0x45: {  	s1 =	ssub.s32 @!p0 $0x0, s1;
	[sflag:s0] =	ssyncset.done @!p0 $0x0  }
0x46: {  	[sflag:s0] =	ssyncadd.s32 @!p0 s1  }
0x47: {  	[bflag:$0x3] =	sbarrier.arrive $0xFFFF  }
0x48: {  	_ =	shalt  }

</sc_bundles>
